<compile_context>
chip_gen: v7x
topology: tpu7x:2x2x1
jax: 0.10.2.dev20260603
libtpu: 0.0.44.dev20260713+nightly
codegen_flags: <defaults>
</compile_context>

<pallas_src>
import functools

import jax
import jax.numpy as jnp
from jax import lax
from jax.experimental import pallas as pl
from jax.experimental.pallas import tpu as pltpu
from jax.experimental.pallas import tpu_sc as plsc

_N = 10000
_E = 320000
_F = 128
_FH = 64
_CLS = 16
_BN_EPS = 1e-5

_NC = 2
_NS = 16
_NW = _NC * _NS
_NP = 10240
_RPT = _NP // _NS
_EPT = _E // _NW
_K = 80
_NCHUNK = 250
_EPAD = _NS * _NCHUNK * _K
_NBUF = 5

def _mesh():
    return plsc.VectorSubcoreMesh(
        core_axis_name="c", subcore_axis_name="s",
        num_cores=_NC, num_subcores=_NS)


@functools.cache
def _build_deg_call():
    return pl.kernel(
        _deg_body,
        out_type=jax.ShapeDtypeStruct((_NC, 1, _NP), jnp.float32),
        mesh=_mesh(),
        compiler_params=pltpu.CompilerParams(
            needs_layout_passes=False, use_tc_tiling_on_sc=False),
        scratch_types=[
            pltpu.VMEM((1, _EPT), jnp.int32),
            pltpu.VMEM((_NP,), jnp.float32),
            pltpu.VMEM((_RPT,), jnp.float32),
            pltpu.VMEM((2, _RPT), jnp.float32),
            pltpu.VMEM_SHARED((_NS, _NP), jnp.float32),
            pltpu.SemaphoreType.DMA((2,)),
        ],
    )


def _deg_body(dst_hbm, out_hbm, dst_v, hist_v, acc_v, tmp_v, part_sp, sem):
    c = lax.axis_index("c")
    s = lax.axis_index("s")
    w = c * _NS + s
    cp_idx = pltpu.async_copy(dst_hbm.at[w], dst_v, sem.at[0])

    @pl.loop(0, _NP // 16, unroll=8)
    def _(i):
        hist_v[pl.ds(i * 16, 16)] = jnp.zeros((16,), jnp.float32)

    cp_idx.wait()
    ones = jnp.full((16,), 1.0, jnp.float32)

    @pl.loop(0, _EPT // 16, unroll=8)
    def _(i):
        idx = dst_v[0, pl.ds(i * 16, 16)]
        plsc.addupdate_scatter(hist_v, [idx], ones)

    pltpu.sync_copy(hist_v, part_sp.at[s])
    plsc.subcore_barrier()

    col = pl.ds(s * _RPT, _RPT)
    pltpu.sync_copy(part_sp.at[0, col], acc_v)
    pltpu.async_copy(part_sp.at[1, col], tmp_v.at[1], sem.at[1])
    for r in range(1, _NS):
        b = r % 2
        pltpu.make_async_copy(part_sp.at[r, col], tmp_v.at[b],
                              sem.at[b]).wait()
        if r + 1 < _NS:
            pltpu.async_copy(part_sp.at[r + 1, col], tmp_v.at[1 - b],
                             sem.at[1 - b])

        @pl.loop(0, _RPT // 16, unroll=4)
        def _(k):
            sl = pl.ds(k * 16, 16)
            acc_v[sl] = acc_v[sl] + tmp_v[b, sl]

    pltpu.sync_copy(acc_v, out_hbm.at[c, 0, pl.ds(s * _RPT, _RPT)])


@functools.cache
def _build_agg_call():
    return pl.kernel(
        _agg_body,
        out_type=jax.ShapeDtypeStruct((_NC, _NP, _FH), jnp.float32),
        mesh=_mesh(),
        compiler_params=pltpu.CompilerParams(
            needs_layout_passes=False, use_tc_tiling_on_sc=False),
        scratch_types=[
            pltpu.VMEM((_NCHUNK, _K), jnp.int32),
            pltpu.VMEM((_NCHUNK, _K), jnp.int32),
            pltpu.VMEM((_NBUF, _K, _FH), jnp.float32),
            pltpu.VMEM_SHARED((_NP, _FH), jnp.float32),
            pltpu.SemaphoreType.DMA((_NBUF,)),
            pltpu.SemaphoreType.DMA((_NBUF,)),
        ],
    )


def _agg_body(th_hbm, src2_hbm, dstp_hbm, z_hbm, out_hbm, src_v, dst_v,
              rows_v, agg_sp, gsem, ssem):
    c = lax.axis_index("c")
    s = lax.axis_index("s")
    cp_s = pltpu.async_copy(src2_hbm.at[c, s], src_v, gsem.at[0])
    cp_d = pltpu.async_copy(dstp_hbm.at[s], dst_v, gsem.at[1])
    cp_z = pltpu.async_copy(z_hbm, agg_sp.at[pl.ds(s * _RPT, _RPT)],
                            gsem.at[2])
    cp_s.wait()
    cp_d.wait()
    cp_z.wait()
    plsc.subcore_barrier()

    for b in range(_NBUF):
        pltpu.async_copy(th_hbm.at[src_v.at[b]], rows_v.at[b], gsem.at[b])

    @pl.loop(0, _NCHUNK, step=_NBUF)
    def _(g):
        for b in range(_NBUF):
            j = g + b
            pltpu.make_async_copy(
                th_hbm.at[src_v.at[j]], rows_v.at[b], gsem.at[b]).wait()
            pltpu.async_copy(
                rows_v.at[b], agg_sp.at[dst_v.at[j]], ssem.at[b], add=True)
            jn = j + _NBUF

            @pl.when(jn < _NCHUNK)
            def _():
                pltpu.make_async_copy(
                    rows_v.at[b], agg_sp.at[dst_v.at[j]], ssem.at[b]).wait()
                pltpu.async_copy(
                    th_hbm.at[src_v.at[jn]], rows_v.at[b], gsem.at[b])

    for b in range(_NBUF):
        jl = _NCHUNK - _NBUF + b
        pltpu.make_async_copy(
            rows_v.at[b], agg_sp.at[dst_v.at[jl]], ssem.at[b]).wait()
    plsc.subcore_barrier()
    pltpu.sync_copy(agg_sp.at[pl.ds(s * _RPT, _RPT)],
                    out_hbm.at[c, pl.ds(s * _RPT, _RPT)])


def _agg_sum(p_ref):
    return jnp.concatenate([p_ref[0, :_N, :], p_ref[1, :_N, :]], axis=1)


def _tc_a_body(seq_ref, w1_ref, dinv_ref, out_ref):
    h = jnp.dot(seq_ref[...], w1_ref[...], preferred_element_type=jnp.float32)
    out_ref[...] = h * dinv_ref[...]


_tc_a = pl.pallas_call(
    _tc_a_body, out_shape=jax.ShapeDtypeStruct((_N, _F), jnp.float32))


def _tc_b_body(p_ref, h1p_ref, dinv_ref, b1_ref, bnw_ref, bnb_ref, w2_ref,
               out_ref):
    res1 = (_agg_sum(p_ref) + h1p_ref[...]) * dinv_ref[...] + b1_ref[...]
    mean = jnp.mean(res1, axis=0, keepdims=True)
    var = jnp.mean(res1 * res1, axis=0, keepdims=True) - mean * mean
    x1 = (res1 - mean) * jax.lax.rsqrt(var + _BN_EPS) * bnw_ref[...] + bnb_ref[...]
    x1 = jnp.maximum(x1, 0.0)
    out_ref[...] = jnp.dot(
        x1, w2_ref[...], preferred_element_type=jnp.float32) * dinv_ref[...]


_tc_b = pl.pallas_call(
    _tc_b_body, out_shape=jax.ShapeDtypeStruct((_N, _F), jnp.float32))


def _tc_c_body(p_ref, h2p_ref, dinv_ref, b2_ref, wc_ref, bc_ref, out_ref):
    res2 = (_agg_sum(p_ref) + h2p_ref[...]) * dinv_ref[...] + b2_ref[...]
    out_ref[...] = jnp.dot(
        res2, wc_ref[...], preferred_element_type=jnp.float32) + bc_ref[...]


_tc_c = pl.pallas_call(
    _tc_c_body, out_shape=jax.ShapeDtypeStruct((_N, _CLS), jnp.float32))


def kernel(seq, edge_index, W1, b1, bn_w, bn_b, W2, b2, Wc, bc):
    ei = edge_index.astype(jnp.int32)
    src_x2 = 2 * ei[0]
    src2 = jnp.stack([src_x2, src_x2 + 1]).reshape(_NC, _NS, _NCHUNK, _K)
    dst3 = ei[1].reshape(_NS, _NCHUNK, _K)
    dstf3 = ei[1].reshape(_NW, 1, _EPT)
    zrows = jnp.zeros((_RPT, _FH), jnp.float32)

    degp = _build_deg_call()(dstf3)
    dinv = jax.lax.rsqrt(1.0 + degp[0, 0, :_N] + degp[1, 0, :_N])[:, None]

    h1p = _tc_a(seq, W1, dinv)
    p1 = _build_agg_call()(h1p.reshape(2 * _N, _FH), src2, dst3, zrows)
    h2p = _tc_b(p1, h1p, dinv, b1.reshape(1, _F), bn_w.reshape(1, _F),
                bn_b.reshape(1, _F), W2)
    p2 = _build_agg_call()(h2p.reshape(2 * _N, _FH), src2, dst3, zrows)
    out = _tc_c(p2, h2p, dinv, b2.reshape(1, _F), Wc, bc.reshape(1, _CLS))
    return out

# --- scband reference (transcript-rebuilt; emitter-appended) ---
"""Pipeline reference for scband-gcn-model2-bn-44487271252088 (READ-ONLY COPY).

The authoritative reference and input builder live on the scoring server;
editing this copy changes nothing except your own understanding.
"""

import jax, jax.numpy as jnp
import numpy as np

N = 10000
E = 320000
IN_FEAT = 128
H_FEAT = 128
OUT_FEAT = 128
NUM_CLASSES = 16
BN_EPS = 1e-5


def setup_inputs(seed: int = 0) -> dict:
    key = jax.random.key(seed)
    ks = jax.random.split(key, 10)
    seq = jax.random.normal(ks[0], (N, IN_FEAT), dtype=jnp.float32)
    edge_index = jax.random.randint(ks[1], (2, E), 0, N)
    W1 = jax.random.normal(ks[2], (IN_FEAT, H_FEAT), dtype=jnp.float32) * (1.0 / np.sqrt(IN_FEAT))
    b1 = jnp.zeros((H_FEAT,), dtype=jnp.float32)
    bn_w = jnp.ones((H_FEAT,), dtype=jnp.float32)
    bn_b = jnp.zeros((H_FEAT,), dtype=jnp.float32)
    W2 = jax.random.normal(ks[3], (H_FEAT, OUT_FEAT), dtype=jnp.float32) * (1.0 / np.sqrt(H_FEAT))
    b2 = jnp.zeros((OUT_FEAT,), dtype=jnp.float32)
    Wc = jax.random.normal(ks[4], (OUT_FEAT, NUM_CLASSES), dtype=jnp.float32) * (1.0 / np.sqrt(OUT_FEAT))
    bc = jnp.zeros((NUM_CLASSES,), dtype=jnp.float32)
    return {"seq": seq, "edge_index": edge_index, "W1": W1, "b1": b1,
            "bn_w": bn_w, "bn_b": bn_b, "W2": W2, "b2": b2, "Wc": Wc, "bc": bc}


def _gcn_conv(x, edge_index, W, b):
    # PyG GCNConv: add self-loops, symmetric normalization, linear transform,
    # gather messages by src, scatter-add by dst, add bias.
    src = edge_index[0]
    dst = edge_index[1]
    loop = jnp.arange(N, dtype=src.dtype)
    src = jnp.concatenate([src, loop])
    dst = jnp.concatenate([dst, loop])
    h = x @ W
    deg = jnp.zeros((N,), dtype=jnp.float32).at[dst].add(1.0)
    dinv = jnp.where(deg > 0, 1.0 / jnp.sqrt(deg), 0.0)
    norm = dinv[src] * dinv[dst]
    msg = h[src] * norm[:, None]
    out = jnp.zeros((N, h.shape[1]), dtype=jnp.float32).at[dst].add(msg)
    return out + b


def reference(seq, edge_index, W1, b1, bn_w, bn_b, W2, b2, Wc, bc):
    res1 = _gcn_conv(seq, edge_index, W1, b1)
    # BatchNorm1d (batch statistics, biased variance, as in torch training forward)
    mean = jnp.mean(res1, axis=0)
    var = jnp.var(res1, axis=0)
    res1 = (res1 - mean) / jnp.sqrt(var + BN_EPS) * bn_w + bn_b
    res1 = jax.nn.relu(res1)
    # dropout disabled (inference)
    res2 = _gcn_conv(res1, edge_index, W2, b2)
    res3 = res2 @ Wc + bc
    return res3

if __name__ == "__main__":
    import jax
    _d = setup_inputs()
    print(jax.jit(kernel)(*tuple(_d.values())))

</pallas_src>

<mosaic_0001>
#map = affine_map<(d0, d1) -> (0, 0)>
#map1 = affine_map<(d0, d1) -> (0, 0, 0, 0)>
#map2 = affine_map<(d0, d1) -> (0, 0, 0)>
module attributes {stable_mosaic.version = 14 : i64} {
  func.func @_agg_body(%arg0: i32, %arg1: i32, %arg2: memref<20000x64xf32, #tpu.memory_space<hbm>>, %arg3: memref<2x16x250x80xi32, #tpu.memory_space<hbm>>, %arg4: memref<16x250x80xi32, #tpu.memory_space<hbm>>, %arg5: memref<640x64xf32, #tpu.memory_space<hbm>>, %arg6: memref<2x10240x64xf32, #tpu.memory_space<hbm>>, %arg7: memref<250x80xi32, #tpu.memory_space<vmem>>, %arg8: memref<250x80xi32, #tpu.memory_space<vmem>>, %arg9: memref<5x80x64xf32, #tpu.memory_space<vmem>>, %arg10: memref<10240x64xf32, #tpu.memory_space<vmem_shared>>, %arg11: memref<5x!tpu.dma_semaphore, #tpu.memory_space<semaphore_mem>>, %arg12: memref<5x!tpu.dma_semaphore, #tpu.memory_space<semaphore_mem>>) attributes {dimension_semantics = [#tpu.dimension_semantics<core_parallel>, #tpu.dimension_semantics<subcore_parallel>], iteration_bounds = array<i64: 2, 16>, scalar_prefetch = 0 : i64, scratch_operands = 6 : i64, tpu.core_type = #tpu.core_type<sc_vector_subcore>, window_params = [{transform_indices = #map}, {transform_indices = #map1}, {transform_indices = #map2}, {transform_indices = #map}, {transform_indices = #map2}]} {
    %dma_start3A = arith.constant 0 : i32
    %dma_start3A_0 = arith.constant 0 : i32
    %dma_start3A_1 = arith.constant 0 : i32
    %dma_start3A_2 = tpu.memref_slice %arg3[%arg0, %arg1, %dma_start3A_0, %dma_start3A_1] : memref<2x16x250x80xi32, #tpu.memory_space<hbm>> -> memref<1x1x250x80xi32, #tpu.memory_space<hbm>>
    %dma_start3A_3 = tpu.memref_squeeze %dma_start3A_2 : memref<1x1x250x80xi32, #tpu.memory_space<hbm>> -> memref<250x80xi32, #tpu.memory_space<hbm>>
    %dma_start3A_4 = tpu.memref_slice %arg11[%dma_start3A] : memref<5x!tpu.dma_semaphore, #tpu.memory_space<semaphore_mem>> -> memref<1x!tpu.dma_semaphore, #tpu.memory_space<semaphore_mem>>
    %dma_start3A_5 = tpu.memref_squeeze %dma_start3A_4 : memref<1x!tpu.dma_semaphore, #tpu.memory_space<semaphore_mem>> -> memref<!tpu.dma_semaphore, #tpu.memory_space<semaphore_mem>>
    %dma_start3A_6 = arith.constant 0 : i32
    %dma_start3A_7 = arith.constant 0 : i32
    %dma_start3A_8 = tpu.memref_slice %arg3[%arg0, %arg1, %dma_start3A_6, %dma_start3A_7] : memref<2x16x250x80xi32, #tpu.memory_space<hbm>> -> memref<1x1x250x80xi32, #tpu.memory_space<hbm>>
    %dma_start3A_9 = tpu.memref_squeeze %dma_start3A_8 : memref<1x1x250x80xi32, #tpu.memory_space<hbm>> -> memref<250x80xi32, #tpu.memory_space<hbm>>
    tpu.enqueue_dma source(%dma_start3A_9 : memref<250x80xi32, #tpu.memory_space<hbm>>) target(%arg7 : memref<250x80xi32, #tpu.memory_space<vmem>>) target_semaphore(%dma_start3A_5 : memref<!tpu.dma_semaphore, #tpu.memory_space<semaphore_mem>>)
    %dma_start3A_10 = arith.constant 1 : i32
    %dma_start3A_11 = arith.constant 0 : i32
    %dma_start3A_12 = arith.constant 0 : i32
    %dma_start3A_13 = tpu.memref_slice %arg4[%arg1, %dma_start3A_11, %dma_start3A_12] : memref<16x250x80xi32, #tpu.memory_space<hbm>> -> memref<1x250x80xi32, #tpu.memory_space<hbm>>
    %dma_start3A_14 = tpu.memref_squeeze %dma_start3A_13 : memref<1x250x80xi32, #tpu.memory_space<hbm>> -> memref<250x80xi32, #tpu.memory_space<hbm>>
    %dma_start3A_15 = tpu.memref_slice %arg11[%dma_start3A_10] : memref<5x!tpu.dma_semaphore, #tpu.memory_space<semaphore_mem>> -> memref<1x!tpu.dma_semaphore, #tpu.memory_space<semaphore_mem>>
    %dma_start3A_16 = tpu.memref_squeeze %dma_start3A_15 : memref<1x!tpu.dma_semaphore, #tpu.memory_space<semaphore_mem>> -> memref<!tpu.dma_semaphore, #tpu.memory_space<semaphore_mem>>
    %dma_start3A_17 = arith.constant 0 : i32
    %dma_start3A_18 = arith.constant 0 : i32
    %dma_start3A_19 = tpu.memref_slice %arg4[%arg1, %dma_start3A_17, %dma_start3A_18] : memref<16x250x80xi32, #tpu.memory_space<hbm>> -> memref<1x250x80xi32, #tpu.memory_space<hbm>>
    %dma_start3A_20 = tpu.memref_squeeze %dma_start3A_19 : memref<1x250x80xi32, #tpu.memory_space<hbm>> -> memref<250x80xi32, #tpu.memory_space<hbm>>
    tpu.enqueue_dma source(%dma_start3A_20 : memref<250x80xi32, #tpu.memory_space<hbm>>) target(%arg8 : memref<250x80xi32, #tpu.memory_space<vmem>>) target_semaphore(%dma_start3A_16 : memref<!tpu.dma_semaphore, #tpu.memory_space<semaphore_mem>>)
    %mul3A = arith.constant 640 : i32
    %mul3A_21 = arith.muli %arg1, %mul3A : i32
    %dma_start3A_22 = arith.constant 2 : i32
    %dma_start3A_23 = tpu.memref_slice %arg11[%dma_start3A_22] : memref<5x!tpu.dma_semaphore, #tpu.memory_space<semaphore_mem>> -> memref<1x!tpu.dma_semaphore, #tpu.memory_space<semaphore_mem>>
    %dma_start3A_24 = tpu.memref_squeeze %dma_start3A_23 : memref<1x!tpu.dma_semaphore, #tpu.memory_space<semaphore_mem>> -> memref<!tpu.dma_semaphore, #tpu.memory_space<semaphore_mem>>
    %dma_start3A_25 = arith.constant 0 : i32
    %dma_start3A_26 = tpu.memref_slice %arg10[%mul3A_21, %dma_start3A_25] : memref<10240x64xf32, #tpu.memory_space<vmem_shared>> -> memref<640x64xf32, #tpu.memory_space<vmem_shared>>
    tpu.enqueue_dma source(%arg5 : memref<640x64xf32, #tpu.memory_space<hbm>>) target(%dma_start3A_26 : memref<640x64xf32, #tpu.memory_space<vmem_shared>>) target_semaphore(%dma_start3A_24 : memref<!tpu.dma_semaphore, #tpu.memory_space<semaphore_mem>>)
    %dma_wait3A = arith.constant 0 : i32
    %dma_wait3A_27 = arith.constant 0 : i32
    %dma_wait3A_28 = arith.constant 0 : i32
    %dma_wait3A_29 = tpu.memref_slice %arg3[%arg0, %arg1, %dma_wait3A_27, %dma_wait3A_28] : memref<2x16x250x80xi32, #tpu.memory_space<hbm>> -> memref<1x1x250x80xi32, #tpu.memory_space<hbm>>
    %dma_wait3A_30 = tpu.memref_squeeze %dma_wait3A_29 : memref<1x1x250x80xi32, #tpu.memory_space<hbm>> -> memref<250x80xi32, #tpu.memory_space<hbm>>
    %dma_wait3A_31 = tpu.memref_slice %arg11[%dma_wait3A] : memref<5x!tpu.dma_semaphore, #tpu.memory_space<semaphore_mem>> -> memref<1x!tpu.dma_semaphore, #tpu.memory_space<semaphore_mem>>
    %dma_wait3A_32 = tpu.memref_squeeze %dma_wait3A_31 : memref<1x!tpu.dma_semaphore, #tpu.memory_space<semaphore_mem>> -> memref<!tpu.dma_semaphore, #tpu.memory_space<semaphore_mem>>
    %dma_wait3A_33 = arith.constant 0 : i32
    %dma_wait3A_34 = arith.constant 0 : i32
    %dma_wait3A_35 = tpu.memref_slice %arg3[%arg0, %arg1, %dma_wait3A_33, %dma_wait3A_34] : memref<2x16x250x80xi32, #tpu.memory_space<hbm>> -> memref<1x1x250x80xi32, #tpu.memory_space<hbm>>
    %dma_wait3A_36 = tpu.memref_squeeze %dma_wait3A_35 : memref<1x1x250x80xi32, #tpu.memory_space<hbm>> -> memref<250x80xi32, #tpu.memory_space<hbm>>
    tpu.wait_dma2 semaphore(%dma_wait3A_32 : memref<!tpu.dma_semaphore, #tpu.memory_space<semaphore_mem>>) src(%dma_wait3A_36 : memref<250x80xi32, #tpu.memory_space<hbm>>) dst(%arg7 : memref<250x80xi32, #tpu.memory_space<vmem>>)
    %dma_wait3A_37 = arith.constant 1 : i32
    %dma_wait3A_38 = arith.constant 0 : i32
    %dma_wait3A_39 = arith.constant 0 : i32
    %dma_wait3A_40 = tpu.memref_slice %arg4[%arg1, %dma_wait3A_38, %dma_wait3A_39] : memref<16x250x80xi32, #tpu.memory_space<hbm>> -> memref<1x250x80xi32, #tpu.memory_space<hbm>>
    %dma_wait3A_41 = tpu.memref_squeeze %dma_wait3A_40 : memref<1x250x80xi32, #tpu.memory_space<hbm>> -> memref<250x80xi32, #tpu.memory_space<hbm>>
    %dma_wait3A_42 = tpu.memref_slice %arg11[%dma_wait3A_37] : memref<5x!tpu.dma_semaphore, #tpu.memory_space<semaphore_mem>> -> memref<1x!tpu.dma_semaphore, #tpu.memory_space<semaphore_mem>>
    %dma_wait3A_43 = tpu.memref_squeeze %dma_wait3A_42 : memref<1x!tpu.dma_semaphore, #tpu.memory_space<semaphore_mem>> -> memref<!tpu.dma_semaphore, #tpu.memory_space<semaphore_mem>>
    %dma_wait3A_44 = arith.constant 0 : i32
    %dma_wait3A_45 = arith.constant 0 : i32
    %dma_wait3A_46 = tpu.memref_slice %arg4[%arg1, %dma_wait3A_44, %dma_wait3A_45] : memref<16x250x80xi32, #tpu.memory_space<hbm>> -> memref<1x250x80xi32, #tpu.memory_space<hbm>>
    %dma_wait3A_47 = tpu.memref_squeeze %dma_wait3A_46 : memref<1x250x80xi32, #tpu.memory_space<hbm>> -> memref<250x80xi32, #tpu.memory_space<hbm>>
    tpu.wait_dma2 semaphore(%dma_wait3A_43 : memref<!tpu.dma_semaphore, #tpu.memory_space<semaphore_mem>>) src(%dma_wait3A_47 : memref<250x80xi32, #tpu.memory_space<hbm>>) dst(%arg8 : memref<250x80xi32, #tpu.memory_space<vmem>>)
    %dma_wait3A_48 = arith.constant 2 : i32
    %dma_wait3A_49 = tpu.memref_slice %arg11[%dma_wait3A_48] : memref<5x!tpu.dma_semaphore, #tpu.memory_space<semaphore_mem>> -> memref<1x!tpu.dma_semaphore, #tpu.memory_space<semaphore_mem>>
    %dma_wait3A_50 = tpu.memref_squeeze %dma_wait3A_49 : memref<1x!tpu.dma_semaphore, #tpu.memory_space<semaphore_mem>> -> memref<!tpu.dma_semaphore, #tpu.memory_space<semaphore_mem>>
    %dma_wait3A_51 = arith.constant 0 : i32
    %dma_wait3A_52 = tpu.memref_slice %arg10[%mul3A_21, %dma_wait3A_51] : memref<10240x64xf32, #tpu.memory_space<vmem_shared>> -> memref<640x64xf32, #tpu.memory_space<vmem_shared>>
    tpu.wait_dma2 semaphore(%dma_wait3A_50 : memref<!tpu.dma_semaphore, #tpu.memory_space<semaphore_mem>>) src(%arg5 : memref<640x64xf32, #tpu.memory_space<hbm>>) dst(%dma_wait3A_52 : memref<640x64xf32, #tpu.memory_space<vmem_shared>>)
    %barrier3A = arith.constant 0 : index
    tpu.barrier barrier_id(%barrier3A)
    %dma_start3A_53 = arith.constant 0 : i32
    %dma_start3A_54 = arith.constant 0 : i32
    %dma_start3A_55 = arith.constant 0 : i32
    %dma_start3A_56 = arith.constant 0 : i32
    %dma_start3A_57 = arith.constant 0 : i32
    %dma_start3A_58 = tpu.memref_slice %arg9[%dma_start3A_54, %dma_start3A_56, %dma_start3A_57] : memref<5x80x64xf32, #tpu.memory_space<vmem>> -> memref<1x80x64xf32, #tpu.memory_space<vmem>>
    %dma_start3A_59 = tpu.memref_squeeze %dma_start3A_58 : memref<1x80x64xf32, #tpu.memory_space<vmem>> -> memref<80x64xf32, #tpu.memory_space<vmem>>
    %dma_start3A_60 = arith.constant 0 : i32
    %dma_start3A_61 = tpu.memref_slice %arg7[%dma_start3A_53, %dma_start3A_60] : memref<250x80xi32, #tpu.memory_space<vmem>> -> memref<1x80xi32, #tpu.memory_space<vmem>>
    %dma_start3A_62 = tpu.memref_squeeze %dma_start3A_61 : memref<1x80xi32, #tpu.memory_space<vmem>> -> memref<80xi32, #tpu.memory_space<vmem>>
    %dma_start3A_63 = arith.constant 0 : i32
    %dma_start3A_64 = arith.constant 0 : i32
    %dma_start3A_65 = tpu.memref_slice %arg2[%dma_start3A_63, %dma_start3A_64] : memref<20000x64xf32, #tpu.memory_space<hbm>> -> memref<20000x64xf32, #tpu.memory_space<hbm>>
    %dma_start3A_66 = tpu.memref_slice %arg11[%dma_start3A_55] : memref<5x!tpu.dma_semaphore, #tpu.memory_space<semaphore_mem>> -> memref<1x!tpu.dma_semaphore, #tpu.memory_space<semaphore_mem>>
    %dma_start3A_67 = tpu.memref_squeeze %dma_start3A_66 : memref<1x!tpu.dma_semaphore, #tpu.memory_space<semaphore_mem>> -> memref<!tpu.dma_semaphore, #tpu.memory_space<semaphore_mem>>
    tpu.enqueue_indirect_dma source(%dma_start3A_65 : memref<20000x64xf32, #tpu.memory_space<hbm>>) target(%dma_start3A_59 : memref<80x64xf32, #tpu.memory_space<vmem>>) offsets(%dma_start3A_62 : memref<80xi32, #tpu.memory_space<vmem>>) semaphore(%dma_start3A_67 : memref<!tpu.dma_semaphore, #tpu.memory_space<semaphore_mem>>)
    %dma_start3A_68 = arith.constant 1 : i32
    %dma_start3A_69 = arith.constant 1 : i32
    %dma_start3A_70 = arith.constant 1 : i32
    %dma_start3A_71 = arith.constant 0 : i32
    %dma_start3A_72 = arith.constant 0 : i32
    %dma_start3A_73 = tpu.memref_slice %arg9[%dma_start3A_69, %dma_start3A_71, %dma_start3A_72] : memref<5x80x64xf32, #tpu.memory_space<vmem>> -> memref<1x80x64xf32, #tpu.memory_space<vmem>>
    %dma_start3A_74 = tpu.memref_squeeze %dma_start3A_73 : memref<1x80x64xf32, #tpu.memory_space<vmem>> -> memref<80x64xf32, #tpu.memory_space<vmem>>
    %dma_start3A_75 = arith.constant 0 : i32
    %dma_start3A_76 = tpu.memref_slice %arg7[%dma_start3A_68, %dma_start3A_75] : memref<250x80xi32, #tpu.memory_space<vmem>> -> memref<1x80xi32, #tpu.memory_space<vmem>>
    %dma_start3A_77 = tpu.memref_squeeze %dma_start3A_76 : memref<1x80xi32, #tpu.memory_space<vmem>> -> memref<80xi32, #tpu.memory_space<vmem>>
    %dma_start3A_78 = arith.constant 0 : i32
    %dma_start3A_79 = arith.constant 0 : i32
    %dma_start3A_80 = tpu.memref_slice %arg2[%dma_start3A_78, %dma_start3A_79] : memref<20000x64xf32, #tpu.memory_space<hbm>> -> memref<20000x64xf32, #tpu.memory_space<hbm>>
    %dma_start3A_81 = tpu.memref_slice %arg11[%dma_start3A_70] : memref<5x!tpu.dma_semaphore, #tpu.memory_space<semaphore_mem>> -> memref<1x!tpu.dma_semaphore, #tpu.memory_space<semaphore_mem>>
    %dma_start3A_82 = tpu.memref_squeeze %dma_start3A_81 : memref<1x!tpu.dma_semaphore, #tpu.memory_space<semaphore_mem>> -> memref<!tpu.dma_semaphore, #tpu.memory_space<semaphore_mem>>
    tpu.enqueue_indirect_dma source(%dma_start3A_80 : memref<20000x64xf32, #tpu.memory_space<hbm>>) target(%dma_start3A_74 : memref<80x64xf32, #tpu.memory_space<vmem>>) offsets(%dma_start3A_77 : memref<80xi32, #tpu.memory_space<vmem>>) semaphore(%dma_start3A_82 : memref<!tpu.dma_semaphore, #tpu.memory_space<semaphore_mem>>)
    %dma_start3A_83 = arith.constant 2 : i32
    %dma_start3A_84 = arith.constant 2 : i32
    %dma_start3A_85 = arith.constant 2 : i32
    %dma_start3A_86 = arith.constant 0 : i32
    %dma_start3A_87 = arith.constant 0 : i32
    %dma_start3A_88 = tpu.memref_slice %arg9[%dma_start3A_84, %dma_start3A_86, %dma_start3A_87] : memref<5x80x64xf32, #tpu.memory_space<vmem>> -> memref<1x80x64xf32, #tpu.memory_space<vmem>>
    %dma_start3A_89 = tpu.memref_squeeze %dma_start3A_88 : memref<1x80x64xf32, #tpu.memory_space<vmem>> -> memref<80x64xf32, #tpu.memory_space<vmem>>
    %dma_start3A_90 = arith.constant 0 : i32
    %dma_start3A_91 = tpu.memref_slice %arg7[%dma_start3A_83, %dma_start3A_90] : memref<250x80xi32, #tpu.memory_space<vmem>> -> memref<1x80xi32, #tpu.memory_space<vmem>>
    %dma_start3A_92 = tpu.memref_squeeze %dma_start3A_91 : memref<1x80xi32, #tpu.memory_space<vmem>> -> memref<80xi32, #tpu.memory_space<vmem>>
    %dma_start3A_93 = arith.constant 0 : i32
    %dma_start3A_94 = arith.constant 0 : i32
    %dma_start3A_95 = tpu.memref_slice %arg2[%dma_start3A_93, %dma_start3A_94] : memref<20000x64xf32, #tpu.memory_space<hbm>> -> memref<20000x64xf32, #tpu.memory_space<hbm>>
    %dma_start3A_96 = tpu.memref_slice %arg11[%dma_start3A_85] : memref<5x!tpu.dma_semaphore, #tpu.memory_space<semaphore_mem>> -> memref<1x!tpu.dma_semaphore, #tpu.memory_space<semaphore_mem>>
    %dma_start3A_97 = tpu.memref_squeeze %dma_start3A_96 : memref<1x!tpu.dma_semaphore, #tpu.memory_space<semaphore_mem>> -> memref<!tpu.dma_semaphore, #tpu.memory_space<semaphore_mem>>
    tpu.enqueue_indirect_dma source(%dma_start3A_95 : memref<20000x64xf32, #tpu.memory_space<hbm>>) target(%dma_start3A_89 : memref<80x64xf32, #tpu.memory_space<vmem>>) offsets(%dma_start3A_92 : memref<80xi32, #tpu.memory_space<vmem>>) semaphore(%dma_start3A_97 : memref<!tpu.dma_semaphore, #tpu.memory_space<semaphore_mem>>)
    %dma_start3A_98 = arith.constant 3 : i32
    %dma_start3A_99 = arith.constant 3 : i32
    %dma_start3A_100 = arith.constant 3 : i32
    %dma_start3A_101 = arith.constant 0 : i32
    %dma_start3A_102 = arith.constant 0 : i32
    %dma_start3A_103 = tpu.memref_slice %arg9[%dma_start3A_99, %dma_start3A_101, %dma_start3A_102] : memref<5x80x64xf32, #tpu.memory_space<vmem>> -> memref<1x80x64xf32, #tpu.memory_space<vmem>>
    %dma_start3A_104 = tpu.memref_squeeze %dma_start3A_103 : memref<1x80x64xf32, #tpu.memory_space<vmem>> -> memref<80x64xf32, #tpu.memory_space<vmem>>
    %dma_start3A_105 = arith.constant 0 : i32
    %dma_start3A_106 = tpu.memref_slice %arg7[%dma_start3A_98, %dma_start3A_105] : memref<250x80xi32, #tpu.memory_space<vmem>> -> memref<1x80xi32, #tpu.memory_space<vmem>>
    %dma_start3A_107 = tpu.memref_squeeze %dma_start3A_106 : memref<1x80xi32, #tpu.memory_space<vmem>> -> memref<80xi32, #tpu.memory_space<vmem>>
    %dma_start3A_108 = arith.constant 0 : i32
    %dma_start3A_109 = arith.constant 0 : i32
    %dma_start3A_110 = tpu.memref_slice %arg2[%dma_start3A_108, %dma_start3A_109] : memref<20000x64xf32, #tpu.memory_space<hbm>> -> memref<20000x64xf32, #tpu.memory_space<hbm>>
    %dma_start3A_111 = tpu.memref_slice %arg11[%dma_start3A_100] : memref<5x!tpu.dma_semaphore, #tpu.memory_space<semaphore_mem>> -> memref<1x!tpu.dma_semaphore, #tpu.memory_space<semaphore_mem>>
    %dma_start3A_112 = tpu.memref_squeeze %dma_start3A_111 : memref<1x!tpu.dma_semaphore, #tpu.memory_space<semaphore_mem>> -> memref<!tpu.dma_semaphore, #tpu.memory_space<semaphore_mem>>
    tpu.enqueue_indirect_dma source(%dma_start3A_110 : memref<20000x64xf32, #tpu.memory_space<hbm>>) target(%dma_start3A_104 : memref<80x64xf32, #tpu.memory_space<vmem>>) offsets(%dma_start3A_107 : memref<80xi32, #tpu.memory_space<vmem>>) semaphore(%dma_start3A_112 : memref<!tpu.dma_semaphore, #tpu.memory_space<semaphore_mem>>)
    %dma_start3A_113 = arith.constant 4 : i32
    %dma_start3A_114 = arith.constant 4 : i32
    %dma_start3A_115 = arith.constant 4 : i32
    %dma_start3A_116 = arith.constant 0 : i32
    %dma_start3A_117 = arith.constant 0 : i32
    %dma_start3A_118 = tpu.memref_slice %arg9[%dma_start3A_114, %dma_start3A_116, %dma_start3A_117] : memref<5x80x64xf32, #tpu.memory_space<vmem>> -> memref<1x80x64xf32, #tpu.memory_space<vmem>>
    %dma_start3A_119 = tpu.memref_squeeze %dma_start3A_118 : memref<1x80x64xf32, #tpu.memory_space<vmem>> -> memref<80x64xf32, #tpu.memory_space<vmem>>
    %dma_start3A_120 = arith.constant 0 : i32
    %dma_start3A_121 = tpu.memref_slice %arg7[%dma_start3A_113, %dma_start3A_120] : memref<250x80xi32, #tpu.memory_space<vmem>> -> memref<1x80xi32, #tpu.memory_space<vmem>>
    %dma_start3A_122 = tpu.memref_squeeze %dma_start3A_121 : memref<1x80xi32, #tpu.memory_space<vmem>> -> memref<80xi32, #tpu.memory_space<vmem>>
    %dma_start3A_123 = arith.constant 0 : i32
    %dma_start3A_124 = arith.constant 0 : i32
    %dma_start3A_125 = tpu.memref_slice %arg2[%dma_start3A_123, %dma_start3A_124] : memref<20000x64xf32, #tpu.memory_space<hbm>> -> memref<20000x64xf32, #tpu.memory_space<hbm>>
    %dma_start3A_126 = tpu.memref_slice %arg11[%dma_start3A_115] : memref<5x!tpu.dma_semaphore, #tpu.memory_space<semaphore_mem>> -> memref<1x!tpu.dma_semaphore, #tpu.memory_space<semaphore_mem>>
    %dma_start3A_127 = tpu.memref_squeeze %dma_start3A_126 : memref<1x!tpu.dma_semaphore, #tpu.memory_space<semaphore_mem>> -> memref<!tpu.dma_semaphore, #tpu.memory_space<semaphore_mem>>
    tpu.enqueue_indirect_dma source(%dma_start3A_125 : memref<20000x64xf32, #tpu.memory_space<hbm>>) target(%dma_start3A_119 : memref<80x64xf32, #tpu.memory_space<vmem>>) offsets(%dma_start3A_122 : memref<80xi32, #tpu.memory_space<vmem>>) semaphore(%dma_start3A_127 : memref<!tpu.dma_semaphore, #tpu.memory_space<semaphore_mem>>)
    %scan3A = arith.constant 0 : i32
    %scan3A_128 = arith.constant 50 : i32
    %scan3A_129 = arith.addi %scan3A, %scan3A_128 : i32
    %scan3A_130 = arith.constant 1 : i32
    scf.for %scan3A_212 = %scan3A to %scan3A_129 step %scan3A_130  : i32 {
      %mul3A_213 = arith.constant 5 : i32
      %mul3A_214 = arith.muli %scan3A_212, %mul3A_213 : i32
      %add3A = arith.constant 0 : i32
      %add3A_215 = arith.addi %add3A, %mul3A_214 : i32
      %add3A_216 = arith.constant 0 : i32
      %add3A_217 = arith.addi %add3A_215, %add3A_216 : i32
      %dma_wait3A_218 = arith.constant 0 : i32
      %dma_wait3A_219 = arith.constant 0 : i32
      %dma_wait3A_220 = arith.constant 0 : i32
      %dma_wait3A_221 = arith.constant 0 : i32
      %dma_wait3A_222 = tpu.memref_slice %arg9[%dma_wait3A_218, %dma_wait3A_220, %dma_wait3A_221] : memref<5x80x64xf32, #tpu.memory_space<vmem>> -> memref<1x80x64xf32, #tpu.memory_space<vmem>>
      %dma_wait3A_223 = tpu.memref_squeeze %dma_wait3A_222 : memref<1x80x64xf32, #tpu.memory_space<vmem>> -> memref<80x64xf32, #tpu.memory_space<vmem>>
      %dma_wait3A_224 = arith.constant 0 : i32
      %dma_wait3A_225 = tpu.memref_slice %arg7[%add3A_217, %dma_wait3A_224] : memref<250x80xi32, #tpu.memory_space<vmem>> -> memref<1x80xi32, #tpu.memory_space<vmem>>
      %dma_wait3A_226 = tpu.memref_squeeze %dma_wait3A_225 : memref<1x80xi32, #tpu.memory_space<vmem>> -> memref<80xi32, #tpu.memory_space<vmem>>
      %dma_wait3A_227 = arith.constant 0 : i32
      %dma_wait3A_228 = arith.constant 0 : i32
      %dma_wait3A_229 = tpu.memref_slice %arg2[%dma_wait3A_227, %dma_wait3A_228] : memref<20000x64xf32, #tpu.memory_space<hbm>> -> memref<20000x64xf32, #tpu.memory_space<hbm>>
      %dma_wait3A_230 = tpu.memref_slice %arg11[%dma_wait3A_219] : memref<5x!tpu.dma_semaphore, #tpu.memory_space<semaphore_mem>> -> memref<1x!tpu.dma_semaphore, #tpu.memory_space<semaphore_mem>>
      %dma_wait3A_231 = tpu.memref_squeeze %dma_wait3A_230 : memref<1x!tpu.dma_semaphore, #tpu.memory_space<semaphore_mem>> -> memref<!tpu.dma_semaphore, #tpu.memory_space<semaphore_mem>>
      tpu.wait_indirect_dma semaphore(%dma_wait3A_231 : memref<!tpu.dma_semaphore, #tpu.memory_space<semaphore_mem>>) src(%dma_wait3A_229 : memref<20000x64xf32, #tpu.memory_space<hbm>>) dst(%dma_wait3A_223 : memref<80x64xf32, #tpu.memory_space<vmem>>)
      %dma_start3A_232 = arith.constant 0 : i32
      %dma_start3A_233 = arith.constant 0 : i32
      %dma_start3A_234 = arith.constant 0 : i32
      %dma_start3A_235 = arith.constant 0 : i32
      %dma_start3A_236 = tpu.memref_slice %arg9[%dma_start3A_232, %dma_start3A_234, %dma_start3A_235] : memref<5x80x64xf32, #tpu.memory_space<vmem>> -> memref<1x80x64xf32, #tpu.memory_space<vmem>>
      %dma_start3A_237 = tpu.memref_squeeze %dma_start3A_236 : memref<1x80x64xf32, #tpu.memory_space<vmem>> -> memref<80x64xf32, #tpu.memory_space<vmem>>
      %dma_start3A_238 = arith.constant 0 : i32
      %dma_start3A_239 = tpu.memref_slice %arg8[%add3A_217, %dma_start3A_238] : memref<250x80xi32, #tpu.memory_space<vmem>> -> memref<1x80xi32, #tpu.memory_space<vmem>>
      %dma_start3A_240 = tpu.memref_squeeze %dma_start3A_239 : memref<1x80xi32, #tpu.memory_space<vmem>> -> memref<80xi32, #tpu.memory_space<vmem>>
      %dma_start3A_241 = arith.constant 0 : i32
      %dma_start3A_242 = arith.constant 0 : i32
      %dma_start3A_243 = tpu.memref_slice %arg10[%dma_start3A_241, %dma_start3A_242] : memref<10240x64xf32, #tpu.memory_space<vmem_shared>> -> memref<10240x64xf32, #tpu.memory_space<vmem_shared>>
      %dma_start3A_244 = tpu.memref_slice %arg12[%dma_start3A_233] : memref<5x!tpu.dma_semaphore, #tpu.memory_space<semaphore_mem>> -> memref<1x!tpu.dma_semaphore, #tpu.memory_space<semaphore_mem>>
      %dma_start3A_245 = tpu.memref_squeeze %dma_start3A_244 : memref<1x!tpu.dma_semaphore, #tpu.memory_space<semaphore_mem>> -> memref<!tpu.dma_semaphore, #tpu.memory_space<semaphore_mem>>
      tpu.enqueue_indirect_dma source(%dma_start3A_237 : memref<80x64xf32, #tpu.memory_space<vmem>>) target(%dma_start3A_243 : memref<10240x64xf32, #tpu.memory_space<vmem_shared>>) offsets(%dma_start3A_240 : memref<80xi32, #tpu.memory_space<vmem>>) semaphore(%dma_start3A_245 : memref<!tpu.dma_semaphore, #tpu.memory_space<semaphore_mem>>) {add = true}
      %add3A_246 = arith.constant 5 : i32
      %add3A_247 = arith.addi %add3A_217, %add3A_246 : i32
      %lt3A = arith.constant 250 : i32
      %lt3A_248 = arith.cmpi slt, %add3A_247, %lt3A : i32
      %convert_element_type3A = arith.extui %lt3A_248 : i1 to i32
      %cond3A = arith.constant 0 : i32
      %cond3A_249 = arith.cmpi ne, %convert_element_type3A, %cond3A : i32
      scf.if %cond3A_249 {
        %dma_wait3A_398 = arith.constant 0 : i32
        %dma_wait3A_399 = arith.constant 0 : i32
        %dma_wait3A_400 = arith.constant 0 : i32
        %dma_wait3A_401 = arith.constant 0 : i32
        %dma_wait3A_402 = tpu.memref_slice %arg9[%dma_wait3A_398, %dma_wait3A_400, %dma_wait3A_401] : memref<5x80x64xf32, #tpu.memory_space<vmem>> -> memref<1x80x64xf32, #tpu.memory_space<vmem>>
        %dma_wait3A_403 = tpu.memref_squeeze %dma_wait3A_402 : memref<1x80x64xf32, #tpu.memory_space<vmem>> -> memref<80x64xf32, #tpu.memory_space<vmem>>
        %dma_wait3A_404 = arith.constant 0 : i32
        %dma_wait3A_405 = tpu.memref_slice %arg8[%add3A_217, %dma_wait3A_404] : memref<250x80xi32, #tpu.memory_space<vmem>> -> memref<1x80xi32, #tpu.memory_space<vmem>>
        %dma_wait3A_406 = tpu.memref_squeeze %dma_wait3A_405 : memref<1x80xi32, #tpu.memory_space<vmem>> -> memref<80xi32, #tpu.memory_space<vmem>>
        %dma_wait3A_407 = arith.constant 0 : i32
        %dma_wait3A_408 = arith.constant 0 : i32
        %dma_wait3A_409 = tpu.memref_slice %arg10[%dma_wait3A_407, %dma_wait3A_408] : memref<10240x64xf32, #tpu.memory_space<vmem_shared>> -> memref<10240x64xf32, #tpu.memory_space<vmem_shared>>
        %dma_wait3A_410 = tpu.memref_slice %arg12[%dma_wait3A_399] : memref<5x!tpu.dma_semaphore, #tpu.memory_space<semaphore_mem>> -> memref<1x!tpu.dma_semaphore, #tpu.memory_space<semaphore_mem>>
        %dma_wait3A_411 = tpu.memref_squeeze %dma_wait3A_410 : memref<1x!tpu.dma_semaphore, #tpu.memory_space<semaphore_mem>> -> memref<!tpu.dma_semaphore, #tpu.memory_space<semaphore_mem>>
        tpu.wait_indirect_dma semaphore(%dma_wait3A_411 : memref<!tpu.dma_semaphore, #tpu.memory_space<semaphore_mem>>) src(%dma_wait3A_403 : memref<80x64xf32, #tpu.memory_space<vmem>>) dst(%dma_wait3A_409 : memref<10240x64xf32, #tpu.memory_space<vmem_shared>>)
        %dma_start3A_412 = arith.constant 0 : i32
        %dma_start3A_413 = arith.constant 0 : i32
        %dma_start3A_414 = arith.constant 0 : i32
        %dma_start3A_415 = arith.constant 0 : i32
        %dma_start3A_416 = tpu.memref_slice %arg9[%dma_start3A_412, %dma_start3A_414, %dma_start3A_415] : memref<5x80x64xf32, #tpu.memory_space<vmem>> -> memref<1x80x64xf32, #tpu.memory_space<vmem>>
        %dma_start3A_417 = tpu.memref_squeeze %dma_start3A_416 : memref<1x80x64xf32, #tpu.memory_space<vmem>> -> memref<80x64xf32, #tpu.memory_space<vmem>>
        %dma_start3A_418 = arith.constant 0 : i32
        %dma_start3A_419 = tpu.memref_slice %arg7[%add3A_247, %dma_start3A_418] : memref<250x80xi32, #tpu.memory_space<vmem>> -> memref<1x80xi32, #tpu.memory_space<vmem>>
        %dma_start3A_420 = tpu.memref_squeeze %dma_start3A_419 : memref<1x80xi32, #tpu.memory_space<vmem>> -> memref<80xi32, #tpu.memory_space<vmem>>
        %dma_start3A_421 = arith.constant 0 : i32
        %dma_start3A_422 = arith.constant 0 : i32
        %dma_start3A_423 = tpu.memref_slice %arg2[%dma_start3A_421, %dma_start3A_422] : memref<20000x64xf32, #tpu.memory_space<hbm>> -> memref<20000x64xf32, #tpu.memory_space<hbm>>
        %dma_start3A_424 = tpu.memref_slice %arg11[%dma_start3A_413] : memref<5x!tpu.dma_semaphore, #tpu.memory_space<semaphore_mem>> -> memref<1x!tpu.dma_semaphore, #tpu.memory_space<semaphore_mem>>
        %dma_start3A_425 = tpu.memref_squeeze %dma_start3A_424 : memref<1x!tpu.dma_semaphore, #tpu.memory_space<semaphore_mem>> -> memref<!tpu.dma_semaphore, #tpu.memory_space<semaphore_mem>>
        tpu.enqueue_indirect_dma source(%dma_start3A_423 : memref<20000x64xf32, #tpu.memory_space<hbm>>) target(%dma_start3A_417 : memref<80x64xf32, #tpu.memory_space<vmem>>) offsets(%dma_start3A_420 : memref<80xi32, #tpu.memory_space<vmem>>) semaphore(%dma_start3A_425 : memref<!tpu.dma_semaphore, #tpu.memory_space<semaphore_mem>>)
      } else {
      }
      %add3A_250 = arith.constant 1 : i32
      %add3A_251 = arith.addi %add3A_215, %add3A_250 : i32
      %dma_wait3A_252 = arith.constant 1 : i32
      %dma_wait3A_253 = arith.constant 1 : i32
      %dma_wait3A_254 = arith.constant 0 : i32
      %dma_wait3A_255 = arith.constant 0 : i32
      %dma_wait3A_256 = tpu.memref_slice %arg9[%dma_wait3A_252, %dma_wait3A_254, %dma_wait3A_255] : memref<5x80x64xf32, #tpu.memory_space<vmem>> -> memref<1x80x64xf32, #tpu.memory_space<vmem>>
      %dma_wait3A_257 = tpu.memref_squeeze %dma_wait3A_256 : memref<1x80x64xf32, #tpu.memory_space<vmem>> -> memref<80x64xf32, #tpu.memory_space<vmem>>
      %dma_wait3A_258 = arith.constant 0 : i32
      %dma_wait3A_259 = tpu.memref_slice %arg7[%add3A_251, %dma_wait3A_258] : memref<250x80xi32, #tpu.memory_space<vmem>> -> memref<1x80xi32, #tpu.memory_space<vmem>>
      %dma_wait3A_260 = tpu.memref_squeeze %dma_wait3A_259 : memref<1x80xi32, #tpu.memory_space<vmem>> -> memref<80xi32, #tpu.memory_space<vmem>>
      %dma_wait3A_261 = arith.constant 0 : i32
      %dma_wait3A_262 = arith.constant 0 : i32
      %dma_wait3A_263 = tpu.memref_slice %arg2[%dma_wait3A_261, %dma_wait3A_262] : memref<20000x64xf32, #tpu.memory_space<hbm>> -> memref<20000x64xf32, #tpu.memory_space<hbm>>
      %dma_wait3A_264 = tpu.memref_slice %arg11[%dma_wait3A_253] : memref<5x!tpu.dma_semaphore, #tpu.memory_space<semaphore_mem>> -> memref<1x!tpu.dma_semaphore, #tpu.memory_space<semaphore_mem>>
      %dma_wait3A_265 = tpu.memref_squeeze %dma_wait3A_264 : memref<1x!tpu.dma_semaphore, #tpu.memory_space<semaphore_mem>> -> memref<!tpu.dma_semaphore, #tpu.memory_space<semaphore_mem>>
      tpu.wait_indirect_dma semaphore(%dma_wait3A_265 : memref<!tpu.dma_semaphore, #tpu.memory_space<semaphore_mem>>) src(%dma_wait3A_263 : memref<20000x64xf32, #tpu.memory_space<hbm>>) dst(%dma_wait3A_257 : memref<80x64xf32, #tpu.memory_space<vmem>>)
      %dma_start3A_266 = arith.constant 1 : i32
      %dma_start3A_267 = arith.constant 1 : i32
      %dma_start3A_268 = arith.constant 0 : i32
      %dma_start3A_269 = arith.constant 0 : i32
      %dma_start3A_270 = tpu.memref_slice %arg9[%dma_start3A_266, %dma_start3A_268, %dma_start3A_269] : memref<5x80x64xf32, #tpu.memory_space<vmem>> -> memref<1x80x64xf32, #tpu.memory_space<vmem>>
      %dma_start3A_271 = tpu.memref_squeeze %dma_start3A_270 : memref<1x80x64xf32, #tpu.memory_space<vmem>> -> memref<80x64xf32, #tpu.memory_space<vmem>>
      %dma_start3A_272 = arith.constant 0 : i32
      %dma_start3A_273 = tpu.memref_slice %arg8[%add3A_251, %dma_start3A_272] : memref<250x80xi32, #tpu.memory_space<vmem>> -> memref<1x80xi32, #tpu.memory_space<vmem>>
      %dma_start3A_274 = tpu.memref_squeeze %dma_start3A_273 : memref<1x80xi32, #tpu.memory_space<vmem>> -> memref<80xi32, #tpu.memory_space<vmem>>
      %dma_start3A_275 = arith.constant 0 : i32
      %dma_start3A_276 = arith.constant 0 : i32
      %dma_start3A_277 = tpu.memref_slice %arg10[%dma_start3A_275, %dma_start3A_276] : memref<10240x64xf32, #tpu.memory_space<vmem_shared>> -> memref<10240x64xf32, #tpu.memory_space<vmem_shared>>
      %dma_start3A_278 = tpu.memref_slice %arg12[%dma_start3A_267] : memref<5x!tpu.dma_semaphore, #tpu.memory_space<semaphore_mem>> -> memref<1x!tpu.dma_semaphore, #tpu.memory_space<semaphore_mem>>
      %dma_start3A_279 = tpu.memref_squeeze %dma_start3A_278 : memref<1x!tpu.dma_semaphore, #tpu.memory_space<semaphore_mem>> -> memref<!tpu.dma_semaphore, #tpu.memory_space<semaphore_mem>>
      tpu.enqueue_indirect_dma source(%dma_start3A_271 : memref<80x64xf32, #tpu.memory_space<vmem>>) target(%dma_start3A_277 : memref<10240x64xf32, #tpu.memory_space<vmem_shared>>) offsets(%dma_start3A_274 : memref<80xi32, #tpu.memory_space<vmem>>) semaphore(%dma_start3A_279 : memref<!tpu.dma_semaphore, #tpu.memory_space<semaphore_mem>>) {add = true}
      %add3A_280 = arith.constant 5 : i32
      %add3A_281 = arith.addi %add3A_251, %add3A_280 : i32
      %lt3A_282 = arith.constant 250 : i32
      %lt3A_283 = arith.cmpi slt, %add3A_281, %lt3A_282 : i32
      %convert_element_type3A_284 = arith.extui %lt3A_283 : i1 to i32
      %cond3A_285 = arith.constant 0 : i32
      %cond3A_286 = arith.cmpi ne, %convert_element_type3A_284, %cond3A_285 : i32
      scf.if %cond3A_286 {
        %dma_wait3A_398 = arith.constant 1 : i32
        %dma_wait3A_399 = arith.constant 1 : i32
        %dma_wait3A_400 = arith.constant 0 : i32
        %dma_wait3A_401 = arith.constant 0 : i32
        %dma_wait3A_402 = tpu.memref_slice %arg9[%dma_wait3A_398, %dma_wait3A_400, %dma_wait3A_401] : memref<5x80x64xf32, #tpu.memory_space<vmem>> -> memref<1x80x64xf32, #tpu.memory_space<vmem>>
        %dma_wait3A_403 = tpu.memref_squeeze %dma_wait3A_402 : memref<1x80x64xf32, #tpu.memory_space<vmem>> -> memref<80x64xf32, #tpu.memory_space<vmem>>
        %dma_wait3A_404 = arith.constant 0 : i32
        %dma_wait3A_405 = tpu.memref_slice %arg8[%add3A_251, %dma_wait3A_404] : memref<250x80xi32, #tpu.memory_space<vmem>> -> memref<1x80xi32, #tpu.memory_space<vmem>>
        %dma_wait3A_406 = tpu.memref_squeeze %dma_wait3A_405 : memref<1x80xi32, #tpu.memory_space<vmem>> -> memref<80xi32, #tpu.memory_space<vmem>>
        %dma_wait3A_407 = arith.constant 0 : i32
        %dma_wait3A_408 = arith.constant 0 : i32
        %dma_wait3A_409 = tpu.memref_slice %arg10[%dma_wait3A_407, %dma_wait3A_408] : memref<10240x64xf32, #tpu.memory_space<vmem_shared>> -> memref<10240x64xf32, #tpu.memory_space<vmem_shared>>
        %dma_wait3A_410 = tpu.memref_slice %arg12[%dma_wait3A_399] : memref<5x!tpu.dma_semaphore, #tpu.memory_space<semaphore_mem>> -> memref<1x!tpu.dma_semaphore, #tpu.memory_space<semaphore_mem>>
        %dma_wait3A_411 = tpu.memref_squeeze %dma_wait3A_410 : memref<1x!tpu.dma_semaphore, #tpu.memory_space<semaphore_mem>> -> memref<!tpu.dma_semaphore, #tpu.memory_space<semaphore_mem>>
        tpu.wait_indirect_dma semaphore(%dma_wait3A_411 : memref<!tpu.dma_semaphore, #tpu.memory_space<semaphore_mem>>) src(%dma_wait3A_403 : memref<80x64xf32, #tpu.memory_space<vmem>>) dst(%dma_wait3A_409 : memref<10240x64xf32, #tpu.memory_space<vmem_shared>>)
        %dma_start3A_412 = arith.constant 1 : i32
        %dma_start3A_413 = arith.constant 1 : i32
        %dma_start3A_414 = arith.constant 0 : i32
        %dma_start3A_415 = arith.constant 0 : i32
        %dma_start3A_416 = tpu.memref_slice %arg9[%dma_start3A_412, %dma_start3A_414, %dma_start3A_415] : memref<5x80x64xf32, #tpu.memory_space<vmem>> -> memref<1x80x64xf32, #tpu.memory_space<vmem>>
        %dma_start3A_417 = tpu.memref_squeeze %dma_start3A_416 : memref<1x80x64xf32, #tpu.memory_space<vmem>> -> memref<80x64xf32, #tpu.memory_space<vmem>>
        %dma_start3A_418 = arith.constant 0 : i32
        %dma_start3A_419 = tpu.memref_slice %arg7[%add3A_281, %dma_start3A_418] : memref<250x80xi32, #tpu.memory_space<vmem>> -> memref<1x80xi32, #tpu.memory_space<vmem>>
        %dma_start3A_420 = tpu.memref_squeeze %dma_start3A_419 : memref<1x80xi32, #tpu.memory_space<vmem>> -> memref<80xi32, #tpu.memory_space<vmem>>
        %dma_start3A_421 = arith.constant 0 : i32
        %dma_start3A_422 = arith.constant 0 : i32
        %dma_start3A_423 = tpu.memref_slice %arg2[%dma_start3A_421, %dma_start3A_422] : memref<20000x64xf32, #tpu.memory_space<hbm>> -> memref<20000x64xf32, #tpu.memory_space<hbm>>
        %dma_start3A_424 = tpu.memref_slice %arg11[%dma_start3A_413] : memref<5x!tpu.dma_semaphore, #tpu.memory_space<semaphore_mem>> -> memref<1x!tpu.dma_semaphore, #tpu.memory_space<semaphore_mem>>
        %dma_start3A_425 = tpu.memref_squeeze %dma_start3A_424 : memref<1x!tpu.dma_semaphore, #tpu.memory_space<semaphore_mem>> -> memref<!tpu.dma_semaphore, #tpu.memory_space<semaphore_mem>>
        tpu.enqueue_indirect_dma source(%dma_start3A_423 : memref<20000x64xf32, #tpu.memory_space<hbm>>) target(%dma_start3A_417 : memref<80x64xf32, #tpu.memory_space<vmem>>) offsets(%dma_start3A_420 : memref<80xi32, #tpu.memory_space<vmem>>) semaphore(%dma_start3A_425 : memref<!tpu.dma_semaphore, #tpu.memory_space<semaphore_mem>>)
      } else {
      }
      %add3A_287 = arith.constant 2 : i32
      %add3A_288 = arith.addi %add3A_215, %add3A_287 : i32
      %dma_wait3A_289 = arith.constant 2 : i32
      %dma_wait3A_290 = arith.constant 2 : i32
      %dma_wait3A_291 = arith.constant 0 : i32
      %dma_wait3A_292 = arith.constant 0 : i32
      %dma_wait3A_293 = tpu.memref_slice %arg9[%dma_wait3A_289, %dma_wait3A_291, %dma_wait3A_292] : memref<5x80x64xf32, #tpu.memory_space<vmem>> -> memref<1x80x64xf32, #tpu.memory_space<vmem>>
      %dma_wait3A_294 = tpu.memref_squeeze %dma_wait3A_293 : memref<1x80x64xf32, #tpu.memory_space<vmem>> -> memref<80x64xf32, #tpu.memory_space<vmem>>
      %dma_wait3A_295 = arith.constant 0 : i32
      %dma_wait3A_296 = tpu.memref_slice %arg7[%add3A_288, %dma_wait3A_295] : memref<250x80xi32, #tpu.memory_space<vmem>> -> memref<1x80xi32, #tpu.memory_space<vmem>>
      %dma_wait3A_297 = tpu.memref_squeeze %dma_wait3A_296 : memref<1x80xi32, #tpu.memory_space<vmem>> -> memref<80xi32, #tpu.memory_space<vmem>>
      %dma_wait3A_298 = arith.constant 0 : i32
      %dma_wait3A_299 = arith.constant 0 : i32
      %dma_wait3A_300 = tpu.memref_slice %arg2[%dma_wait3A_298, %dma_wait3A_299] : memref<20000x64xf32, #tpu.memory_space<hbm>> -> memref<20000x64xf32, #tpu.memory_space<hbm>>
      %dma_wait3A_301 = tpu.memref_slice %arg11[%dma_wait3A_290] : memref<5x!tpu.dma_semaphore, #tpu.memory_space<semaphore_mem>> -> memref<1x!tpu.dma_semaphore, #tpu.memory_space<semaphore_mem>>
      %dma_wait3A_302 = tpu.memref_squeeze %dma_wait3A_301 : memref<1x!tpu.dma_semaphore, #tpu.memory_space<semaphore_mem>> -> memref<!tpu.dma_semaphore, #tpu.memory_space<semaphore_mem>>
      tpu.wait_indirect_dma semaphore(%dma_wait3A_302 : memref<!tpu.dma_semaphore, #tpu.memory_space<semaphore_mem>>) src(%dma_wait3A_300 : memref<20000x64xf32, #tpu.memory_space<hbm>>) dst(%dma_wait3A_294 : memref<80x64xf32, #tpu.memory_space<vmem>>)
      %dma_start3A_303 = arith.constant 2 : i32
      %dma_start3A_304 = arith.constant 2 : i32
      %dma_start3A_305 = arith.constant 0 : i32
      %dma_start3A_306 = arith.constant 0 : i32
      %dma_start3A_307 = tpu.memref_slice %arg9[%dma_start3A_303, %dma_start3A_305, %dma_start3A_306] : memref<5x80x64xf32, #tpu.memory_space<vmem>> -> memref<1x80x64xf32, #tpu.memory_space<vmem>>
      %dma_start3A_308 = tpu.memref_squeeze %dma_start3A_307 : memref<1x80x64xf32, #tpu.memory_space<vmem>> -> memref<80x64xf32, #tpu.memory_space<vmem>>
      %dma_start3A_309 = arith.constant 0 : i32
      %dma_start3A_310 = tpu.memref_slice %arg8[%add3A_288, %dma_start3A_309] : memref<250x80xi32, #tpu.memory_space<vmem>> -> memref<1x80xi32, #tpu.memory_space<vmem>>
      %dma_start3A_311 = tpu.memref_squeeze %dma_start3A_310 : memref<1x80xi32, #tpu.memory_space<vmem>> -> memref<80xi32, #tpu.memory_space<vmem>>
      %dma_start3A_312 = arith.constant 0 : i32
      %dma_start3A_313 = arith.constant 0 : i32
      %dma_start3A_314 = tpu.memref_slice %arg10[%dma_start3A_312, %dma_start3A_313] : memref<10240x64xf32, #tpu.memory_space<vmem_shared>> -> memref<10240x64xf32, #tpu.memory_space<vmem_shared>>
      %dma_start3A_315 = tpu.memref_slice %arg12[%dma_start3A_304] : memref<5x!tpu.dma_semaphore, #tpu.memory_space<semaphore_mem>> -> memref<1x!tpu.dma_semaphore, #tpu.memory_space<semaphore_mem>>
      %dma_start3A_316 = tpu.memref_squeeze %dma_start3A_315 : memref<1x!tpu.dma_semaphore, #tpu.memory_space<semaphore_mem>> -> memref<!tpu.dma_semaphore, #tpu.memory_space<semaphore_mem>>
      tpu.enqueue_indirect_dma source(%dma_start3A_308 : memref<80x64xf32, #tpu.memory_space<vmem>>) target(%dma_start3A_314 : memref<10240x64xf32, #tpu.memory_space<vmem_shared>>) offsets(%dma_start3A_311 : memref<80xi32, #tpu.memory_space<vmem>>) semaphore(%dma_start3A_316 : memref<!tpu.dma_semaphore, #tpu.memory_space<semaphore_mem>>) {add = true}
      %add3A_317 = arith.constant 5 : i32
      %add3A_318 = arith.addi %add3A_288, %add3A_317 : i32
      %lt3A_319 = arith.constant 250 : i32
      %lt3A_320 = arith.cmpi slt, %add3A_318, %lt3A_319 : i32
      %convert_element_type3A_321 = arith.extui %lt3A_320 : i1 to i32
      %cond3A_322 = arith.constant 0 : i32
      %cond3A_323 = arith.cmpi ne, %convert_element_type3A_321, %cond3A_322 : i32
      scf.if %cond3A_323 {
        %dma_wait3A_398 = arith.constant 2 : i32
        %dma_wait3A_399 = arith.constant 2 : i32
        %dma_wait3A_400 = arith.constant 0 : i32
        %dma_wait3A_401 = arith.constant 0 : i32
        %dma_wait3A_402 = tpu.memref_slice %arg9[%dma_wait3A_398, %dma_wait3A_400, %dma_wait3A_401] : memref<5x80x64xf32, #tpu.memory_space<vmem>> -> memref<1x80x64xf32, #tpu.memory_space<vmem>>
        %dma_wait3A_403 = tpu.memref_squeeze %dma_wait3A_402 : memref<1x80x64xf32, #tpu.memory_space<vmem>> -> memref<80x64xf32, #tpu.memory_space<vmem>>
        %dma_wait3A_404 = arith.constant 0 : i32
        %dma_wait3A_405 = tpu.memref_slice %arg8[%add3A_288, %dma_wait3A_404] : memref<250x80xi32, #tpu.memory_space<vmem>> -> memref<1x80xi32, #tpu.memory_space<vmem>>
        %dma_wait3A_406 = tpu.memref_squeeze %dma_wait3A_405 : memref<1x80xi32, #tpu.memory_space<vmem>> -> memref<80xi32, #tpu.memory_space<vmem>>
        %dma_wait3A_407 = arith.constant 0 : i32
        %dma_wait3A_408 = arith.constant 0 : i32
        %dma_wait3A_409 = tpu.memref_slice %arg10[%dma_wait3A_407, %dma_wait3A_408] : memref<10240x64xf32, #tpu.memory_space<vmem_shared>> -> memref<10240x64xf32, #tpu.memory_space<vmem_shared>>
        %dma_wait3A_410 = tpu.memref_slice %arg12[%dma_wait3A_399] : memref<5x!tpu.dma_semaphore, #tpu.memory_space<semaphore_mem>> -> memref<1x!tpu.dma_semaphore, #tpu.memory_space<semaphore_mem>>
        %dma_wait3A_411 = tpu.memref_squeeze %dma_wait3A_410 : memref<1x!tpu.dma_semaphore, #tpu.memory_space<semaphore_mem>> -> memref<!tpu.dma_semaphore, #tpu.memory_space<semaphore_mem>>
        tpu.wait_indirect_dma semaphore(%dma_wait3A_411 : memref<!tpu.dma_semaphore, #tpu.memory_space<semaphore_mem>>) src(%dma_wait3A_403 : memref<80x64xf32, #tpu.memory_space<vmem>>) dst(%dma_wait3A_409 : memref<10240x64xf32, #tpu.memory_space<vmem_shared>>)
        %dma_start3A_412 = arith.constant 2 : i32
        %dma_start3A_413 = arith.constant 2 : i32
        %dma_start3A_414 = arith.constant 0 : i32
        %dma_start3A_415 = arith.constant 0 : i32
        %dma_start3A_416 = tpu.memref_slice %arg9[%dma_start3A_412, %dma_start3A_414, %dma_start3A_415] : memref<5x80x64xf32, #tpu.memory_space<vmem>> -> memref<1x80x64xf32, #tpu.memory_space<vmem>>
        %dma_start3A_417 = tpu.memref_squeeze %dma_start3A_416 : memref<1x80x64xf32, #tpu.memory_space<vmem>> -> memref<80x64xf32, #tpu.memory_space<vmem>>
        %dma_start3A_418 = arith.constant 0 : i32
        %dma_start3A_419 = tpu.memref_slice %arg7[%add3A_318, %dma_start3A_418] : memref<250x80xi32, #tpu.memory_space<vmem>> -> memref<1x80xi32, #tpu.memory_space<vmem>>
        %dma_start3A_420 = tpu.memref_squeeze %dma_start3A_419 : memref<1x80xi32, #tpu.memory_space<vmem>> -> memref<80xi32, #tpu.memory_space<vmem>>
        %dma_start3A_421 = arith.constant 0 : i32
        %dma_start3A_422 = arith.constant 0 : i32
        %dma_start3A_423 = tpu.memref_slice %arg2[%dma_start3A_421, %dma_start3A_422] : memref<20000x64xf32, #tpu.memory_space<hbm>> -> memref<20000x64xf32, #tpu.memory_space<hbm>>
        %dma_start3A_424 = tpu.memref_slice %arg11[%dma_start3A_413] : memref<5x!tpu.dma_semaphore, #tpu.memory_space<semaphore_mem>> -> memref<1x!tpu.dma_semaphore, #tpu.memory_space<semaphore_mem>>
        %dma_start3A_425 = tpu.memref_squeeze %dma_start3A_424 : memref<1x!tpu.dma_semaphore, #tpu.memory_space<semaphore_mem>> -> memref<!tpu.dma_semaphore, #tpu.memory_space<semaphore_mem>>
        tpu.enqueue_indirect_dma source(%dma_start3A_423 : memref<20000x64xf32, #tpu.memory_space<hbm>>) target(%dma_start3A_417 : memref<80x64xf32, #tpu.memory_space<vmem>>) offsets(%dma_start3A_420 : memref<80xi32, #tpu.memory_space<vmem>>) semaphore(%dma_start3A_425 : memref<!tpu.dma_semaphore, #tpu.memory_space<semaphore_mem>>)
      } else {
      }
      %add3A_324 = arith.constant 3 : i32
      %add3A_325 = arith.addi %add3A_215, %add3A_324 : i32
      %dma_wait3A_326 = arith.constant 3 : i32
      %dma_wait3A_327 = arith.constant 3 : i32
      %dma_wait3A_328 = arith.constant 0 : i32
      %dma_wait3A_329 = arith.constant 0 : i32
      %dma_wait3A_330 = tpu.memref_slice %arg9[%dma_wait3A_326, %dma_wait3A_328, %dma_wait3A_329] : memref<5x80x64xf32, #tpu.memory_space<vmem>> -> memref<1x80x64xf32, #tpu.memory_space<vmem>>
      %dma_wait3A_331 = tpu.memref_squeeze %dma_wait3A_330 : memref<1x80x64xf32, #tpu.memory_space<vmem>> -> memref<80x64xf32, #tpu.memory_space<vmem>>
      %dma_wait3A_332 = arith.constant 0 : i32
      %dma_wait3A_333 = tpu.memref_slice %arg7[%add3A_325, %dma_wait3A_332] : memref<250x80xi32, #tpu.memory_space<vmem>> -> memref<1x80xi32, #tpu.memory_space<vmem>>
      %dma_wait3A_334 = tpu.memref_squeeze %dma_wait3A_333 : memref<1x80xi32, #tpu.memory_space<vmem>> -> memref<80xi32, #tpu.memory_space<vmem>>
      %dma_wait3A_335 = arith.constant 0 : i32
      %dma_wait3A_336 = arith.constant 0 : i32
      %dma_wait3A_337 = tpu.memref_slice %arg2[%dma_wait3A_335, %dma_wait3A_336] : memref<20000x64xf32, #tpu.memory_space<hbm>> -> memref<20000x64xf32, #tpu.memory_space<hbm>>
      %dma_wait3A_338 = tpu.memref_slice %arg11[%dma_wait3A_327] : memref<5x!tpu.dma_semaphore, #tpu.memory_space<semaphore_mem>> -> memref<1x!tpu.dma_semaphore, #tpu.memory_space<semaphore_mem>>
      %dma_wait3A_339 = tpu.memref_squeeze %dma_wait3A_338 : memref<1x!tpu.dma_semaphore, #tpu.memory_space<semaphore_mem>> -> memref<!tpu.dma_semaphore, #tpu.memory_space<semaphore_mem>>
      tpu.wait_indirect_dma semaphore(%dma_wait3A_339 : memref<!tpu.dma_semaphore, #tpu.memory_space<semaphore_mem>>) src(%dma_wait3A_337 : memref<20000x64xf32, #tpu.memory_space<hbm>>) dst(%dma_wait3A_331 : memref<80x64xf32, #tpu.memory_space<vmem>>)
      %dma_start3A_340 = arith.constant 3 : i32
      %dma_start3A_341 = arith.constant 3 : i32
      %dma_start3A_342 = arith.constant 0 : i32
      %dma_start3A_343 = arith.constant 0 : i32
      %dma_start3A_344 = tpu.memref_slice %arg9[%dma_start3A_340, %dma_start3A_342, %dma_start3A_343] : memref<5x80x64xf32, #tpu.memory_space<vmem>> -> memref<1x80x64xf32, #tpu.memory_space<vmem>>
      %dma_start3A_345 = tpu.memref_squeeze %dma_start3A_344 : memref<1x80x64xf32, #tpu.memory_space<vmem>> -> memref<80x64xf32, #tpu.memory_space<vmem>>
      %dma_start3A_346 = arith.constant 0 : i32
      %dma_start3A_347 = tpu.memref_slice %arg8[%add3A_325, %dma_start3A_346] : memref<250x80xi32, #tpu.memory_space<vmem>> -> memref<1x80xi32, #tpu.memory_space<vmem>>
      %dma_start3A_348 = tpu.memref_squeeze %dma_start3A_347 : memref<1x80xi32, #tpu.memory_space<vmem>> -> memref<80xi32, #tpu.memory_space<vmem>>
      %dma_start3A_349 = arith.constant 0 : i32
      %dma_start3A_350 = arith.constant 0 : i32
      %dma_start3A_351 = tpu.memref_slice %arg10[%dma_start3A_349, %dma_start3A_350] : memref<10240x64xf32, #tpu.memory_space<vmem_shared>> -> memref<10240x64xf32, #tpu.memory_space<vmem_shared>>
      %dma_start3A_352 = tpu.memref_slice %arg12[%dma_start3A_341] : memref<5x!tpu.dma_semaphore, #tpu.memory_space<semaphore_mem>> -> memref<1x!tpu.dma_semaphore, #tpu.memory_space<semaphore_mem>>
      %dma_start3A_353 = tpu.memref_squeeze %dma_start3A_352 : memref<1x!tpu.dma_semaphore, #tpu.memory_space<semaphore_mem>> -> memref<!tpu.dma_semaphore, #tpu.memory_space<semaphore_mem>>
      tpu.enqueue_indirect_dma source(%dma_start3A_345 : memref<80x64xf32, #tpu.memory_space<vmem>>) target(%dma_start3A_351 : memref<10240x64xf32, #tpu.memory_space<vmem_shared>>) offsets(%dma_start3A_348 : memref<80xi32, #tpu.memory_space<vmem>>) semaphore(%dma_start3A_353 : memref<!tpu.dma_semaphore, #tpu.memory_space<semaphore_mem>>) {add = true}
      %add3A_354 = arith.constant 5 : i32
      %add3A_355 = arith.addi %add3A_325, %add3A_354 : i32
      %lt3A_356 = arith.constant 250 : i32
      %lt3A_357 = arith.cmpi slt, %add3A_355, %lt3A_356 : i32
      %convert_element_type3A_358 = arith.extui %lt3A_357 : i1 to i32
      %cond3A_359 = arith.constant 0 : i32
      %cond3A_360 = arith.cmpi ne, %convert_element_type3A_358, %cond3A_359 : i32
      scf.if %cond3A_360 {
        %dma_wait3A_398 = arith.constant 3 : i32
        %dma_wait3A_399 = arith.constant 3 : i32
        %dma_wait3A_400 = arith.constant 0 : i32
        %dma_wait3A_401 = arith.constant 0 : i32
        %dma_wait3A_402 = tpu.memref_slice %arg9[%dma_wait3A_398, %dma_wait3A_400, %dma_wait3A_401] : memref<5x80x64xf32, #tpu.memory_space<vmem>> -> memref<1x80x64xf32, #tpu.memory_space<vmem>>
        %dma_wait3A_403 = tpu.memref_squeeze %dma_wait3A_402 : memref<1x80x64xf32, #tpu.memory_space<vmem>> -> memref<80x64xf32, #tpu.memory_space<vmem>>
        %dma_wait3A_404 = arith.constant 0 : i32
        %dma_wait3A_405 = tpu.memref_slice %arg8[%add3A_325, %dma_wait3A_404] : memref<250x80xi32, #tpu.memory_space<vmem>> -> memref<1x80xi32, #tpu.memory_space<vmem>>
        %dma_wait3A_406 = tpu.memref_squeeze %dma_wait3A_405 : memref<1x80xi32, #tpu.memory_space<vmem>> -> memref<80xi32, #tpu.memory_space<vmem>>
        %dma_wait3A_407 = arith.constant 0 : i32
        %dma_wait3A_408 = arith.constant 0 : i32
        %dma_wait3A_409 = tpu.memref_slice %arg10[%dma_wait3A_407, %dma_wait3A_408] : memref<10240x64xf32, #tpu.memory_space<vmem_shared>> -> memref<10240x64xf32, #tpu.memory_space<vmem_shared>>
        %dma_wait3A_410 = tpu.memref_slice %arg12[%dma_wait3A_399] : memref<5x!tpu.dma_semaphore, #tpu.memory_space<semaphore_mem>> -> memref<1x!tpu.dma_semaphore, #tpu.memory_space<semaphore_mem>>
        %dma_wait3A_411 = tpu.memref_squeeze %dma_wait3A_410 : memref<1x!tpu.dma_semaphore, #tpu.memory_space<semaphore_mem>> -> memref<!tpu.dma_semaphore, #tpu.memory_space<semaphore_mem>>
        tpu.wait_indirect_dma semaphore(%dma_wait3A_411 : memref<!tpu.dma_semaphore, #tpu.memory_space<semaphore_mem>>) src(%dma_wait3A_403 : memref<80x64xf32, #tpu.memory_space<vmem>>) dst(%dma_wait3A_409 : memref<10240x64xf32, #tpu.memory_space<vmem_shared>>)
        %dma_start3A_412 = arith.constant 3 : i32
        %dma_start3A_413 = arith.constant 3 : i32
        %dma_start3A_414 = arith.constant 0 : i32
        %dma_start3A_415 = arith.constant 0 : i32
        %dma_start3A_416 = tpu.memref_slice %arg9[%dma_start3A_412, %dma_start3A_414, %dma_start3A_415] : memref<5x80x64xf32, #tpu.memory_space<vmem>> -> memref<1x80x64xf32, #tpu.memory_space<vmem>>
        %dma_start3A_417 = tpu.memref_squeeze %dma_start3A_416 : memref<1x80x64xf32, #tpu.memory_space<vmem>> -> memref<80x64xf32, #tpu.memory_space<vmem>>
        %dma_start3A_418 = arith.constant 0 : i32
        %dma_start3A_419 = tpu.memref_slice %arg7[%add3A_355, %dma_start3A_418] : memref<250x80xi32, #tpu.memory_space<vmem>> -> memref<1x80xi32, #tpu.memory_space<vmem>>
        %dma_start3A_420 = tpu.memref_squeeze %dma_start3A_419 : memref<1x80xi32, #tpu.memory_space<vmem>> -> memref<80xi32, #tpu.memory_space<vmem>>
        %dma_start3A_421 = arith.constant 0 : i32
        %dma_start3A_422 = arith.constant 0 : i32
        %dma_start3A_423 = tpu.memref_slice %arg2[%dma_start3A_421, %dma_start3A_422] : memref<20000x64xf32, #tpu.memory_space<hbm>> -> memref<20000x64xf32, #tpu.memory_space<hbm>>
        %dma_start3A_424 = tpu.memref_slice %arg11[%dma_start3A_413] : memref<5x!tpu.dma_semaphore, #tpu.memory_space<semaphore_mem>> -> memref<1x!tpu.dma_semaphore, #tpu.memory_space<semaphore_mem>>
        %dma_start3A_425 = tpu.memref_squeeze %dma_start3A_424 : memref<1x!tpu.dma_semaphore, #tpu.memory_space<semaphore_mem>> -> memref<!tpu.dma_semaphore, #tpu.memory_space<semaphore_mem>>
        tpu.enqueue_indirect_dma source(%dma_start3A_423 : memref<20000x64xf32, #tpu.memory_space<hbm>>) target(%dma_start3A_417 : memref<80x64xf32, #tpu.memory_space<vmem>>) offsets(%dma_start3A_420 : memref<80xi32, #tpu.memory_space<vmem>>) semaphore(%dma_start3A_425 : memref<!tpu.dma_semaphore, #tpu.memory_space<semaphore_mem>>)
      } else {
      }
      %add3A_361 = arith.constant 4 : i32
      %add3A_362 = arith.addi %add3A_215, %add3A_361 : i32
      %dma_wait3A_363 = arith.constant 4 : i32
      %dma_wait3A_364 = arith.constant 4 : i32
      %dma_wait3A_365 = arith.constant 0 : i32
      %dma_wait3A_366 = arith.constant 0 : i32
      %dma_wait3A_367 = tpu.memref_slice %arg9[%dma_wait3A_363, %dma_wait3A_365, %dma_wait3A_366] : memref<5x80x64xf32, #tpu.memory_space<vmem>> -> memref<1x80x64xf32, #tpu.memory_space<vmem>>
      %dma_wait3A_368 = tpu.memref_squeeze %dma_wait3A_367 : memref<1x80x64xf32, #tpu.memory_space<vmem>> -> memref<80x64xf32, #tpu.memory_space<vmem>>
      %dma_wait3A_369 = arith.constant 0 : i32
      %dma_wait3A_370 = tpu.memref_slice %arg7[%add3A_362, %dma_wait3A_369] : memref<250x80xi32, #tpu.memory_space<vmem>> -> memref<1x80xi32, #tpu.memory_space<vmem>>
      %dma_wait3A_371 = tpu.memref_squeeze %dma_wait3A_370 : memref<1x80xi32, #tpu.memory_space<vmem>> -> memref<80xi32, #tpu.memory_space<vmem>>
      %dma_wait3A_372 = arith.constant 0 : i32
      %dma_wait3A_373 = arith.constant 0 : i32
      %dma_wait3A_374 = tpu.memref_slice %arg2[%dma_wait3A_372, %dma_wait3A_373] : memref<20000x64xf32, #tpu.memory_space<hbm>> -> memref<20000x64xf32, #tpu.memory_space<hbm>>
      %dma_wait3A_375 = tpu.memref_slice %arg11[%dma_wait3A_364] : memref<5x!tpu.dma_semaphore, #tpu.memory_space<semaphore_mem>> -> memref<1x!tpu.dma_semaphore, #tpu.memory_space<semaphore_mem>>
      %dma_wait3A_376 = tpu.memref_squeeze %dma_wait3A_375 : memref<1x!tpu.dma_semaphore, #tpu.memory_space<semaphore_mem>> -> memref<!tpu.dma_semaphore, #tpu.memory_space<semaphore_mem>>
      tpu.wait_indirect_dma semaphore(%dma_wait3A_376 : memref<!tpu.dma_semaphore, #tpu.memory_space<semaphore_mem>>) src(%dma_wait3A_374 : memref<20000x64xf32, #tpu.memory_space<hbm>>) dst(%dma_wait3A_368 : memref<80x64xf32, #tpu.memory_space<vmem>>)
      %dma_start3A_377 = arith.constant 4 : i32
      %dma_start3A_378 = arith.constant 4 : i32
      %dma_start3A_379 = arith.constant 0 : i32
      %dma_start3A_380 = arith.constant 0 : i32
      %dma_start3A_381 = tpu.memref_slice %arg9[%dma_start3A_377, %dma_start3A_379, %dma_start3A_380] : memref<5x80x64xf32, #tpu.memory_space<vmem>> -> memref<1x80x64xf32, #tpu.memory_space<vmem>>
      %dma_start3A_382 = tpu.memref_squeeze %dma_start3A_381 : memref<1x80x64xf32, #tpu.memory_space<vmem>> -> memref<80x64xf32, #tpu.memory_space<vmem>>
      %dma_start3A_383 = arith.constant 0 : i32
      %dma_start3A_384 = tpu.memref_slice %arg8[%add3A_362, %dma_start3A_383] : memref<250x80xi32, #tpu.memory_space<vmem>> -> memref<1x80xi32, #tpu.memory_space<vmem>>
      %dma_start3A_385 = tpu.memref_squeeze %dma_start3A_384 : memref<1x80xi32, #tpu.memory_space<vmem>> -> memref<80xi32, #tpu.memory_space<vmem>>
      %dma_start3A_386 = arith.constant 0 : i32
      %dma_start3A_387 = arith.constant 0 : i32
      %dma_start3A_388 = tpu.memref_slice %arg10[%dma_start3A_386, %dma_start3A_387] : memref<10240x64xf32, #tpu.memory_space<vmem_shared>> -> memref<10240x64xf32, #tpu.memory_space<vmem_shared>>
      %dma_start3A_389 = tpu.memref_slice %arg12[%dma_start3A_378] : memref<5x!tpu.dma_semaphore, #tpu.memory_space<semaphore_mem>> -> memref<1x!tpu.dma_semaphore, #tpu.memory_space<semaphore_mem>>
      %dma_start3A_390 = tpu.memref_squeeze %dma_start3A_389 : memref<1x!tpu.dma_semaphore, #tpu.memory_space<semaphore_mem>> -> memref<!tpu.dma_semaphore, #tpu.memory_space<semaphore_mem>>
      tpu.enqueue_indirect_dma source(%dma_start3A_382 : memref<80x64xf32, #tpu.memory_space<vmem>>) target(%dma_start3A_388 : memref<10240x64xf32, #tpu.memory_space<vmem_shared>>) offsets(%dma_start3A_385 : memref<80xi32, #tpu.memory_space<vmem>>) semaphore(%dma_start3A_390 : memref<!tpu.dma_semaphore, #tpu.memory_space<semaphore_mem>>) {add = true}
      %add3A_391 = arith.constant 5 : i32
      %add3A_392 = arith.addi %add3A_362, %add3A_391 : i32
      %lt3A_393 = arith.constant 250 : i32
      %lt3A_394 = arith.cmpi slt, %add3A_392, %lt3A_393 : i32
      %convert_element_type3A_395 = arith.extui %lt3A_394 : i1 to i32
      %cond3A_396 = arith.constant 0 : i32
      %cond3A_397 = arith.cmpi ne, %convert_element_type3A_395, %cond3A_396 : i32
      scf.if %cond3A_397 {
        %dma_wait3A_398 = arith.constant 4 : i32
        %dma_wait3A_399 = arith.constant 4 : i32
        %dma_wait3A_400 = arith.constant 0 : i32
        %dma_wait3A_401 = arith.constant 0 : i32
        %dma_wait3A_402 = tpu.memref_slice %arg9[%dma_wait3A_398, %dma_wait3A_400, %dma_wait3A_401] : memref<5x80x64xf32, #tpu.memory_space<vmem>> -> memref<1x80x64xf32, #tpu.memory_space<vmem>>
        %dma_wait3A_403 = tpu.memref_squeeze %dma_wait3A_402 : memref<1x80x64xf32, #tpu.memory_space<vmem>> -> memref<80x64xf32, #tpu.memory_space<vmem>>
        %dma_wait3A_404 = arith.constant 0 : i32
        %dma_wait3A_405 = tpu.memref_slice %arg8[%add3A_362, %dma_wait3A_404] : memref<250x80xi32, #tpu.memory_space<vmem>> -> memref<1x80xi32, #tpu.memory_space<vmem>>
        %dma_wait3A_406 = tpu.memref_squeeze %dma_wait3A_405 : memref<1x80xi32, #tpu.memory_space<vmem>> -> memref<80xi32, #tpu.memory_space<vmem>>
        %dma_wait3A_407 = arith.constant 0 : i32
        %dma_wait3A_408 = arith.constant 0 : i32
        %dma_wait3A_409 = tpu.memref_slice %arg10[%dma_wait3A_407, %dma_wait3A_408] : memref<10240x64xf32, #tpu.memory_space<vmem_shared>> -> memref<10240x64xf32, #tpu.memory_space<vmem_shared>>
        %dma_wait3A_410 = tpu.memref_slice %arg12[%dma_wait3A_399] : memref<5x!tpu.dma_semaphore, #tpu.memory_space<semaphore_mem>> -> memref<1x!tpu.dma_semaphore, #tpu.memory_space<semaphore_mem>>
        %dma_wait3A_411 = tpu.memref_squeeze %dma_wait3A_410 : memref<1x!tpu.dma_semaphore, #tpu.memory_space<semaphore_mem>> -> memref<!tpu.dma_semaphore, #tpu.memory_space<semaphore_mem>>
        tpu.wait_indirect_dma semaphore(%dma_wait3A_411 : memref<!tpu.dma_semaphore, #tpu.memory_space<semaphore_mem>>) src(%dma_wait3A_403 : memref<80x64xf32, #tpu.memory_space<vmem>>) dst(%dma_wait3A_409 : memref<10240x64xf32, #tpu.memory_space<vmem_shared>>)
        %dma_start3A_412 = arith.constant 4 : i32
        %dma_start3A_413 = arith.constant 4 : i32
        %dma_start3A_414 = arith.constant 0 : i32
        %dma_start3A_415 = arith.constant 0 : i32
        %dma_start3A_416 = tpu.memref_slice %arg9[%dma_start3A_412, %dma_start3A_414, %dma_start3A_415] : memref<5x80x64xf32, #tpu.memory_space<vmem>> -> memref<1x80x64xf32, #tpu.memory_space<vmem>>
        %dma_start3A_417 = tpu.memref_squeeze %dma_start3A_416 : memref<1x80x64xf32, #tpu.memory_space<vmem>> -> memref<80x64xf32, #tpu.memory_space<vmem>>
        %dma_start3A_418 = arith.constant 0 : i32
        %dma_start3A_419 = tpu.memref_slice %arg7[%add3A_392, %dma_start3A_418] : memref<250x80xi32, #tpu.memory_space<vmem>> -> memref<1x80xi32, #tpu.memory_space<vmem>>
        %dma_start3A_420 = tpu.memref_squeeze %dma_start3A_419 : memref<1x80xi32, #tpu.memory_space<vmem>> -> memref<80xi32, #tpu.memory_space<vmem>>
        %dma_start3A_421 = arith.constant 0 : i32
        %dma_start3A_422 = arith.constant 0 : i32
        %dma_start3A_423 = tpu.memref_slice %arg2[%dma_start3A_421, %dma_start3A_422] : memref<20000x64xf32, #tpu.memory_space<hbm>> -> memref<20000x64xf32, #tpu.memory_space<hbm>>
        %dma_start3A_424 = tpu.memref_slice %arg11[%dma_start3A_413] : memref<5x!tpu.dma_semaphore, #tpu.memory_space<semaphore_mem>> -> memref<1x!tpu.dma_semaphore, #tpu.memory_space<semaphore_mem>>
        %dma_start3A_425 = tpu.memref_squeeze %dma_start3A_424 : memref<1x!tpu.dma_semaphore, #tpu.memory_space<semaphore_mem>> -> memref<!tpu.dma_semaphore, #tpu.memory_space<semaphore_mem>>
        tpu.enqueue_indirect_dma source(%dma_start3A_423 : memref<20000x64xf32, #tpu.memory_space<hbm>>) target(%dma_start3A_417 : memref<80x64xf32, #tpu.memory_space<vmem>>) offsets(%dma_start3A_420 : memref<80xi32, #tpu.memory_space<vmem>>) semaphore(%dma_start3A_425 : memref<!tpu.dma_semaphore, #tpu.memory_space<semaphore_mem>>)
      } else {
      }
    }
    %scan3A_131 = arith.constant 50 : i32
    %dma_wait3A_132 = arith.constant 0 : i32
    %dma_wait3A_133 = arith.constant 245 : i32
    %dma_wait3A_134 = arith.constant 0 : i32
    %dma_wait3A_135 = arith.constant 0 : i32
    %dma_wait3A_136 = arith.constant 0 : i32
    %dma_wait3A_137 = tpu.memref_slice %arg9[%dma_wait3A_132, %dma_wait3A_135, %dma_wait3A_136] : memref<5x80x64xf32, #tpu.memory_space<vmem>> -> memref<1x80x64xf32, #tpu.memory_space<vmem>>
    %dma_wait3A_138 = tpu.memref_squeeze %dma_wait3A_137 : memref<1x80x64xf32, #tpu.memory_space<vmem>> -> memref<80x64xf32, #tpu.memory_space<vmem>>
    %dma_wait3A_139 = arith.constant 0 : i32
    %dma_wait3A_140 = tpu.memref_slice %arg8[%dma_wait3A_133, %dma_wait3A_139] : memref<250x80xi32, #tpu.memory_space<vmem>> -> memref<1x80xi32, #tpu.memory_space<vmem>>
    %dma_wait3A_141 = tpu.memref_squeeze %dma_wait3A_140 : memref<1x80xi32, #tpu.memory_space<vmem>> -> memref<80xi32, #tpu.memory_space<vmem>>
    %dma_wait3A_142 = arith.constant 0 : i32
    %dma_wait3A_143 = arith.constant 0 : i32
    %dma_wait3A_144 = tpu.memref_slice %arg10[%dma_wait3A_142, %dma_wait3A_143] : memref<10240x64xf32, #tpu.memory_space<vmem_shared>> -> memref<10240x64xf32, #tpu.memory_space<vmem_shared>>
    %dma_wait3A_145 = tpu.memref_slice %arg12[%dma_wait3A_134] : memref<5x!tpu.dma_semaphore, #tpu.memory_space<semaphore_mem>> -> memref<1x!tpu.dma_semaphore, #tpu.memory_space<semaphore_mem>>
    %dma_wait3A_146 = tpu.memref_squeeze %dma_wait3A_145 : memref<1x!tpu.dma_semaphore, #tpu.memory_space<semaphore_mem>> -> memref<!tpu.dma_semaphore, #tpu.memory_space<semaphore_mem>>
    tpu.wait_indirect_dma semaphore(%dma_wait3A_146 : memref<!tpu.dma_semaphore, #tpu.memory_space<semaphore_mem>>) src(%dma_wait3A_138 : memref<80x64xf32, #tpu.memory_space<vmem>>) dst(%dma_wait3A_144 : memref<10240x64xf32, #tpu.memory_space<vmem_shared>>)
    %dma_wait3A_147 = arith.constant 1 : i32
    %dma_wait3A_148 = arith.constant 246 : i32
    %dma_wait3A_149 = arith.constant 1 : i32
    %dma_wait3A_150 = arith.constant 0 : i32
    %dma_wait3A_151 = arith.constant 0 : i32
    %dma_wait3A_152 = tpu.memref_slice %arg9[%dma_wait3A_147, %dma_wait3A_150, %dma_wait3A_151] : memref<5x80x64xf32, #tpu.memory_space<vmem>> -> memref<1x80x64xf32, #tpu.memory_space<vmem>>
    %dma_wait3A_153 = tpu.memref_squeeze %dma_wait3A_152 : memref<1x80x64xf32, #tpu.memory_space<vmem>> -> memref<80x64xf32, #tpu.memory_space<vmem>>
    %dma_wait3A_154 = arith.constant 0 : i32
    %dma_wait3A_155 = tpu.memref_slice %arg8[%dma_wait3A_148, %dma_wait3A_154] : memref<250x80xi32, #tpu.memory_space<vmem>> -> memref<1x80xi32, #tpu.memory_space<vmem>>
    %dma_wait3A_156 = tpu.memref_squeeze %dma_wait3A_155 : memref<1x80xi32, #tpu.memory_space<vmem>> -> memref<80xi32, #tpu.memory_space<vmem>>
    %dma_wait3A_157 = arith.constant 0 : i32
    %dma_wait3A_158 = arith.constant 0 : i32
    %dma_wait3A_159 = tpu.memref_slice %arg10[%dma_wait3A_157, %dma_wait3A_158] : memref<10240x64xf32, #tpu.memory_space<vmem_shared>> -> memref<10240x64xf32, #tpu.memory_space<vmem_shared>>
    %dma_wait3A_160 = tpu.memref_slice %arg12[%dma_wait3A_149] : memref<5x!tpu.dma_semaphore, #tpu.memory_space<semaphore_mem>> -> memref<1x!tpu.dma_semaphore, #tpu.memory_space<semaphore_mem>>
    %dma_wait3A_161 = tpu.memref_squeeze %dma_wait3A_160 : memref<1x!tpu.dma_semaphore, #tpu.memory_space<semaphore_mem>> -> memref<!tpu.dma_semaphore, #tpu.memory_space<semaphore_mem>>
    tpu.wait_indirect_dma semaphore(%dma_wait3A_161 : memref<!tpu.dma_semaphore, #tpu.memory_space<semaphore_mem>>) src(%dma_wait3A_153 : memref<80x64xf32, #tpu.memory_space<vmem>>) dst(%dma_wait3A_159 : memref<10240x64xf32, #tpu.memory_space<vmem_shared>>)
    %dma_wait3A_162 = arith.constant 2 : i32
    %dma_wait3A_163 = arith.constant 247 : i32
    %dma_wait3A_164 = arith.constant 2 : i32
    %dma_wait3A_165 = arith.constant 0 : i32
    %dma_wait3A_166 = arith.constant 0 : i32
    %dma_wait3A_167 = tpu.memref_slice %arg9[%dma_wait3A_162, %dma_wait3A_165, %dma_wait3A_166] : memref<5x80x64xf32, #tpu.memory_space<vmem>> -> memref<1x80x64xf32, #tpu.memory_space<vmem>>
    %dma_wait3A_168 = tpu.memref_squeeze %dma_wait3A_167 : memref<1x80x64xf32, #tpu.memory_space<vmem>> -> memref<80x64xf32, #tpu.memory_space<vmem>>
    %dma_wait3A_169 = arith.constant 0 : i32
    %dma_wait3A_170 = tpu.memref_slice %arg8[%dma_wait3A_163, %dma_wait3A_169] : memref<250x80xi32, #tpu.memory_space<vmem>> -> memref<1x80xi32, #tpu.memory_space<vmem>>
    %dma_wait3A_171 = tpu.memref_squeeze %dma_wait3A_170 : memref<1x80xi32, #tpu.memory_space<vmem>> -> memref<80xi32, #tpu.memory_space<vmem>>
    %dma_wait3A_172 = arith.constant 0 : i32
    %dma_wait3A_173 = arith.constant 0 : i32
    %dma_wait3A_174 = tpu.memref_slice %arg10[%dma_wait3A_172, %dma_wait3A_173] : memref<10240x64xf32, #tpu.memory_space<vmem_shared>> -> memref<10240x64xf32, #tpu.memory_space<vmem_shared>>
    %dma_wait3A_175 = tpu.memref_slice %arg12[%dma_wait3A_164] : memref<5x!tpu.dma_semaphore, #tpu.memory_space<semaphore_mem>> -> memref<1x!tpu.dma_semaphore, #tpu.memory_space<semaphore_mem>>
    %dma_wait3A_176 = tpu.memref_squeeze %dma_wait3A_175 : memref<1x!tpu.dma_semaphore, #tpu.memory_space<semaphore_mem>> -> memref<!tpu.dma_semaphore, #tpu.memory_space<semaphore_mem>>
    tpu.wait_indirect_dma semaphore(%dma_wait3A_176 : memref<!tpu.dma_semaphore, #tpu.memory_space<semaphore_mem>>) src(%dma_wait3A_168 : memref<80x64xf32, #tpu.memory_space<vmem>>) dst(%dma_wait3A_174 : memref<10240x64xf32, #tpu.memory_space<vmem_shared>>)
    %dma_wait3A_177 = arith.constant 3 : i32
    %dma_wait3A_178 = arith.constant 248 : i32
    %dma_wait3A_179 = arith.constant 3 : i32
    %dma_wait3A_180 = arith.constant 0 : i32
    %dma_wait3A_181 = arith.constant 0 : i32
    %dma_wait3A_182 = tpu.memref_slice %arg9[%dma_wait3A_177, %dma_wait3A_180, %dma_wait3A_181] : memref<5x80x64xf32, #tpu.memory_space<vmem>> -> memref<1x80x64xf32, #tpu.memory_space<vmem>>
    %dma_wait3A_183 = tpu.memref_squeeze %dma_wait3A_182 : memref<1x80x64xf32, #tpu.memory_space<vmem>> -> memref<80x64xf32, #tpu.memory_space<vmem>>
    %dma_wait3A_184 = arith.constant 0 : i32
    %dma_wait3A_185 = tpu.memref_slice %arg8[%dma_wait3A_178, %dma_wait3A_184] : memref<250x80xi32, #tpu.memory_space<vmem>> -> memref<1x80xi32, #tpu.memory_space<vmem>>
    %dma_wait3A_186 = tpu.memref_squeeze %dma_wait3A_185 : memref<1x80xi32, #tpu.memory_space<vmem>> -> memref<80xi32, #tpu.memory_space<vmem>>
    %dma_wait3A_187 = arith.constant 0 : i32
    %dma_wait3A_188 = arith.constant 0 : i32
    %dma_wait3A_189 = tpu.memref_slice %arg10[%dma_wait3A_187, %dma_wait3A_188] : memref<10240x64xf32, #tpu.memory_space<vmem_shared>> -> memref<10240x64xf32, #tpu.memory_space<vmem_shared>>
    %dma_wait3A_190 = tpu.memref_slice %arg12[%dma_wait3A_179] : memref<5x!tpu.dma_semaphore, #tpu.memory_space<semaphore_mem>> -> memref<1x!tpu.dma_semaphore, #tpu.memory_space<semaphore_mem>>
    %dma_wait3A_191 = tpu.memref_squeeze %dma_wait3A_190 : memref<1x!tpu.dma_semaphore, #tpu.memory_space<semaphore_mem>> -> memref<!tpu.dma_semaphore, #tpu.memory_space<semaphore_mem>>
    tpu.wait_indirect_dma semaphore(%dma_wait3A_191 : memref<!tpu.dma_semaphore, #tpu.memory_space<semaphore_mem>>) src(%dma_wait3A_183 : memref<80x64xf32, #tpu.memory_space<vmem>>) dst(%dma_wait3A_189 : memref<10240x64xf32, #tpu.memory_space<vmem_shared>>)
    %dma_wait3A_192 = arith.constant 4 : i32
    %dma_wait3A_193 = arith.constant 249 : i32
    %dma_wait3A_194 = arith.constant 4 : i32
    %dma_wait3A_195 = arith.constant 0 : i32
    %dma_wait3A_196 = arith.constant 0 : i32
    %dma_wait3A_197 = tpu.memref_slice %arg9[%dma_wait3A_192, %dma_wait3A_195, %dma_wait3A_196] : memref<5x80x64xf32, #tpu.memory_space<vmem>> -> memref<1x80x64xf32, #tpu.memory_space<vmem>>
    %dma_wait3A_198 = tpu.memref_squeeze %dma_wait3A_197 : memref<1x80x64xf32, #tpu.memory_space<vmem>> -> memref<80x64xf32, #tpu.memory_space<vmem>>
    %dma_wait3A_199 = arith.constant 0 : i32
    %dma_wait3A_200 = tpu.memref_slice %arg8[%dma_wait3A_193, %dma_wait3A_199] : memref<250x80xi32, #tpu.memory_space<vmem>> -> memref<1x80xi32, #tpu.memory_space<vmem>>
    %dma_wait3A_201 = tpu.memref_squeeze %dma_wait3A_200 : memref<1x80xi32, #tpu.memory_space<vmem>> -> memref<80xi32, #tpu.memory_space<vmem>>
    %dma_wait3A_202 = arith.constant 0 : i32
    %dma_wait3A_203 = arith.constant 0 : i32
    %dma_wait3A_204 = tpu.memref_slice %arg10[%dma_wait3A_202, %dma_wait3A_203] : memref<10240x64xf32, #tpu.memory_space<vmem_shared>> -> memref<10240x64xf32, #tpu.memory_space<vmem_shared>>
    %dma_wait3A_205 = tpu.memref_slice %arg12[%dma_wait3A_194] : memref<5x!tpu.dma_semaphore, #tpu.memory_space<semaphore_mem>> -> memref<1x!tpu.dma_semaphore, #tpu.memory_space<semaphore_mem>>
    %dma_wait3A_206 = tpu.memref_squeeze %dma_wait3A_205 : memref<1x!tpu.dma_semaphore, #tpu.memory_space<semaphore_mem>> -> memref<!tpu.dma_semaphore, #tpu.memory_space<semaphore_mem>>
    tpu.wait_indirect_dma semaphore(%dma_wait3A_206 : memref<!tpu.dma_semaphore, #tpu.memory_space<semaphore_mem>>) src(%dma_wait3A_198 : memref<80x64xf32, #tpu.memory_space<vmem>>) dst(%dma_wait3A_204 : memref<10240x64xf32, #tpu.memory_space<vmem_shared>>)
    %barrier3A_207 = arith.constant 0 : index
    tpu.barrier barrier_id(%barrier3A_207)
    %mul3A_208 = arith.constant 640 : i32
    %mul3A_209 = arith.muli %arg1, %mul3A_208 : i32
    %mul3A_210 = arith.constant 640 : i32
    %mul3A_211 = arith.muli %arg1, %mul3A_210 : i32
    "tpu.region"() ({
      %run_scoped3A = tpu.sem_alloc : memref<!tpu.dma_semaphore, #tpu.memory_space<semaphore_mem>>
      %dma_start3A_212 = arith.constant 0 : i32
      %dma_start3A_213 = tpu.memref_slice %arg6[%arg0, %mul3A_211, %dma_start3A_212] : memref<2x10240x64xf32, #tpu.memory_space<hbm>> -> memref<1x640x64xf32, #tpu.memory_space<hbm>>
      %dma_start3A_214 = tpu.memref_squeeze %dma_start3A_213 : memref<1x640x64xf32, #tpu.memory_space<hbm>> -> memref<640x64xf32, #tpu.memory_space<hbm>>
      %dma_start3A_215 = arith.constant 0 : i32
      %dma_start3A_216 = tpu.memref_slice %arg10[%mul3A_209, %dma_start3A_215] : memref<10240x64xf32, #tpu.memory_space<vmem_shared>> -> memref<640x64xf32, #tpu.memory_space<vmem_shared>>
      tpu.enqueue_dma source(%dma_start3A_216 : memref<640x64xf32, #tpu.memory_space<vmem_shared>>) target(%dma_start3A_214 : memref<640x64xf32, #tpu.memory_space<hbm>>) target_semaphore(%run_scoped3A : memref<!tpu.dma_semaphore, #tpu.memory_space<semaphore_mem>>)
      %dma_wait3A_217 = arith.constant 0 : i32
      %dma_wait3A_218 = tpu.memref_slice %arg6[%arg0, %mul3A_211, %dma_wait3A_217] : memref<2x10240x64xf32, #tpu.memory_space<hbm>> -> memref<1x640x64xf32, #tpu.memory_space<hbm>>
      %dma_wait3A_219 = tpu.memref_squeeze %dma_wait3A_218 : memref<1x640x64xf32, #tpu.memory_space<hbm>> -> memref<640x64xf32, #tpu.memory_space<hbm>>
      %dma_wait3A_220 = arith.constant 0 : i32
      %dma_wait3A_221 = tpu.memref_slice %arg10[%mul3A_209, %dma_wait3A_220] : memref<10240x64xf32, #tpu.memory_space<vmem_shared>> -> memref<640x64xf32, #tpu.memory_space<vmem_shared>>
      tpu.wait_dma2 semaphore(%run_scoped3A : memref<!tpu.dma_semaphore, #tpu.memory_space<semaphore_mem>>) src(%dma_wait3A_221 : memref<640x64xf32, #tpu.memory_space<vmem_shared>>) dst(%dma_wait3A_219 : memref<640x64xf32, #tpu.memory_space<hbm>>)
      tpu.yield
    }) : () -> ()
    return
  }
}

#map = affine_map<(d0, d1) -> (0, 0, 0)>
module attributes {stable_mosaic.version = 14 : i64} {
  func.func @_deg_body(%arg0: i32, %arg1: i32, %arg2: memref<32x1x10000xi32, #tpu.memory_space<hbm>>, %arg3: memref<2x1x10240xf32, #tpu.memory_space<hbm>>, %arg4: memref<1x10000xi32, #tpu.memory_space<vmem>>, %arg5: memref<10240xf32, #tpu.memory_space<vmem>>, %arg6: memref<640xf32, #tpu.memory_space<vmem>>, %arg7: memref<2x640xf32, #tpu.memory_space<vmem>>, %arg8: memref<16x10240xf32, #tpu.memory_space<vmem_shared>>, %arg9: memref<2x!tpu.dma_semaphore, #tpu.memory_space<semaphore_mem>>) attributes {dimension_semantics = [#tpu.dimension_semantics<core_parallel>, #tpu.dimension_semantics<subcore_parallel>], iteration_bounds = array<i64: 2, 16>, scalar_prefetch = 0 : i64, scratch_operands = 6 : i64, tpu.core_type = #tpu.core_type<sc_vector_subcore>, window_params = [{transform_indices = #map}, {transform_indices = #map}]} {
    %mul3A = arith.constant 16 : i32
    %mul3A_0 = arith.muli %arg0, %mul3A : i32
    %add3A = arith.addi %mul3A_0, %arg1 : i32
    %dma_start3A = arith.constant 0 : i32
    %dma_start3A_1 = arith.constant 0 : i32
    %dma_start3A_2 = arith.constant 0 : i32
    %dma_start3A_3 = tpu.memref_slice %arg2[%add3A, %dma_start3A_1, %dma_start3A_2] : memref<32x1x10000xi32, #tpu.memory_space<hbm>> -> memref<1x1x10000xi32, #tpu.memory_space<hbm>>
    %dma_start3A_4 = tpu.memref_squeeze %dma_start3A_3 : memref<1x1x10000xi32, #tpu.memory_space<hbm>> -> memref<1x10000xi32, #tpu.memory_space<hbm>>
    %dma_start3A_5 = tpu.memref_slice %arg9[%dma_start3A] : memref<2x!tpu.dma_semaphore, #tpu.memory_space<semaphore_mem>> -> memref<1x!tpu.dma_semaphore, #tpu.memory_space<semaphore_mem>>
    %dma_start3A_6 = tpu.memref_squeeze %dma_start3A_5 : memref<1x!tpu.dma_semaphore, #tpu.memory_space<semaphore_mem>> -> memref<!tpu.dma_semaphore, #tpu.memory_space<semaphore_mem>>
    %dma_start3A_7 = arith.constant 0 : i32
    %dma_start3A_8 = arith.constant 0 : i32
    %dma_start3A_9 = tpu.memref_slice %arg2[%add3A, %dma_start3A_7, %dma_start3A_8] : memref<32x1x10000xi32, #tpu.memory_space<hbm>> -> memref<1x1x10000xi32, #tpu.memory_space<hbm>>
    %dma_start3A_10 = tpu.memref_squeeze %dma_start3A_9 : memref<1x1x10000xi32, #tpu.memory_space<hbm>> -> memref<1x10000xi32, #tpu.memory_space<hbm>>
    tpu.enqueue_dma source(%dma_start3A_10 : memref<1x10000xi32, #tpu.memory_space<hbm>>) target(%arg4 : memref<1x10000xi32, #tpu.memory_space<vmem>>) target_semaphore(%dma_start3A_6 : memref<!tpu.dma_semaphore, #tpu.memory_space<semaphore_mem>>)
    %scan3A = arith.constant 0 : i32
    %scan3A_11 = arith.constant 640 : i32
    %scan3A_12 = arith.addi %scan3A, %scan3A_11 : i32
    %scan3A_13 = arith.constant 8 : i32
    scf.for %scan3A_572 = %scan3A to %scan3A_12 step %scan3A_13  : i32 {
      %mul3A_573 = arith.constant 1 : i32
      %mul3A_574 = arith.muli %scan3A_572, %mul3A_573 : i32
      %add3A_575 = arith.constant 0 : i32
      %add3A_576 = arith.addi %add3A_575, %mul3A_574 : i32
      %broadcast_in_dim3A_577 = arith.constant 0.000000e+00 : f32
      %broadcast_in_dim3A_578 = vector.broadcast %broadcast_in_dim3A_577 : f32 to vector<16xf32>
      %mul3A_579 = arith.constant 16 : i32
      %mul3A_580 = arith.muli %add3A_576, %mul3A_579 : i32
      %swap3A = arith.index_cast %mul3A_580 : i32 to index
      %swap3A_581 = tpu.vector_load %arg5[%swap3A] {strides = array<i32>} : memref<10240xf32, #tpu.memory_space<vmem>>, vector<16xf32>,
      tpu.vector_store %arg5[%swap3A], %broadcast_in_dim3A_578 {strides = array<i32>} : memref<10240xf32, #tpu.memory_space<vmem>>, vector<16xf32>,
      %scan3A_582 = arith.constant 1 : i32
      %scan3A_583 = arith.addi %scan3A_572, %scan3A_582 : i32
      %mul3A_584 = arith.constant 1 : i32
      %mul3A_585 = arith.muli %scan3A_583, %mul3A_584 : i32
      %add3A_586 = arith.constant 0 : i32
      %add3A_587 = arith.addi %add3A_586, %mul3A_585 : i32
      %broadcast_in_dim3A_588 = arith.constant 0.000000e+00 : f32
      %broadcast_in_dim3A_589 = vector.broadcast %broadcast_in_dim3A_588 : f32 to vector<16xf32>
      %mul3A_590 = arith.constant 16 : i32
      %mul3A_591 = arith.muli %add3A_587, %mul3A_590 : i32
      %swap3A_592 = arith.index_cast %mul3A_591 : i32 to index
      %swap3A_593 = tpu.vector_load %arg5[%swap3A_592] {strides = array<i32>} : memref<10240xf32, #tpu.memory_space<vmem>>, vector<16xf32>,
      tpu.vector_store %arg5[%swap3A_592], %broadcast_in_dim3A_589 {strides = array<i32>} : memref<10240xf32, #tpu.memory_space<vmem>>, vector<16xf32>,
      %scan3A_594 = arith.constant 2 : i32
      %scan3A_595 = arith.addi %scan3A_572, %scan3A_594 : i32
      %mul3A_596 = arith.constant 1 : i32
      %mul3A_597 = arith.muli %scan3A_595, %mul3A_596 : i32
      %add3A_598 = arith.constant 0 : i32
      %add3A_599 = arith.addi %add3A_598, %mul3A_597 : i32
      %broadcast_in_dim3A_600 = arith.constant 0.000000e+00 : f32
      %broadcast_in_dim3A_601 = vector.broadcast %broadcast_in_dim3A_600 : f32 to vector<16xf32>
      %mul3A_602 = arith.constant 16 : i32
      %mul3A_603 = arith.muli %add3A_599, %mul3A_602 : i32
      %swap3A_604 = arith.index_cast %mul3A_603 : i32 to index
      %swap3A_605 = tpu.vector_load %arg5[%swap3A_604] {strides = array<i32>} : memref<10240xf32, #tpu.memory_space<vmem>>, vector<16xf32>,
      tpu.vector_store %arg5[%swap3A_604], %broadcast_in_dim3A_601 {strides = array<i32>} : memref<10240xf32, #tpu.memory_space<vmem>>, vector<16xf32>,
      %scan3A_606 = arith.constant 3 : i32
      %scan3A_607 = arith.addi %scan3A_572, %scan3A_606 : i32
      %mul3A_608 = arith.constant 1 : i32
      %mul3A_609 = arith.muli %scan3A_607, %mul3A_608 : i32
      %add3A_610 = arith.constant 0 : i32
      %add3A_611 = arith.addi %add3A_610, %mul3A_609 : i32
      %broadcast_in_dim3A_612 = arith.constant 0.000000e+00 : f32
      %broadcast_in_dim3A_613 = vector.broadcast %broadcast_in_dim3A_612 : f32 to vector<16xf32>
      %mul3A_614 = arith.constant 16 : i32
      %mul3A_615 = arith.muli %add3A_611, %mul3A_614 : i32
      %swap3A_616 = arith.index_cast %mul3A_615 : i32 to index
      %swap3A_617 = tpu.vector_load %arg5[%swap3A_616] {strides = array<i32>} : memref<10240xf32, #tpu.memory_space<vmem>>, vector<16xf32>,
      tpu.vector_store %arg5[%swap3A_616], %broadcast_in_dim3A_613 {strides = array<i32>} : memref<10240xf32, #tpu.memory_space<vmem>>, vector<16xf32>,
      %scan3A_618 = arith.constant 4 : i32
      %scan3A_619 = arith.addi %scan3A_572, %scan3A_618 : i32
      %mul3A_620 = arith.constant 1 : i32
      %mul3A_621 = arith.muli %scan3A_619, %mul3A_620 : i32
      %add3A_622 = arith.constant 0 : i32
      %add3A_623 = arith.addi %add3A_622, %mul3A_621 : i32
      %broadcast_in_dim3A_624 = arith.constant 0.000000e+00 : f32
      %broadcast_in_dim3A_625 = vector.broadcast %broadcast_in_dim3A_624 : f32 to vector<16xf32>
      %mul3A_626 = arith.constant 16 : i32
      %mul3A_627 = arith.muli %add3A_623, %mul3A_626 : i32
      %swap3A_628 = arith.index_cast %mul3A_627 : i32 to index
      %swap3A_629 = tpu.vector_load %arg5[%swap3A_628] {strides = array<i32>} : memref<10240xf32, #tpu.memory_space<vmem>>, vector<16xf32>,
      tpu.vector_store %arg5[%swap3A_628], %broadcast_in_dim3A_625 {strides = array<i32>} : memref<10240xf32, #tpu.memory_space<vmem>>, vector<16xf32>,
      %scan3A_630 = arith.constant 5 : i32
      %scan3A_631 = arith.addi %scan3A_572, %scan3A_630 : i32
      %mul3A_632 = arith.constant 1 : i32
      %mul3A_633 = arith.muli %scan3A_631, %mul3A_632 : i32
      %add3A_634 = arith.constant 0 : i32
      %add3A_635 = arith.addi %add3A_634, %mul3A_633 : i32
      %broadcast_in_dim3A_636 = arith.constant 0.000000e+00 : f32
      %broadcast_in_dim3A_637 = vector.broadcast %broadcast_in_dim3A_636 : f32 to vector<16xf32>
      %mul3A_638 = arith.constant 16 : i32
      %mul3A_639 = arith.muli %add3A_635, %mul3A_638 : i32
      %swap3A_640 = arith.index_cast %mul3A_639 : i32 to index
      %swap3A_641 = tpu.vector_load %arg5[%swap3A_640] {strides = array<i32>} : memref<10240xf32, #tpu.memory_space<vmem>>, vector<16xf32>,
      tpu.vector_store %arg5[%swap3A_640], %broadcast_in_dim3A_637 {strides = array<i32>} : memref<10240xf32, #tpu.memory_space<vmem>>, vector<16xf32>,
      %scan3A_642 = arith.constant 6 : i32
      %scan3A_643 = arith.addi %scan3A_572, %scan3A_642 : i32
      %mul3A_644 = arith.constant 1 : i32
      %mul3A_645 = arith.muli %scan3A_643, %mul3A_644 : i32
      %add3A_646 = arith.constant 0 : i32
      %add3A_647 = arith.addi %add3A_646, %mul3A_645 : i32
      %broadcast_in_dim3A_648 = arith.constant 0.000000e+00 : f32
      %broadcast_in_dim3A_649 = vector.broadcast %broadcast_in_dim3A_648 : f32 to vector<16xf32>
      %mul3A_650 = arith.constant 16 : i32
      %mul3A_651 = arith.muli %add3A_647, %mul3A_650 : i32
      %swap3A_652 = arith.index_cast %mul3A_651 : i32 to index
      %swap3A_653 = tpu.vector_load %arg5[%swap3A_652] {strides = array<i32>} : memref<10240xf32, #tpu.memory_space<vmem>>, vector<16xf32>,
      tpu.vector_store %arg5[%swap3A_652], %broadcast_in_dim3A_649 {strides = array<i32>} : memref<10240xf32, #tpu.memory_space<vmem>>, vector<16xf32>,
      %scan3A_654 = arith.constant 7 : i32
      %scan3A_655 = arith.addi %scan3A_572, %scan3A_654 : i32
      %mul3A_656 = arith.constant 1 : i32
      %mul3A_657 = arith.muli %scan3A_655, %mul3A_656 : i32
      %add3A_658 = arith.constant 0 : i32
      %add3A_659 = arith.addi %add3A_658, %mul3A_657 : i32
      %broadcast_in_dim3A_660 = arith.constant 0.000000e+00 : f32
      %broadcast_in_dim3A_661 = vector.broadcast %broadcast_in_dim3A_660 : f32 to vector<16xf32>
      %mul3A_662 = arith.constant 16 : i32
      %mul3A_663 = arith.muli %add3A_659, %mul3A_662 : i32
      %swap3A_664 = arith.index_cast %mul3A_663 : i32 to index
      %swap3A_665 = tpu.vector_load %arg5[%swap3A_664] {strides = array<i32>} : memref<10240xf32, #tpu.memory_space<vmem>>, vector<16xf32>,
      tpu.vector_store %arg5[%swap3A_664], %broadcast_in_dim3A_661 {strides = array<i32>} : memref<10240xf32, #tpu.memory_space<vmem>>, vector<16xf32>,
    }
    %scan3A_14 = arith.constant 640 : i32
    %dma_wait3A = arith.constant 0 : i32
    %dma_wait3A_15 = arith.constant 0 : i32
    %dma_wait3A_16 = arith.constant 0 : i32
    %dma_wait3A_17 = tpu.memref_slice %arg2[%add3A, %dma_wait3A_15, %dma_wait3A_16] : memref<32x1x10000xi32, #tpu.memory_space<hbm>> -> memref<1x1x10000xi32, #tpu.memory_space<hbm>>
    %dma_wait3A_18 = tpu.memref_squeeze %dma_wait3A_17 : memref<1x1x10000xi32, #tpu.memory_space<hbm>> -> memref<1x10000xi32, #tpu.memory_space<hbm>>
    %dma_wait3A_19 = tpu.memref_slice %arg9[%dma_wait3A] : memref<2x!tpu.dma_semaphore, #tpu.memory_space<semaphore_mem>> -> memref<1x!tpu.dma_semaphore, #tpu.memory_space<semaphore_mem>>
    %dma_wait3A_20 = tpu.memref_squeeze %dma_wait3A_19 : memref<1x!tpu.dma_semaphore, #tpu.memory_space<semaphore_mem>> -> memref<!tpu.dma_semaphore, #tpu.memory_space<semaphore_mem>>
    %dma_wait3A_21 = arith.constant 0 : i32
    %dma_wait3A_22 = arith.constant 0 : i32
    %dma_wait3A_23 = tpu.memref_slice %arg2[%add3A, %dma_wait3A_21, %dma_wait3A_22] : memref<32x1x10000xi32, #tpu.memory_space<hbm>> -> memref<1x1x10000xi32, #tpu.memory_space<hbm>>
    %dma_wait3A_24 = tpu.memref_squeeze %dma_wait3A_23 : memref<1x1x10000xi32, #tpu.memory_space<hbm>> -> memref<1x10000xi32, #tpu.memory_space<hbm>>
    tpu.wait_dma2 semaphore(%dma_wait3A_20 : memref<!tpu.dma_semaphore, #tpu.memory_space<semaphore_mem>>) src(%dma_wait3A_24 : memref<1x10000xi32, #tpu.memory_space<hbm>>) dst(%arg4 : memref<1x10000xi32, #tpu.memory_space<vmem>>)
    %broadcast_in_dim3A = arith.constant 1.000000e+00 : f32
    %broadcast_in_dim3A_25 = vector.broadcast %broadcast_in_dim3A : f32 to vector<16xf32>
    %scan3A_26 = arith.constant 0 : i32
    %scan3A_27 = arith.constant 624 : i32
    %scan3A_28 = arith.addi %scan3A_26, %scan3A_27 : i32
    %scan3A_29 = arith.constant 8 : i32
    scf.for %scan3A_572 = %scan3A_26 to %scan3A_28 step %scan3A_29  : i32 {
      %mul3A_573 = arith.constant 1 : i32
      %mul3A_574 = arith.muli %scan3A_572, %mul3A_573 : i32
      %add3A_575 = arith.constant 0 : i32
      %add3A_576 = arith.addi %add3A_575, %mul3A_574 : i32
      %mul3A_577 = arith.constant 16 : i32
      %mul3A_578 = arith.muli %add3A_576, %mul3A_577 : i32
      %get3A_579 = arith.constant 0 : i32
      %get3A_580 = arith.index_cast %get3A_579 : i32 to index
      %get3A_581 = arith.index_cast %mul3A_578 : i32 to index
      %get3A_582 = tpu.vector_load %arg4[%get3A_580, %get3A_581] {strides = array<i32>} : memref<1x10000xi32, #tpu.memory_space<vmem>>, vector<16xi32>,
      tpu.vector_store_idx %arg5[%get3A_582], %broadcast_in_dim3A_25 {add = true} : memref<10240xf32, #tpu.memory_space<vmem>>[vector<16xi32>], vector<16xf32>,
      %scan3A_583 = arith.constant 1 : i32
      %scan3A_584 = arith.addi %scan3A_572, %scan3A_583 : i32
      %mul3A_585 = arith.constant 1 : i32
      %mul3A_586 = arith.muli %scan3A_584, %mul3A_585 : i32
      %add3A_587 = arith.constant 0 : i32
      %add3A_588 = arith.addi %add3A_587, %mul3A_586 : i32
      %mul3A_589 = arith.constant 16 : i32
      %mul3A_590 = arith.muli %add3A_588, %mul3A_589 : i32
      %get3A_591 = arith.constant 0 : i32
      %get3A_592 = arith.index_cast %get3A_591 : i32 to index
      %get3A_593 = arith.index_cast %mul3A_590 : i32 to index
      %get3A_594 = tpu.vector_load %arg4[%get3A_592, %get3A_593] {strides = array<i32>} : memref<1x10000xi32, #tpu.memory_space<vmem>>, vector<16xi32>,
      tpu.vector_store_idx %arg5[%get3A_594], %broadcast_in_dim3A_25 {add = true} : memref<10240xf32, #tpu.memory_space<vmem>>[vector<16xi32>], vector<16xf32>,
      %scan3A_595 = arith.constant 2 : i32
      %scan3A_596 = arith.addi %scan3A_572, %scan3A_595 : i32
      %mul3A_597 = arith.constant 1 : i32
      %mul3A_598 = arith.muli %scan3A_596, %mul3A_597 : i32
      %add3A_599 = arith.constant 0 : i32
      %add3A_600 = arith.addi %add3A_599, %mul3A_598 : i32
      %mul3A_601 = arith.constant 16 : i32
      %mul3A_602 = arith.muli %add3A_600, %mul3A_601 : i32
      %get3A_603 = arith.constant 0 : i32
      %get3A_604 = arith.index_cast %get3A_603 : i32 to index
      %get3A_605 = arith.index_cast %mul3A_602 : i32 to index
      %get3A_606 = tpu.vector_load %arg4[%get3A_604, %get3A_605] {strides = array<i32>} : memref<1x10000xi32, #tpu.memory_space<vmem>>, vector<16xi32>,
      tpu.vector_store_idx %arg5[%get3A_606], %broadcast_in_dim3A_25 {add = true} : memref<10240xf32, #tpu.memory_space<vmem>>[vector<16xi32>], vector<16xf32>,
      %scan3A_607 = arith.constant 3 : i32
      %scan3A_608 = arith.addi %scan3A_572, %scan3A_607 : i32
      %mul3A_609 = arith.constant 1 : i32
      %mul3A_610 = arith.muli %scan3A_608, %mul3A_609 : i32
      %add3A_611 = arith.constant 0 : i32
      %add3A_612 = arith.addi %add3A_611, %mul3A_610 : i32
      %mul3A_613 = arith.constant 16 : i32
      %mul3A_614 = arith.muli %add3A_612, %mul3A_613 : i32
      %get3A_615 = arith.constant 0 : i32
      %get3A_616 = arith.index_cast %get3A_615 : i32 to index
      %get3A_617 = arith.index_cast %mul3A_614 : i32 to index
      %get3A_618 = tpu.vector_load %arg4[%get3A_616, %get3A_617] {strides = array<i32>} : memref<1x10000xi32, #tpu.memory_space<vmem>>, vector<16xi32>,
      tpu.vector_store_idx %arg5[%get3A_618], %broadcast_in_dim3A_25 {add = true} : memref<10240xf32, #tpu.memory_space<vmem>>[vector<16xi32>], vector<16xf32>,
      %scan3A_619 = arith.constant 4 : i32
      %scan3A_620 = arith.addi %scan3A_572, %scan3A_619 : i32
      %mul3A_621 = arith.constant 1 : i32
      %mul3A_622 = arith.muli %scan3A_620, %mul3A_621 : i32
      %add3A_623 = arith.constant 0 : i32
      %add3A_624 = arith.addi %add3A_623, %mul3A_622 : i32
      %mul3A_625 = arith.constant 16 : i32
      %mul3A_626 = arith.muli %add3A_624, %mul3A_625 : i32
      %get3A_627 = arith.constant 0 : i32
      %get3A_628 = arith.index_cast %get3A_627 : i32 to index
      %get3A_629 = arith.index_cast %mul3A_626 : i32 to index
      %get3A_630 = tpu.vector_load %arg4[%get3A_628, %get3A_629] {strides = array<i32>} : memref<1x10000xi32, #tpu.memory_space<vmem>>, vector<16xi32>,
      tpu.vector_store_idx %arg5[%get3A_630], %broadcast_in_dim3A_25 {add = true} : memref<10240xf32, #tpu.memory_space<vmem>>[vector<16xi32>], vector<16xf32>,
      %scan3A_631 = arith.constant 5 : i32
      %scan3A_632 = arith.addi %scan3A_572, %scan3A_631 : i32
      %mul3A_633 = arith.constant 1 : i32
      %mul3A_634 = arith.muli %scan3A_632, %mul3A_633 : i32
      %add3A_635 = arith.constant 0 : i32
      %add3A_636 = arith.addi %add3A_635, %mul3A_634 : i32
      %mul3A_637 = arith.constant 16 : i32
      %mul3A_638 = arith.muli %add3A_636, %mul3A_637 : i32
      %get3A_639 = arith.constant 0 : i32
      %get3A_640 = arith.index_cast %get3A_639 : i32 to index
      %get3A_641 = arith.index_cast %mul3A_638 : i32 to index
      %get3A_642 = tpu.vector_load %arg4[%get3A_640, %get3A_641] {strides = array<i32>} : memref<1x10000xi32, #tpu.memory_space<vmem>>, vector<16xi32>,
      tpu.vector_store_idx %arg5[%get3A_642], %broadcast_in_dim3A_25 {add = true} : memref<10240xf32, #tpu.memory_space<vmem>>[vector<16xi32>], vector<16xf32>,
      %scan3A_643 = arith.constant 6 : i32
      %scan3A_644 = arith.addi %scan3A_572, %scan3A_643 : i32
      %mul3A_645 = arith.constant 1 : i32
      %mul3A_646 = arith.muli %scan3A_644, %mul3A_645 : i32
      %add3A_647 = arith.constant 0 : i32
      %add3A_648 = arith.addi %add3A_647, %mul3A_646 : i32
      %mul3A_649 = arith.constant 16 : i32
      %mul3A_650 = arith.muli %add3A_648, %mul3A_649 : i32
      %get3A_651 = arith.constant 0 : i32
      %get3A_652 = arith.index_cast %get3A_651 : i32 to index
      %get3A_653 = arith.index_cast %mul3A_650 : i32 to index
      %get3A_654 = tpu.vector_load %arg4[%get3A_652, %get3A_653] {strides = array<i32>} : memref<1x10000xi32, #tpu.memory_space<vmem>>, vector<16xi32>,
      tpu.vector_store_idx %arg5[%get3A_654], %broadcast_in_dim3A_25 {add = true} : memref<10240xf32, #tpu.memory_space<vmem>>[vector<16xi32>], vector<16xf32>,
      %scan3A_655 = arith.constant 7 : i32
      %scan3A_656 = arith.addi %scan3A_572, %scan3A_655 : i32
      %mul3A_657 = arith.constant 1 : i32
      %mul3A_658 = arith.muli %scan3A_656, %mul3A_657 : i32
      %add3A_659 = arith.constant 0 : i32
      %add3A_660 = arith.addi %add3A_659, %mul3A_658 : i32
      %mul3A_661 = arith.constant 16 : i32
      %mul3A_662 = arith.muli %add3A_660, %mul3A_661 : i32
      %get3A_663 = arith.constant 0 : i32
      %get3A_664 = arith.index_cast %get3A_663 : i32 to index
      %get3A_665 = arith.index_cast %mul3A_662 : i32 to index
      %get3A_666 = tpu.vector_load %arg4[%get3A_664, %get3A_665] {strides = array<i32>} : memref<1x10000xi32, #tpu.memory_space<vmem>>, vector<16xi32>,
      tpu.vector_store_idx %arg5[%get3A_666], %broadcast_in_dim3A_25 {add = true} : memref<10240xf32, #tpu.memory_space<vmem>>[vector<16xi32>], vector<16xf32>,
    }
    %scan3A_30 = arith.constant 624 : i32
    %scan3A_31 = arith.addi %scan3A_26, %scan3A_30 : i32
    %mul3A_32 = arith.constant 1 : i32
    %mul3A_33 = arith.muli %scan3A_31, %mul3A_32 : i32
    %add3A_34 = arith.constant 0 : i32
    %add3A_35 = arith.addi %add3A_34, %mul3A_33 : i32
    %mul3A_36 = arith.constant 16 : i32
    %mul3A_37 = arith.muli %add3A_35, %mul3A_36 : i32
    %get3A = arith.constant 0 : i32
    %get3A_38 = arith.index_cast %get3A : i32 to index
    %get3A_39 = arith.index_cast %mul3A_37 : i32 to index
    %get3A_40 = tpu.vector_load %arg4[%get3A_38, %get3A_39] {strides = array<i32>} : memref<1x10000xi32, #tpu.memory_space<vmem>>, vector<16xi32>,
    tpu.vector_store_idx %arg5[%get3A_40], %broadcast_in_dim3A_25 {add = true} : memref<10240xf32, #tpu.memory_space<vmem>>[vector<16xi32>], vector<16xf32>,
    %scan3A_41 = arith.constant 625 : i32
    "tpu.region"() ({
      %run_scoped3A_572 = tpu.sem_alloc : memref<!tpu.dma_semaphore, #tpu.memory_space<semaphore_mem>>
      %dma_start3A_573 = arith.constant 0 : i32
      %dma_start3A_574 = tpu.memref_slice %arg8[%arg1, %dma_start3A_573] : memref<16x10240xf32, #tpu.memory_space<vmem_shared>> -> memref<1x10240xf32, #tpu.memory_space<vmem_shared>>
      %dma_start3A_575 = tpu.memref_squeeze %dma_start3A_574 : memref<1x10240xf32, #tpu.memory_space<vmem_shared>> -> memref<10240xf32, #tpu.memory_space<vmem_shared>>
      %dma_start3A_576 = arith.constant 0 : i32
      %dma_start3A_577 = tpu.memref_slice %arg8[%arg1, %dma_start3A_576] : memref<16x10240xf32, #tpu.memory_space<vmem_shared>> -> memref<1x10240xf32, #tpu.memory_space<vmem_shared>>
      %dma_start3A_578 = tpu.memref_squeeze %dma_start3A_577 : memref<1x10240xf32, #tpu.memory_space<vmem_shared>> -> memref<10240xf32, #tpu.memory_space<vmem_shared>>
      tpu.enqueue_dma source(%arg5 : memref<10240xf32, #tpu.memory_space<vmem>>) target(%dma_start3A_578 : memref<10240xf32, #tpu.memory_space<vmem_shared>>) target_semaphore(%run_scoped3A_572 : memref<!tpu.dma_semaphore, #tpu.memory_space<semaphore_mem>>)
      %dma_wait3A_579 = arith.constant 0 : i32
      %dma_wait3A_580 = tpu.memref_slice %arg8[%arg1, %dma_wait3A_579] : memref<16x10240xf32, #tpu.memory_space<vmem_shared>> -> memref<1x10240xf32, #tpu.memory_space<vmem_shared>>
      %dma_wait3A_581 = tpu.memref_squeeze %dma_wait3A_580 : memref<1x10240xf32, #tpu.memory_space<vmem_shared>> -> memref<10240xf32, #tpu.memory_space<vmem_shared>>
      %dma_wait3A_582 = arith.constant 0 : i32
      %dma_wait3A_583 = tpu.memref_slice %arg8[%arg1, %dma_wait3A_582] : memref<16x10240xf32, #tpu.memory_space<vmem_shared>> -> memref<1x10240xf32, #tpu.memory_space<vmem_shared>>
      %dma_wait3A_584 = tpu.memref_squeeze %dma_wait3A_583 : memref<1x10240xf32, #tpu.memory_space<vmem_shared>> -> memref<10240xf32, #tpu.memory_space<vmem_shared>>
      tpu.wait_dma2 semaphore(%run_scoped3A_572 : memref<!tpu.dma_semaphore, #tpu.memory_space<semaphore_mem>>) src(%arg5 : memref<10240xf32, #tpu.memory_space<vmem>>) dst(%dma_wait3A_584 : memref<10240xf32, #tpu.memory_space<vmem_shared>>)
      tpu.yield
    }) : () -> ()
    %barrier3A = arith.constant 0 : index
    tpu.barrier barrier_id(%barrier3A)
    %mul3A_42 = arith.constant 640 : i32
    %mul3A_43 = arith.muli %arg1, %mul3A_42 : i32
    %run_scoped3A = arith.constant 0 : i32
    "tpu.region"() ({
      %run_scoped3A_572 = tpu.sem_alloc : memref<!tpu.dma_semaphore, #tpu.memory_space<semaphore_mem>>
      %dma_start3A_573 = tpu.memref_slice %arg8[%run_scoped3A, %mul3A_43] : memref<16x10240xf32, #tpu.memory_space<vmem_shared>> -> memref<1x640xf32, #tpu.memory_space<vmem_shared>>
      %dma_start3A_574 = tpu.memref_squeeze %dma_start3A_573 : memref<1x640xf32, #tpu.memory_space<vmem_shared>> -> memref<640xf32, #tpu.memory_space<vmem_shared>>
      %dma_start3A_575 = tpu.memref_slice %arg8[%run_scoped3A, %mul3A_43] : memref<16x10240xf32, #tpu.memory_space<vmem_shared>> -> memref<1x640xf32, #tpu.memory_space<vmem_shared>>
      %dma_start3A_576 = tpu.memref_squeeze %dma_start3A_575 : memref<1x640xf32, #tpu.memory_space<vmem_shared>> -> memref<640xf32, #tpu.memory_space<vmem_shared>>
      tpu.enqueue_dma source(%dma_start3A_576 : memref<640xf32, #tpu.memory_space<vmem_shared>>) target(%arg6 : memref<640xf32, #tpu.memory_space<vmem>>) target_semaphore(%run_scoped3A_572 : memref<!tpu.dma_semaphore, #tpu.memory_space<semaphore_mem>>)
      %dma_wait3A_577 = tpu.memref_slice %arg8[%run_scoped3A, %mul3A_43] : memref<16x10240xf32, #tpu.memory_space<vmem_shared>> -> memref<1x640xf32, #tpu.memory_space<vmem_shared>>
      %dma_wait3A_578 = tpu.memref_squeeze %dma_wait3A_577 : memref<1x640xf32, #tpu.memory_space<vmem_shared>> -> memref<640xf32, #tpu.memory_space<vmem_shared>>
      %dma_wait3A_579 = tpu.memref_slice %arg8[%run_scoped3A, %mul3A_43] : memref<16x10240xf32, #tpu.memory_space<vmem_shared>> -> memref<1x640xf32, #tpu.memory_space<vmem_shared>>
      %dma_wait3A_580 = tpu.memref_squeeze %dma_wait3A_579 : memref<1x640xf32, #tpu.memory_space<vmem_shared>> -> memref<640xf32, #tpu.memory_space<vmem_shared>>
      tpu.wait_dma2 semaphore(%run_scoped3A_572 : memref<!tpu.dma_semaphore, #tpu.memory_space<semaphore_mem>>) src(%dma_wait3A_580 : memref<640xf32, #tpu.memory_space<vmem_shared>>) dst(%arg6 : memref<640xf32, #tpu.memory_space<vmem>>)
      tpu.yield
    }) : () -> ()
    %dma_start3A_44 = arith.constant 1 : i32
    %dma_start3A_45 = arith.constant 1 : i32
    %dma_start3A_46 = arith.constant 1 : i32
    %dma_start3A_47 = arith.constant 0 : i32
    %dma_start3A_48 = tpu.memref_slice %arg7[%dma_start3A_45, %dma_start3A_47] : memref<2x640xf32, #tpu.memory_space<vmem>> -> memref<1x640xf32, #tpu.memory_space<vmem>>
    %dma_start3A_49 = tpu.memref_squeeze %dma_start3A_48 : memref<1x640xf32, #tpu.memory_space<vmem>> -> memref<640xf32, #tpu.memory_space<vmem>>
    %dma_start3A_50 = tpu.memref_slice %arg8[%dma_start3A_44, %mul3A_43] : memref<16x10240xf32, #tpu.memory_space<vmem_shared>> -> memref<1x640xf32, #tpu.memory_space<vmem_shared>>
    %dma_start3A_51 = tpu.memref_squeeze %dma_start3A_50 : memref<1x640xf32, #tpu.memory_space<vmem_shared>> -> memref<640xf32, #tpu.memory_space<vmem_shared>>
    %dma_start3A_52 = tpu.memref_slice %arg9[%dma_start3A_46] : memref<2x!tpu.dma_semaphore, #tpu.memory_space<semaphore_mem>> -> memref<1x!tpu.dma_semaphore, #tpu.memory_space<semaphore_mem>>
    %dma_start3A_53 = tpu.memref_squeeze %dma_start3A_52 : memref<1x!tpu.dma_semaphore, #tpu.memory_space<semaphore_mem>> -> memref<!tpu.dma_semaphore, #tpu.memory_space<semaphore_mem>>
    %dma_start3A_54 = arith.constant 0 : i32
    %dma_start3A_55 = tpu.memref_slice %arg7[%dma_start3A_45, %dma_start3A_54] : memref<2x640xf32, #tpu.memory_space<vmem>> -> memref<1x640xf32, #tpu.memory_space<vmem>>
    %dma_start3A_56 = tpu.memref_squeeze %dma_start3A_55 : memref<1x640xf32, #tpu.memory_space<vmem>> -> memref<640xf32, #tpu.memory_space<vmem>>
    %dma_start3A_57 = tpu.memref_slice %arg8[%dma_start3A_44, %mul3A_43] : memref<16x10240xf32, #tpu.memory_space<vmem_shared>> -> memref<1x640xf32, #tpu.memory_space<vmem_shared>>
    %dma_start3A_58 = tpu.memref_squeeze %dma_start3A_57 : memref<1x640xf32, #tpu.memory_space<vmem_shared>> -> memref<640xf32, #tpu.memory_space<vmem_shared>>
    tpu.enqueue_dma source(%dma_start3A_58 : memref<640xf32, #tpu.memory_space<vmem_shared>>) target(%dma_start3A_56 : memref<640xf32, #tpu.memory_space<vmem>>) target_semaphore(%dma_start3A_53 : memref<!tpu.dma_semaphore, #tpu.memory_space<semaphore_mem>>)
    %dma_wait3A_59 = arith.constant 1 : i32
    %dma_wait3A_60 = arith.constant 1 : i32
    %dma_wait3A_61 = arith.constant 1 : i32
    %dma_wait3A_62 = arith.constant 0 : i32
    %dma_wait3A_63 = tpu.memref_slice %arg7[%dma_wait3A_60, %dma_wait3A_62] : memref<2x640xf32, #tpu.memory_space<vmem>> -> memref<1x640xf32, #tpu.memory_space<vmem>>
    %dma_wait3A_64 = tpu.memref_squeeze %dma_wait3A_63 : memref<1x640xf32, #tpu.memory_space<vmem>> -> memref<640xf32, #tpu.memory_space<vmem>>
    %dma_wait3A_65 = tpu.memref_slice %arg8[%dma_wait3A_59, %mul3A_43] : memref<16x10240xf32, #tpu.memory_space<vmem_shared>> -> memref<1x640xf32, #tpu.memory_space<vmem_shared>>
    %dma_wait3A_66 = tpu.memref_squeeze %dma_wait3A_65 : memref<1x640xf32, #tpu.memory_space<vmem_shared>> -> memref<640xf32, #tpu.memory_space<vmem_shared>>
    %dma_wait3A_67 = tpu.memref_slice %arg9[%dma_wait3A_61] : memref<2x!tpu.dma_semaphore, #tpu.memory_space<semaphore_mem>> -> memref<1x!tpu.dma_semaphore, #tpu.memory_space<semaphore_mem>>
    %dma_wait3A_68 = tpu.memref_squeeze %dma_wait3A_67 : memref<1x!tpu.dma_semaphore, #tpu.memory_space<semaphore_mem>> -> memref<!tpu.dma_semaphore, #tpu.memory_space<semaphore_mem>>
    %dma_wait3A_69 = arith.constant 0 : i32
    %dma_wait3A_70 = tpu.memref_slice %arg7[%dma_wait3A_60, %dma_wait3A_69] : memref<2x640xf32, #tpu.memory_space<vmem>> -> memref<1x640xf32, #tpu.memory_space<vmem>>
    %dma_wait3A_71 = tpu.memref_squeeze %dma_wait3A_70 : memref<1x640xf32, #tpu.memory_space<vmem>> -> memref<640xf32, #tpu.memory_space<vmem>>
    %dma_wait3A_72 = tpu.memref_slice %arg8[%dma_wait3A_59, %mul3A_43] : memref<16x10240xf32, #tpu.memory_space<vmem_shared>> -> memref<1x640xf32, #tpu.memory_space<vmem_shared>>
    %dma_wait3A_73 = tpu.memref_squeeze %dma_wait3A_72 : memref<1x640xf32, #tpu.memory_space<vmem_shared>> -> memref<640xf32, #tpu.memory_space<vmem_shared>>
    tpu.wait_dma2 semaphore(%dma_wait3A_68 : memref<!tpu.dma_semaphore, #tpu.memory_space<semaphore_mem>>) src(%dma_wait3A_73 : memref<640xf32, #tpu.memory_space<vmem_shared>>) dst(%dma_wait3A_71 : memref<640xf32, #tpu.memory_space<vmem>>)
    %dma_start3A_74 = arith.constant 2 : i32
    %dma_start3A_75 = arith.constant 0 : i32
    %dma_start3A_76 = arith.constant 0 : i32
    %dma_start3A_77 = arith.constant 0 : i32
    %dma_start3A_78 = tpu.memref_slice %arg7[%dma_start3A_75, %dma_start3A_77] : memref<2x640xf32, #tpu.memory_space<vmem>> -> memref<1x640xf32, #tpu.memory_space<vmem>>
    %dma_start3A_79 = tpu.memref_squeeze %dma_start3A_78 : memref<1x640xf32, #tpu.memory_space<vmem>> -> memref<640xf32, #tpu.memory_space<vmem>>
    %dma_start3A_80 = tpu.memref_slice %arg8[%dma_start3A_74, %mul3A_43] : memref<16x10240xf32, #tpu.memory_space<vmem_shared>> -> memref<1x640xf32, #tpu.memory_space<vmem_shared>>
    %dma_start3A_81 = tpu.memref_squeeze %dma_start3A_80 : memref<1x640xf32, #tpu.memory_space<vmem_shared>> -> memref<640xf32, #tpu.memory_space<vmem_shared>>
    %dma_start3A_82 = tpu.memref_slice %arg9[%dma_start3A_76] : memref<2x!tpu.dma_semaphore, #tpu.memory_space<semaphore_mem>> -> memref<1x!tpu.dma_semaphore, #tpu.memory_space<semaphore_mem>>
    %dma_start3A_83 = tpu.memref_squeeze %dma_start3A_82 : memref<1x!tpu.dma_semaphore, #tpu.memory_space<semaphore_mem>> -> memref<!tpu.dma_semaphore, #tpu.memory_space<semaphore_mem>>
    %dma_start3A_84 = arith.constant 0 : i32
    %dma_start3A_85 = tpu.memref_slice %arg7[%dma_start3A_75, %dma_start3A_84] : memref<2x640xf32, #tpu.memory_space<vmem>> -> memref<1x640xf32, #tpu.memory_space<vmem>>
    %dma_start3A_86 = tpu.memref_squeeze %dma_start3A_85 : memref<1x640xf32, #tpu.memory_space<vmem>> -> memref<640xf32, #tpu.memory_space<vmem>>
    %dma_start3A_87 = tpu.memref_slice %arg8[%dma_start3A_74, %mul3A_43] : memref<16x10240xf32, #tpu.memory_space<vmem_shared>> -> memref<1x640xf32, #tpu.memory_space<vmem_shared>>
    %dma_start3A_88 = tpu.memref_squeeze %dma_start3A_87 : memref<1x640xf32, #tpu.memory_space<vmem_shared>> -> memref<640xf32, #tpu.memory_space<vmem_shared>>
    tpu.enqueue_dma source(%dma_start3A_88 : memref<640xf32, #tpu.memory_space<vmem_shared>>) target(%dma_start3A_86 : memref<640xf32, #tpu.memory_space<vmem>>) target_semaphore(%dma_start3A_83 : memref<!tpu.dma_semaphore, #tpu.memory_space<semaphore_mem>>)
    %scan3A_89 = arith.constant 0 : i32
    %scan3A_90 = arith.constant 40 : i32
    %scan3A_91 = arith.addi %scan3A_89, %scan3A_90 : i32
    %scan3A_92 = arith.constant 4 : i32
    scf.for %scan3A_572 = %scan3A_89 to %scan3A_91 step %scan3A_92  : i32 {
      %mul3A_573 = arith.constant 1 : i32
      %mul3A_574 = arith.muli %scan3A_572, %mul3A_573 : i32
      %add3A_575 = arith.constant 0 : i32
      %add3A_576 = arith.addi %add3A_575, %mul3A_574 : i32
      %mul3A_577 = arith.constant 16 : i32
      %mul3A_578 = arith.muli %add3A_576, %mul3A_577 : i32
      %get3A_579 = arith.index_cast %mul3A_578 : i32 to index
      %get3A_580 = tpu.vector_load %arg6[%get3A_579] {strides = array<i32>} : memref<640xf32, #tpu.memory_space<vmem>>, vector<16xf32>,
      %get3A_581 = arith.constant 1 : i32
      %get3A_582 = arith.index_cast %get3A_581 : i32 to index
      %get3A_583 = arith.index_cast %mul3A_578 : i32 to index
      %get3A_584 = tpu.vector_load %arg7[%get3A_582, %get3A_583] {strides = array<i32>} : memref<2x640xf32, #tpu.memory_space<vmem>>, vector<16xf32>,
      %add3A_585 = arith.addf %get3A_580, %get3A_584 : vector<16xf32>
      %swap3A = arith.index_cast %mul3A_578 : i32 to index
      %swap3A_586 = tpu.vector_load %arg6[%swap3A] {strides = array<i32>} : memref<640xf32, #tpu.memory_space<vmem>>, vector<16xf32>,
      tpu.vector_store %arg6[%swap3A], %add3A_585 {strides = array<i32>} : memref<640xf32, #tpu.memory_space<vmem>>, vector<16xf32>,
      %scan3A_587 = arith.constant 1 : i32
      %scan3A_588 = arith.addi %scan3A_572, %scan3A_587 : i32
      %mul3A_589 = arith.constant 1 : i32
      %mul3A_590 = arith.muli %scan3A_588, %mul3A_589 : i32
      %add3A_591 = arith.constant 0 : i32
      %add3A_592 = arith.addi %add3A_591, %mul3A_590 : i32
      %mul3A_593 = arith.constant 16 : i32
      %mul3A_594 = arith.muli %add3A_592, %mul3A_593 : i32
      %get3A_595 = arith.index_cast %mul3A_594 : i32 to index
      %get3A_596 = tpu.vector_load %arg6[%get3A_595] {strides = array<i32>} : memref<640xf32, #tpu.memory_space<vmem>>, vector<16xf32>,
      %get3A_597 = arith.constant 1 : i32
      %get3A_598 = arith.index_cast %get3A_597 : i32 to index
      %get3A_599 = arith.index_cast %mul3A_594 : i32 to index
      %get3A_600 = tpu.vector_load %arg7[%get3A_598, %get3A_599] {strides = array<i32>} : memref<2x640xf32, #tpu.memory_space<vmem>>, vector<16xf32>,
      %add3A_601 = arith.addf %get3A_596, %get3A_600 : vector<16xf32>
      %swap3A_602 = arith.index_cast %mul3A_594 : i32 to index
      %swap3A_603 = tpu.vector_load %arg6[%swap3A_602] {strides = array<i32>} : memref<640xf32, #tpu.memory_space<vmem>>, vector<16xf32>,
      tpu.vector_store %arg6[%swap3A_602], %add3A_601 {strides = array<i32>} : memref<640xf32, #tpu.memory_space<vmem>>, vector<16xf32>,
      %scan3A_604 = arith.constant 2 : i32
      %scan3A_605 = arith.addi %scan3A_572, %scan3A_604 : i32
      %mul3A_606 = arith.constant 1 : i32
      %mul3A_607 = arith.muli %scan3A_605, %mul3A_606 : i32
      %add3A_608 = arith.constant 0 : i32
      %add3A_609 = arith.addi %add3A_608, %mul3A_607 : i32
      %mul3A_610 = arith.constant 16 : i32
      %mul3A_611 = arith.muli %add3A_609, %mul3A_610 : i32
      %get3A_612 = arith.index_cast %mul3A_611 : i32 to index
      %get3A_613 = tpu.vector_load %arg6[%get3A_612] {strides = array<i32>} : memref<640xf32, #tpu.memory_space<vmem>>, vector<16xf32>,
      %get3A_614 = arith.constant 1 : i32
      %get3A_615 = arith.index_cast %get3A_614 : i32 to index
      %get3A_616 = arith.index_cast %mul3A_611 : i32 to index
      %get3A_617 = tpu.vector_load %arg7[%get3A_615, %get3A_616] {strides = array<i32>} : memref<2x640xf32, #tpu.memory_space<vmem>>, vector<16xf32>,
      %add3A_618 = arith.addf %get3A_613, %get3A_617 : vector<16xf32>
      %swap3A_619 = arith.index_cast %mul3A_611 : i32 to index
      %swap3A_620 = tpu.vector_load %arg6[%swap3A_619] {strides = array<i32>} : memref<640xf32, #tpu.memory_space<vmem>>, vector<16xf32>,
      tpu.vector_store %arg6[%swap3A_619], %add3A_618 {strides = array<i32>} : memref<640xf32, #tpu.memory_space<vmem>>, vector<16xf32>,
      %scan3A_621 = arith.constant 3 : i32
      %scan3A_622 = arith.addi %scan3A_572, %scan3A_621 : i32
      %mul3A_623 = arith.constant 1 : i32
      %mul3A_624 = arith.muli %scan3A_622, %mul3A_623 : i32
      %add3A_625 = arith.constant 0 : i32
      %add3A_626 = arith.addi %add3A_625, %mul3A_624 : i32
      %mul3A_627 = arith.constant 16 : i32
      %mul3A_628 = arith.muli %add3A_626, %mul3A_627 : i32
      %get3A_629 = arith.index_cast %mul3A_628 : i32 to index
      %get3A_630 = tpu.vector_load %arg6[%get3A_629] {strides = array<i32>} : memref<640xf32, #tpu.memory_space<vmem>>, vector<16xf32>,
      %get3A_631 = arith.constant 1 : i32
      %get3A_632 = arith.index_cast %get3A_631 : i32 to index
      %get3A_633 = arith.index_cast %mul3A_628 : i32 to index
      %get3A_634 = tpu.vector_load %arg7[%get3A_632, %get3A_633] {strides = array<i32>} : memref<2x640xf32, #tpu.memory_space<vmem>>, vector<16xf32>,
      %add3A_635 = arith.addf %get3A_630, %get3A_634 : vector<16xf32>
      %swap3A_636 = arith.index_cast %mul3A_628 : i32 to index
      %swap3A_637 = tpu.vector_load %arg6[%swap3A_636] {strides = array<i32>} : memref<640xf32, #tpu.memory_space<vmem>>, vector<16xf32>,
      tpu.vector_store %arg6[%swap3A_636], %add3A_635 {strides = array<i32>} : memref<640xf32, #tpu.memory_space<vmem>>, vector<16xf32>,
    }
    %scan3A_93 = arith.constant 40 : i32
    %dma_wait3A_94 = arith.constant 2 : i32
    %dma_wait3A_95 = arith.constant 0 : i32
    %dma_wait3A_96 = arith.constant 0 : i32
    %dma_wait3A_97 = arith.constant 0 : i32
    %dma_wait3A_98 = tpu.memref_slice %arg7[%dma_wait3A_95, %dma_wait3A_97] : memref<2x640xf32, #tpu.memory_space<vmem>> -> memref<1x640xf32, #tpu.memory_space<vmem>>
    %dma_wait3A_99 = tpu.memref_squeeze %dma_wait3A_98 : memref<1x640xf32, #tpu.memory_space<vmem>> -> memref<640xf32, #tpu.memory_space<vmem>>
    %dma_wait3A_100 = tpu.memref_slice %arg8[%dma_wait3A_94, %mul3A_43] : memref<16x10240xf32, #tpu.memory_space<vmem_shared>> -> memref<1x640xf32, #tpu.memory_space<vmem_shared>>
    %dma_wait3A_101 = tpu.memref_squeeze %dma_wait3A_100 : memref<1x640xf32, #tpu.memory_space<vmem_shared>> -> memref<640xf32, #tpu.memory_space<vmem_shared>>
    %dma_wait3A_102 = tpu.memref_slice %arg9[%dma_wait3A_96] : memref<2x!tpu.dma_semaphore, #tpu.memory_space<semaphore_mem>> -> memref<1x!tpu.dma_semaphore, #tpu.memory_space<semaphore_mem>>
    %dma_wait3A_103 = tpu.memref_squeeze %dma_wait3A_102 : memref<1x!tpu.dma_semaphore, #tpu.memory_space<semaphore_mem>> -> memref<!tpu.dma_semaphore, #tpu.memory_space<semaphore_mem>>
    %dma_wait3A_104 = arith.constant 0 : i32
    %dma_wait3A_105 = tpu.memref_slice %arg7[%dma_wait3A_95, %dma_wait3A_104] : memref<2x640xf32, #tpu.memory_space<vmem>> -> memref<1x640xf32, #tpu.memory_space<vmem>>
    %dma_wait3A_106 = tpu.memref_squeeze %dma_wait3A_105 : memref<1x640xf32, #tpu.memory_space<vmem>> -> memref<640xf32, #tpu.memory_space<vmem>>
    %dma_wait3A_107 = tpu.memref_slice %arg8[%dma_wait3A_94, %mul3A_43] : memref<16x10240xf32, #tpu.memory_space<vmem_shared>> -> memref<1x640xf32, #tpu.memory_space<vmem_shared>>
    %dma_wait3A_108 = tpu.memref_squeeze %dma_wait3A_107 : memref<1x640xf32, #tpu.memory_space<vmem_shared>> -> memref<640xf32, #tpu.memory_space<vmem_shared>>
    tpu.wait_dma2 semaphore(%dma_wait3A_103 : memref<!tpu.dma_semaphore, #tpu.memory_space<semaphore_mem>>) src(%dma_wait3A_108 : memref<640xf32, #tpu.memory_space<vmem_shared>>) dst(%dma_wait3A_106 : memref<640xf32, #tpu.memory_space<vmem>>)
    %dma_start3A_109 = arith.constant 3 : i32
    %dma_start3A_110 = arith.constant 1 : i32
    %dma_start3A_111 = arith.constant 1 : i32
    %dma_start3A_112 = arith.constant 0 : i32
    %dma_start3A_113 = tpu.memref_slice %arg7[%dma_start3A_110, %dma_start3A_112] : memref<2x640xf32, #tpu.memory_space<vmem>> -> memref<1x640xf32, #tpu.memory_space<vmem>>
    %dma_start3A_114 = tpu.memref_squeeze %dma_start3A_113 : memref<1x640xf32, #tpu.memory_space<vmem>> -> memref<640xf32, #tpu.memory_space<vmem>>
    %dma_start3A_115 = tpu.memref_slice %arg8[%dma_start3A_109, %mul3A_43] : memref<16x10240xf32, #tpu.memory_space<vmem_shared>> -> memref<1x640xf32, #tpu.memory_space<vmem_shared>>
    %dma_start3A_116 = tpu.memref_squeeze %dma_start3A_115 : memref<1x640xf32, #tpu.memory_space<vmem_shared>> -> memref<640xf32, #tpu.memory_space<vmem_shared>>
    %dma_start3A_117 = tpu.memref_slice %arg9[%dma_start3A_111] : memref<2x!tpu.dma_semaphore, #tpu.memory_space<semaphore_mem>> -> memref<1x!tpu.dma_semaphore, #tpu.memory_space<semaphore_mem>>
    %dma_start3A_118 = tpu.memref_squeeze %dma_start3A_117 : memref<1x!tpu.dma_semaphore, #tpu.memory_space<semaphore_mem>> -> memref<!tpu.dma_semaphore, #tpu.memory_space<semaphore_mem>>
    %dma_start3A_119 = arith.constant 0 : i32
    %dma_start3A_120 = tpu.memref_slice %arg7[%dma_start3A_110, %dma_start3A_119] : memref<2x640xf32, #tpu.memory_space<vmem>> -> memref<1x640xf32, #tpu.memory_space<vmem>>
    %dma_start3A_121 = tpu.memref_squeeze %dma_start3A_120 : memref<1x640xf32, #tpu.memory_space<vmem>> -> memref<640xf32, #tpu.memory_space<vmem>>
    %dma_start3A_122 = tpu.memref_slice %arg8[%dma_start3A_109, %mul3A_43] : memref<16x10240xf32, #tpu.memory_space<vmem_shared>> -> memref<1x640xf32, #tpu.memory_space<vmem_shared>>
    %dma_start3A_123 = tpu.memref_squeeze %dma_start3A_122 : memref<1x640xf32, #tpu.memory_space<vmem_shared>> -> memref<640xf32, #tpu.memory_space<vmem_shared>>
    tpu.enqueue_dma source(%dma_start3A_123 : memref<640xf32, #tpu.memory_space<vmem_shared>>) target(%dma_start3A_121 : memref<640xf32, #tpu.memory_space<vmem>>) target_semaphore(%dma_start3A_118 : memref<!tpu.dma_semaphore, #tpu.memory_space<semaphore_mem>>)
    %scan3A_124 = arith.constant 0 : i32
    %scan3A_125 = arith.constant 40 : i32
    %scan3A_126 = arith.addi %scan3A_124, %scan3A_125 : i32
    %scan3A_127 = arith.constant 4 : i32
    scf.for %scan3A_572 = %scan3A_124 to %scan3A_126 step %scan3A_127  : i32 {
      %mul3A_573 = arith.constant 1 : i32
      %mul3A_574 = arith.muli %scan3A_572, %mul3A_573 : i32
      %add3A_575 = arith.constant 0 : i32
      %add3A_576 = arith.addi %add3A_575, %mul3A_574 : i32
      %mul3A_577 = arith.constant 16 : i32
      %mul3A_578 = arith.muli %add3A_576, %mul3A_577 : i32
      %get3A_579 = arith.index_cast %mul3A_578 : i32 to index
      %get3A_580 = tpu.vector_load %arg6[%get3A_579] {strides = array<i32>} : memref<640xf32, #tpu.memory_space<vmem>>, vector<16xf32>,
      %get3A_581 = arith.constant 0 : i32
      %get3A_582 = arith.index_cast %get3A_581 : i32 to index
      %get3A_583 = arith.index_cast %mul3A_578 : i32 to index
      %get3A_584 = tpu.vector_load %arg7[%get3A_582, %get3A_583] {strides = array<i32>} : memref<2x640xf32, #tpu.memory_space<vmem>>, vector<16xf32>,
      %add3A_585 = arith.addf %get3A_580, %get3A_584 : vector<16xf32>
      %swap3A = arith.index_cast %mul3A_578 : i32 to index
      %swap3A_586 = tpu.vector_load %arg6[%swap3A] {strides = array<i32>} : memref<640xf32, #tpu.memory_space<vmem>>, vector<16xf32>,
      tpu.vector_store %arg6[%swap3A], %add3A_585 {strides = array<i32>} : memref<640xf32, #tpu.memory_space<vmem>>, vector<16xf32>,
      %scan3A_587 = arith.constant 1 : i32
      %scan3A_588 = arith.addi %scan3A_572, %scan3A_587 : i32
      %mul3A_589 = arith.constant 1 : i32
      %mul3A_590 = arith.muli %scan3A_588, %mul3A_589 : i32
      %add3A_591 = arith.constant 0 : i32
      %add3A_592 = arith.addi %add3A_591, %mul3A_590 : i32
      %mul3A_593 = arith.constant 16 : i32
      %mul3A_594 = arith.muli %add3A_592, %mul3A_593 : i32
      %get3A_595 = arith.index_cast %mul3A_594 : i32 to index
      %get3A_596 = tpu.vector_load %arg6[%get3A_595] {strides = array<i32>} : memref<640xf32, #tpu.memory_space<vmem>>, vector<16xf32>,
      %get3A_597 = arith.constant 0 : i32
      %get3A_598 = arith.index_cast %get3A_597 : i32 to index
      %get3A_599 = arith.index_cast %mul3A_594 : i32 to index
      %get3A_600 = tpu.vector_load %arg7[%get3A_598, %get3A_599] {strides = array<i32>} : memref<2x640xf32, #tpu.memory_space<vmem>>, vector<16xf32>,
      %add3A_601 = arith.addf %get3A_596, %get3A_600 : vector<16xf32>
      %swap3A_602 = arith.index_cast %mul3A_594 : i32 to index
      %swap3A_603 = tpu.vector_load %arg6[%swap3A_602] {strides = array<i32>} : memref<640xf32, #tpu.memory_space<vmem>>, vector<16xf32>,
      tpu.vector_store %arg6[%swap3A_602], %add3A_601 {strides = array<i32>} : memref<640xf32, #tpu.memory_space<vmem>>, vector<16xf32>,
      %scan3A_604 = arith.constant 2 : i32
      %scan3A_605 = arith.addi %scan3A_572, %scan3A_604 : i32
      %mul3A_606 = arith.constant 1 : i32
      %mul3A_607 = arith.muli %scan3A_605, %mul3A_606 : i32
      %add3A_608 = arith.constant 0 : i32
      %add3A_609 = arith.addi %add3A_608, %mul3A_607 : i32
      %mul3A_610 = arith.constant 16 : i32
      %mul3A_611 = arith.muli %add3A_609, %mul3A_610 : i32
      %get3A_612 = arith.index_cast %mul3A_611 : i32 to index
      %get3A_613 = tpu.vector_load %arg6[%get3A_612] {strides = array<i32>} : memref<640xf32, #tpu.memory_space<vmem>>, vector<16xf32>,
      %get3A_614 = arith.constant 0 : i32
      %get3A_615 = arith.index_cast %get3A_614 : i32 to index
      %get3A_616 = arith.index_cast %mul3A_611 : i32 to index
      %get3A_617 = tpu.vector_load %arg7[%get3A_615, %get3A_616] {strides = array<i32>} : memref<2x640xf32, #tpu.memory_space<vmem>>, vector<16xf32>,
      %add3A_618 = arith.addf %get3A_613, %get3A_617 : vector<16xf32>
      %swap3A_619 = arith.index_cast %mul3A_611 : i32 to index
      %swap3A_620 = tpu.vector_load %arg6[%swap3A_619] {strides = array<i32>} : memref<640xf32, #tpu.memory_space<vmem>>, vector<16xf32>,
      tpu.vector_store %arg6[%swap3A_619], %add3A_618 {strides = array<i32>} : memref<640xf32, #tpu.memory_space<vmem>>, vector<16xf32>,
      %scan3A_621 = arith.constant 3 : i32
      %scan3A_622 = arith.addi %scan3A_572, %scan3A_621 : i32
      %mul3A_623 = arith.constant 1 : i32
      %mul3A_624 = arith.muli %scan3A_622, %mul3A_623 : i32
      %add3A_625 = arith.constant 0 : i32
      %add3A_626 = arith.addi %add3A_625, %mul3A_624 : i32
      %mul3A_627 = arith.constant 16 : i32
      %mul3A_628 = arith.muli %add3A_626, %mul3A_627 : i32
      %get3A_629 = arith.index_cast %mul3A_628 : i32 to index
      %get3A_630 = tpu.vector_load %arg6[%get3A_629] {strides = array<i32>} : memref<640xf32, #tpu.memory_space<vmem>>, vector<16xf32>,
      %get3A_631 = arith.constant 0 : i32
      %get3A_632 = arith.index_cast %get3A_631 : i32 to index
      %get3A_633 = arith.index_cast %mul3A_628 : i32 to index
      %get3A_634 = tpu.vector_load %arg7[%get3A_632, %get3A_633] {strides = array<i32>} : memref<2x640xf32, #tpu.memory_space<vmem>>, vector<16xf32>,
      %add3A_635 = arith.addf %get3A_630, %get3A_634 : vector<16xf32>
      %swap3A_636 = arith.index_cast %mul3A_628 : i32 to index
      %swap3A_637 = tpu.vector_load %arg6[%swap3A_636] {strides = array<i32>} : memref<640xf32, #tpu.memory_space<vmem>>, vector<16xf32>,
      tpu.vector_store %arg6[%swap3A_636], %add3A_635 {strides = array<i32>} : memref<640xf32, #tpu.memory_space<vmem>>, vector<16xf32>,
    }
    %scan3A_128 = arith.constant 40 : i32
    %dma_wait3A_129 = arith.constant 3 : i32
    %dma_wait3A_130 = arith.constant 1 : i32
    %dma_wait3A_131 = arith.constant 1 : i32
    %dma_wait3A_132 = arith.constant 0 : i32
    %dma_wait3A_133 = tpu.memref_slice %arg7[%dma_wait3A_130, %dma_wait3A_132] : memref<2x640xf32, #tpu.memory_space<vmem>> -> memref<1x640xf32, #tpu.memory_space<vmem>>
    %dma_wait3A_134 = tpu.memref_squeeze %dma_wait3A_133 : memref<1x640xf32, #tpu.memory_space<vmem>> -> memref<640xf32, #tpu.memory_space<vmem>>
    %dma_wait3A_135 = tpu.memref_slice %arg8[%dma_wait3A_129, %mul3A_43] : memref<16x10240xf32, #tpu.memory_space<vmem_shared>> -> memref<1x640xf32, #tpu.memory_space<vmem_shared>>
    %dma_wait3A_136 = tpu.memref_squeeze %dma_wait3A_135 : memref<1x640xf32, #tpu.memory_space<vmem_shared>> -> memref<640xf32, #tpu.memory_space<vmem_shared>>
    %dma_wait3A_137 = tpu.memref_slice %arg9[%dma_wait3A_131] : memref<2x!tpu.dma_semaphore, #tpu.memory_space<semaphore_mem>> -> memref<1x!tpu.dma_semaphore, #tpu.memory_space<semaphore_mem>>
    %dma_wait3A_138 = tpu.memref_squeeze %dma_wait3A_137 : memref<1x!tpu.dma_semaphore, #tpu.memory_space<semaphore_mem>> -> memref<!tpu.dma_semaphore, #tpu.memory_space<semaphore_mem>>
    %dma_wait3A_139 = arith.constant 0 : i32
    %dma_wait3A_140 = tpu.memref_slice %arg7[%dma_wait3A_130, %dma_wait3A_139] : memref<2x640xf32, #tpu.memory_space<vmem>> -> memref<1x640xf32, #tpu.memory_space<vmem>>
    %dma_wait3A_141 = tpu.memref_squeeze %dma_wait3A_140 : memref<1x640xf32, #tpu.memory_space<vmem>> -> memref<640xf32, #tpu.memory_space<vmem>>
    %dma_wait3A_142 = tpu.memref_slice %arg8[%dma_wait3A_129, %mul3A_43] : memref<16x10240xf32, #tpu.memory_space<vmem_shared>> -> memref<1x640xf32, #tpu.memory_space<vmem_shared>>
    %dma_wait3A_143 = tpu.memref_squeeze %dma_wait3A_142 : memref<1x640xf32, #tpu.memory_space<vmem_shared>> -> memref<640xf32, #tpu.memory_space<vmem_shared>>
    tpu.wait_dma2 semaphore(%dma_wait3A_138 : memref<!tpu.dma_semaphore, #tpu.memory_space<semaphore_mem>>) src(%dma_wait3A_143 : memref<640xf32, #tpu.memory_space<vmem_shared>>) dst(%dma_wait3A_141 : memref<640xf32, #tpu.memory_space<vmem>>)
    %dma_start3A_144 = arith.constant 4 : i32
    %dma_start3A_145 = arith.constant 0 : i32
    %dma_start3A_146 = arith.constant 0 : i32
    %dma_start3A_147 = arith.constant 0 : i32
    %dma_start3A_148 = tpu.memref_slice %arg7[%dma_start3A_145, %dma_start3A_147] : memref<2x640xf32, #tpu.memory_space<vmem>> -> memref<1x640xf32, #tpu.memory_space<vmem>>
    %dma_start3A_149 = tpu.memref_squeeze %dma_start3A_148 : memref<1x640xf32, #tpu.memory_space<vmem>> -> memref<640xf32, #tpu.memory_space<vmem>>
    %dma_start3A_150 = tpu.memref_slice %arg8[%dma_start3A_144, %mul3A_43] : memref<16x10240xf32, #tpu.memory_space<vmem_shared>> -> memref<1x640xf32, #tpu.memory_space<vmem_shared>>
    %dma_start3A_151 = tpu.memref_squeeze %dma_start3A_150 : memref<1x640xf32, #tpu.memory_space<vmem_shared>> -> memref<640xf32, #tpu.memory_space<vmem_shared>>
    %dma_start3A_152 = tpu.memref_slice %arg9[%dma_start3A_146] : memref<2x!tpu.dma_semaphore, #tpu.memory_space<semaphore_mem>> -> memref<1x!tpu.dma_semaphore, #tpu.memory_space<semaphore_mem>>
    %dma_start3A_153 = tpu.memref_squeeze %dma_start3A_152 : memref<1x!tpu.dma_semaphore, #tpu.memory_space<semaphore_mem>> -> memref<!tpu.dma_semaphore, #tpu.memory_space<semaphore_mem>>
    %dma_start3A_154 = arith.constant 0 : i32
    %dma_start3A_155 = tpu.memref_slice %arg7[%dma_start3A_145, %dma_start3A_154] : memref<2x640xf32, #tpu.memory_space<vmem>> -> memref<1x640xf32, #tpu.memory_space<vmem>>
    %dma_start3A_156 = tpu.memref_squeeze %dma_start3A_155 : memref<1x640xf32, #tpu.memory_space<vmem>> -> memref<640xf32, #tpu.memory_space<vmem>>
    %dma_start3A_157 = tpu.memref_slice %arg8[%dma_start3A_144, %mul3A_43] : memref<16x10240xf32, #tpu.memory_space<vmem_shared>> -> memref<1x640xf32, #tpu.memory_space<vmem_shared>>
    %dma_start3A_158 = tpu.memref_squeeze %dma_start3A_157 : memref<1x640xf32, #tpu.memory_space<vmem_shared>> -> memref<640xf32, #tpu.memory_space<vmem_shared>>
    tpu.enqueue_dma source(%dma_start3A_158 : memref<640xf32, #tpu.memory_space<vmem_shared>>) target(%dma_start3A_156 : memref<640xf32, #tpu.memory_space<vmem>>) target_semaphore(%dma_start3A_153 : memref<!tpu.dma_semaphore, #tpu.memory_space<semaphore_mem>>)
    %scan3A_159 = arith.constant 0 : i32
    %scan3A_160 = arith.constant 40 : i32
    %scan3A_161 = arith.addi %scan3A_159, %scan3A_160 : i32
    %scan3A_162 = arith.constant 4 : i32
    scf.for %scan3A_572 = %scan3A_159 to %scan3A_161 step %scan3A_162  : i32 {
      %mul3A_573 = arith.constant 1 : i32
      %mul3A_574 = arith.muli %scan3A_572, %mul3A_573 : i32
      %add3A_575 = arith.constant 0 : i32
      %add3A_576 = arith.addi %add3A_575, %mul3A_574 : i32
      %mul3A_577 = arith.constant 16 : i32
      %mul3A_578 = arith.muli %add3A_576, %mul3A_577 : i32
      %get3A_579 = arith.index_cast %mul3A_578 : i32 to index
      %get3A_580 = tpu.vector_load %arg6[%get3A_579] {strides = array<i32>} : memref<640xf32, #tpu.memory_space<vmem>>, vector<16xf32>,
      %get3A_581 = arith.constant 1 : i32
      %get3A_582 = arith.index_cast %get3A_581 : i32 to index
      %get3A_583 = arith.index_cast %mul3A_578 : i32 to index
      %get3A_584 = tpu.vector_load %arg7[%get3A_582, %get3A_583] {strides = array<i32>} : memref<2x640xf32, #tpu.memory_space<vmem>>, vector<16xf32>,
      %add3A_585 = arith.addf %get3A_580, %get3A_584 : vector<16xf32>
      %swap3A = arith.index_cast %mul3A_578 : i32 to index
      %swap3A_586 = tpu.vector_load %arg6[%swap3A] {strides = array<i32>} : memref<640xf32, #tpu.memory_space<vmem>>, vector<16xf32>,
      tpu.vector_store %arg6[%swap3A], %add3A_585 {strides = array<i32>} : memref<640xf32, #tpu.memory_space<vmem>>, vector<16xf32>,
      %scan3A_587 = arith.constant 1 : i32
      %scan3A_588 = arith.addi %scan3A_572, %scan3A_587 : i32
      %mul3A_589 = arith.constant 1 : i32
      %mul3A_590 = arith.muli %scan3A_588, %mul3A_589 : i32
      %add3A_591 = arith.constant 0 : i32
      %add3A_592 = arith.addi %add3A_591, %mul3A_590 : i32
      %mul3A_593 = arith.constant 16 : i32
      %mul3A_594 = arith.muli %add3A_592, %mul3A_593 : i32
      %get3A_595 = arith.index_cast %mul3A_594 : i32 to index
      %get3A_596 = tpu.vector_load %arg6[%get3A_595] {strides = array<i32>} : memref<640xf32, #tpu.memory_space<vmem>>, vector<16xf32>,
      %get3A_597 = arith.constant 1 : i32
      %get3A_598 = arith.index_cast %get3A_597 : i32 to index
      %get3A_599 = arith.index_cast %mul3A_594 : i32 to index
      %get3A_600 = tpu.vector_load %arg7[%get3A_598, %get3A_599] {strides = array<i32>} : memref<2x640xf32, #tpu.memory_space<vmem>>, vector<16xf32>,
      %add3A_601 = arith.addf %get3A_596, %get3A_600 : vector<16xf32>
      %swap3A_602 = arith.index_cast %mul3A_594 : i32 to index
      %swap3A_603 = tpu.vector_load %arg6[%swap3A_602] {strides = array<i32>} : memref<640xf32, #tpu.memory_space<vmem>>, vector<16xf32>,
      tpu.vector_store %arg6[%swap3A_602], %add3A_601 {strides = array<i32>} : memref<640xf32, #tpu.memory_space<vmem>>, vector<16xf32>,
      %scan3A_604 = arith.constant 2 : i32
      %scan3A_605 = arith.addi %scan3A_572, %scan3A_604 : i32
      %mul3A_606 = arith.constant 1 : i32
      %mul3A_607 = arith.muli %scan3A_605, %mul3A_606 : i32
      %add3A_608 = arith.constant 0 : i32
      %add3A_609 = arith.addi %add3A_608, %mul3A_607 : i32
      %mul3A_610 = arith.constant 16 : i32
      %mul3A_611 = arith.muli %add3A_609, %mul3A_610 : i32
      %get3A_612 = arith.index_cast %mul3A_611 : i32 to index
      %get3A_613 = tpu.vector_load %arg6[%get3A_612] {strides = array<i32>} : memref<640xf32, #tpu.memory_space<vmem>>, vector<16xf32>,
      %get3A_614 = arith.constant 1 : i32
      %get3A_615 = arith.index_cast %get3A_614 : i32 to index
      %get3A_616 = arith.index_cast %mul3A_611 : i32 to index
      %get3A_617 = tpu.vector_load %arg7[%get3A_615, %get3A_616] {strides = array<i32>} : memref<2x640xf32, #tpu.memory_space<vmem>>, vector<16xf32>,
      %add3A_618 = arith.addf %get3A_613, %get3A_617 : vector<16xf32>
      %swap3A_619 = arith.index_cast %mul3A_611 : i32 to index
      %swap3A_620 = tpu.vector_load %arg6[%swap3A_619] {strides = array<i32>} : memref<640xf32, #tpu.memory_space<vmem>>, vector<16xf32>,
      tpu.vector_store %arg6[%swap3A_619], %add3A_618 {strides = array<i32>} : memref<640xf32, #tpu.memory_space<vmem>>, vector<16xf32>,
      %scan3A_621 = arith.constant 3 : i32
      %scan3A_622 = arith.addi %scan3A_572, %scan3A_621 : i32
      %mul3A_623 = arith.constant 1 : i32
      %mul3A_624 = arith.muli %scan3A_622, %mul3A_623 : i32
      %add3A_625 = arith.constant 0 : i32
      %add3A_626 = arith.addi %add3A_625, %mul3A_624 : i32
      %mul3A_627 = arith.constant 16 : i32
      %mul3A_628 = arith.muli %add3A_626, %mul3A_627 : i32
      %get3A_629 = arith.index_cast %mul3A_628 : i32 to index
      %get3A_630 = tpu.vector_load %arg6[%get3A_629] {strides = array<i32>} : memref<640xf32, #tpu.memory_space<vmem>>, vector<16xf32>,
      %get3A_631 = arith.constant 1 : i32
      %get3A_632 = arith.index_cast %get3A_631 : i32 to index
      %get3A_633 = arith.index_cast %mul3A_628 : i32 to index
      %get3A_634 = tpu.vector_load %arg7[%get3A_632, %get3A_633] {strides = array<i32>} : memref<2x640xf32, #tpu.memory_space<vmem>>, vector<16xf32>,
      %add3A_635 = arith.addf %get3A_630, %get3A_634 : vector<16xf32>
      %swap3A_636 = arith.index_cast %mul3A_628 : i32 to index
      %swap3A_637 = tpu.vector_load %arg6[%swap3A_636] {strides = array<i32>} : memref<640xf32, #tpu.memory_space<vmem>>, vector<16xf32>,
      tpu.vector_store %arg6[%swap3A_636], %add3A_635 {strides = array<i32>} : memref<640xf32, #tpu.memory_space<vmem>>, vector<16xf32>,
    }
    %scan3A_163 = arith.constant 40 : i32
    %dma_wait3A_164 = arith.constant 4 : i32
    %dma_wait3A_165 = arith.constant 0 : i32
    %dma_wait3A_166 = arith.constant 0 : i32
    %dma_wait3A_167 = arith.constant 0 : i32
    %dma_wait3A_168 = tpu.memref_slice %arg7[%dma_wait3A_165, %dma_wait3A_167] : memref<2x640xf32, #tpu.memory_space<vmem>> -> memref<1x640xf32, #tpu.memory_space<vmem>>
    %dma_wait3A_169 = tpu.memref_squeeze %dma_wait3A_168 : memref<1x640xf32, #tpu.memory_space<vmem>> -> memref<640xf32, #tpu.memory_space<vmem>>
    %dma_wait3A_170 = tpu.memref_slice %arg8[%dma_wait3A_164, %mul3A_43] : memref<16x10240xf32, #tpu.memory_space<vmem_shared>> -> memref<1x640xf32, #tpu.memory_space<vmem_shared>>
    %dma_wait3A_171 = tpu.memref_squeeze %dma_wait3A_170 : memref<1x640xf32, #tpu.memory_space<vmem_shared>> -> memref<640xf32, #tpu.memory_space<vmem_shared>>
    %dma_wait3A_172 = tpu.memref_slice %arg9[%dma_wait3A_166] : memref<2x!tpu.dma_semaphore, #tpu.memory_space<semaphore_mem>> -> memref<1x!tpu.dma_semaphore, #tpu.memory_space<semaphore_mem>>
    %dma_wait3A_173 = tpu.memref_squeeze %dma_wait3A_172 : memref<1x!tpu.dma_semaphore, #tpu.memory_space<semaphore_mem>> -> memref<!tpu.dma_semaphore, #tpu.memory_space<semaphore_mem>>
    %dma_wait3A_174 = arith.constant 0 : i32
    %dma_wait3A_175 = tpu.memref_slice %arg7[%dma_wait3A_165, %dma_wait3A_174] : memref<2x640xf32, #tpu.memory_space<vmem>> -> memref<1x640xf32, #tpu.memory_space<vmem>>
    %dma_wait3A_176 = tpu.memref_squeeze %dma_wait3A_175 : memref<1x640xf32, #tpu.memory_space<vmem>> -> memref<640xf32, #tpu.memory_space<vmem>>
    %dma_wait3A_177 = tpu.memref_slice %arg8[%dma_wait3A_164, %mul3A_43] : memref<16x10240xf32, #tpu.memory_space<vmem_shared>> -> memref<1x640xf32, #tpu.memory_space<vmem_shared>>
    %dma_wait3A_178 = tpu.memref_squeeze %dma_wait3A_177 : memref<1x640xf32, #tpu.memory_space<vmem_shared>> -> memref<640xf32, #tpu.memory_space<vmem_shared>>
    tpu.wait_dma2 semaphore(%dma_wait3A_173 : memref<!tpu.dma_semaphore, #tpu.memory_space<semaphore_mem>>) src(%dma_wait3A_178 : memref<640xf32, #tpu.memory_space<vmem_shared>>) dst(%dma_wait3A_176 : memref<640xf32, #tpu.memory_space<vmem>>)
    %dma_start3A_179 = arith.constant 5 : i32
    %dma_start3A_180 = arith.constant 1 : i32
    %dma_start3A_181 = arith.constant 1 : i32
    %dma_start3A_182 = arith.constant 0 : i32
    %dma_start3A_183 = tpu.memref_slice %arg7[%dma_start3A_180, %dma_start3A_182] : memref<2x640xf32, #tpu.memory_space<vmem>> -> memref<1x640xf32, #tpu.memory_space<vmem>>
    %dma_start3A_184 = tpu.memref_squeeze %dma_start3A_183 : memref<1x640xf32, #tpu.memory_space<vmem>> -> memref<640xf32, #tpu.memory_space<vmem>>
    %dma_start3A_185 = tpu.memref_slice %arg8[%dma_start3A_179, %mul3A_43] : memref<16x10240xf32, #tpu.memory_space<vmem_shared>> -> memref<1x640xf32, #tpu.memory_space<vmem_shared>>
    %dma_start3A_186 = tpu.memref_squeeze %dma_start3A_185 : memref<1x640xf32, #tpu.memory_space<vmem_shared>> -> memref<640xf32, #tpu.memory_space<vmem_shared>>
    %dma_start3A_187 = tpu.memref_slice %arg9[%dma_start3A_181] : memref<2x!tpu.dma_semaphore, #tpu.memory_space<semaphore_mem>> -> memref<1x!tpu.dma_semaphore, #tpu.memory_space<semaphore_mem>>
    %dma_start3A_188 = tpu.memref_squeeze %dma_start3A_187 : memref<1x!tpu.dma_semaphore, #tpu.memory_space<semaphore_mem>> -> memref<!tpu.dma_semaphore, #tpu.memory_space<semaphore_mem>>
    %dma_start3A_189 = arith.constant 0 : i32
    %dma_start3A_190 = tpu.memref_slice %arg7[%dma_start3A_180, %dma_start3A_189] : memref<2x640xf32, #tpu.memory_space<vmem>> -> memref<1x640xf32, #tpu.memory_space<vmem>>
    %dma_start3A_191 = tpu.memref_squeeze %dma_start3A_190 : memref<1x640xf32, #tpu.memory_space<vmem>> -> memref<640xf32, #tpu.memory_space<vmem>>
    %dma_start3A_192 = tpu.memref_slice %arg8[%dma_start3A_179, %mul3A_43] : memref<16x10240xf32, #tpu.memory_space<vmem_shared>> -> memref<1x640xf32, #tpu.memory_space<vmem_shared>>
    %dma_start3A_193 = tpu.memref_squeeze %dma_start3A_192 : memref<1x640xf32, #tpu.memory_space<vmem_shared>> -> memref<640xf32, #tpu.memory_space<vmem_shared>>
    tpu.enqueue_dma source(%dma_start3A_193 : memref<640xf32, #tpu.memory_space<vmem_shared>>) target(%dma_start3A_191 : memref<640xf32, #tpu.memory_space<vmem>>) target_semaphore(%dma_start3A_188 : memref<!tpu.dma_semaphore, #tpu.memory_space<semaphore_mem>>)
    %scan3A_194 = arith.constant 0 : i32
    %scan3A_195 = arith.constant 40 : i32
    %scan3A_196 = arith.addi %scan3A_194, %scan3A_195 : i32
    %scan3A_197 = arith.constant 4 : i32
    scf.for %scan3A_572 = %scan3A_194 to %scan3A_196 step %scan3A_197  : i32 {
      %mul3A_573 = arith.constant 1 : i32
      %mul3A_574 = arith.muli %scan3A_572, %mul3A_573 : i32
      %add3A_575 = arith.constant 0 : i32
      %add3A_576 = arith.addi %add3A_575, %mul3A_574 : i32
      %mul3A_577 = arith.constant 16 : i32
      %mul3A_578 = arith.muli %add3A_576, %mul3A_577 : i32
      %get3A_579 = arith.index_cast %mul3A_578 : i32 to index
      %get3A_580 = tpu.vector_load %arg6[%get3A_579] {strides = array<i32>} : memref<640xf32, #tpu.memory_space<vmem>>, vector<16xf32>,
      %get3A_581 = arith.constant 0 : i32
      %get3A_582 = arith.index_cast %get3A_581 : i32 to index
      %get3A_583 = arith.index_cast %mul3A_578 : i32 to index
      %get3A_584 = tpu.vector_load %arg7[%get3A_582, %get3A_583] {strides = array<i32>} : memref<2x640xf32, #tpu.memory_space<vmem>>, vector<16xf32>,
      %add3A_585 = arith.addf %get3A_580, %get3A_584 : vector<16xf32>
      %swap3A = arith.index_cast %mul3A_578 : i32 to index
      %swap3A_586 = tpu.vector_load %arg6[%swap3A] {strides = array<i32>} : memref<640xf32, #tpu.memory_space<vmem>>, vector<16xf32>,
      tpu.vector_store %arg6[%swap3A], %add3A_585 {strides = array<i32>} : memref<640xf32, #tpu.memory_space<vmem>>, vector<16xf32>,
      %scan3A_587 = arith.constant 1 : i32
      %scan3A_588 = arith.addi %scan3A_572, %scan3A_587 : i32
      %mul3A_589 = arith.constant 1 : i32
      %mul3A_590 = arith.muli %scan3A_588, %mul3A_589 : i32
      %add3A_591 = arith.constant 0 : i32
      %add3A_592 = arith.addi %add3A_591, %mul3A_590 : i32
      %mul3A_593 = arith.constant 16 : i32
      %mul3A_594 = arith.muli %add3A_592, %mul3A_593 : i32
      %get3A_595 = arith.index_cast %mul3A_594 : i32 to index
      %get3A_596 = tpu.vector_load %arg6[%get3A_595] {strides = array<i32>} : memref<640xf32, #tpu.memory_space<vmem>>, vector<16xf32>,
      %get3A_597 = arith.constant 0 : i32
      %get3A_598 = arith.index_cast %get3A_597 : i32 to index
      %get3A_599 = arith.index_cast %mul3A_594 : i32 to index
      %get3A_600 = tpu.vector_load %arg7[%get3A_598, %get3A_599] {strides = array<i32>} : memref<2x640xf32, #tpu.memory_space<vmem>>, vector<16xf32>,
      %add3A_601 = arith.addf %get3A_596, %get3A_600 : vector<16xf32>
      %swap3A_602 = arith.index_cast %mul3A_594 : i32 to index
      %swap3A_603 = tpu.vector_load %arg6[%swap3A_602] {strides = array<i32>} : memref<640xf32, #tpu.memory_space<vmem>>, vector<16xf32>,
      tpu.vector_store %arg6[%swap3A_602], %add3A_601 {strides = array<i32>} : memref<640xf32, #tpu.memory_space<vmem>>, vector<16xf32>,
      %scan3A_604 = arith.constant 2 : i32
      %scan3A_605 = arith.addi %scan3A_572, %scan3A_604 : i32
      %mul3A_606 = arith.constant 1 : i32
      %mul3A_607 = arith.muli %scan3A_605, %mul3A_606 : i32
      %add3A_608 = arith.constant 0 : i32
      %add3A_609 = arith.addi %add3A_608, %mul3A_607 : i32
      %mul3A_610 = arith.constant 16 : i32
      %mul3A_611 = arith.muli %add3A_609, %mul3A_610 : i32
      %get3A_612 = arith.index_cast %mul3A_611 : i32 to index
      %get3A_613 = tpu.vector_load %arg6[%get3A_612] {strides = array<i32>} : memref<640xf32, #tpu.memory_space<vmem>>, vector<16xf32>,
      %get3A_614 = arith.constant 0 : i32
      %get3A_615 = arith.index_cast %get3A_614 : i32 to index
      %get3A_616 = arith.index_cast %mul3A_611 : i32 to index
      %get3A_617 = tpu.vector_load %arg7[%get3A_615, %get3A_616] {strides = array<i32>} : memref<2x640xf32, #tpu.memory_space<vmem>>, vector<16xf32>,
      %add3A_618 = arith.addf %get3A_613, %get3A_617 : vector<16xf32>
      %swap3A_619 = arith.index_cast %mul3A_611 : i32 to index
      %swap3A_620 = tpu.vector_load %arg6[%swap3A_619] {strides = array<i32>} : memref<640xf32, #tpu.memory_space<vmem>>, vector<16xf32>,
      tpu.vector_store %arg6[%swap3A_619], %add3A_618 {strides = array<i32>} : memref<640xf32, #tpu.memory_space<vmem>>, vector<16xf32>,
      %scan3A_621 = arith.constant 3 : i32
      %scan3A_622 = arith.addi %scan3A_572, %scan3A_621 : i32
      %mul3A_623 = arith.constant 1 : i32
      %mul3A_624 = arith.muli %scan3A_622, %mul3A_623 : i32
      %add3A_625 = arith.constant 0 : i32
      %add3A_626 = arith.addi %add3A_625, %mul3A_624 : i32
      %mul3A_627 = arith.constant 16 : i32
      %mul3A_628 = arith.muli %add3A_626, %mul3A_627 : i32
      %get3A_629 = arith.index_cast %mul3A_628 : i32 to index
      %get3A_630 = tpu.vector_load %arg6[%get3A_629] {strides = array<i32>} : memref<640xf32, #tpu.memory_space<vmem>>, vector<16xf32>,
      %get3A_631 = arith.constant 0 : i32
      %get3A_632 = arith.index_cast %get3A_631 : i32 to index
      %get3A_633 = arith.index_cast %mul3A_628 : i32 to index
      %get3A_634 = tpu.vector_load %arg7[%get3A_632, %get3A_633] {strides = array<i32>} : memref<2x640xf32, #tpu.memory_space<vmem>>, vector<16xf32>,
      %add3A_635 = arith.addf %get3A_630, %get3A_634 : vector<16xf32>
      %swap3A_636 = arith.index_cast %mul3A_628 : i32 to index
      %swap3A_637 = tpu.vector_load %arg6[%swap3A_636] {strides = array<i32>} : memref<640xf32, #tpu.memory_space<vmem>>, vector<16xf32>,
      tpu.vector_store %arg6[%swap3A_636], %add3A_635 {strides = array<i32>} : memref<640xf32, #tpu.memory_space<vmem>>, vector<16xf32>,
    }
    %scan3A_198 = arith.constant 40 : i32
    %dma_wait3A_199 = arith.constant 5 : i32
    %dma_wait3A_200 = arith.constant 1 : i32
    %dma_wait3A_201 = arith.constant 1 : i32
    %dma_wait3A_202 = arith.constant 0 : i32
    %dma_wait3A_203 = tpu.memref_slice %arg7[%dma_wait3A_200, %dma_wait3A_202] : memref<2x640xf32, #tpu.memory_space<vmem>> -> memref<1x640xf32, #tpu.memory_space<vmem>>
    %dma_wait3A_204 = tpu.memref_squeeze %dma_wait3A_203 : memref<1x640xf32, #tpu.memory_space<vmem>> -> memref<640xf32, #tpu.memory_space<vmem>>
    %dma_wait3A_205 = tpu.memref_slice %arg8[%dma_wait3A_199, %mul3A_43] : memref<16x10240xf32, #tpu.memory_space<vmem_shared>> -> memref<1x640xf32, #tpu.memory_space<vmem_shared>>
    %dma_wait3A_206 = tpu.memref_squeeze %dma_wait3A_205 : memref<1x640xf32, #tpu.memory_space<vmem_shared>> -> memref<640xf32, #tpu.memory_space<vmem_shared>>
    %dma_wait3A_207 = tpu.memref_slice %arg9[%dma_wait3A_201] : memref<2x!tpu.dma_semaphore, #tpu.memory_space<semaphore_mem>> -> memref<1x!tpu.dma_semaphore, #tpu.memory_space<semaphore_mem>>
    %dma_wait3A_208 = tpu.memref_squeeze %dma_wait3A_207 : memref<1x!tpu.dma_semaphore, #tpu.memory_space<semaphore_mem>> -> memref<!tpu.dma_semaphore, #tpu.memory_space<semaphore_mem>>
    %dma_wait3A_209 = arith.constant 0 : i32
    %dma_wait3A_210 = tpu.memref_slice %arg7[%dma_wait3A_200, %dma_wait3A_209] : memref<2x640xf32, #tpu.memory_space<vmem>> -> memref<1x640xf32, #tpu.memory_space<vmem>>
    %dma_wait3A_211 = tpu.memref_squeeze %dma_wait3A_210 : memref<1x640xf32, #tpu.memory_space<vmem>> -> memref<640xf32, #tpu.memory_space<vmem>>
    %dma_wait3A_212 = tpu.memref_slice %arg8[%dma_wait3A_199, %mul3A_43] : memref<16x10240xf32, #tpu.memory_space<vmem_shared>> -> memref<1x640xf32, #tpu.memory_space<vmem_shared>>
    %dma_wait3A_213 = tpu.memref_squeeze %dma_wait3A_212 : memref<1x640xf32, #tpu.memory_space<vmem_shared>> -> memref<640xf32, #tpu.memory_space<vmem_shared>>
    tpu.wait_dma2 semaphore(%dma_wait3A_208 : memref<!tpu.dma_semaphore, #tpu.memory_space<semaphore_mem>>) src(%dma_wait3A_213 : memref<640xf32, #tpu.memory_space<vmem_shared>>) dst(%dma_wait3A_211 : memref<640xf32, #tpu.memory_space<vmem>>)
    %dma_start3A_214 = arith.constant 6 : i32
    %dma_start3A_215 = arith.constant 0 : i32
    %dma_start3A_216 = arith.constant 0 : i32
    %dma_start3A_217 = arith.constant 0 : i32
    %dma_start3A_218 = tpu.memref_slice %arg7[%dma_start3A_215, %dma_start3A_217] : memref<2x640xf32, #tpu.memory_space<vmem>> -> memref<1x640xf32, #tpu.memory_space<vmem>>
    %dma_start3A_219 = tpu.memref_squeeze %dma_start3A_218 : memref<1x640xf32, #tpu.memory_space<vmem>> -> memref<640xf32, #tpu.memory_space<vmem>>
    %dma_start3A_220 = tpu.memref_slice %arg8[%dma_start3A_214, %mul3A_43] : memref<16x10240xf32, #tpu.memory_space<vmem_shared>> -> memref<1x640xf32, #tpu.memory_space<vmem_shared>>
    %dma_start3A_221 = tpu.memref_squeeze %dma_start3A_220 : memref<1x640xf32, #tpu.memory_space<vmem_shared>> -> memref<640xf32, #tpu.memory_space<vmem_shared>>
    %dma_start3A_222 = tpu.memref_slice %arg9[%dma_start3A_216] : memref<2x!tpu.dma_semaphore, #tpu.memory_space<semaphore_mem>> -> memref<1x!tpu.dma_semaphore, #tpu.memory_space<semaphore_mem>>
    %dma_start3A_223 = tpu.memref_squeeze %dma_start3A_222 : memref<1x!tpu.dma_semaphore, #tpu.memory_space<semaphore_mem>> -> memref<!tpu.dma_semaphore, #tpu.memory_space<semaphore_mem>>
    %dma_start3A_224 = arith.constant 0 : i32
    %dma_start3A_225 = tpu.memref_slice %arg7[%dma_start3A_215, %dma_start3A_224] : memref<2x640xf32, #tpu.memory_space<vmem>> -> memref<1x640xf32, #tpu.memory_space<vmem>>
    %dma_start3A_226 = tpu.memref_squeeze %dma_start3A_225 : memref<1x640xf32, #tpu.memory_space<vmem>> -> memref<640xf32, #tpu.memory_space<vmem>>
    %dma_start3A_227 = tpu.memref_slice %arg8[%dma_start3A_214, %mul3A_43] : memref<16x10240xf32, #tpu.memory_space<vmem_shared>> -> memref<1x640xf32, #tpu.memory_space<vmem_shared>>
    %dma_start3A_228 = tpu.memref_squeeze %dma_start3A_227 : memref<1x640xf32, #tpu.memory_space<vmem_shared>> -> memref<640xf32, #tpu.memory_space<vmem_shared>>
    tpu.enqueue_dma source(%dma_start3A_228 : memref<640xf32, #tpu.memory_space<vmem_shared>>) target(%dma_start3A_226 : memref<640xf32, #tpu.memory_space<vmem>>) target_semaphore(%dma_start3A_223 : memref<!tpu.dma_semaphore, #tpu.memory_space<semaphore_mem>>)
    %scan3A_229 = arith.constant 0 : i32
    %scan3A_230 = arith.constant 40 : i32
    %scan3A_231 = arith.addi %scan3A_229, %scan3A_230 : i32
    %scan3A_232 = arith.constant 4 : i32
    scf.for %scan3A_572 = %scan3A_229 to %scan3A_231 step %scan3A_232  : i32 {
      %mul3A_573 = arith.constant 1 : i32
      %mul3A_574 = arith.muli %scan3A_572, %mul3A_573 : i32
      %add3A_575 = arith.constant 0 : i32
      %add3A_576 = arith.addi %add3A_575, %mul3A_574 : i32
      %mul3A_577 = arith.constant 16 : i32
      %mul3A_578 = arith.muli %add3A_576, %mul3A_577 : i32
      %get3A_579 = arith.index_cast %mul3A_578 : i32 to index
      %get3A_580 = tpu.vector_load %arg6[%get3A_579] {strides = array<i32>} : memref<640xf32, #tpu.memory_space<vmem>>, vector<16xf32>,
      %get3A_581 = arith.constant 1 : i32
      %get3A_582 = arith.index_cast %get3A_581 : i32 to index
      %get3A_583 = arith.index_cast %mul3A_578 : i32 to index
      %get3A_584 = tpu.vector_load %arg7[%get3A_582, %get3A_583] {strides = array<i32>} : memref<2x640xf32, #tpu.memory_space<vmem>>, vector<16xf32>,
      %add3A_585 = arith.addf %get3A_580, %get3A_584 : vector<16xf32>
      %swap3A = arith.index_cast %mul3A_578 : i32 to index
      %swap3A_586 = tpu.vector_load %arg6[%swap3A] {strides = array<i32>} : memref<640xf32, #tpu.memory_space<vmem>>, vector<16xf32>,
      tpu.vector_store %arg6[%swap3A], %add3A_585 {strides = array<i32>} : memref<640xf32, #tpu.memory_space<vmem>>, vector<16xf32>,
      %scan3A_587 = arith.constant 1 : i32
      %scan3A_588 = arith.addi %scan3A_572, %scan3A_587 : i32
      %mul3A_589 = arith.constant 1 : i32
      %mul3A_590 = arith.muli %scan3A_588, %mul3A_589 : i32
      %add3A_591 = arith.constant 0 : i32
      %add3A_592 = arith.addi %add3A_591, %mul3A_590 : i32
      %mul3A_593 = arith.constant 16 : i32
      %mul3A_594 = arith.muli %add3A_592, %mul3A_593 : i32
      %get3A_595 = arith.index_cast %mul3A_594 : i32 to index
      %get3A_596 = tpu.vector_load %arg6[%get3A_595] {strides = array<i32>} : memref<640xf32, #tpu.memory_space<vmem>>, vector<16xf32>,
      %get3A_597 = arith.constant 1 : i32
      %get3A_598 = arith.index_cast %get3A_597 : i32 to index
      %get3A_599 = arith.index_cast %mul3A_594 : i32 to index
      %get3A_600 = tpu.vector_load %arg7[%get3A_598, %get3A_599] {strides = array<i32>} : memref<2x640xf32, #tpu.memory_space<vmem>>, vector<16xf32>,
      %add3A_601 = arith.addf %get3A_596, %get3A_600 : vector<16xf32>
      %swap3A_602 = arith.index_cast %mul3A_594 : i32 to index
      %swap3A_603 = tpu.vector_load %arg6[%swap3A_602] {strides = array<i32>} : memref<640xf32, #tpu.memory_space<vmem>>, vector<16xf32>,
      tpu.vector_store %arg6[%swap3A_602], %add3A_601 {strides = array<i32>} : memref<640xf32, #tpu.memory_space<vmem>>, vector<16xf32>,
      %scan3A_604 = arith.constant 2 : i32
      %scan3A_605 = arith.addi %scan3A_572, %scan3A_604 : i32
      %mul3A_606 = arith.constant 1 : i32
      %mul3A_607 = arith.muli %scan3A_605, %mul3A_606 : i32
      %add3A_608 = arith.constant 0 : i32
      %add3A_609 = arith.addi %add3A_608, %mul3A_607 : i32
      %mul3A_610 = arith.constant 16 : i32
      %mul3A_611 = arith.muli %add3A_609, %mul3A_610 : i32
      %get3A_612 = arith.index_cast %mul3A_611 : i32 to index
      %get3A_613 = tpu.vector_load %arg6[%get3A_612] {strides = array<i32>} : memref<640xf32, #tpu.memory_space<vmem>>, vector<16xf32>,
      %get3A_614 = arith.constant 1 : i32
      %get3A_615 = arith.index_cast %get3A_614 : i32 to index
      %get3A_616 = arith.index_cast %mul3A_611 : i32 to index
      %get3A_617 = tpu.vector_load %arg7[%get3A_615, %get3A_616] {strides = array<i32>} : memref<2x640xf32, #tpu.memory_space<vmem>>, vector<16xf32>,
      %add3A_618 = arith.addf %get3A_613, %get3A_617 : vector<16xf32>
      %swap3A_619 = arith.index_cast %mul3A_611 : i32 to index
      %swap3A_620 = tpu.vector_load %arg6[%swap3A_619] {strides = array<i32>} : memref<640xf32, #tpu.memory_space<vmem>>, vector<16xf32>,
      tpu.vector_store %arg6[%swap3A_619], %add3A_618 {strides = array<i32>} : memref<640xf32, #tpu.memory_space<vmem>>, vector<16xf32>,
      %scan3A_621 = arith.constant 3 : i32
      %scan3A_622 = arith.addi %scan3A_572, %scan3A_621 : i32
      %mul3A_623 = arith.constant 1 : i32
      %mul3A_624 = arith.muli %scan3A_622, %mul3A_623 : i32
      %add3A_625 = arith.constant 0 : i32
      %add3A_626 = arith.addi %add3A_625, %mul3A_624 : i32
      %mul3A_627 = arith.constant 16 : i32
      %mul3A_628 = arith.muli %add3A_626, %mul3A_627 : i32
      %get3A_629 = arith.index_cast %mul3A_628 : i32 to index
      %get3A_630 = tpu.vector_load %arg6[%get3A_629] {strides = array<i32>} : memref<640xf32, #tpu.memory_space<vmem>>, vector<16xf32>,
      %get3A_631 = arith.constant 1 : i32
      %get3A_632 = arith.index_cast %get3A_631 : i32 to index
      %get3A_633 = arith.index_cast %mul3A_628 : i32 to index
      %get3A_634 = tpu.vector_load %arg7[%get3A_632, %get3A_633] {strides = array<i32>} : memref<2x640xf32, #tpu.memory_space<vmem>>, vector<16xf32>,
      %add3A_635 = arith.addf %get3A_630, %get3A_634 : vector<16xf32>
      %swap3A_636 = arith.index_cast %mul3A_628 : i32 to index
      %swap3A_637 = tpu.vector_load %arg6[%swap3A_636] {strides = array<i32>} : memref<640xf32, #tpu.memory_space<vmem>>, vector<16xf32>,
      tpu.vector_store %arg6[%swap3A_636], %add3A_635 {strides = array<i32>} : memref<640xf32, #tpu.memory_space<vmem>>, vector<16xf32>,
    }
    %scan3A_233 = arith.constant 40 : i32
    %dma_wait3A_234 = arith.constant 6 : i32
    %dma_wait3A_235 = arith.constant 0 : i32
    %dma_wait3A_236 = arith.constant 0 : i32
    %dma_wait3A_237 = arith.constant 0 : i32
    %dma_wait3A_238 = tpu.memref_slice %arg7[%dma_wait3A_235, %dma_wait3A_237] : memref<2x640xf32, #tpu.memory_space<vmem>> -> memref<1x640xf32, #tpu.memory_space<vmem>>
    %dma_wait3A_239 = tpu.memref_squeeze %dma_wait3A_238 : memref<1x640xf32, #tpu.memory_space<vmem>> -> memref<640xf32, #tpu.memory_space<vmem>>
    %dma_wait3A_240 = tpu.memref_slice %arg8[%dma_wait3A_234, %mul3A_43] : memref<16x10240xf32, #tpu.memory_space<vmem_shared>> -> memref<1x640xf32, #tpu.memory_space<vmem_shared>>
    %dma_wait3A_241 = tpu.memref_squeeze %dma_wait3A_240 : memref<1x640xf32, #tpu.memory_space<vmem_shared>> -> memref<640xf32, #tpu.memory_space<vmem_shared>>
    %dma_wait3A_242 = tpu.memref_slice %arg9[%dma_wait3A_236] : memref<2x!tpu.dma_semaphore, #tpu.memory_space<semaphore_mem>> -> memref<1x!tpu.dma_semaphore, #tpu.memory_space<semaphore_mem>>
    %dma_wait3A_243 = tpu.memref_squeeze %dma_wait3A_242 : memref<1x!tpu.dma_semaphore, #tpu.memory_space<semaphore_mem>> -> memref<!tpu.dma_semaphore, #tpu.memory_space<semaphore_mem>>
    %dma_wait3A_244 = arith.constant 0 : i32
    %dma_wait3A_245 = tpu.memref_slice %arg7[%dma_wait3A_235, %dma_wait3A_244] : memref<2x640xf32, #tpu.memory_space<vmem>> -> memref<1x640xf32, #tpu.memory_space<vmem>>
    %dma_wait3A_246 = tpu.memref_squeeze %dma_wait3A_245 : memref<1x640xf32, #tpu.memory_space<vmem>> -> memref<640xf32, #tpu.memory_space<vmem>>
    %dma_wait3A_247 = tpu.memref_slice %arg8[%dma_wait3A_234, %mul3A_43] : memref<16x10240xf32, #tpu.memory_space<vmem_shared>> -> memref<1x640xf32, #tpu.memory_space<vmem_shared>>
    %dma_wait3A_248 = tpu.memref_squeeze %dma_wait3A_247 : memref<1x640xf32, #tpu.memory_space<vmem_shared>> -> memref<640xf32, #tpu.memory_space<vmem_shared>>
    tpu.wait_dma2 semaphore(%dma_wait3A_243 : memref<!tpu.dma_semaphore, #tpu.memory_space<semaphore_mem>>) src(%dma_wait3A_248 : memref<640xf32, #tpu.memory_space<vmem_shared>>) dst(%dma_wait3A_246 : memref<640xf32, #tpu.memory_space<vmem>>)
    %dma_start3A_249 = arith.constant 7 : i32
    %dma_start3A_250 = arith.constant 1 : i32
    %dma_start3A_251 = arith.constant 1 : i32
    %dma_start3A_252 = arith.constant 0 : i32
    %dma_start3A_253 = tpu.memref_slice %arg7[%dma_start3A_250, %dma_start3A_252] : memref<2x640xf32, #tpu.memory_space<vmem>> -> memref<1x640xf32, #tpu.memory_space<vmem>>
    %dma_start3A_254 = tpu.memref_squeeze %dma_start3A_253 : memref<1x640xf32, #tpu.memory_space<vmem>> -> memref<640xf32, #tpu.memory_space<vmem>>
    %dma_start3A_255 = tpu.memref_slice %arg8[%dma_start3A_249, %mul3A_43] : memref<16x10240xf32, #tpu.memory_space<vmem_shared>> -> memref<1x640xf32, #tpu.memory_space<vmem_shared>>
    %dma_start3A_256 = tpu.memref_squeeze %dma_start3A_255 : memref<1x640xf32, #tpu.memory_space<vmem_shared>> -> memref<640xf32, #tpu.memory_space<vmem_shared>>
    %dma_start3A_257 = tpu.memref_slice %arg9[%dma_start3A_251] : memref<2x!tpu.dma_semaphore, #tpu.memory_space<semaphore_mem>> -> memref<1x!tpu.dma_semaphore, #tpu.memory_space<semaphore_mem>>
    %dma_start3A_258 = tpu.memref_squeeze %dma_start3A_257 : memref<1x!tpu.dma_semaphore, #tpu.memory_space<semaphore_mem>> -> memref<!tpu.dma_semaphore, #tpu.memory_space<semaphore_mem>>
    %dma_start3A_259 = arith.constant 0 : i32
    %dma_start3A_260 = tpu.memref_slice %arg7[%dma_start3A_250, %dma_start3A_259] : memref<2x640xf32, #tpu.memory_space<vmem>> -> memref<1x640xf32, #tpu.memory_space<vmem>>
    %dma_start3A_261 = tpu.memref_squeeze %dma_start3A_260 : memref<1x640xf32, #tpu.memory_space<vmem>> -> memref<640xf32, #tpu.memory_space<vmem>>
    %dma_start3A_262 = tpu.memref_slice %arg8[%dma_start3A_249, %mul3A_43] : memref<16x10240xf32, #tpu.memory_space<vmem_shared>> -> memref<1x640xf32, #tpu.memory_space<vmem_shared>>
    %dma_start3A_263 = tpu.memref_squeeze %dma_start3A_262 : memref<1x640xf32, #tpu.memory_space<vmem_shared>> -> memref<640xf32, #tpu.memory_space<vmem_shared>>
    tpu.enqueue_dma source(%dma_start3A_263 : memref<640xf32, #tpu.memory_space<vmem_shared>>) target(%dma_start3A_261 : memref<640xf32, #tpu.memory_space<vmem>>) target_semaphore(%dma_start3A_258 : memref<!tpu.dma_semaphore, #tpu.memory_space<semaphore_mem>>)
    %scan3A_264 = arith.constant 0 : i32
    %scan3A_265 = arith.constant 40 : i32
    %scan3A_266 = arith.addi %scan3A_264, %scan3A_265 : i32
    %scan3A_267 = arith.constant 4 : i32
    scf.for %scan3A_572 = %scan3A_264 to %scan3A_266 step %scan3A_267  : i32 {
      %mul3A_573 = arith.constant 1 : i32
      %mul3A_574 = arith.muli %scan3A_572, %mul3A_573 : i32
      %add3A_575 = arith.constant 0 : i32
      %add3A_576 = arith.addi %add3A_575, %mul3A_574 : i32
      %mul3A_577 = arith.constant 16 : i32
      %mul3A_578 = arith.muli %add3A_576, %mul3A_577 : i32
      %get3A_579 = arith.index_cast %mul3A_578 : i32 to index
      %get3A_580 = tpu.vector_load %arg6[%get3A_579] {strides = array<i32>} : memref<640xf32, #tpu.memory_space<vmem>>, vector<16xf32>,
      %get3A_581 = arith.constant 0 : i32
      %get3A_582 = arith.index_cast %get3A_581 : i32 to index
      %get3A_583 = arith.index_cast %mul3A_578 : i32 to index
      %get3A_584 = tpu.vector_load %arg7[%get3A_582, %get3A_583] {strides = array<i32>} : memref<2x640xf32, #tpu.memory_space<vmem>>, vector<16xf32>,
      %add3A_585 = arith.addf %get3A_580, %get3A_584 : vector<16xf32>
      %swap3A = arith.index_cast %mul3A_578 : i32 to index
      %swap3A_586 = tpu.vector_load %arg6[%swap3A] {strides = array<i32>} : memref<640xf32, #tpu.memory_space<vmem>>, vector<16xf32>,
      tpu.vector_store %arg6[%swap3A], %add3A_585 {strides = array<i32>} : memref<640xf32, #tpu.memory_space<vmem>>, vector<16xf32>,
      %scan3A_587 = arith.constant 1 : i32
      %scan3A_588 = arith.addi %scan3A_572, %scan3A_587 : i32
      %mul3A_589 = arith.constant 1 : i32
      %mul3A_590 = arith.muli %scan3A_588, %mul3A_589 : i32
      %add3A_591 = arith.constant 0 : i32
      %add3A_592 = arith.addi %add3A_591, %mul3A_590 : i32
      %mul3A_593 = arith.constant 16 : i32
      %mul3A_594 = arith.muli %add3A_592, %mul3A_593 : i32
      %get3A_595 = arith.index_cast %mul3A_594 : i32 to index
      %get3A_596 = tpu.vector_load %arg6[%get3A_595] {strides = array<i32>} : memref<640xf32, #tpu.memory_space<vmem>>, vector<16xf32>,
      %get3A_597 = arith.constant 0 : i32
      %get3A_598 = arith.index_cast %get3A_597 : i32 to index
      %get3A_599 = arith.index_cast %mul3A_594 : i32 to index
      %get3A_600 = tpu.vector_load %arg7[%get3A_598, %get3A_599] {strides = array<i32>} : memref<2x640xf32, #tpu.memory_space<vmem>>, vector<16xf32>,
      %add3A_601 = arith.addf %get3A_596, %get3A_600 : vector<16xf32>
      %swap3A_602 = arith.index_cast %mul3A_594 : i32 to index
      %swap3A_603 = tpu.vector_load %arg6[%swap3A_602] {strides = array<i32>} : memref<640xf32, #tpu.memory_space<vmem>>, vector<16xf32>,
      tpu.vector_store %arg6[%swap3A_602], %add3A_601 {strides = array<i32>} : memref<640xf32, #tpu.memory_space<vmem>>, vector<16xf32>,
      %scan3A_604 = arith.constant 2 : i32
      %scan3A_605 = arith.addi %scan3A_572, %scan3A_604 : i32
      %mul3A_606 = arith.constant 1 : i32
      %mul3A_607 = arith.muli %scan3A_605, %mul3A_606 : i32
      %add3A_608 = arith.constant 0 : i32
      %add3A_609 = arith.addi %add3A_608, %mul3A_607 : i32
      %mul3A_610 = arith.constant 16 : i32
      %mul3A_611 = arith.muli %add3A_609, %mul3A_610 : i32
      %get3A_612 = arith.index_cast %mul3A_611 : i32 to index
      %get3A_613 = tpu.vector_load %arg6[%get3A_612] {strides = array<i32>} : memref<640xf32, #tpu.memory_space<vmem>>, vector<16xf32>,
      %get3A_614 = arith.constant 0 : i32
      %get3A_615 = arith.index_cast %get3A_614 : i32 to index
      %get3A_616 = arith.index_cast %mul3A_611 : i32 to index
      %get3A_617 = tpu.vector_load %arg7[%get3A_615, %get3A_616] {strides = array<i32>} : memref<2x640xf32, #tpu.memory_space<vmem>>, vector<16xf32>,
      %add3A_618 = arith.addf %get3A_613, %get3A_617 : vector<16xf32>
      %swap3A_619 = arith.index_cast %mul3A_611 : i32 to index
      %swap3A_620 = tpu.vector_load %arg6[%swap3A_619] {strides = array<i32>} : memref<640xf32, #tpu.memory_space<vmem>>, vector<16xf32>,
      tpu.vector_store %arg6[%swap3A_619], %add3A_618 {strides = array<i32>} : memref<640xf32, #tpu.memory_space<vmem>>, vector<16xf32>,
      %scan3A_621 = arith.constant 3 : i32
      %scan3A_622 = arith.addi %scan3A_572, %scan3A_621 : i32
      %mul3A_623 = arith.constant 1 : i32
      %mul3A_624 = arith.muli %scan3A_622, %mul3A_623 : i32
      %add3A_625 = arith.constant 0 : i32
      %add3A_626 = arith.addi %add3A_625, %mul3A_624 : i32
      %mul3A_627 = arith.constant 16 : i32
      %mul3A_628 = arith.muli %add3A_626, %mul3A_627 : i32
      %get3A_629 = arith.index_cast %mul3A_628 : i32 to index
      %get3A_630 = tpu.vector_load %arg6[%get3A_629] {strides = array<i32>} : memref<640xf32, #tpu.memory_space<vmem>>, vector<16xf32>,
      %get3A_631 = arith.constant 0 : i32
      %get3A_632 = arith.index_cast %get3A_631 : i32 to index
      %get3A_633 = arith.index_cast %mul3A_628 : i32 to index
      %get3A_634 = tpu.vector_load %arg7[%get3A_632, %get3A_633] {strides = array<i32>} : memref<2x640xf32, #tpu.memory_space<vmem>>, vector<16xf32>,
      %add3A_635 = arith.addf %get3A_630, %get3A_634 : vector<16xf32>
      %swap3A_636 = arith.index_cast %mul3A_628 : i32 to index
      %swap3A_637 = tpu.vector_load %arg6[%swap3A_636] {strides = array<i32>} : memref<640xf32, #tpu.memory_space<vmem>>, vector<16xf32>,
      tpu.vector_store %arg6[%swap3A_636], %add3A_635 {strides = array<i32>} : memref<640xf32, #tpu.memory_space<vmem>>, vector<16xf32>,
    }
    %scan3A_268 = arith.constant 40 : i32
    %dma_wait3A_269 = arith.constant 7 : i32
    %dma_wait3A_270 = arith.constant 1 : i32
    %dma_wait3A_271 = arith.constant 1 : i32
    %dma_wait3A_272 = arith.constant 0 : i32
    %dma_wait3A_273 = tpu.memref_slice %arg7[%dma_wait3A_270, %dma_wait3A_272] : memref<2x640xf32, #tpu.memory_space<vmem>> -> memref<1x640xf32, #tpu.memory_space<vmem>>
    %dma_wait3A_274 = tpu.memref_squeeze %dma_wait3A_273 : memref<1x640xf32, #tpu.memory_space<vmem>> -> memref<640xf32, #tpu.memory_space<vmem>>
    %dma_wait3A_275 = tpu.memref_slice %arg8[%dma_wait3A_269, %mul3A_43] : memref<16x10240xf32, #tpu.memory_space<vmem_shared>> -> memref<1x640xf32, #tpu.memory_space<vmem_shared>>
    %dma_wait3A_276 = tpu.memref_squeeze %dma_wait3A_275 : memref<1x640xf32, #tpu.memory_space<vmem_shared>> -> memref<640xf32, #tpu.memory_space<vmem_shared>>
    %dma_wait3A_277 = tpu.memref_slice %arg9[%dma_wait3A_271] : memref<2x!tpu.dma_semaphore, #tpu.memory_space<semaphore_mem>> -> memref<1x!tpu.dma_semaphore, #tpu.memory_space<semaphore_mem>>
    %dma_wait3A_278 = tpu.memref_squeeze %dma_wait3A_277 : memref<1x!tpu.dma_semaphore, #tpu.memory_space<semaphore_mem>> -> memref<!tpu.dma_semaphore, #tpu.memory_space<semaphore_mem>>
    %dma_wait3A_279 = arith.constant 0 : i32
    %dma_wait3A_280 = tpu.memref_slice %arg7[%dma_wait3A_270, %dma_wait3A_279] : memref<2x640xf32, #tpu.memory_space<vmem>> -> memref<1x640xf32, #tpu.memory_space<vmem>>
    %dma_wait3A_281 = tpu.memref_squeeze %dma_wait3A_280 : memref<1x640xf32, #tpu.memory_space<vmem>> -> memref<640xf32, #tpu.memory_space<vmem>>
    %dma_wait3A_282 = tpu.memref_slice %arg8[%dma_wait3A_269, %mul3A_43] : memref<16x10240xf32, #tpu.memory_space<vmem_shared>> -> memref<1x640xf32, #tpu.memory_space<vmem_shared>>
    %dma_wait3A_283 = tpu.memref_squeeze %dma_wait3A_282 : memref<1x640xf32, #tpu.memory_space<vmem_shared>> -> memref<640xf32, #tpu.memory_space<vmem_shared>>
    tpu.wait_dma2 semaphore(%dma_wait3A_278 : memref<!tpu.dma_semaphore, #tpu.memory_space<semaphore_mem>>) src(%dma_wait3A_283 : memref<640xf32, #tpu.memory_space<vmem_shared>>) dst(%dma_wait3A_281 : memref<640xf32, #tpu.memory_space<vmem>>)
    %dma_start3A_284 = arith.constant 8 : i32
    %dma_start3A_285 = arith.constant 0 : i32
    %dma_start3A_286 = arith.constant 0 : i32
    %dma_start3A_287 = arith.constant 0 : i32
    %dma_start3A_288 = tpu.memref_slice %arg7[%dma_start3A_285, %dma_start3A_287] : memref<2x640xf32, #tpu.memory_space<vmem>> -> memref<1x640xf32, #tpu.memory_space<vmem>>
    %dma_start3A_289 = tpu.memref_squeeze %dma_start3A_288 : memref<1x640xf32, #tpu.memory_space<vmem>> -> memref<640xf32, #tpu.memory_space<vmem>>
    %dma_start3A_290 = tpu.memref_slice %arg8[%dma_start3A_284, %mul3A_43] : memref<16x10240xf32, #tpu.memory_space<vmem_shared>> -> memref<1x640xf32, #tpu.memory_space<vmem_shared>>
    %dma_start3A_291 = tpu.memref_squeeze %dma_start3A_290 : memref<1x640xf32, #tpu.memory_space<vmem_shared>> -> memref<640xf32, #tpu.memory_space<vmem_shared>>
    %dma_start3A_292 = tpu.memref_slice %arg9[%dma_start3A_286] : memref<2x!tpu.dma_semaphore, #tpu.memory_space<semaphore_mem>> -> memref<1x!tpu.dma_semaphore, #tpu.memory_space<semaphore_mem>>
    %dma_start3A_293 = tpu.memref_squeeze %dma_start3A_292 : memref<1x!tpu.dma_semaphore, #tpu.memory_space<semaphore_mem>> -> memref<!tpu.dma_semaphore, #tpu.memory_space<semaphore_mem>>
    %dma_start3A_294 = arith.constant 0 : i32
    %dma_start3A_295 = tpu.memref_slice %arg7[%dma_start3A_285, %dma_start3A_294] : memref<2x640xf32, #tpu.memory_space<vmem>> -> memref<1x640xf32, #tpu.memory_space<vmem>>
    %dma_start3A_296 = tpu.memref_squeeze %dma_start3A_295 : memref<1x640xf32, #tpu.memory_space<vmem>> -> memref<640xf32, #tpu.memory_space<vmem>>
    %dma_start3A_297 = tpu.memref_slice %arg8[%dma_start3A_284, %mul3A_43] : memref<16x10240xf32, #tpu.memory_space<vmem_shared>> -> memref<1x640xf32, #tpu.memory_space<vmem_shared>>
    %dma_start3A_298 = tpu.memref_squeeze %dma_start3A_297 : memref<1x640xf32, #tpu.memory_space<vmem_shared>> -> memref<640xf32, #tpu.memory_space<vmem_shared>>
    tpu.enqueue_dma source(%dma_start3A_298 : memref<640xf32, #tpu.memory_space<vmem_shared>>) target(%dma_start3A_296 : memref<640xf32, #tpu.memory_space<vmem>>) target_semaphore(%dma_start3A_293 : memref<!tpu.dma_semaphore, #tpu.memory_space<semaphore_mem>>)
    %scan3A_299 = arith.constant 0 : i32
    %scan3A_300 = arith.constant 40 : i32
    %scan3A_301 = arith.addi %scan3A_299, %scan3A_300 : i32
    %scan3A_302 = arith.constant 4 : i32
    scf.for %scan3A_572 = %scan3A_299 to %scan3A_301 step %scan3A_302  : i32 {
      %mul3A_573 = arith.constant 1 : i32
      %mul3A_574 = arith.muli %scan3A_572, %mul3A_573 : i32
      %add3A_575 = arith.constant 0 : i32
      %add3A_576 = arith.addi %add3A_575, %mul3A_574 : i32
      %mul3A_577 = arith.constant 16 : i32
      %mul3A_578 = arith.muli %add3A_576, %mul3A_577 : i32
      %get3A_579 = arith.index_cast %mul3A_578 : i32 to index
      %get3A_580 = tpu.vector_load %arg6[%get3A_579] {strides = array<i32>} : memref<640xf32, #tpu.memory_space<vmem>>, vector<16xf32>,
      %get3A_581 = arith.constant 1 : i32
      %get3A_582 = arith.index_cast %get3A_581 : i32 to index
      %get3A_583 = arith.index_cast %mul3A_578 : i32 to index
      %get3A_584 = tpu.vector_load %arg7[%get3A_582, %get3A_583] {strides = array<i32>} : memref<2x640xf32, #tpu.memory_space<vmem>>, vector<16xf32>,
      %add3A_585 = arith.addf %get3A_580, %get3A_584 : vector<16xf32>
      %swap3A = arith.index_cast %mul3A_578 : i32 to index
      %swap3A_586 = tpu.vector_load %arg6[%swap3A] {strides = array<i32>} : memref<640xf32, #tpu.memory_space<vmem>>, vector<16xf32>,
      tpu.vector_store %arg6[%swap3A], %add3A_585 {strides = array<i32>} : memref<640xf32, #tpu.memory_space<vmem>>, vector<16xf32>,
      %scan3A_587 = arith.constant 1 : i32
      %scan3A_588 = arith.addi %scan3A_572, %scan3A_587 : i32
      %mul3A_589 = arith.constant 1 : i32
      %mul3A_590 = arith.muli %scan3A_588, %mul3A_589 : i32
      %add3A_591 = arith.constant 0 : i32
      %add3A_592 = arith.addi %add3A_591, %mul3A_590 : i32
      %mul3A_593 = arith.constant 16 : i32
      %mul3A_594 = arith.muli %add3A_592, %mul3A_593 : i32
      %get3A_595 = arith.index_cast %mul3A_594 : i32 to index
      %get3A_596 = tpu.vector_load %arg6[%get3A_595] {strides = array<i32>} : memref<640xf32, #tpu.memory_space<vmem>>, vector<16xf32>,
      %get3A_597 = arith.constant 1 : i32
      %get3A_598 = arith.index_cast %get3A_597 : i32 to index
      %get3A_599 = arith.index_cast %mul3A_594 : i32 to index
      %get3A_600 = tpu.vector_load %arg7[%get3A_598, %get3A_599] {strides = array<i32>} : memref<2x640xf32, #tpu.memory_space<vmem>>, vector<16xf32>,
      %add3A_601 = arith.addf %get3A_596, %get3A_600 : vector<16xf32>
      %swap3A_602 = arith.index_cast %mul3A_594 : i32 to index
      %swap3A_603 = tpu.vector_load %arg6[%swap3A_602] {strides = array<i32>} : memref<640xf32, #tpu.memory_space<vmem>>, vector<16xf32>,
      tpu.vector_store %arg6[%swap3A_602], %add3A_601 {strides = array<i32>} : memref<640xf32, #tpu.memory_space<vmem>>, vector<16xf32>,
      %scan3A_604 = arith.constant 2 : i32
      %scan3A_605 = arith.addi %scan3A_572, %scan3A_604 : i32
      %mul3A_606 = arith.constant 1 : i32
      %mul3A_607 = arith.muli %scan3A_605, %mul3A_606 : i32
      %add3A_608 = arith.constant 0 : i32
      %add3A_609 = arith.addi %add3A_608, %mul3A_607 : i32
      %mul3A_610 = arith.constant 16 : i32
      %mul3A_611 = arith.muli %add3A_609, %mul3A_610 : i32
      %get3A_612 = arith.index_cast %mul3A_611 : i32 to index
      %get3A_613 = tpu.vector_load %arg6[%get3A_612] {strides = array<i32>} : memref<640xf32, #tpu.memory_space<vmem>>, vector<16xf32>,
      %get3A_614 = arith.constant 1 : i32
      %get3A_615 = arith.index_cast %get3A_614 : i32 to index
      %get3A_616 = arith.index_cast %mul3A_611 : i32 to index
      %get3A_617 = tpu.vector_load %arg7[%get3A_615, %get3A_616] {strides = array<i32>} : memref<2x640xf32, #tpu.memory_space<vmem>>, vector<16xf32>,
      %add3A_618 = arith.addf %get3A_613, %get3A_617 : vector<16xf32>
      %swap3A_619 = arith.index_cast %mul3A_611 : i32 to index
      %swap3A_620 = tpu.vector_load %arg6[%swap3A_619] {strides = array<i32>} : memref<640xf32, #tpu.memory_space<vmem>>, vector<16xf32>,
      tpu.vector_store %arg6[%swap3A_619], %add3A_618 {strides = array<i32>} : memref<640xf32, #tpu.memory_space<vmem>>, vector<16xf32>,
      %scan3A_621 = arith.constant 3 : i32
      %scan3A_622 = arith.addi %scan3A_572, %scan3A_621 : i32
      %mul3A_623 = arith.constant 1 : i32
      %mul3A_624 = arith.muli %scan3A_622, %mul3A_623 : i32
      %add3A_625 = arith.constant 0 : i32
      %add3A_626 = arith.addi %add3A_625, %mul3A_624 : i32
      %mul3A_627 = arith.constant 16 : i32
      %mul3A_628 = arith.muli %add3A_626, %mul3A_627 : i32
      %get3A_629 = arith.index_cast %mul3A_628 : i32 to index
      %get3A_630 = tpu.vector_load %arg6[%get3A_629] {strides = array<i32>} : memref<640xf32, #tpu.memory_space<vmem>>, vector<16xf32>,
      %get3A_631 = arith.constant 1 : i32
      %get3A_632 = arith.index_cast %get3A_631 : i32 to index
      %get3A_633 = arith.index_cast %mul3A_628 : i32 to index
      %get3A_634 = tpu.vector_load %arg7[%get3A_632, %get3A_633] {strides = array<i32>} : memref<2x640xf32, #tpu.memory_space<vmem>>, vector<16xf32>,
      %add3A_635 = arith.addf %get3A_630, %get3A_634 : vector<16xf32>
      %swap3A_636 = arith.index_cast %mul3A_628 : i32 to index
      %swap3A_637 = tpu.vector_load %arg6[%swap3A_636] {strides = array<i32>} : memref<640xf32, #tpu.memory_space<vmem>>, vector<16xf32>,
      tpu.vector_store %arg6[%swap3A_636], %add3A_635 {strides = array<i32>} : memref<640xf32, #tpu.memory_space<vmem>>, vector<16xf32>,
    }
    %scan3A_303 = arith.constant 40 : i32
    %dma_wait3A_304 = arith.constant 8 : i32
    %dma_wait3A_305 = arith.constant 0 : i32
    %dma_wait3A_306 = arith.constant 0 : i32
    %dma_wait3A_307 = arith.constant 0 : i32
    %dma_wait3A_308 = tpu.memref_slice %arg7[%dma_wait3A_305, %dma_wait3A_307] : memref<2x640xf32, #tpu.memory_space<vmem>> -> memref<1x640xf32, #tpu.memory_space<vmem>>
    %dma_wait3A_309 = tpu.memref_squeeze %dma_wait3A_308 : memref<1x640xf32, #tpu.memory_space<vmem>> -> memref<640xf32, #tpu.memory_space<vmem>>
    %dma_wait3A_310 = tpu.memref_slice %arg8[%dma_wait3A_304, %mul3A_43] : memref<16x10240xf32, #tpu.memory_space<vmem_shared>> -> memref<1x640xf32, #tpu.memory_space<vmem_shared>>
    %dma_wait3A_311 = tpu.memref_squeeze %dma_wait3A_310 : memref<1x640xf32, #tpu.memory_space<vmem_shared>> -> memref<640xf32, #tpu.memory_space<vmem_shared>>
    %dma_wait3A_312 = tpu.memref_slice %arg9[%dma_wait3A_306] : memref<2x!tpu.dma_semaphore, #tpu.memory_space<semaphore_mem>> -> memref<1x!tpu.dma_semaphore, #tpu.memory_space<semaphore_mem>>
    %dma_wait3A_313 = tpu.memref_squeeze %dma_wait3A_312 : memref<1x!tpu.dma_semaphore, #tpu.memory_space<semaphore_mem>> -> memref<!tpu.dma_semaphore, #tpu.memory_space<semaphore_mem>>
    %dma_wait3A_314 = arith.constant 0 : i32
    %dma_wait3A_315 = tpu.memref_slice %arg7[%dma_wait3A_305, %dma_wait3A_314] : memref<2x640xf32, #tpu.memory_space<vmem>> -> memref<1x640xf32, #tpu.memory_space<vmem>>
    %dma_wait3A_316 = tpu.memref_squeeze %dma_wait3A_315 : memref<1x640xf32, #tpu.memory_space<vmem>> -> memref<640xf32, #tpu.memory_space<vmem>>
    %dma_wait3A_317 = tpu.memref_slice %arg8[%dma_wait3A_304, %mul3A_43] : memref<16x10240xf32, #tpu.memory_space<vmem_shared>> -> memref<1x640xf32, #tpu.memory_space<vmem_shared>>
    %dma_wait3A_318 = tpu.memref_squeeze %dma_wait3A_317 : memref<1x640xf32, #tpu.memory_space<vmem_shared>> -> memref<640xf32, #tpu.memory_space<vmem_shared>>
    tpu.wait_dma2 semaphore(%dma_wait3A_313 : memref<!tpu.dma_semaphore, #tpu.memory_space<semaphore_mem>>) src(%dma_wait3A_318 : memref<640xf32, #tpu.memory_space<vmem_shared>>) dst(%dma_wait3A_316 : memref<640xf32, #tpu.memory_space<vmem>>)
    %dma_start3A_319 = arith.constant 9 : i32
    %dma_start3A_320 = arith.constant 1 : i32
    %dma_start3A_321 = arith.constant 1 : i32
    %dma_start3A_322 = arith.constant 0 : i32
    %dma_start3A_323 = tpu.memref_slice %arg7[%dma_start3A_320, %dma_start3A_322] : memref<2x640xf32, #tpu.memory_space<vmem>> -> memref<1x640xf32, #tpu.memory_space<vmem>>
    %dma_start3A_324 = tpu.memref_squeeze %dma_start3A_323 : memref<1x640xf32, #tpu.memory_space<vmem>> -> memref<640xf32, #tpu.memory_space<vmem>>
    %dma_start3A_325 = tpu.memref_slice %arg8[%dma_start3A_319, %mul3A_43] : memref<16x10240xf32, #tpu.memory_space<vmem_shared>> -> memref<1x640xf32, #tpu.memory_space<vmem_shared>>
    %dma_start3A_326 = tpu.memref_squeeze %dma_start3A_325 : memref<1x640xf32, #tpu.memory_space<vmem_shared>> -> memref<640xf32, #tpu.memory_space<vmem_shared>>
    %dma_start3A_327 = tpu.memref_slice %arg9[%dma_start3A_321] : memref<2x!tpu.dma_semaphore, #tpu.memory_space<semaphore_mem>> -> memref<1x!tpu.dma_semaphore, #tpu.memory_space<semaphore_mem>>
    %dma_start3A_328 = tpu.memref_squeeze %dma_start3A_327 : memref<1x!tpu.dma_semaphore, #tpu.memory_space<semaphore_mem>> -> memref<!tpu.dma_semaphore, #tpu.memory_space<semaphore_mem>>
    %dma_start3A_329 = arith.constant 0 : i32
    %dma_start3A_330 = tpu.memref_slice %arg7[%dma_start3A_320, %dma_start3A_329] : memref<2x640xf32, #tpu.memory_space<vmem>> -> memref<1x640xf32, #tpu.memory_space<vmem>>
    %dma_start3A_331 = tpu.memref_squeeze %dma_start3A_330 : memref<1x640xf32, #tpu.memory_space<vmem>> -> memref<640xf32, #tpu.memory_space<vmem>>
    %dma_start3A_332 = tpu.memref_slice %arg8[%dma_start3A_319, %mul3A_43] : memref<16x10240xf32, #tpu.memory_space<vmem_shared>> -> memref<1x640xf32, #tpu.memory_space<vmem_shared>>
    %dma_start3A_333 = tpu.memref_squeeze %dma_start3A_332 : memref<1x640xf32, #tpu.memory_space<vmem_shared>> -> memref<640xf32, #tpu.memory_space<vmem_shared>>
    tpu.enqueue_dma source(%dma_start3A_333 : memref<640xf32, #tpu.memory_space<vmem_shared>>) target(%dma_start3A_331 : memref<640xf32, #tpu.memory_space<vmem>>) target_semaphore(%dma_start3A_328 : memref<!tpu.dma_semaphore, #tpu.memory_space<semaphore_mem>>)
    %scan3A_334 = arith.constant 0 : i32
    %scan3A_335 = arith.constant 40 : i32
    %scan3A_336 = arith.addi %scan3A_334, %scan3A_335 : i32
    %scan3A_337 = arith.constant 4 : i32
    scf.for %scan3A_572 = %scan3A_334 to %scan3A_336 step %scan3A_337  : i32 {
      %mul3A_573 = arith.constant 1 : i32
      %mul3A_574 = arith.muli %scan3A_572, %mul3A_573 : i32
      %add3A_575 = arith.constant 0 : i32
      %add3A_576 = arith.addi %add3A_575, %mul3A_574 : i32
      %mul3A_577 = arith.constant 16 : i32
      %mul3A_578 = arith.muli %add3A_576, %mul3A_577 : i32
      %get3A_579 = arith.index_cast %mul3A_578 : i32 to index
      %get3A_580 = tpu.vector_load %arg6[%get3A_579] {strides = array<i32>} : memref<640xf32, #tpu.memory_space<vmem>>, vector<16xf32>,
      %get3A_581 = arith.constant 0 : i32
      %get3A_582 = arith.index_cast %get3A_581 : i32 to index
      %get3A_583 = arith.index_cast %mul3A_578 : i32 to index
      %get3A_584 = tpu.vector_load %arg7[%get3A_582, %get3A_583] {strides = array<i32>} : memref<2x640xf32, #tpu.memory_space<vmem>>, vector<16xf32>,
      %add3A_585 = arith.addf %get3A_580, %get3A_584 : vector<16xf32>
      %swap3A = arith.index_cast %mul3A_578 : i32 to index
      %swap3A_586 = tpu.vector_load %arg6[%swap3A] {strides = array<i32>} : memref<640xf32, #tpu.memory_space<vmem>>, vector<16xf32>,
      tpu.vector_store %arg6[%swap3A], %add3A_585 {strides = array<i32>} : memref<640xf32, #tpu.memory_space<vmem>>, vector<16xf32>,
      %scan3A_587 = arith.constant 1 : i32
      %scan3A_588 = arith.addi %scan3A_572, %scan3A_587 : i32
      %mul3A_589 = arith.constant 1 : i32
      %mul3A_590 = arith.muli %scan3A_588, %mul3A_589 : i32
      %add3A_591 = arith.constant 0 : i32
      %add3A_592 = arith.addi %add3A_591, %mul3A_590 : i32
      %mul3A_593 = arith.constant 16 : i32
      %mul3A_594 = arith.muli %add3A_592, %mul3A_593 : i32
      %get3A_595 = arith.index_cast %mul3A_594 : i32 to index
      %get3A_596 = tpu.vector_load %arg6[%get3A_595] {strides = array<i32>} : memref<640xf32, #tpu.memory_space<vmem>>, vector<16xf32>,
      %get3A_597 = arith.constant 0 : i32
      %get3A_598 = arith.index_cast %get3A_597 : i32 to index
      %get3A_599 = arith.index_cast %mul3A_594 : i32 to index
      %get3A_600 = tpu.vector_load %arg7[%get3A_598, %get3A_599] {strides = array<i32>} : memref<2x640xf32, #tpu.memory_space<vmem>>, vector<16xf32>,
      %add3A_601 = arith.addf %get3A_596, %get3A_600 : vector<16xf32>
      %swap3A_602 = arith.index_cast %mul3A_594 : i32 to index
      %swap3A_603 = tpu.vector_load %arg6[%swap3A_602] {strides = array<i32>} : memref<640xf32, #tpu.memory_space<vmem>>, vector<16xf32>,
      tpu.vector_store %arg6[%swap3A_602], %add3A_601 {strides = array<i32>} : memref<640xf32, #tpu.memory_space<vmem>>, vector<16xf32>,
      %scan3A_604 = arith.constant 2 : i32
      %scan3A_605 = arith.addi %scan3A_572, %scan3A_604 : i32
      %mul3A_606 = arith.constant 1 : i32
      %mul3A_607 = arith.muli %scan3A_605, %mul3A_606 : i32
      %add3A_608 = arith.constant 0 : i32
      %add3A_609 = arith.addi %add3A_608, %mul3A_607 : i32
      %mul3A_610 = arith.constant 16 : i32
      %mul3A_611 = arith.muli %add3A_609, %mul3A_610 : i32
      %get3A_612 = arith.index_cast %mul3A_611 : i32 to index
      %get3A_613 = tpu.vector_load %arg6[%get3A_612] {strides = array<i32>} : memref<640xf32, #tpu.memory_space<vmem>>, vector<16xf32>,
      %get3A_614 = arith.constant 0 : i32
      %get3A_615 = arith.index_cast %get3A_614 : i32 to index
      %get3A_616 = arith.index_cast %mul3A_611 : i32 to index
      %get3A_617 = tpu.vector_load %arg7[%get3A_615, %get3A_616] {strides = array<i32>} : memref<2x640xf32, #tpu.memory_space<vmem>>, vector<16xf32>,
      %add3A_618 = arith.addf %get3A_613, %get3A_617 : vector<16xf32>
      %swap3A_619 = arith.index_cast %mul3A_611 : i32 to index
      %swap3A_620 = tpu.vector_load %arg6[%swap3A_619] {strides = array<i32>} : memref<640xf32, #tpu.memory_space<vmem>>, vector<16xf32>,
      tpu.vector_store %arg6[%swap3A_619], %add3A_618 {strides = array<i32>} : memref<640xf32, #tpu.memory_space<vmem>>, vector<16xf32>,
      %scan3A_621 = arith.constant 3 : i32
      %scan3A_622 = arith.addi %scan3A_572, %scan3A_621 : i32
      %mul3A_623 = arith.constant 1 : i32
      %mul3A_624 = arith.muli %scan3A_622, %mul3A_623 : i32
      %add3A_625 = arith.constant 0 : i32
      %add3A_626 = arith.addi %add3A_625, %mul3A_624 : i32
      %mul3A_627 = arith.constant 16 : i32
      %mul3A_628 = arith.muli %add3A_626, %mul3A_627 : i32
      %get3A_629 = arith.index_cast %mul3A_628 : i32 to index
      %get3A_630 = tpu.vector_load %arg6[%get3A_629] {strides = array<i32>} : memref<640xf32, #tpu.memory_space<vmem>>, vector<16xf32>,
      %get3A_631 = arith.constant 0 : i32
      %get3A_632 = arith.index_cast %get3A_631 : i32 to index
      %get3A_633 = arith.index_cast %mul3A_628 : i32 to index
      %get3A_634 = tpu.vector_load %arg7[%get3A_632, %get3A_633] {strides = array<i32>} : memref<2x640xf32, #tpu.memory_space<vmem>>, vector<16xf32>,
      %add3A_635 = arith.addf %get3A_630, %get3A_634 : vector<16xf32>
      %swap3A_636 = arith.index_cast %mul3A_628 : i32 to index
      %swap3A_637 = tpu.vector_load %arg6[%swap3A_636] {strides = array<i32>} : memref<640xf32, #tpu.memory_space<vmem>>, vector<16xf32>,
      tpu.vector_store %arg6[%swap3A_636], %add3A_635 {strides = array<i32>} : memref<640xf32, #tpu.memory_space<vmem>>, vector<16xf32>,
    }
    %scan3A_338 = arith.constant 40 : i32
    %dma_wait3A_339 = arith.constant 9 : i32
    %dma_wait3A_340 = arith.constant 1 : i32
    %dma_wait3A_341 = arith.constant 1 : i32
    %dma_wait3A_342 = arith.constant 0 : i32
    %dma_wait3A_343 = tpu.memref_slice %arg7[%dma_wait3A_340, %dma_wait3A_342] : memref<2x640xf32, #tpu.memory_space<vmem>> -> memref<1x640xf32, #tpu.memory_space<vmem>>
    %dma_wait3A_344 = tpu.memref_squeeze %dma_wait3A_343 : memref<1x640xf32, #tpu.memory_space<vmem>> -> memref<640xf32, #tpu.memory_space<vmem>>
    %dma_wait3A_345 = tpu.memref_slice %arg8[%dma_wait3A_339, %mul3A_43] : memref<16x10240xf32, #tpu.memory_space<vmem_shared>> -> memref<1x640xf32, #tpu.memory_space<vmem_shared>>
    %dma_wait3A_346 = tpu.memref_squeeze %dma_wait3A_345 : memref<1x640xf32, #tpu.memory_space<vmem_shared>> -> memref<640xf32, #tpu.memory_space<vmem_shared>>
    %dma_wait3A_347 = tpu.memref_slice %arg9[%dma_wait3A_341] : memref<2x!tpu.dma_semaphore, #tpu.memory_space<semaphore_mem>> -> memref<1x!tpu.dma_semaphore, #tpu.memory_space<semaphore_mem>>
    %dma_wait3A_348 = tpu.memref_squeeze %dma_wait3A_347 : memref<1x!tpu.dma_semaphore, #tpu.memory_space<semaphore_mem>> -> memref<!tpu.dma_semaphore, #tpu.memory_space<semaphore_mem>>
    %dma_wait3A_349 = arith.constant 0 : i32
    %dma_wait3A_350 = tpu.memref_slice %arg7[%dma_wait3A_340, %dma_wait3A_349] : memref<2x640xf32, #tpu.memory_space<vmem>> -> memref<1x640xf32, #tpu.memory_space<vmem>>
    %dma_wait3A_351 = tpu.memref_squeeze %dma_wait3A_350 : memref<1x640xf32, #tpu.memory_space<vmem>> -> memref<640xf32, #tpu.memory_space<vmem>>
    %dma_wait3A_352 = tpu.memref_slice %arg8[%dma_wait3A_339, %mul3A_43] : memref<16x10240xf32, #tpu.memory_space<vmem_shared>> -> memref<1x640xf32, #tpu.memory_space<vmem_shared>>
    %dma_wait3A_353 = tpu.memref_squeeze %dma_wait3A_352 : memref<1x640xf32, #tpu.memory_space<vmem_shared>> -> memref<640xf32, #tpu.memory_space<vmem_shared>>
    tpu.wait_dma2 semaphore(%dma_wait3A_348 : memref<!tpu.dma_semaphore, #tpu.memory_space<semaphore_mem>>) src(%dma_wait3A_353 : memref<640xf32, #tpu.memory_space<vmem_shared>>) dst(%dma_wait3A_351 : memref<640xf32, #tpu.memory_space<vmem>>)
    %dma_start3A_354 = arith.constant 10 : i32
    %dma_start3A_355 = arith.constant 0 : i32
    %dma_start3A_356 = arith.constant 0 : i32
    %dma_start3A_357 = arith.constant 0 : i32
    %dma_start3A_358 = tpu.memref_slice %arg7[%dma_start3A_355, %dma_start3A_357] : memref<2x640xf32, #tpu.memory_space<vmem>> -> memref<1x640xf32, #tpu.memory_space<vmem>>
    %dma_start3A_359 = tpu.memref_squeeze %dma_start3A_358 : memref<1x640xf32, #tpu.memory_space<vmem>> -> memref<640xf32, #tpu.memory_space<vmem>>
    %dma_start3A_360 = tpu.memref_slice %arg8[%dma_start3A_354, %mul3A_43] : memref<16x10240xf32, #tpu.memory_space<vmem_shared>> -> memref<1x640xf32, #tpu.memory_space<vmem_shared>>
    %dma_start3A_361 = tpu.memref_squeeze %dma_start3A_360 : memref<1x640xf32, #tpu.memory_space<vmem_shared>> -> memref<640xf32, #tpu.memory_space<vmem_shared>>
    %dma_start3A_362 = tpu.memref_slice %arg9[%dma_start3A_356] : memref<2x!tpu.dma_semaphore, #tpu.memory_space<semaphore_mem>> -> memref<1x!tpu.dma_semaphore, #tpu.memory_space<semaphore_mem>>
    %dma_start3A_363 = tpu.memref_squeeze %dma_start3A_362 : memref<1x!tpu.dma_semaphore, #tpu.memory_space<semaphore_mem>> -> memref<!tpu.dma_semaphore, #tpu.memory_space<semaphore_mem>>
    %dma_start3A_364 = arith.constant 0 : i32
    %dma_start3A_365 = tpu.memref_slice %arg7[%dma_start3A_355, %dma_start3A_364] : memref<2x640xf32, #tpu.memory_space<vmem>> -> memref<1x640xf32, #tpu.memory_space<vmem>>
    %dma_start3A_366 = tpu.memref_squeeze %dma_start3A_365 : memref<1x640xf32, #tpu.memory_space<vmem>> -> memref<640xf32, #tpu.memory_space<vmem>>
    %dma_start3A_367 = tpu.memref_slice %arg8[%dma_start3A_354, %mul3A_43] : memref<16x10240xf32, #tpu.memory_space<vmem_shared>> -> memref<1x640xf32, #tpu.memory_space<vmem_shared>>
    %dma_start3A_368 = tpu.memref_squeeze %dma_start3A_367 : memref<1x640xf32, #tpu.memory_space<vmem_shared>> -> memref<640xf32, #tpu.memory_space<vmem_shared>>
    tpu.enqueue_dma source(%dma_start3A_368 : memref<640xf32, #tpu.memory_space<vmem_shared>>) target(%dma_start3A_366 : memref<640xf32, #tpu.memory_space<vmem>>) target_semaphore(%dma_start3A_363 : memref<!tpu.dma_semaphore, #tpu.memory_space<semaphore_mem>>)
    %scan3A_369 = arith.constant 0 : i32
    %scan3A_370 = arith.constant 40 : i32
    %scan3A_371 = arith.addi %scan3A_369, %scan3A_370 : i32
    %scan3A_372 = arith.constant 4 : i32
    scf.for %scan3A_572 = %scan3A_369 to %scan3A_371 step %scan3A_372  : i32 {
      %mul3A_573 = arith.constant 1 : i32
      %mul3A_574 = arith.muli %scan3A_572, %mul3A_573 : i32
      %add3A_575 = arith.constant 0 : i32
      %add3A_576 = arith.addi %add3A_575, %mul3A_574 : i32
      %mul3A_577 = arith.constant 16 : i32
      %mul3A_578 = arith.muli %add3A_576, %mul3A_577 : i32
      %get3A_579 = arith.index_cast %mul3A_578 : i32 to index
      %get3A_580 = tpu.vector_load %arg6[%get3A_579] {strides = array<i32>} : memref<640xf32, #tpu.memory_space<vmem>>, vector<16xf32>,
      %get3A_581 = arith.constant 1 : i32
      %get3A_582 = arith.index_cast %get3A_581 : i32 to index
      %get3A_583 = arith.index_cast %mul3A_578 : i32 to index
      %get3A_584 = tpu.vector_load %arg7[%get3A_582, %get3A_583] {strides = array<i32>} : memref<2x640xf32, #tpu.memory_space<vmem>>, vector<16xf32>,
      %add3A_585 = arith.addf %get3A_580, %get3A_584 : vector<16xf32>
      %swap3A = arith.index_cast %mul3A_578 : i32 to index
      %swap3A_586 = tpu.vector_load %arg6[%swap3A] {strides = array<i32>} : memref<640xf32, #tpu.memory_space<vmem>>, vector<16xf32>,
      tpu.vector_store %arg6[%swap3A], %add3A_585 {strides = array<i32>} : memref<640xf32, #tpu.memory_space<vmem>>, vector<16xf32>,
      %scan3A_587 = arith.constant 1 : i32
      %scan3A_588 = arith.addi %scan3A_572, %scan3A_587 : i32
      %mul3A_589 = arith.constant 1 : i32
      %mul3A_590 = arith.muli %scan3A_588, %mul3A_589 : i32
      %add3A_591 = arith.constant 0 : i32
      %add3A_592 = arith.addi %add3A_591, %mul3A_590 : i32
      %mul3A_593 = arith.constant 16 : i32
      %mul3A_594 = arith.muli %add3A_592, %mul3A_593 : i32
      %get3A_595 = arith.index_cast %mul3A_594 : i32 to index
      %get3A_596 = tpu.vector_load %arg6[%get3A_595] {strides = array<i32>} : memref<640xf32, #tpu.memory_space<vmem>>, vector<16xf32>,
      %get3A_597 = arith.constant 1 : i32
      %get3A_598 = arith.index_cast %get3A_597 : i32 to index
      %get3A_599 = arith.index_cast %mul3A_594 : i32 to index
      %get3A_600 = tpu.vector_load %arg7[%get3A_598, %get3A_599] {strides = array<i32>} : memref<2x640xf32, #tpu.memory_space<vmem>>, vector<16xf32>,
      %add3A_601 = arith.addf %get3A_596, %get3A_600 : vector<16xf32>
      %swap3A_602 = arith.index_cast %mul3A_594 : i32 to index
      %swap3A_603 = tpu.vector_load %arg6[%swap3A_602] {strides = array<i32>} : memref<640xf32, #tpu.memory_space<vmem>>, vector<16xf32>,
      tpu.vector_store %arg6[%swap3A_602], %add3A_601 {strides = array<i32>} : memref<640xf32, #tpu.memory_space<vmem>>, vector<16xf32>,
      %scan3A_604 = arith.constant 2 : i32
      %scan3A_605 = arith.addi %scan3A_572, %scan3A_604 : i32
      %mul3A_606 = arith.constant 1 : i32
      %mul3A_607 = arith.muli %scan3A_605, %mul3A_606 : i32
      %add3A_608 = arith.constant 0 : i32
      %add3A_609 = arith.addi %add3A_608, %mul3A_607 : i32
      %mul3A_610 = arith.constant 16 : i32
      %mul3A_611 = arith.muli %add3A_609, %mul3A_610 : i32
      %get3A_612 = arith.index_cast %mul3A_611 : i32 to index
      %get3A_613 = tpu.vector_load %arg6[%get3A_612] {strides = array<i32>} : memref<640xf32, #tpu.memory_space<vmem>>, vector<16xf32>,
      %get3A_614 = arith.constant 1 : i32
      %get3A_615 = arith.index_cast %get3A_614 : i32 to index
      %get3A_616 = arith.index_cast %mul3A_611 : i32 to index
      %get3A_617 = tpu.vector_load %arg7[%get3A_615, %get3A_616] {strides = array<i32>} : memref<2x640xf32, #tpu.memory_space<vmem>>, vector<16xf32>,
      %add3A_618 = arith.addf %get3A_613, %get3A_617 : vector<16xf32>
      %swap3A_619 = arith.index_cast %mul3A_611 : i32 to index
      %swap3A_620 = tpu.vector_load %arg6[%swap3A_619] {strides = array<i32>} : memref<640xf32, #tpu.memory_space<vmem>>, vector<16xf32>,
      tpu.vector_store %arg6[%swap3A_619], %add3A_618 {strides = array<i32>} : memref<640xf32, #tpu.memory_space<vmem>>, vector<16xf32>,
      %scan3A_621 = arith.constant 3 : i32
      %scan3A_622 = arith.addi %scan3A_572, %scan3A_621 : i32
      %mul3A_623 = arith.constant 1 : i32
      %mul3A_624 = arith.muli %scan3A_622, %mul3A_623 : i32
      %add3A_625 = arith.constant 0 : i32
      %add3A_626 = arith.addi %add3A_625, %mul3A_624 : i32
      %mul3A_627 = arith.constant 16 : i32
      %mul3A_628 = arith.muli %add3A_626, %mul3A_627 : i32
      %get3A_629 = arith.index_cast %mul3A_628 : i32 to index
      %get3A_630 = tpu.vector_load %arg6[%get3A_629] {strides = array<i32>} : memref<640xf32, #tpu.memory_space<vmem>>, vector<16xf32>,
      %get3A_631 = arith.constant 1 : i32
      %get3A_632 = arith.index_cast %get3A_631 : i32 to index
      %get3A_633 = arith.index_cast %mul3A_628 : i32 to index
      %get3A_634 = tpu.vector_load %arg7[%get3A_632, %get3A_633] {strides = array<i32>} : memref<2x640xf32, #tpu.memory_space<vmem>>, vector<16xf32>,
      %add3A_635 = arith.addf %get3A_630, %get3A_634 : vector<16xf32>
      %swap3A_636 = arith.index_cast %mul3A_628 : i32 to index
      %swap3A_637 = tpu.vector_load %arg6[%swap3A_636] {strides = array<i32>} : memref<640xf32, #tpu.memory_space<vmem>>, vector<16xf32>,
      tpu.vector_store %arg6[%swap3A_636], %add3A_635 {strides = array<i32>} : memref<640xf32, #tpu.memory_space<vmem>>, vector<16xf32>,
    }
    %scan3A_373 = arith.constant 40 : i32
    %dma_wait3A_374 = arith.constant 10 : i32
    %dma_wait3A_375 = arith.constant 0 : i32
    %dma_wait3A_376 = arith.constant 0 : i32
    %dma_wait3A_377 = arith.constant 0 : i32
    %dma_wait3A_378 = tpu.memref_slice %arg7[%dma_wait3A_375, %dma_wait3A_377] : memref<2x640xf32, #tpu.memory_space<vmem>> -> memref<1x640xf32, #tpu.memory_space<vmem>>
    %dma_wait3A_379 = tpu.memref_squeeze %dma_wait3A_378 : memref<1x640xf32, #tpu.memory_space<vmem>> -> memref<640xf32, #tpu.memory_space<vmem>>
    %dma_wait3A_380 = tpu.memref_slice %arg8[%dma_wait3A_374, %mul3A_43] : memref<16x10240xf32, #tpu.memory_space<vmem_shared>> -> memref<1x640xf32, #tpu.memory_space<vmem_shared>>
    %dma_wait3A_381 = tpu.memref_squeeze %dma_wait3A_380 : memref<1x640xf32, #tpu.memory_space<vmem_shared>> -> memref<640xf32, #tpu.memory_space<vmem_shared>>
    %dma_wait3A_382 = tpu.memref_slice %arg9[%dma_wait3A_376] : memref<2x!tpu.dma_semaphore, #tpu.memory_space<semaphore_mem>> -> memref<1x!tpu.dma_semaphore, #tpu.memory_space<semaphore_mem>>
    %dma_wait3A_383 = tpu.memref_squeeze %dma_wait3A_382 : memref<1x!tpu.dma_semaphore, #tpu.memory_space<semaphore_mem>> -> memref<!tpu.dma_semaphore, #tpu.memory_space<semaphore_mem>>
    %dma_wait3A_384 = arith.constant 0 : i32
    %dma_wait3A_385 = tpu.memref_slice %arg7[%dma_wait3A_375, %dma_wait3A_384] : memref<2x640xf32, #tpu.memory_space<vmem>> -> memref<1x640xf32, #tpu.memory_space<vmem>>
    %dma_wait3A_386 = tpu.memref_squeeze %dma_wait3A_385 : memref<1x640xf32, #tpu.memory_space<vmem>> -> memref<640xf32, #tpu.memory_space<vmem>>
    %dma_wait3A_387 = tpu.memref_slice %arg8[%dma_wait3A_374, %mul3A_43] : memref<16x10240xf32, #tpu.memory_space<vmem_shared>> -> memref<1x640xf32, #tpu.memory_space<vmem_shared>>
    %dma_wait3A_388 = tpu.memref_squeeze %dma_wait3A_387 : memref<1x640xf32, #tpu.memory_space<vmem_shared>> -> memref<640xf32, #tpu.memory_space<vmem_shared>>
    tpu.wait_dma2 semaphore(%dma_wait3A_383 : memref<!tpu.dma_semaphore, #tpu.memory_space<semaphore_mem>>) src(%dma_wait3A_388 : memref<640xf32, #tpu.memory_space<vmem_shared>>) dst(%dma_wait3A_386 : memref<640xf32, #tpu.memory_space<vmem>>)
    %dma_start3A_389 = arith.constant 11 : i32
    %dma_start3A_390 = arith.constant 1 : i32
    %dma_start3A_391 = arith.constant 1 : i32
    %dma_start3A_392 = arith.constant 0 : i32
    %dma_start3A_393 = tpu.memref_slice %arg7[%dma_start3A_390, %dma_start3A_392] : memref<2x640xf32, #tpu.memory_space<vmem>> -> memref<1x640xf32, #tpu.memory_space<vmem>>
    %dma_start3A_394 = tpu.memref_squeeze %dma_start3A_393 : memref<1x640xf32, #tpu.memory_space<vmem>> -> memref<640xf32, #tpu.memory_space<vmem>>
    %dma_start3A_395 = tpu.memref_slice %arg8[%dma_start3A_389, %mul3A_43] : memref<16x10240xf32, #tpu.memory_space<vmem_shared>> -> memref<1x640xf32, #tpu.memory_space<vmem_shared>>
    %dma_start3A_396 = tpu.memref_squeeze %dma_start3A_395 : memref<1x640xf32, #tpu.memory_space<vmem_shared>> -> memref<640xf32, #tpu.memory_space<vmem_shared>>
    %dma_start3A_397 = tpu.memref_slice %arg9[%dma_start3A_391] : memref<2x!tpu.dma_semaphore, #tpu.memory_space<semaphore_mem>> -> memref<1x!tpu.dma_semaphore, #tpu.memory_space<semaphore_mem>>
    %dma_start3A_398 = tpu.memref_squeeze %dma_start3A_397 : memref<1x!tpu.dma_semaphore, #tpu.memory_space<semaphore_mem>> -> memref<!tpu.dma_semaphore, #tpu.memory_space<semaphore_mem>>
    %dma_start3A_399 = arith.constant 0 : i32
    %dma_start3A_400 = tpu.memref_slice %arg7[%dma_start3A_390, %dma_start3A_399] : memref<2x640xf32, #tpu.memory_space<vmem>> -> memref<1x640xf32, #tpu.memory_space<vmem>>
    %dma_start3A_401 = tpu.memref_squeeze %dma_start3A_400 : memref<1x640xf32, #tpu.memory_space<vmem>> -> memref<640xf32, #tpu.memory_space<vmem>>
    %dma_start3A_402 = tpu.memref_slice %arg8[%dma_start3A_389, %mul3A_43] : memref<16x10240xf32, #tpu.memory_space<vmem_shared>> -> memref<1x640xf32, #tpu.memory_space<vmem_shared>>
    %dma_start3A_403 = tpu.memref_squeeze %dma_start3A_402 : memref<1x640xf32, #tpu.memory_space<vmem_shared>> -> memref<640xf32, #tpu.memory_space<vmem_shared>>
    tpu.enqueue_dma source(%dma_start3A_403 : memref<640xf32, #tpu.memory_space<vmem_shared>>) target(%dma_start3A_401 : memref<640xf32, #tpu.memory_space<vmem>>) target_semaphore(%dma_start3A_398 : memref<!tpu.dma_semaphore, #tpu.memory_space<semaphore_mem>>)
    %scan3A_404 = arith.constant 0 : i32
    %scan3A_405 = arith.constant 40 : i32
    %scan3A_406 = arith.addi %scan3A_404, %scan3A_405 : i32
    %scan3A_407 = arith.constant 4 : i32
    scf.for %scan3A_572 = %scan3A_404 to %scan3A_406 step %scan3A_407  : i32 {
      %mul3A_573 = arith.constant 1 : i32
      %mul3A_574 = arith.muli %scan3A_572, %mul3A_573 : i32
      %add3A_575 = arith.constant 0 : i32
      %add3A_576 = arith.addi %add3A_575, %mul3A_574 : i32
      %mul3A_577 = arith.constant 16 : i32
      %mul3A_578 = arith.muli %add3A_576, %mul3A_577 : i32
      %get3A_579 = arith.index_cast %mul3A_578 : i32 to index
      %get3A_580 = tpu.vector_load %arg6[%get3A_579] {strides = array<i32>} : memref<640xf32, #tpu.memory_space<vmem>>, vector<16xf32>,
      %get3A_581 = arith.constant 0 : i32
      %get3A_582 = arith.index_cast %get3A_581 : i32 to index
      %get3A_583 = arith.index_cast %mul3A_578 : i32 to index
      %get3A_584 = tpu.vector_load %arg7[%get3A_582, %get3A_583] {strides = array<i32>} : memref<2x640xf32, #tpu.memory_space<vmem>>, vector<16xf32>,
      %add3A_585 = arith.addf %get3A_580, %get3A_584 : vector<16xf32>
      %swap3A = arith.index_cast %mul3A_578 : i32 to index
      %swap3A_586 = tpu.vector_load %arg6[%swap3A] {strides = array<i32>} : memref<640xf32, #tpu.memory_space<vmem>>, vector<16xf32>,
      tpu.vector_store %arg6[%swap3A], %add3A_585 {strides = array<i32>} : memref<640xf32, #tpu.memory_space<vmem>>, vector<16xf32>,
      %scan3A_587 = arith.constant 1 : i32
      %scan3A_588 = arith.addi %scan3A_572, %scan3A_587 : i32
      %mul3A_589 = arith.constant 1 : i32
      %mul3A_590 = arith.muli %scan3A_588, %mul3A_589 : i32
      %add3A_591 = arith.constant 0 : i32
      %add3A_592 = arith.addi %add3A_591, %mul3A_590 : i32
      %mul3A_593 = arith.constant 16 : i32
      %mul3A_594 = arith.muli %add3A_592, %mul3A_593 : i32
      %get3A_595 = arith.index_cast %mul3A_594 : i32 to index
      %get3A_596 = tpu.vector_load %arg6[%get3A_595] {strides = array<i32>} : memref<640xf32, #tpu.memory_space<vmem>>, vector<16xf32>,
      %get3A_597 = arith.constant 0 : i32
      %get3A_598 = arith.index_cast %get3A_597 : i32 to index
      %get3A_599 = arith.index_cast %mul3A_594 : i32 to index
      %get3A_600 = tpu.vector_load %arg7[%get3A_598, %get3A_599] {strides = array<i32>} : memref<2x640xf32, #tpu.memory_space<vmem>>, vector<16xf32>,
      %add3A_601 = arith.addf %get3A_596, %get3A_600 : vector<16xf32>
      %swap3A_602 = arith.index_cast %mul3A_594 : i32 to index
      %swap3A_603 = tpu.vector_load %arg6[%swap3A_602] {strides = array<i32>} : memref<640xf32, #tpu.memory_space<vmem>>, vector<16xf32>,
      tpu.vector_store %arg6[%swap3A_602], %add3A_601 {strides = array<i32>} : memref<640xf32, #tpu.memory_space<vmem>>, vector<16xf32>,
      %scan3A_604 = arith.constant 2 : i32
      %scan3A_605 = arith.addi %scan3A_572, %scan3A_604 : i32
      %mul3A_606 = arith.constant 1 : i32
      %mul3A_607 = arith.muli %scan3A_605, %mul3A_606 : i32
      %add3A_608 = arith.constant 0 : i32
      %add3A_609 = arith.addi %add3A_608, %mul3A_607 : i32
      %mul3A_610 = arith.constant 16 : i32
      %mul3A_611 = arith.muli %add3A_609, %mul3A_610 : i32
      %get3A_612 = arith.index_cast %mul3A_611 : i32 to index
      %get3A_613 = tpu.vector_load %arg6[%get3A_612] {strides = array<i32>} : memref<640xf32, #tpu.memory_space<vmem>>, vector<16xf32>,
      %get3A_614 = arith.constant 0 : i32
      %get3A_615 = arith.index_cast %get3A_614 : i32 to index
      %get3A_616 = arith.index_cast %mul3A_611 : i32 to index
      %get3A_617 = tpu.vector_load %arg7[%get3A_615, %get3A_616] {strides = array<i32>} : memref<2x640xf32, #tpu.memory_space<vmem>>, vector<16xf32>,
      %add3A_618 = arith.addf %get3A_613, %get3A_617 : vector<16xf32>
      %swap3A_619 = arith.index_cast %mul3A_611 : i32 to index
      %swap3A_620 = tpu.vector_load %arg6[%swap3A_619] {strides = array<i32>} : memref<640xf32, #tpu.memory_space<vmem>>, vector<16xf32>,
      tpu.vector_store %arg6[%swap3A_619], %add3A_618 {strides = array<i32>} : memref<640xf32, #tpu.memory_space<vmem>>, vector<16xf32>,
      %scan3A_621 = arith.constant 3 : i32
      %scan3A_622 = arith.addi %scan3A_572, %scan3A_621 : i32
      %mul3A_623 = arith.constant 1 : i32
      %mul3A_624 = arith.muli %scan3A_622, %mul3A_623 : i32
      %add3A_625 = arith.constant 0 : i32
      %add3A_626 = arith.addi %add3A_625, %mul3A_624 : i32
      %mul3A_627 = arith.constant 16 : i32
      %mul3A_628 = arith.muli %add3A_626, %mul3A_627 : i32
      %get3A_629 = arith.index_cast %mul3A_628 : i32 to index
      %get3A_630 = tpu.vector_load %arg6[%get3A_629] {strides = array<i32>} : memref<640xf32, #tpu.memory_space<vmem>>, vector<16xf32>,
      %get3A_631 = arith.constant 0 : i32
      %get3A_632 = arith.index_cast %get3A_631 : i32 to index
      %get3A_633 = arith.index_cast %mul3A_628 : i32 to index
      %get3A_634 = tpu.vector_load %arg7[%get3A_632, %get3A_633] {strides = array<i32>} : memref<2x640xf32, #tpu.memory_space<vmem>>, vector<16xf32>,
      %add3A_635 = arith.addf %get3A_630, %get3A_634 : vector<16xf32>
      %swap3A_636 = arith.index_cast %mul3A_628 : i32 to index
      %swap3A_637 = tpu.vector_load %arg6[%swap3A_636] {strides = array<i32>} : memref<640xf32, #tpu.memory_space<vmem>>, vector<16xf32>,
      tpu.vector_store %arg6[%swap3A_636], %add3A_635 {strides = array<i32>} : memref<640xf32, #tpu.memory_space<vmem>>, vector<16xf32>,
    }
    %scan3A_408 = arith.constant 40 : i32
    %dma_wait3A_409 = arith.constant 11 : i32
    %dma_wait3A_410 = arith.constant 1 : i32
    %dma_wait3A_411 = arith.constant 1 : i32
    %dma_wait3A_412 = arith.constant 0 : i32
    %dma_wait3A_413 = tpu.memref_slice %arg7[%dma_wait3A_410, %dma_wait3A_412] : memref<2x640xf32, #tpu.memory_space<vmem>> -> memref<1x640xf32, #tpu.memory_space<vmem>>
    %dma_wait3A_414 = tpu.memref_squeeze %dma_wait3A_413 : memref<1x640xf32, #tpu.memory_space<vmem>> -> memref<640xf32, #tpu.memory_space<vmem>>
    %dma_wait3A_415 = tpu.memref_slice %arg8[%dma_wait3A_409, %mul3A_43] : memref<16x10240xf32, #tpu.memory_space<vmem_shared>> -> memref<1x640xf32, #tpu.memory_space<vmem_shared>>
    %dma_wait3A_416 = tpu.memref_squeeze %dma_wait3A_415 : memref<1x640xf32, #tpu.memory_space<vmem_shared>> -> memref<640xf32, #tpu.memory_space<vmem_shared>>
    %dma_wait3A_417 = tpu.memref_slice %arg9[%dma_wait3A_411] : memref<2x!tpu.dma_semaphore, #tpu.memory_space<semaphore_mem>> -> memref<1x!tpu.dma_semaphore, #tpu.memory_space<semaphore_mem>>
    %dma_wait3A_418 = tpu.memref_squeeze %dma_wait3A_417 : memref<1x!tpu.dma_semaphore, #tpu.memory_space<semaphore_mem>> -> memref<!tpu.dma_semaphore, #tpu.memory_space<semaphore_mem>>
    %dma_wait3A_419 = arith.constant 0 : i32
    %dma_wait3A_420 = tpu.memref_slice %arg7[%dma_wait3A_410, %dma_wait3A_419] : memref<2x640xf32, #tpu.memory_space<vmem>> -> memref<1x640xf32, #tpu.memory_space<vmem>>
    %dma_wait3A_421 = tpu.memref_squeeze %dma_wait3A_420 : memref<1x640xf32, #tpu.memory_space<vmem>> -> memref<640xf32, #tpu.memory_space<vmem>>
    %dma_wait3A_422 = tpu.memref_slice %arg8[%dma_wait3A_409, %mul3A_43] : memref<16x10240xf32, #tpu.memory_space<vmem_shared>> -> memref<1x640xf32, #tpu.memory_space<vmem_shared>>
    %dma_wait3A_423 = tpu.memref_squeeze %dma_wait3A_422 : memref<1x640xf32, #tpu.memory_space<vmem_shared>> -> memref<640xf32, #tpu.memory_space<vmem_shared>>
    tpu.wait_dma2 semaphore(%dma_wait3A_418 : memref<!tpu.dma_semaphore, #tpu.memory_space<semaphore_mem>>) src(%dma_wait3A_423 : memref<640xf32, #tpu.memory_space<vmem_shared>>) dst(%dma_wait3A_421 : memref<640xf32, #tpu.memory_space<vmem>>)
    %dma_start3A_424 = arith.constant 12 : i32
    %dma_start3A_425 = arith.constant 0 : i32
    %dma_start3A_426 = arith.constant 0 : i32
    %dma_start3A_427 = arith.constant 0 : i32
    %dma_start3A_428 = tpu.memref_slice %arg7[%dma_start3A_425, %dma_start3A_427] : memref<2x640xf32, #tpu.memory_space<vmem>> -> memref<1x640xf32, #tpu.memory_space<vmem>>
    %dma_start3A_429 = tpu.memref_squeeze %dma_start3A_428 : memref<1x640xf32, #tpu.memory_space<vmem>> -> memref<640xf32, #tpu.memory_space<vmem>>
    %dma_start3A_430 = tpu.memref_slice %arg8[%dma_start3A_424, %mul3A_43] : memref<16x10240xf32, #tpu.memory_space<vmem_shared>> -> memref<1x640xf32, #tpu.memory_space<vmem_shared>>
    %dma_start3A_431 = tpu.memref_squeeze %dma_start3A_430 : memref<1x640xf32, #tpu.memory_space<vmem_shared>> -> memref<640xf32, #tpu.memory_space<vmem_shared>>
    %dma_start3A_432 = tpu.memref_slice %arg9[%dma_start3A_426] : memref<2x!tpu.dma_semaphore, #tpu.memory_space<semaphore_mem>> -> memref<1x!tpu.dma_semaphore, #tpu.memory_space<semaphore_mem>>
    %dma_start3A_433 = tpu.memref_squeeze %dma_start3A_432 : memref<1x!tpu.dma_semaphore, #tpu.memory_space<semaphore_mem>> -> memref<!tpu.dma_semaphore, #tpu.memory_space<semaphore_mem>>
    %dma_start3A_434 = arith.constant 0 : i32
    %dma_start3A_435 = tpu.memref_slice %arg7[%dma_start3A_425, %dma_start3A_434] : memref<2x640xf32, #tpu.memory_space<vmem>> -> memref<1x640xf32, #tpu.memory_space<vmem>>
    %dma_start3A_436 = tpu.memref_squeeze %dma_start3A_435 : memref<1x640xf32, #tpu.memory_space<vmem>> -> memref<640xf32, #tpu.memory_space<vmem>>
    %dma_start3A_437 = tpu.memref_slice %arg8[%dma_start3A_424, %mul3A_43] : memref<16x10240xf32, #tpu.memory_space<vmem_shared>> -> memref<1x640xf32, #tpu.memory_space<vmem_shared>>
    %dma_start3A_438 = tpu.memref_squeeze %dma_start3A_437 : memref<1x640xf32, #tpu.memory_space<vmem_shared>> -> memref<640xf32, #tpu.memory_space<vmem_shared>>
    tpu.enqueue_dma source(%dma_start3A_438 : memref<640xf32, #tpu.memory_space<vmem_shared>>) target(%dma_start3A_436 : memref<640xf32, #tpu.memory_space<vmem>>) target_semaphore(%dma_start3A_433 : memref<!tpu.dma_semaphore, #tpu.memory_space<semaphore_mem>>)
    %scan3A_439 = arith.constant 0 : i32
    %scan3A_440 = arith.constant 40 : i32
    %scan3A_441 = arith.addi %scan3A_439, %scan3A_440 : i32
    %scan3A_442 = arith.constant 4 : i32
    scf.for %scan3A_572 = %scan3A_439 to %scan3A_441 step %scan3A_442  : i32 {
      %mul3A_573 = arith.constant 1 : i32
      %mul3A_574 = arith.muli %scan3A_572, %mul3A_573 : i32
      %add3A_575 = arith.constant 0 : i32
      %add3A_576 = arith.addi %add3A_575, %mul3A_574 : i32
      %mul3A_577 = arith.constant 16 : i32
      %mul3A_578 = arith.muli %add3A_576, %mul3A_577 : i32
      %get3A_579 = arith.index_cast %mul3A_578 : i32 to index
      %get3A_580 = tpu.vector_load %arg6[%get3A_579] {strides = array<i32>} : memref<640xf32, #tpu.memory_space<vmem>>, vector<16xf32>,
      %get3A_581 = arith.constant 1 : i32
      %get3A_582 = arith.index_cast %get3A_581 : i32 to index
      %get3A_583 = arith.index_cast %mul3A_578 : i32 to index
      %get3A_584 = tpu.vector_load %arg7[%get3A_582, %get3A_583] {strides = array<i32>} : memref<2x640xf32, #tpu.memory_space<vmem>>, vector<16xf32>,
      %add3A_585 = arith.addf %get3A_580, %get3A_584 : vector<16xf32>
      %swap3A = arith.index_cast %mul3A_578 : i32 to index
      %swap3A_586 = tpu.vector_load %arg6[%swap3A] {strides = array<i32>} : memref<640xf32, #tpu.memory_space<vmem>>, vector<16xf32>,
      tpu.vector_store %arg6[%swap3A], %add3A_585 {strides = array<i32>} : memref<640xf32, #tpu.memory_space<vmem>>, vector<16xf32>,
      %scan3A_587 = arith.constant 1 : i32
      %scan3A_588 = arith.addi %scan3A_572, %scan3A_587 : i32
      %mul3A_589 = arith.constant 1 : i32
      %mul3A_590 = arith.muli %scan3A_588, %mul3A_589 : i32
      %add3A_591 = arith.constant 0 : i32
      %add3A_592 = arith.addi %add3A_591, %mul3A_590 : i32
      %mul3A_593 = arith.constant 16 : i32
      %mul3A_594 = arith.muli %add3A_592, %mul3A_593 : i32
      %get3A_595 = arith.index_cast %mul3A_594 : i32 to index
      %get3A_596 = tpu.vector_load %arg6[%get3A_595] {strides = array<i32>} : memref<640xf32, #tpu.memory_space<vmem>>, vector<16xf32>,
      %get3A_597 = arith.constant 1 : i32
      %get3A_598 = arith.index_cast %get3A_597 : i32 to index
      %get3A_599 = arith.index_cast %mul3A_594 : i32 to index
      %get3A_600 = tpu.vector_load %arg7[%get3A_598, %get3A_599] {strides = array<i32>} : memref<2x640xf32, #tpu.memory_space<vmem>>, vector<16xf32>,
      %add3A_601 = arith.addf %get3A_596, %get3A_600 : vector<16xf32>
      %swap3A_602 = arith.index_cast %mul3A_594 : i32 to index
      %swap3A_603 = tpu.vector_load %arg6[%swap3A_602] {strides = array<i32>} : memref<640xf32, #tpu.memory_space<vmem>>, vector<16xf32>,
      tpu.vector_store %arg6[%swap3A_602], %add3A_601 {strides = array<i32>} : memref<640xf32, #tpu.memory_space<vmem>>, vector<16xf32>,
      %scan3A_604 = arith.constant 2 : i32
      %scan3A_605 = arith.addi %scan3A_572, %scan3A_604 : i32
      %mul3A_606 = arith.constant 1 : i32
      %mul3A_607 = arith.muli %scan3A_605, %mul3A_606 : i32
      %add3A_608 = arith.constant 0 : i32
      %add3A_609 = arith.addi %add3A_608, %mul3A_607 : i32
      %mul3A_610 = arith.constant 16 : i32
      %mul3A_611 = arith.muli %add3A_609, %mul3A_610 : i32
      %get3A_612 = arith.index_cast %mul3A_611 : i32 to index
      %get3A_613 = tpu.vector_load %arg6[%get3A_612] {strides = array<i32>} : memref<640xf32, #tpu.memory_space<vmem>>, vector<16xf32>,
      %get3A_614 = arith.constant 1 : i32
      %get3A_615 = arith.index_cast %get3A_614 : i32 to index
      %get3A_616 = arith.index_cast %mul3A_611 : i32 to index
      %get3A_617 = tpu.vector_load %arg7[%get3A_615, %get3A_616] {strides = array<i32>} : memref<2x640xf32, #tpu.memory_space<vmem>>, vector<16xf32>,
      %add3A_618 = arith.addf %get3A_613, %get3A_617 : vector<16xf32>
      %swap3A_619 = arith.index_cast %mul3A_611 : i32 to index
      %swap3A_620 = tpu.vector_load %arg6[%swap3A_619] {strides = array<i32>} : memref<640xf32, #tpu.memory_space<vmem>>, vector<16xf32>,
      tpu.vector_store %arg6[%swap3A_619], %add3A_618 {strides = array<i32>} : memref<640xf32, #tpu.memory_space<vmem>>, vector<16xf32>,
      %scan3A_621 = arith.constant 3 : i32
      %scan3A_622 = arith.addi %scan3A_572, %scan3A_621 : i32
      %mul3A_623 = arith.constant 1 : i32
      %mul3A_624 = arith.muli %scan3A_622, %mul3A_623 : i32
      %add3A_625 = arith.constant 0 : i32
      %add3A_626 = arith.addi %add3A_625, %mul3A_624 : i32
      %mul3A_627 = arith.constant 16 : i32
      %mul3A_628 = arith.muli %add3A_626, %mul3A_627 : i32
      %get3A_629 = arith.index_cast %mul3A_628 : i32 to index
      %get3A_630 = tpu.vector_load %arg6[%get3A_629] {strides = array<i32>} : memref<640xf32, #tpu.memory_space<vmem>>, vector<16xf32>,
      %get3A_631 = arith.constant 1 : i32
      %get3A_632 = arith.index_cast %get3A_631 : i32 to index
      %get3A_633 = arith.index_cast %mul3A_628 : i32 to index
      %get3A_634 = tpu.vector_load %arg7[%get3A_632, %get3A_633] {strides = array<i32>} : memref<2x640xf32, #tpu.memory_space<vmem>>, vector<16xf32>,
      %add3A_635 = arith.addf %get3A_630, %get3A_634 : vector<16xf32>
      %swap3A_636 = arith.index_cast %mul3A_628 : i32 to index
      %swap3A_637 = tpu.vector_load %arg6[%swap3A_636] {strides = array<i32>} : memref<640xf32, #tpu.memory_space<vmem>>, vector<16xf32>,
      tpu.vector_store %arg6[%swap3A_636], %add3A_635 {strides = array<i32>} : memref<640xf32, #tpu.memory_space<vmem>>, vector<16xf32>,
    }
    %scan3A_443 = arith.constant 40 : i32
    %dma_wait3A_444 = arith.constant 12 : i32
    %dma_wait3A_445 = arith.constant 0 : i32
    %dma_wait3A_446 = arith.constant 0 : i32
    %dma_wait3A_447 = arith.constant 0 : i32
    %dma_wait3A_448 = tpu.memref_slice %arg7[%dma_wait3A_445, %dma_wait3A_447] : memref<2x640xf32, #tpu.memory_space<vmem>> -> memref<1x640xf32, #tpu.memory_space<vmem>>
    %dma_wait3A_449 = tpu.memref_squeeze %dma_wait3A_448 : memref<1x640xf32, #tpu.memory_space<vmem>> -> memref<640xf32, #tpu.memory_space<vmem>>
    %dma_wait3A_450 = tpu.memref_slice %arg8[%dma_wait3A_444, %mul3A_43] : memref<16x10240xf32, #tpu.memory_space<vmem_shared>> -> memref<1x640xf32, #tpu.memory_space<vmem_shared>>
    %dma_wait3A_451 = tpu.memref_squeeze %dma_wait3A_450 : memref<1x640xf32, #tpu.memory_space<vmem_shared>> -> memref<640xf32, #tpu.memory_space<vmem_shared>>
    %dma_wait3A_452 = tpu.memref_slice %arg9[%dma_wait3A_446] : memref<2x!tpu.dma_semaphore, #tpu.memory_space<semaphore_mem>> -> memref<1x!tpu.dma_semaphore, #tpu.memory_space<semaphore_mem>>
    %dma_wait3A_453 = tpu.memref_squeeze %dma_wait3A_452 : memref<1x!tpu.dma_semaphore, #tpu.memory_space<semaphore_mem>> -> memref<!tpu.dma_semaphore, #tpu.memory_space<semaphore_mem>>
    %dma_wait3A_454 = arith.constant 0 : i32
    %dma_wait3A_455 = tpu.memref_slice %arg7[%dma_wait3A_445, %dma_wait3A_454] : memref<2x640xf32, #tpu.memory_space<vmem>> -> memref<1x640xf32, #tpu.memory_space<vmem>>
    %dma_wait3A_456 = tpu.memref_squeeze %dma_wait3A_455 : memref<1x640xf32, #tpu.memory_space<vmem>> -> memref<640xf32, #tpu.memory_space<vmem>>
    %dma_wait3A_457 = tpu.memref_slice %arg8[%dma_wait3A_444, %mul3A_43] : memref<16x10240xf32, #tpu.memory_space<vmem_shared>> -> memref<1x640xf32, #tpu.memory_space<vmem_shared>>
    %dma_wait3A_458 = tpu.memref_squeeze %dma_wait3A_457 : memref<1x640xf32, #tpu.memory_space<vmem_shared>> -> memref<640xf32, #tpu.memory_space<vmem_shared>>
    tpu.wait_dma2 semaphore(%dma_wait3A_453 : memref<!tpu.dma_semaphore, #tpu.memory_space<semaphore_mem>>) src(%dma_wait3A_458 : memref<640xf32, #tpu.memory_space<vmem_shared>>) dst(%dma_wait3A_456 : memref<640xf32, #tpu.memory_space<vmem>>)
    %dma_start3A_459 = arith.constant 13 : i32
    %dma_start3A_460 = arith.constant 1 : i32
    %dma_start3A_461 = arith.constant 1 : i32
    %dma_start3A_462 = arith.constant 0 : i32
    %dma_start3A_463 = tpu.memref_slice %arg7[%dma_start3A_460, %dma_start3A_462] : memref<2x640xf32, #tpu.memory_space<vmem>> -> memref<1x640xf32, #tpu.memory_space<vmem>>
    %dma_start3A_464 = tpu.memref_squeeze %dma_start3A_463 : memref<1x640xf32, #tpu.memory_space<vmem>> -> memref<640xf32, #tpu.memory_space<vmem>>
    %dma_start3A_465 = tpu.memref_slice %arg8[%dma_start3A_459, %mul3A_43] : memref<16x10240xf32, #tpu.memory_space<vmem_shared>> -> memref<1x640xf32, #tpu.memory_space<vmem_shared>>
    %dma_start3A_466 = tpu.memref_squeeze %dma_start3A_465 : memref<1x640xf32, #tpu.memory_space<vmem_shared>> -> memref<640xf32, #tpu.memory_space<vmem_shared>>
    %dma_start3A_467 = tpu.memref_slice %arg9[%dma_start3A_461] : memref<2x!tpu.dma_semaphore, #tpu.memory_space<semaphore_mem>> -> memref<1x!tpu.dma_semaphore, #tpu.memory_space<semaphore_mem>>
    %dma_start3A_468 = tpu.memref_squeeze %dma_start3A_467 : memref<1x!tpu.dma_semaphore, #tpu.memory_space<semaphore_mem>> -> memref<!tpu.dma_semaphore, #tpu.memory_space<semaphore_mem>>
    %dma_start3A_469 = arith.constant 0 : i32
    %dma_start3A_470 = tpu.memref_slice %arg7[%dma_start3A_460, %dma_start3A_469] : memref<2x640xf32, #tpu.memory_space<vmem>> -> memref<1x640xf32, #tpu.memory_space<vmem>>
    %dma_start3A_471 = tpu.memref_squeeze %dma_start3A_470 : memref<1x640xf32, #tpu.memory_space<vmem>> -> memref<640xf32, #tpu.memory_space<vmem>>
    %dma_start3A_472 = tpu.memref_slice %arg8[%dma_start3A_459, %mul3A_43] : memref<16x10240xf32, #tpu.memory_space<vmem_shared>> -> memref<1x640xf32, #tpu.memory_space<vmem_shared>>
    %dma_start3A_473 = tpu.memref_squeeze %dma_start3A_472 : memref<1x640xf32, #tpu.memory_space<vmem_shared>> -> memref<640xf32, #tpu.memory_space<vmem_shared>>
    tpu.enqueue_dma source(%dma_start3A_473 : memref<640xf32, #tpu.memory_space<vmem_shared>>) target(%dma_start3A_471 : memref<640xf32, #tpu.memory_space<vmem>>) target_semaphore(%dma_start3A_468 : memref<!tpu.dma_semaphore, #tpu.memory_space<semaphore_mem>>)
    %scan3A_474 = arith.constant 0 : i32
    %scan3A_475 = arith.constant 40 : i32
    %scan3A_476 = arith.addi %scan3A_474, %scan3A_475 : i32
    %scan3A_477 = arith.constant 4 : i32
    scf.for %scan3A_572 = %scan3A_474 to %scan3A_476 step %scan3A_477  : i32 {
      %mul3A_573 = arith.constant 1 : i32
      %mul3A_574 = arith.muli %scan3A_572, %mul3A_573 : i32
      %add3A_575 = arith.constant 0 : i32
      %add3A_576 = arith.addi %add3A_575, %mul3A_574 : i32
      %mul3A_577 = arith.constant 16 : i32
      %mul3A_578 = arith.muli %add3A_576, %mul3A_577 : i32
      %get3A_579 = arith.index_cast %mul3A_578 : i32 to index
      %get3A_580 = tpu.vector_load %arg6[%get3A_579] {strides = array<i32>} : memref<640xf32, #tpu.memory_space<vmem>>, vector<16xf32>,
      %get3A_581 = arith.constant 0 : i32
      %get3A_582 = arith.index_cast %get3A_581 : i32 to index
      %get3A_583 = arith.index_cast %mul3A_578 : i32 to index
      %get3A_584 = tpu.vector_load %arg7[%get3A_582, %get3A_583] {strides = array<i32>} : memref<2x640xf32, #tpu.memory_space<vmem>>, vector<16xf32>,
      %add3A_585 = arith.addf %get3A_580, %get3A_584 : vector<16xf32>
      %swap3A = arith.index_cast %mul3A_578 : i32 to index
      %swap3A_586 = tpu.vector_load %arg6[%swap3A] {strides = array<i32>} : memref<640xf32, #tpu.memory_space<vmem>>, vector<16xf32>,
      tpu.vector_store %arg6[%swap3A], %add3A_585 {strides = array<i32>} : memref<640xf32, #tpu.memory_space<vmem>>, vector<16xf32>,
      %scan3A_587 = arith.constant 1 : i32
      %scan3A_588 = arith.addi %scan3A_572, %scan3A_587 : i32
      %mul3A_589 = arith.constant 1 : i32
      %mul3A_590 = arith.muli %scan3A_588, %mul3A_589 : i32
      %add3A_591 = arith.constant 0 : i32
      %add3A_592 = arith.addi %add3A_591, %mul3A_590 : i32
      %mul3A_593 = arith.constant 16 : i32
      %mul3A_594 = arith.muli %add3A_592, %mul3A_593 : i32
      %get3A_595 = arith.index_cast %mul3A_594 : i32 to index
      %get3A_596 = tpu.vector_load %arg6[%get3A_595] {strides = array<i32>} : memref<640xf32, #tpu.memory_space<vmem>>, vector<16xf32>,
      %get3A_597 = arith.constant 0 : i32
      %get3A_598 = arith.index_cast %get3A_597 : i32 to index
      %get3A_599 = arith.index_cast %mul3A_594 : i32 to index
      %get3A_600 = tpu.vector_load %arg7[%get3A_598, %get3A_599] {strides = array<i32>} : memref<2x640xf32, #tpu.memory_space<vmem>>, vector<16xf32>,
      %add3A_601 = arith.addf %get3A_596, %get3A_600 : vector<16xf32>
      %swap3A_602 = arith.index_cast %mul3A_594 : i32 to index
      %swap3A_603 = tpu.vector_load %arg6[%swap3A_602] {strides = array<i32>} : memref<640xf32, #tpu.memory_space<vmem>>, vector<16xf32>,
      tpu.vector_store %arg6[%swap3A_602], %add3A_601 {strides = array<i32>} : memref<640xf32, #tpu.memory_space<vmem>>, vector<16xf32>,
      %scan3A_604 = arith.constant 2 : i32
      %scan3A_605 = arith.addi %scan3A_572, %scan3A_604 : i32
      %mul3A_606 = arith.constant 1 : i32
      %mul3A_607 = arith.muli %scan3A_605, %mul3A_606 : i32
      %add3A_608 = arith.constant 0 : i32
      %add3A_609 = arith.addi %add3A_608, %mul3A_607 : i32
      %mul3A_610 = arith.constant 16 : i32
      %mul3A_611 = arith.muli %add3A_609, %mul3A_610 : i32
      %get3A_612 = arith.index_cast %mul3A_611 : i32 to index
      %get3A_613 = tpu.vector_load %arg6[%get3A_612] {strides = array<i32>} : memref<640xf32, #tpu.memory_space<vmem>>, vector<16xf32>,
      %get3A_614 = arith.constant 0 : i32
      %get3A_615 = arith.index_cast %get3A_614 : i32 to index
      %get3A_616 = arith.index_cast %mul3A_611 : i32 to index
      %get3A_617 = tpu.vector_load %arg7[%get3A_615, %get3A_616] {strides = array<i32>} : memref<2x640xf32, #tpu.memory_space<vmem>>, vector<16xf32>,
      %add3A_618 = arith.addf %get3A_613, %get3A_617 : vector<16xf32>
      %swap3A_619 = arith.index_cast %mul3A_611 : i32 to index
      %swap3A_620 = tpu.vector_load %arg6[%swap3A_619] {strides = array<i32>} : memref<640xf32, #tpu.memory_space<vmem>>, vector<16xf32>,
      tpu.vector_store %arg6[%swap3A_619], %add3A_618 {strides = array<i32>} : memref<640xf32, #tpu.memory_space<vmem>>, vector<16xf32>,
      %scan3A_621 = arith.constant 3 : i32
      %scan3A_622 = arith.addi %scan3A_572, %scan3A_621 : i32
      %mul3A_623 = arith.constant 1 : i32
      %mul3A_624 = arith.muli %scan3A_622, %mul3A_623 : i32
      %add3A_625 = arith.constant 0 : i32
      %add3A_626 = arith.addi %add3A_625, %mul3A_624 : i32
      %mul3A_627 = arith.constant 16 : i32
      %mul3A_628 = arith.muli %add3A_626, %mul3A_627 : i32
      %get3A_629 = arith.index_cast %mul3A_628 : i32 to index
      %get3A_630 = tpu.vector_load %arg6[%get3A_629] {strides = array<i32>} : memref<640xf32, #tpu.memory_space<vmem>>, vector<16xf32>,
      %get3A_631 = arith.constant 0 : i32
      %get3A_632 = arith.index_cast %get3A_631 : i32 to index
      %get3A_633 = arith.index_cast %mul3A_628 : i32 to index
      %get3A_634 = tpu.vector_load %arg7[%get3A_632, %get3A_633] {strides = array<i32>} : memref<2x640xf32, #tpu.memory_space<vmem>>, vector<16xf32>,
      %add3A_635 = arith.addf %get3A_630, %get3A_634 : vector<16xf32>
      %swap3A_636 = arith.index_cast %mul3A_628 : i32 to index
      %swap3A_637 = tpu.vector_load %arg6[%swap3A_636] {strides = array<i32>} : memref<640xf32, #tpu.memory_space<vmem>>, vector<16xf32>,
      tpu.vector_store %arg6[%swap3A_636], %add3A_635 {strides = array<i32>} : memref<640xf32, #tpu.memory_space<vmem>>, vector<16xf32>,
    }
    %scan3A_478 = arith.constant 40 : i32
    %dma_wait3A_479 = arith.constant 13 : i32
    %dma_wait3A_480 = arith.constant 1 : i32
    %dma_wait3A_481 = arith.constant 1 : i32
    %dma_wait3A_482 = arith.constant 0 : i32
    %dma_wait3A_483 = tpu.memref_slice %arg7[%dma_wait3A_480, %dma_wait3A_482] : memref<2x640xf32, #tpu.memory_space<vmem>> -> memref<1x640xf32, #tpu.memory_space<vmem>>
    %dma_wait3A_484 = tpu.memref_squeeze %dma_wait3A_483 : memref<1x640xf32, #tpu.memory_space<vmem>> -> memref<640xf32, #tpu.memory_space<vmem>>
    %dma_wait3A_485 = tpu.memref_slice %arg8[%dma_wait3A_479, %mul3A_43] : memref<16x10240xf32, #tpu.memory_space<vmem_shared>> -> memref<1x640xf32, #tpu.memory_space<vmem_shared>>
    %dma_wait3A_486 = tpu.memref_squeeze %dma_wait3A_485 : memref<1x640xf32, #tpu.memory_space<vmem_shared>> -> memref<640xf32, #tpu.memory_space<vmem_shared>>
    %dma_wait3A_487 = tpu.memref_slice %arg9[%dma_wait3A_481] : memref<2x!tpu.dma_semaphore, #tpu.memory_space<semaphore_mem>> -> memref<1x!tpu.dma_semaphore, #tpu.memory_space<semaphore_mem>>
    %dma_wait3A_488 = tpu.memref_squeeze %dma_wait3A_487 : memref<1x!tpu.dma_semaphore, #tpu.memory_space<semaphore_mem>> -> memref<!tpu.dma_semaphore, #tpu.memory_space<semaphore_mem>>
    %dma_wait3A_489 = arith.constant 0 : i32
    %dma_wait3A_490 = tpu.memref_slice %arg7[%dma_wait3A_480, %dma_wait3A_489] : memref<2x640xf32, #tpu.memory_space<vmem>> -> memref<1x640xf32, #tpu.memory_space<vmem>>
    %dma_wait3A_491 = tpu.memref_squeeze %dma_wait3A_490 : memref<1x640xf32, #tpu.memory_space<vmem>> -> memref<640xf32, #tpu.memory_space<vmem>>
    %dma_wait3A_492 = tpu.memref_slice %arg8[%dma_wait3A_479, %mul3A_43] : memref<16x10240xf32, #tpu.memory_space<vmem_shared>> -> memref<1x640xf32, #tpu.memory_space<vmem_shared>>
    %dma_wait3A_493 = tpu.memref_squeeze %dma_wait3A_492 : memref<1x640xf32, #tpu.memory_space<vmem_shared>> -> memref<640xf32, #tpu.memory_space<vmem_shared>>
    tpu.wait_dma2 semaphore(%dma_wait3A_488 : memref<!tpu.dma_semaphore, #tpu.memory_space<semaphore_mem>>) src(%dma_wait3A_493 : memref<640xf32, #tpu.memory_space<vmem_shared>>) dst(%dma_wait3A_491 : memref<640xf32, #tpu.memory_space<vmem>>)
    %dma_start3A_494 = arith.constant 14 : i32
    %dma_start3A_495 = arith.constant 0 : i32
    %dma_start3A_496 = arith.constant 0 : i32
    %dma_start3A_497 = arith.constant 0 : i32
    %dma_start3A_498 = tpu.memref_slice %arg7[%dma_start3A_495, %dma_start3A_497] : memref<2x640xf32, #tpu.memory_space<vmem>> -> memref<1x640xf32, #tpu.memory_space<vmem>>
    %dma_start3A_499 = tpu.memref_squeeze %dma_start3A_498 : memref<1x640xf32, #tpu.memory_space<vmem>> -> memref<640xf32, #tpu.memory_space<vmem>>
    %dma_start3A_500 = tpu.memref_slice %arg8[%dma_start3A_494, %mul3A_43] : memref<16x10240xf32, #tpu.memory_space<vmem_shared>> -> memref<1x640xf32, #tpu.memory_space<vmem_shared>>
    %dma_start3A_501 = tpu.memref_squeeze %dma_start3A_500 : memref<1x640xf32, #tpu.memory_space<vmem_shared>> -> memref<640xf32, #tpu.memory_space<vmem_shared>>
    %dma_start3A_502 = tpu.memref_slice %arg9[%dma_start3A_496] : memref<2x!tpu.dma_semaphore, #tpu.memory_space<semaphore_mem>> -> memref<1x!tpu.dma_semaphore, #tpu.memory_space<semaphore_mem>>
    %dma_start3A_503 = tpu.memref_squeeze %dma_start3A_502 : memref<1x!tpu.dma_semaphore, #tpu.memory_space<semaphore_mem>> -> memref<!tpu.dma_semaphore, #tpu.memory_space<semaphore_mem>>
    %dma_start3A_504 = arith.constant 0 : i32
    %dma_start3A_505 = tpu.memref_slice %arg7[%dma_start3A_495, %dma_start3A_504] : memref<2x640xf32, #tpu.memory_space<vmem>> -> memref<1x640xf32, #tpu.memory_space<vmem>>
    %dma_start3A_506 = tpu.memref_squeeze %dma_start3A_505 : memref<1x640xf32, #tpu.memory_space<vmem>> -> memref<640xf32, #tpu.memory_space<vmem>>
    %dma_start3A_507 = tpu.memref_slice %arg8[%dma_start3A_494, %mul3A_43] : memref<16x10240xf32, #tpu.memory_space<vmem_shared>> -> memref<1x640xf32, #tpu.memory_space<vmem_shared>>
    %dma_start3A_508 = tpu.memref_squeeze %dma_start3A_507 : memref<1x640xf32, #tpu.memory_space<vmem_shared>> -> memref<640xf32, #tpu.memory_space<vmem_shared>>
    tpu.enqueue_dma source(%dma_start3A_508 : memref<640xf32, #tpu.memory_space<vmem_shared>>) target(%dma_start3A_506 : memref<640xf32, #tpu.memory_space<vmem>>) target_semaphore(%dma_start3A_503 : memref<!tpu.dma_semaphore, #tpu.memory_space<semaphore_mem>>)
    %scan3A_509 = arith.constant 0 : i32
    %scan3A_510 = arith.constant 40 : i32
    %scan3A_511 = arith.addi %scan3A_509, %scan3A_510 : i32
    %scan3A_512 = arith.constant 4 : i32
    scf.for %scan3A_572 = %scan3A_509 to %scan3A_511 step %scan3A_512  : i32 {
      %mul3A_573 = arith.constant 1 : i32
      %mul3A_574 = arith.muli %scan3A_572, %mul3A_573 : i32
      %add3A_575 = arith.constant 0 : i32
      %add3A_576 = arith.addi %add3A_575, %mul3A_574 : i32
      %mul3A_577 = arith.constant 16 : i32
      %mul3A_578 = arith.muli %add3A_576, %mul3A_577 : i32
      %get3A_579 = arith.index_cast %mul3A_578 : i32 to index
      %get3A_580 = tpu.vector_load %arg6[%get3A_579] {strides = array<i32>} : memref<640xf32, #tpu.memory_space<vmem>>, vector<16xf32>,
      %get3A_581 = arith.constant 1 : i32
      %get3A_582 = arith.index_cast %get3A_581 : i32 to index
      %get3A_583 = arith.index_cast %mul3A_578 : i32 to index
      %get3A_584 = tpu.vector_load %arg7[%get3A_582, %get3A_583] {strides = array<i32>} : memref<2x640xf32, #tpu.memory_space<vmem>>, vector<16xf32>,
      %add3A_585 = arith.addf %get3A_580, %get3A_584 : vector<16xf32>
      %swap3A = arith.index_cast %mul3A_578 : i32 to index
      %swap3A_586 = tpu.vector_load %arg6[%swap3A] {strides = array<i32>} : memref<640xf32, #tpu.memory_space<vmem>>, vector<16xf32>,
      tpu.vector_store %arg6[%swap3A], %add3A_585 {strides = array<i32>} : memref<640xf32, #tpu.memory_space<vmem>>, vector<16xf32>,
      %scan3A_587 = arith.constant 1 : i32
      %scan3A_588 = arith.addi %scan3A_572, %scan3A_587 : i32
      %mul3A_589 = arith.constant 1 : i32
      %mul3A_590 = arith.muli %scan3A_588, %mul3A_589 : i32
      %add3A_591 = arith.constant 0 : i32
      %add3A_592 = arith.addi %add3A_591, %mul3A_590 : i32
      %mul3A_593 = arith.constant 16 : i32
      %mul3A_594 = arith.muli %add3A_592, %mul3A_593 : i32
      %get3A_595 = arith.index_cast %mul3A_594 : i32 to index
      %get3A_596 = tpu.vector_load %arg6[%get3A_595] {strides = array<i32>} : memref<640xf32, #tpu.memory_space<vmem>>, vector<16xf32>,
      %get3A_597 = arith.constant 1 : i32
      %get3A_598 = arith.index_cast %get3A_597 : i32 to index
      %get3A_599 = arith.index_cast %mul3A_594 : i32 to index
      %get3A_600 = tpu.vector_load %arg7[%get3A_598, %get3A_599] {strides = array<i32>} : memref<2x640xf32, #tpu.memory_space<vmem>>, vector<16xf32>,
      %add3A_601 = arith.addf %get3A_596, %get3A_600 : vector<16xf32>
      %swap3A_602 = arith.index_cast %mul3A_594 : i32 to index
      %swap3A_603 = tpu.vector_load %arg6[%swap3A_602] {strides = array<i32>} : memref<640xf32, #tpu.memory_space<vmem>>, vector<16xf32>,
      tpu.vector_store %arg6[%swap3A_602], %add3A_601 {strides = array<i32>} : memref<640xf32, #tpu.memory_space<vmem>>, vector<16xf32>,
      %scan3A_604 = arith.constant 2 : i32
      %scan3A_605 = arith.addi %scan3A_572, %scan3A_604 : i32
      %mul3A_606 = arith.constant 1 : i32
      %mul3A_607 = arith.muli %scan3A_605, %mul3A_606 : i32
      %add3A_608 = arith.constant 0 : i32
      %add3A_609 = arith.addi %add3A_608, %mul3A_607 : i32
      %mul3A_610 = arith.constant 16 : i32
      %mul3A_611 = arith.muli %add3A_609, %mul3A_610 : i32
      %get3A_612 = arith.index_cast %mul3A_611 : i32 to index
      %get3A_613 = tpu.vector_load %arg6[%get3A_612] {strides = array<i32>} : memref<640xf32, #tpu.memory_space<vmem>>, vector<16xf32>,
      %get3A_614 = arith.constant 1 : i32
      %get3A_615 = arith.index_cast %get3A_614 : i32 to index
      %get3A_616 = arith.index_cast %mul3A_611 : i32 to index
      %get3A_617 = tpu.vector_load %arg7[%get3A_615, %get3A_616] {strides = array<i32>} : memref<2x640xf32, #tpu.memory_space<vmem>>, vector<16xf32>,
      %add3A_618 = arith.addf %get3A_613, %get3A_617 : vector<16xf32>
      %swap3A_619 = arith.index_cast %mul3A_611 : i32 to index
      %swap3A_620 = tpu.vector_load %arg6[%swap3A_619] {strides = array<i32>} : memref<640xf32, #tpu.memory_space<vmem>>, vector<16xf32>,
      tpu.vector_store %arg6[%swap3A_619], %add3A_618 {strides = array<i32>} : memref<640xf32, #tpu.memory_space<vmem>>, vector<16xf32>,
      %scan3A_621 = arith.constant 3 : i32
      %scan3A_622 = arith.addi %scan3A_572, %scan3A_621 : i32
      %mul3A_623 = arith.constant 1 : i32
      %mul3A_624 = arith.muli %scan3A_622, %mul3A_623 : i32
      %add3A_625 = arith.constant 0 : i32
      %add3A_626 = arith.addi %add3A_625, %mul3A_624 : i32
      %mul3A_627 = arith.constant 16 : i32
      %mul3A_628 = arith.muli %add3A_626, %mul3A_627 : i32
      %get3A_629 = arith.index_cast %mul3A_628 : i32 to index
      %get3A_630 = tpu.vector_load %arg6[%get3A_629] {strides = array<i32>} : memref<640xf32, #tpu.memory_space<vmem>>, vector<16xf32>,
      %get3A_631 = arith.constant 1 : i32
      %get3A_632 = arith.index_cast %get3A_631 : i32 to index
      %get3A_633 = arith.index_cast %mul3A_628 : i32 to index
      %get3A_634 = tpu.vector_load %arg7[%get3A_632, %get3A_633] {strides = array<i32>} : memref<2x640xf32, #tpu.memory_space<vmem>>, vector<16xf32>,
      %add3A_635 = arith.addf %get3A_630, %get3A_634 : vector<16xf32>
      %swap3A_636 = arith.index_cast %mul3A_628 : i32 to index
      %swap3A_637 = tpu.vector_load %arg6[%swap3A_636] {strides = array<i32>} : memref<640xf32, #tpu.memory_space<vmem>>, vector<16xf32>,
      tpu.vector_store %arg6[%swap3A_636], %add3A_635 {strides = array<i32>} : memref<640xf32, #tpu.memory_space<vmem>>, vector<16xf32>,
    }
    %scan3A_513 = arith.constant 40 : i32
    %dma_wait3A_514 = arith.constant 14 : i32
    %dma_wait3A_515 = arith.constant 0 : i32
    %dma_wait3A_516 = arith.constant 0 : i32
    %dma_wait3A_517 = arith.constant 0 : i32
    %dma_wait3A_518 = tpu.memref_slice %arg7[%dma_wait3A_515, %dma_wait3A_517] : memref<2x640xf32, #tpu.memory_space<vmem>> -> memref<1x640xf32, #tpu.memory_space<vmem>>
    %dma_wait3A_519 = tpu.memref_squeeze %dma_wait3A_518 : memref<1x640xf32, #tpu.memory_space<vmem>> -> memref<640xf32, #tpu.memory_space<vmem>>
    %dma_wait3A_520 = tpu.memref_slice %arg8[%dma_wait3A_514, %mul3A_43] : memref<16x10240xf32, #tpu.memory_space<vmem_shared>> -> memref<1x640xf32, #tpu.memory_space<vmem_shared>>
    %dma_wait3A_521 = tpu.memref_squeeze %dma_wait3A_520 : memref<1x640xf32, #tpu.memory_space<vmem_shared>> -> memref<640xf32, #tpu.memory_space<vmem_shared>>
    %dma_wait3A_522 = tpu.memref_slice %arg9[%dma_wait3A_516] : memref<2x!tpu.dma_semaphore, #tpu.memory_space<semaphore_mem>> -> memref<1x!tpu.dma_semaphore, #tpu.memory_space<semaphore_mem>>
    %dma_wait3A_523 = tpu.memref_squeeze %dma_wait3A_522 : memref<1x!tpu.dma_semaphore, #tpu.memory_space<semaphore_mem>> -> memref<!tpu.dma_semaphore, #tpu.memory_space<semaphore_mem>>
    %dma_wait3A_524 = arith.constant 0 : i32
    %dma_wait3A_525 = tpu.memref_slice %arg7[%dma_wait3A_515, %dma_wait3A_524] : memref<2x640xf32, #tpu.memory_space<vmem>> -> memref<1x640xf32, #tpu.memory_space<vmem>>
    %dma_wait3A_526 = tpu.memref_squeeze %dma_wait3A_525 : memref<1x640xf32, #tpu.memory_space<vmem>> -> memref<640xf32, #tpu.memory_space<vmem>>
    %dma_wait3A_527 = tpu.memref_slice %arg8[%dma_wait3A_514, %mul3A_43] : memref<16x10240xf32, #tpu.memory_space<vmem_shared>> -> memref<1x640xf32, #tpu.memory_space<vmem_shared>>
    %dma_wait3A_528 = tpu.memref_squeeze %dma_wait3A_527 : memref<1x640xf32, #tpu.memory_space<vmem_shared>> -> memref<640xf32, #tpu.memory_space<vmem_shared>>
    tpu.wait_dma2 semaphore(%dma_wait3A_523 : memref<!tpu.dma_semaphore, #tpu.memory_space<semaphore_mem>>) src(%dma_wait3A_528 : memref<640xf32, #tpu.memory_space<vmem_shared>>) dst(%dma_wait3A_526 : memref<640xf32, #tpu.memory_space<vmem>>)
    %dma_start3A_529 = arith.constant 15 : i32
    %dma_start3A_530 = arith.constant 1 : i32
    %dma_start3A_531 = arith.constant 1 : i32
    %dma_start3A_532 = arith.constant 0 : i32
    %dma_start3A_533 = tpu.memref_slice %arg7[%dma_start3A_530, %dma_start3A_532] : memref<2x640xf32, #tpu.memory_space<vmem>> -> memref<1x640xf32, #tpu.memory_space<vmem>>
    %dma_start3A_534 = tpu.memref_squeeze %dma_start3A_533 : memref<1x640xf32, #tpu.memory_space<vmem>> -> memref<640xf32, #tpu.memory_space<vmem>>
    %dma_start3A_535 = tpu.memref_slice %arg8[%dma_start3A_529, %mul3A_43] : memref<16x10240xf32, #tpu.memory_space<vmem_shared>> -> memref<1x640xf32, #tpu.memory_space<vmem_shared>>
    %dma_start3A_536 = tpu.memref_squeeze %dma_start3A_535 : memref<1x640xf32, #tpu.memory_space<vmem_shared>> -> memref<640xf32, #tpu.memory_space<vmem_shared>>
    %dma_start3A_537 = tpu.memref_slice %arg9[%dma_start3A_531] : memref<2x!tpu.dma_semaphore, #tpu.memory_space<semaphore_mem>> -> memref<1x!tpu.dma_semaphore, #tpu.memory_space<semaphore_mem>>
    %dma_start3A_538 = tpu.memref_squeeze %dma_start3A_537 : memref<1x!tpu.dma_semaphore, #tpu.memory_space<semaphore_mem>> -> memref<!tpu.dma_semaphore, #tpu.memory_space<semaphore_mem>>
    %dma_start3A_539 = arith.constant 0 : i32
    %dma_start3A_540 = tpu.memref_slice %arg7[%dma_start3A_530, %dma_start3A_539] : memref<2x640xf32, #tpu.memory_space<vmem>> -> memref<1x640xf32, #tpu.memory_space<vmem>>
    %dma_start3A_541 = tpu.memref_squeeze %dma_start3A_540 : memref<1x640xf32, #tpu.memory_space<vmem>> -> memref<640xf32, #tpu.memory_space<vmem>>
    %dma_start3A_542 = tpu.memref_slice %arg8[%dma_start3A_529, %mul3A_43] : memref<16x10240xf32, #tpu.memory_space<vmem_shared>> -> memref<1x640xf32, #tpu.memory_space<vmem_shared>>
    %dma_start3A_543 = tpu.memref_squeeze %dma_start3A_542 : memref<1x640xf32, #tpu.memory_space<vmem_shared>> -> memref<640xf32, #tpu.memory_space<vmem_shared>>
    tpu.enqueue_dma source(%dma_start3A_543 : memref<640xf32, #tpu.memory_space<vmem_shared>>) target(%dma_start3A_541 : memref<640xf32, #tpu.memory_space<vmem>>) target_semaphore(%dma_start3A_538 : memref<!tpu.dma_semaphore, #tpu.memory_space<semaphore_mem>>)
    %scan3A_544 = arith.constant 0 : i32
    %scan3A_545 = arith.constant 40 : i32
    %scan3A_546 = arith.addi %scan3A_544, %scan3A_545 : i32
    %scan3A_547 = arith.constant 4 : i32
    scf.for %scan3A_572 = %scan3A_544 to %scan3A_546 step %scan3A_547  : i32 {
      %mul3A_573 = arith.constant 1 : i32
      %mul3A_574 = arith.muli %scan3A_572, %mul3A_573 : i32
      %add3A_575 = arith.constant 0 : i32
      %add3A_576 = arith.addi %add3A_575, %mul3A_574 : i32
      %mul3A_577 = arith.constant 16 : i32
      %mul3A_578 = arith.muli %add3A_576, %mul3A_577 : i32
      %get3A_579 = arith.index_cast %mul3A_578 : i32 to index
      %get3A_580 = tpu.vector_load %arg6[%get3A_579] {strides = array<i32>} : memref<640xf32, #tpu.memory_space<vmem>>, vector<16xf32>,
      %get3A_581 = arith.constant 0 : i32
      %get3A_582 = arith.index_cast %get3A_581 : i32 to index
      %get3A_583 = arith.index_cast %mul3A_578 : i32 to index
      %get3A_584 = tpu.vector_load %arg7[%get3A_582, %get3A_583] {strides = array<i32>} : memref<2x640xf32, #tpu.memory_space<vmem>>, vector<16xf32>,
      %add3A_585 = arith.addf %get3A_580, %get3A_584 : vector<16xf32>
      %swap3A = arith.index_cast %mul3A_578 : i32 to index
      %swap3A_586 = tpu.vector_load %arg6[%swap3A] {strides = array<i32>} : memref<640xf32, #tpu.memory_space<vmem>>, vector<16xf32>,
      tpu.vector_store %arg6[%swap3A], %add3A_585 {strides = array<i32>} : memref<640xf32, #tpu.memory_space<vmem>>, vector<16xf32>,
      %scan3A_587 = arith.constant 1 : i32
      %scan3A_588 = arith.addi %scan3A_572, %scan3A_587 : i32
      %mul3A_589 = arith.constant 1 : i32
      %mul3A_590 = arith.muli %scan3A_588, %mul3A_589 : i32
      %add3A_591 = arith.constant 0 : i32
      %add3A_592 = arith.addi %add3A_591, %mul3A_590 : i32
      %mul3A_593 = arith.constant 16 : i32
      %mul3A_594 = arith.muli %add3A_592, %mul3A_593 : i32
      %get3A_595 = arith.index_cast %mul3A_594 : i32 to index
      %get3A_596 = tpu.vector_load %arg6[%get3A_595] {strides = array<i32>} : memref<640xf32, #tpu.memory_space<vmem>>, vector<16xf32>,
      %get3A_597 = arith.constant 0 : i32
      %get3A_598 = arith.index_cast %get3A_597 : i32 to index
      %get3A_599 = arith.index_cast %mul3A_594 : i32 to index
      %get3A_600 = tpu.vector_load %arg7[%get3A_598, %get3A_599] {strides = array<i32>} : memref<2x640xf32, #tpu.memory_space<vmem>>, vector<16xf32>,
      %add3A_601 = arith.addf %get3A_596, %get3A_600 : vector<16xf32>
      %swap3A_602 = arith.index_cast %mul3A_594 : i32 to index
      %swap3A_603 = tpu.vector_load %arg6[%swap3A_602] {strides = array<i32>} : memref<640xf32, #tpu.memory_space<vmem>>, vector<16xf32>,
      tpu.vector_store %arg6[%swap3A_602], %add3A_601 {strides = array<i32>} : memref<640xf32, #tpu.memory_space<vmem>>, vector<16xf32>,
      %scan3A_604 = arith.constant 2 : i32
      %scan3A_605 = arith.addi %scan3A_572, %scan3A_604 : i32
      %mul3A_606 = arith.constant 1 : i32
      %mul3A_607 = arith.muli %scan3A_605, %mul3A_606 : i32
      %add3A_608 = arith.constant 0 : i32
      %add3A_609 = arith.addi %add3A_608, %mul3A_607 : i32
      %mul3A_610 = arith.constant 16 : i32
      %mul3A_611 = arith.muli %add3A_609, %mul3A_610 : i32
      %get3A_612 = arith.index_cast %mul3A_611 : i32 to index
      %get3A_613 = tpu.vector_load %arg6[%get3A_612] {strides = array<i32>} : memref<640xf32, #tpu.memory_space<vmem>>, vector<16xf32>,
      %get3A_614 = arith.constant 0 : i32
      %get3A_615 = arith.index_cast %get3A_614 : i32 to index
      %get3A_616 = arith.index_cast %mul3A_611 : i32 to index
      %get3A_617 = tpu.vector_load %arg7[%get3A_615, %get3A_616] {strides = array<i32>} : memref<2x640xf32, #tpu.memory_space<vmem>>, vector<16xf32>,
      %add3A_618 = arith.addf %get3A_613, %get3A_617 : vector<16xf32>
      %swap3A_619 = arith.index_cast %mul3A_611 : i32 to index
      %swap3A_620 = tpu.vector_load %arg6[%swap3A_619] {strides = array<i32>} : memref<640xf32, #tpu.memory_space<vmem>>, vector<16xf32>,
      tpu.vector_store %arg6[%swap3A_619], %add3A_618 {strides = array<i32>} : memref<640xf32, #tpu.memory_space<vmem>>, vector<16xf32>,
      %scan3A_621 = arith.constant 3 : i32
      %scan3A_622 = arith.addi %scan3A_572, %scan3A_621 : i32
      %mul3A_623 = arith.constant 1 : i32
      %mul3A_624 = arith.muli %scan3A_622, %mul3A_623 : i32
      %add3A_625 = arith.constant 0 : i32
      %add3A_626 = arith.addi %add3A_625, %mul3A_624 : i32
      %mul3A_627 = arith.constant 16 : i32
      %mul3A_628 = arith.muli %add3A_626, %mul3A_627 : i32
      %get3A_629 = arith.index_cast %mul3A_628 : i32 to index
      %get3A_630 = tpu.vector_load %arg6[%get3A_629] {strides = array<i32>} : memref<640xf32, #tpu.memory_space<vmem>>, vector<16xf32>,
      %get3A_631 = arith.constant 0 : i32
      %get3A_632 = arith.index_cast %get3A_631 : i32 to index
      %get3A_633 = arith.index_cast %mul3A_628 : i32 to index
      %get3A_634 = tpu.vector_load %arg7[%get3A_632, %get3A_633] {strides = array<i32>} : memref<2x640xf32, #tpu.memory_space<vmem>>, vector<16xf32>,
      %add3A_635 = arith.addf %get3A_630, %get3A_634 : vector<16xf32>
      %swap3A_636 = arith.index_cast %mul3A_628 : i32 to index
      %swap3A_637 = tpu.vector_load %arg6[%swap3A_636] {strides = array<i32>} : memref<640xf32, #tpu.memory_space<vmem>>, vector<16xf32>,
      tpu.vector_store %arg6[%swap3A_636], %add3A_635 {strides = array<i32>} : memref<640xf32, #tpu.memory_space<vmem>>, vector<16xf32>,
    }
    %scan3A_548 = arith.constant 40 : i32
    %dma_wait3A_549 = arith.constant 15 : i32
    %dma_wait3A_550 = arith.constant 1 : i32
    %dma_wait3A_551 = arith.constant 1 : i32
    %dma_wait3A_552 = arith.constant 0 : i32
    %dma_wait3A_553 = tpu.memref_slice %arg7[%dma_wait3A_550, %dma_wait3A_552] : memref<2x640xf32, #tpu.memory_space<vmem>> -> memref<1x640xf32, #tpu.memory_space<vmem>>
    %dma_wait3A_554 = tpu.memref_squeeze %dma_wait3A_553 : memref<1x640xf32, #tpu.memory_space<vmem>> -> memref<640xf32, #tpu.memory_space<vmem>>
    %dma_wait3A_555 = tpu.memref_slice %arg8[%dma_wait3A_549, %mul3A_43] : memref<16x10240xf32, #tpu.memory_space<vmem_shared>> -> memref<1x640xf32, #tpu.memory_space<vmem_shared>>
    %dma_wait3A_556 = tpu.memref_squeeze %dma_wait3A_555 : memref<1x640xf32, #tpu.memory_space<vmem_shared>> -> memref<640xf32, #tpu.memory_space<vmem_shared>>
    %dma_wait3A_557 = tpu.memref_slice %arg9[%dma_wait3A_551] : memref<2x!tpu.dma_semaphore, #tpu.memory_space<semaphore_mem>> -> memref<1x!tpu.dma_semaphore, #tpu.memory_space<semaphore_mem>>
    %dma_wait3A_558 = tpu.memref_squeeze %dma_wait3A_557 : memref<1x!tpu.dma_semaphore, #tpu.memory_space<semaphore_mem>> -> memref<!tpu.dma_semaphore, #tpu.memory_space<semaphore_mem>>
    %dma_wait3A_559 = arith.constant 0 : i32
    %dma_wait3A_560 = tpu.memref_slice %arg7[%dma_wait3A_550, %dma_wait3A_559] : memref<2x640xf32, #tpu.memory_space<vmem>> -> memref<1x640xf32, #tpu.memory_space<vmem>>
    %dma_wait3A_561 = tpu.memref_squeeze %dma_wait3A_560 : memref<1x640xf32, #tpu.memory_space<vmem>> -> memref<640xf32, #tpu.memory_space<vmem>>
    %dma_wait3A_562 = tpu.memref_slice %arg8[%dma_wait3A_549, %mul3A_43] : memref<16x10240xf32, #tpu.memory_space<vmem_shared>> -> memref<1x640xf32, #tpu.memory_space<vmem_shared>>
    %dma_wait3A_563 = tpu.memref_squeeze %dma_wait3A_562 : memref<1x640xf32, #tpu.memory_space<vmem_shared>> -> memref<640xf32, #tpu.memory_space<vmem_shared>>
    tpu.wait_dma2 semaphore(%dma_wait3A_558 : memref<!tpu.dma_semaphore, #tpu.memory_space<semaphore_mem>>) src(%dma_wait3A_563 : memref<640xf32, #tpu.memory_space<vmem_shared>>) dst(%dma_wait3A_561 : memref<640xf32, #tpu.memory_space<vmem>>)
    %scan3A_564 = arith.constant 0 : i32
    %scan3A_565 = arith.constant 40 : i32
    %scan3A_566 = arith.addi %scan3A_564, %scan3A_565 : i32
    %scan3A_567 = arith.constant 4 : i32
    scf.for %scan3A_572 = %scan3A_564 to %scan3A_566 step %scan3A_567  : i32 {
      %mul3A_573 = arith.constant 1 : i32
      %mul3A_574 = arith.muli %scan3A_572, %mul3A_573 : i32
      %add3A_575 = arith.constant 0 : i32
      %add3A_576 = arith.addi %add3A_575, %mul3A_574 : i32
      %mul3A_577 = arith.constant 16 : i32
      %mul3A_578 = arith.muli %add3A_576, %mul3A_577 : i32
      %get3A_579 = arith.index_cast %mul3A_578 : i32 to index
      %get3A_580 = tpu.vector_load %arg6[%get3A_579] {strides = array<i32>} : memref<640xf32, #tpu.memory_space<vmem>>, vector<16xf32>,
      %get3A_581 = arith.constant 1 : i32
      %get3A_582 = arith.index_cast %get3A_581 : i32 to index
      %get3A_583 = arith.index_cast %mul3A_578 : i32 to index
      %get3A_584 = tpu.vector_load %arg7[%get3A_582, %get3A_583] {strides = array<i32>} : memref<2x640xf32, #tpu.memory_space<vmem>>, vector<16xf32>,
      %add3A_585 = arith.addf %get3A_580, %get3A_584 : vector<16xf32>
      %swap3A = arith.index_cast %mul3A_578 : i32 to index
      %swap3A_586 = tpu.vector_load %arg6[%swap3A] {strides = array<i32>} : memref<640xf32, #tpu.memory_space<vmem>>, vector<16xf32>,
      tpu.vector_store %arg6[%swap3A], %add3A_585 {strides = array<i32>} : memref<640xf32, #tpu.memory_space<vmem>>, vector<16xf32>,
      %scan3A_587 = arith.constant 1 : i32
      %scan3A_588 = arith.addi %scan3A_572, %scan3A_587 : i32
      %mul3A_589 = arith.constant 1 : i32
      %mul3A_590 = arith.muli %scan3A_588, %mul3A_589 : i32
      %add3A_591 = arith.constant 0 : i32
      %add3A_592 = arith.addi %add3A_591, %mul3A_590 : i32
      %mul3A_593 = arith.constant 16 : i32
      %mul3A_594 = arith.muli %add3A_592, %mul3A_593 : i32
      %get3A_595 = arith.index_cast %mul3A_594 : i32 to index
      %get3A_596 = tpu.vector_load %arg6[%get3A_595] {strides = array<i32>} : memref<640xf32, #tpu.memory_space<vmem>>, vector<16xf32>,
      %get3A_597 = arith.constant 1 : i32
      %get3A_598 = arith.index_cast %get3A_597 : i32 to index
      %get3A_599 = arith.index_cast %mul3A_594 : i32 to index
      %get3A_600 = tpu.vector_load %arg7[%get3A_598, %get3A_599] {strides = array<i32>} : memref<2x640xf32, #tpu.memory_space<vmem>>, vector<16xf32>,
      %add3A_601 = arith.addf %get3A_596, %get3A_600 : vector<16xf32>
      %swap3A_602 = arith.index_cast %mul3A_594 : i32 to index
      %swap3A_603 = tpu.vector_load %arg6[%swap3A_602] {strides = array<i32>} : memref<640xf32, #tpu.memory_space<vmem>>, vector<16xf32>,
      tpu.vector_store %arg6[%swap3A_602], %add3A_601 {strides = array<i32>} : memref<640xf32, #tpu.memory_space<vmem>>, vector<16xf32>,
      %scan3A_604 = arith.constant 2 : i32
      %scan3A_605 = arith.addi %scan3A_572, %scan3A_604 : i32
      %mul3A_606 = arith.constant 1 : i32
      %mul3A_607 = arith.muli %scan3A_605, %mul3A_606 : i32
      %add3A_608 = arith.constant 0 : i32
      %add3A_609 = arith.addi %add3A_608, %mul3A_607 : i32
      %mul3A_610 = arith.constant 16 : i32
      %mul3A_611 = arith.muli %add3A_609, %mul3A_610 : i32
      %get3A_612 = arith.index_cast %mul3A_611 : i32 to index
      %get3A_613 = tpu.vector_load %arg6[%get3A_612] {strides = array<i32>} : memref<640xf32, #tpu.memory_space<vmem>>, vector<16xf32>,
      %get3A_614 = arith.constant 1 : i32
      %get3A_615 = arith.index_cast %get3A_614 : i32 to index
      %get3A_616 = arith.index_cast %mul3A_611 : i32 to index
      %get3A_617 = tpu.vector_load %arg7[%get3A_615, %get3A_616] {strides = array<i32>} : memref<2x640xf32, #tpu.memory_space<vmem>>, vector<16xf32>,
      %add3A_618 = arith.addf %get3A_613, %get3A_617 : vector<16xf32>
      %swap3A_619 = arith.index_cast %mul3A_611 : i32 to index
      %swap3A_620 = tpu.vector_load %arg6[%swap3A_619] {strides = array<i32>} : memref<640xf32, #tpu.memory_space<vmem>>, vector<16xf32>,
      tpu.vector_store %arg6[%swap3A_619], %add3A_618 {strides = array<i32>} : memref<640xf32, #tpu.memory_space<vmem>>, vector<16xf32>,
      %scan3A_621 = arith.constant 3 : i32
      %scan3A_622 = arith.addi %scan3A_572, %scan3A_621 : i32
      %mul3A_623 = arith.constant 1 : i32
      %mul3A_624 = arith.muli %scan3A_622, %mul3A_623 : i32
      %add3A_625 = arith.constant 0 : i32
      %add3A_626 = arith.addi %add3A_625, %mul3A_624 : i32
      %mul3A_627 = arith.constant 16 : i32
      %mul3A_628 = arith.muli %add3A_626, %mul3A_627 : i32
      %get3A_629 = arith.index_cast %mul3A_628 : i32 to index
      %get3A_630 = tpu.vector_load %arg6[%get3A_629] {strides = array<i32>} : memref<640xf32, #tpu.memory_space<vmem>>, vector<16xf32>,
      %get3A_631 = arith.constant 1 : i32
      %get3A_632 = arith.index_cast %get3A_631 : i32 to index
      %get3A_633 = arith.index_cast %mul3A_628 : i32 to index
      %get3A_634 = tpu.vector_load %arg7[%get3A_632, %get3A_633] {strides = array<i32>} : memref<2x640xf32, #tpu.memory_space<vmem>>, vector<16xf32>,
      %add3A_635 = arith.addf %get3A_630, %get3A_634 : vector<16xf32>
      %swap3A_636 = arith.index_cast %mul3A_628 : i32 to index
      %swap3A_637 = tpu.vector_load %arg6[%swap3A_636] {strides = array<i32>} : memref<640xf32, #tpu.memory_space<vmem>>, vector<16xf32>,
      tpu.vector_store %arg6[%swap3A_636], %add3A_635 {strides = array<i32>} : memref<640xf32, #tpu.memory_space<vmem>>, vector<16xf32>,
    }
    %scan3A_568 = arith.constant 40 : i32
    %mul3A_569 = arith.constant 640 : i32
    %mul3A_570 = arith.muli %arg1, %mul3A_569 : i32
    %run_scoped3A_571 = arith.constant 0 : i32
    "tpu.region"() ({
      %run_scoped3A_572 = tpu.sem_alloc : memref<!tpu.dma_semaphore, #tpu.memory_space<semaphore_mem>>
      %dma_start3A_573 = tpu.memref_slice %arg3[%arg0, %run_scoped3A_571, %mul3A_570] : memref<2x1x10240xf32, #tpu.memory_space<hbm>> -> memref<1x1x640xf32, #tpu.memory_space<hbm>>
      %dma_start3A_574 = tpu.memref_squeeze %dma_start3A_573 : memref<1x1x640xf32, #tpu.memory_space<hbm>> -> memref<640xf32, #tpu.memory_space<hbm>>
      %dma_start3A_575 = tpu.memref_slice %arg3[%arg0, %run_scoped3A_571, %mul3A_570] : memref<2x1x10240xf32, #tpu.memory_space<hbm>> -> memref<1x1x640xf32, #tpu.memory_space<hbm>>
      %dma_start3A_576 = tpu.memref_squeeze %dma_start3A_575 : memref<1x1x640xf32, #tpu.memory_space<hbm>> -> memref<640xf32, #tpu.memory_space<hbm>>
      tpu.enqueue_dma source(%arg6 : memref<640xf32, #tpu.memory_space<vmem>>) target(%dma_start3A_576 : memref<640xf32, #tpu.memory_space<hbm>>) target_semaphore(%run_scoped3A_572 : memref<!tpu.dma_semaphore, #tpu.memory_space<semaphore_mem>>)
      %dma_wait3A_577 = tpu.memref_slice %arg3[%arg0, %run_scoped3A_571, %mul3A_570] : memref<2x1x10240xf32, #tpu.memory_space<hbm>> -> memref<1x1x640xf32, #tpu.memory_space<hbm>>
      %dma_wait3A_578 = tpu.memref_squeeze %dma_wait3A_577 : memref<1x1x640xf32, #tpu.memory_space<hbm>> -> memref<640xf32, #tpu.memory_space<hbm>>
      %dma_wait3A_579 = tpu.memref_slice %arg3[%arg0, %run_scoped3A_571, %mul3A_570] : memref<2x1x10240xf32, #tpu.memory_space<hbm>> -> memref<1x1x640xf32, #tpu.memory_space<hbm>>
      %dma_wait3A_580 = tpu.memref_squeeze %dma_wait3A_579 : memref<1x1x640xf32, #tpu.memory_space<hbm>> -> memref<640xf32, #tpu.memory_space<hbm>>
      tpu.wait_dma2 semaphore(%run_scoped3A_572 : memref<!tpu.dma_semaphore, #tpu.memory_space<semaphore_mem>>) src(%arg6 : memref<640xf32, #tpu.memory_space<vmem>>) dst(%dma_wait3A_580 : memref<640xf32, #tpu.memory_space<hbm>>)
      tpu.yield
    }) : () -> ()
    return
  }
}

#map = affine_map<(d0, d1) -> (0, 0)>
#map1 = affine_map<(d0, d1) -> (0, 0, 0, 0)>
#map2 = affine_map<(d0, d1) -> (0, 0, 0)>
module attributes {stable_mosaic.version = 14 : i64} {
  func.func @_agg_body(%arg0: i32, %arg1: i32, %arg2: memref<20000x64xf32, #tpu.memory_space<hbm>>, %arg3: memref<2x16x250x80xi32, #tpu.memory_space<hbm>>, %arg4: memref<16x250x80xi32, #tpu.memory_space<hbm>>, %arg5: memref<640x64xf32, #tpu.memory_space<hbm>>, %arg6: memref<2x10240x64xf32, #tpu.memory_space<hbm>>, %arg7: memref<250x80xi32, #tpu.memory_space<vmem>>, %arg8: memref<250x80xi32, #tpu.memory_space<vmem>>, %arg9: memref<5x80x64xf32, #tpu.memory_space<vmem>>, %arg10: memref<10240x64xf32, #tpu.memory_space<vmem_shared>>, %arg11: memref<5x!tpu.dma_semaphore, #tpu.memory_space<semaphore_mem>>, %arg12: memref<5x!tpu.dma_semaphore, #tpu.memory_space<semaphore_mem>>) attributes {dimension_semantics = [#tpu.dimension_semantics<core_parallel>, #tpu.dimension_semantics<subcore_parallel>], iteration_bounds = array<i64: 2, 16>, scalar_prefetch = 0 : i64, scratch_operands = 6 : i64, tpu.core_type = #tpu.core_type<sc_vector_subcore>, window_params = [{transform_indices = #map}, {transform_indices = #map1}, {transform_indices = #map2}, {transform_indices = #map}, {transform_indices = #map2}]} {
    %dma_start3A = arith.constant 0 : i32
    %dma_start3A_0 = arith.constant 0 : i32
    %dma_start3A_1 = arith.constant 0 : i32
    %dma_start3A_2 = tpu.memref_slice %arg3[%arg0, %arg1, %dma_start3A_0, %dma_start3A_1] : memref<2x16x250x80xi32, #tpu.memory_space<hbm>> -> memref<1x1x250x80xi32, #tpu.memory_space<hbm>>
    %dma_start3A_3 = tpu.memref_squeeze %dma_start3A_2 : memref<1x1x250x80xi32, #tpu.memory_space<hbm>> -> memref<250x80xi32, #tpu.memory_space<hbm>>
    %dma_start3A_4 = tpu.memref_slice %arg11[%dma_start3A] : memref<5x!tpu.dma_semaphore, #tpu.memory_space<semaphore_mem>> -> memref<1x!tpu.dma_semaphore, #tpu.memory_space<semaphore_mem>>
    %dma_start3A_5 = tpu.memref_squeeze %dma_start3A_4 : memref<1x!tpu.dma_semaphore, #tpu.memory_space<semaphore_mem>> -> memref<!tpu.dma_semaphore, #tpu.memory_space<semaphore_mem>>
    %dma_start3A_6 = arith.constant 0 : i32
    %dma_start3A_7 = arith.constant 0 : i32
    %dma_start3A_8 = tpu.memref_slice %arg3[%arg0, %arg1, %dma_start3A_6, %dma_start3A_7] : memref<2x16x250x80xi32, #tpu.memory_space<hbm>> -> memref<1x1x250x80xi32, #tpu.memory_space<hbm>>
    %dma_start3A_9 = tpu.memref_squeeze %dma_start3A_8 : memref<1x1x250x80xi32, #tpu.memory_space<hbm>> -> memref<250x80xi32, #tpu.memory_space<hbm>>
    tpu.enqueue_dma source(%dma_start3A_9 : memref<250x80xi32, #tpu.memory_space<hbm>>) target(%arg7 : memref<250x80xi32, #tpu.memory_space<vmem>>) target_semaphore(%dma_start3A_5 : memref<!tpu.dma_semaphore, #tpu.memory_space<semaphore_mem>>)
    %dma_start3A_10 = arith.constant 1 : i32
    %dma_start3A_11 = arith.constant 0 : i32
    %dma_start3A_12 = arith.constant 0 : i32
    %dma_start3A_13 = tpu.memref_slice %arg4[%arg1, %dma_start3A_11, %dma_start3A_12] : memref<16x250x80xi32, #tpu.memory_space<hbm>> -> memref<1x250x80xi32, #tpu.memory_space<hbm>>
    %dma_start3A_14 = tpu.memref_squeeze %dma_start3A_13 : memref<1x250x80xi32, #tpu.memory_space<hbm>> -> memref<250x80xi32, #tpu.memory_space<hbm>>
    %dma_start3A_15 = tpu.memref_slice %arg11[%dma_start3A_10] : memref<5x!tpu.dma_semaphore, #tpu.memory_space<semaphore_mem>> -> memref<1x!tpu.dma_semaphore, #tpu.memory_space<semaphore_mem>>
    %dma_start3A_16 = tpu.memref_squeeze %dma_start3A_15 : memref<1x!tpu.dma_semaphore, #tpu.memory_space<semaphore_mem>> -> memref<!tpu.dma_semaphore, #tpu.memory_space<semaphore_mem>>
    %dma_start3A_17 = arith.constant 0 : i32
    %dma_start3A_18 = arith.constant 0 : i32
    %dma_start3A_19 = tpu.memref_slice %arg4[%arg1, %dma_start3A_17, %dma_start3A_18] : memref<16x250x80xi32, #tpu.memory_space<hbm>> -> memref<1x250x80xi32, #tpu.memory_space<hbm>>
    %dma_start3A_20 = tpu.memref_squeeze %dma_start3A_19 : memref<1x250x80xi32, #tpu.memory_space<hbm>> -> memref<250x80xi32, #tpu.memory_space<hbm>>
    tpu.enqueue_dma source(%dma_start3A_20 : memref<250x80xi32, #tpu.memory_space<hbm>>) target(%arg8 : memref<250x80xi32, #tpu.memory_space<vmem>>) target_semaphore(%dma_start3A_16 : memref<!tpu.dma_semaphore, #tpu.memory_space<semaphore_mem>>)
    %mul3A = arith.constant 640 : i32
    %mul3A_21 = arith.muli %arg1, %mul3A : i32
    %dma_start3A_22 = arith.constant 2 : i32
    %dma_start3A_23 = tpu.memref_slice %arg11[%dma_start3A_22] : memref<5x!tpu.dma_semaphore, #tpu.memory_space<semaphore_mem>> -> memref<1x!tpu.dma_semaphore, #tpu.memory_space<semaphore_mem>>
    %dma_start3A_24 = tpu.memref_squeeze %dma_start3A_23 : memref<1x!tpu.dma_semaphore, #tpu.memory_space<semaphore_mem>> -> memref<!tpu.dma_semaphore, #tpu.memory_space<semaphore_mem>>
    %dma_start3A_25 = arith.constant 0 : i32
    %dma_start3A_26 = tpu.memref_slice %arg10[%mul3A_21, %dma_start3A_25] : memref<10240x64xf32, #tpu.memory_space<vmem_shared>> -> memref<640x64xf32, #tpu.memory_space<vmem_shared>>
    tpu.enqueue_dma source(%arg5 : memref<640x64xf32, #tpu.memory_space<hbm>>) target(%dma_start3A_26 : memref<640x64xf32, #tpu.memory_space<vmem_shared>>) target_semaphore(%dma_start3A_24 : memref<!tpu.dma_semaphore, #tpu.memory_space<semaphore_mem>>)
    %dma_wait3A = arith.constant 0 : i32
    %dma_wait3A_27 = arith.constant 0 : i32
    %dma_wait3A_28 = arith.constant 0 : i32
    %dma_wait3A_29 = tpu.memref_slice %arg3[%arg0, %arg1, %dma_wait3A_27, %dma_wait3A_28] : memref<2x16x250x80xi32, #tpu.memory_space<hbm>> -> memref<1x1x250x80xi32, #tpu.memory_space<hbm>>
    %dma_wait3A_30 = tpu.memref_squeeze %dma_wait3A_29 : memref<1x1x250x80xi32, #tpu.memory_space<hbm>> -> memref<250x80xi32, #tpu.memory_space<hbm>>
    %dma_wait3A_31 = tpu.memref_slice %arg11[%dma_wait3A] : memref<5x!tpu.dma_semaphore, #tpu.memory_space<semaphore_mem>> -> memref<1x!tpu.dma_semaphore, #tpu.memory_space<semaphore_mem>>
    %dma_wait3A_32 = tpu.memref_squeeze %dma_wait3A_31 : memref<1x!tpu.dma_semaphore, #tpu.memory_space<semaphore_mem>> -> memref<!tpu.dma_semaphore, #tpu.memory_space<semaphore_mem>>
    %dma_wait3A_33 = arith.constant 0 : i32
    %dma_wait3A_34 = arith.constant 0 : i32
    %dma_wait3A_35 = tpu.memref_slice %arg3[%arg0, %arg1, %dma_wait3A_33, %dma_wait3A_34] : memref<2x16x250x80xi32, #tpu.memory_space<hbm>> -> memref<1x1x250x80xi32, #tpu.memory_space<hbm>>
    %dma_wait3A_36 = tpu.memref_squeeze %dma_wait3A_35 : memref<1x1x250x80xi32, #tpu.memory_space<hbm>> -> memref<250x80xi32, #tpu.memory_space<hbm>>
    tpu.wait_dma2 semaphore(%dma_wait3A_32 : memref<!tpu.dma_semaphore, #tpu.memory_space<semaphore_mem>>) src(%dma_wait3A_36 : memref<250x80xi32, #tpu.memory_space<hbm>>) dst(%arg7 : memref<250x80xi32, #tpu.memory_space<vmem>>)
    %dma_wait3A_37 = arith.constant 1 : i32
    %dma_wait3A_38 = arith.constant 0 : i32
    %dma_wait3A_39 = arith.constant 0 : i32
    %dma_wait3A_40 = tpu.memref_slice %arg4[%arg1, %dma_wait3A_38, %dma_wait3A_39] : memref<16x250x80xi32, #tpu.memory_space<hbm>> -> memref<1x250x80xi32, #tpu.memory_space<hbm>>
    %dma_wait3A_41 = tpu.memref_squeeze %dma_wait3A_40 : memref<1x250x80xi32, #tpu.memory_space<hbm>> -> memref<250x80xi32, #tpu.memory_space<hbm>>
    %dma_wait3A_42 = tpu.memref_slice %arg11[%dma_wait3A_37] : memref<5x!tpu.dma_semaphore, #tpu.memory_space<semaphore_mem>> -> memref<1x!tpu.dma_semaphore, #tpu.memory_space<semaphore_mem>>
    %dma_wait3A_43 = tpu.memref_squeeze %dma_wait3A_42 : memref<1x!tpu.dma_semaphore, #tpu.memory_space<semaphore_mem>> -> memref<!tpu.dma_semaphore, #tpu.memory_space<semaphore_mem>>
    %dma_wait3A_44 = arith.constant 0 : i32
    %dma_wait3A_45 = arith.constant 0 : i32
    %dma_wait3A_46 = tpu.memref_slice %arg4[%arg1, %dma_wait3A_44, %dma_wait3A_45] : memref<16x250x80xi32, #tpu.memory_space<hbm>> -> memref<1x250x80xi32, #tpu.memory_space<hbm>>
    %dma_wait3A_47 = tpu.memref_squeeze %dma_wait3A_46 : memref<1x250x80xi32, #tpu.memory_space<hbm>> -> memref<250x80xi32, #tpu.memory_space<hbm>>
    tpu.wait_dma2 semaphore(%dma_wait3A_43 : memref<!tpu.dma_semaphore, #tpu.memory_space<semaphore_mem>>) src(%dma_wait3A_47 : memref<250x80xi32, #tpu.memory_space<hbm>>) dst(%arg8 : memref<250x80xi32, #tpu.memory_space<vmem>>)
    %dma_wait3A_48 = arith.constant 2 : i32
    %dma_wait3A_49 = tpu.memref_slice %arg11[%dma_wait3A_48] : memref<5x!tpu.dma_semaphore, #tpu.memory_space<semaphore_mem>> -> memref<1x!tpu.dma_semaphore, #tpu.memory_space<semaphore_mem>>
    %dma_wait3A_50 = tpu.memref_squeeze %dma_wait3A_49 : memref<1x!tpu.dma_semaphore, #tpu.memory_space<semaphore_mem>> -> memref<!tpu.dma_semaphore, #tpu.memory_space<semaphore_mem>>
    %dma_wait3A_51 = arith.constant 0 : i32
    %dma_wait3A_52 = tpu.memref_slice %arg10[%mul3A_21, %dma_wait3A_51] : memref<10240x64xf32, #tpu.memory_space<vmem_shared>> -> memref<640x64xf32, #tpu.memory_space<vmem_shared>>
    tpu.wait_dma2 semaphore(%dma_wait3A_50 : memref<!tpu.dma_semaphore, #tpu.memory_space<semaphore_mem>>) src(%arg5 : memref<640x64xf32, #tpu.memory_space<hbm>>) dst(%dma_wait3A_52 : memref<640x64xf32, #tpu.memory_space<vmem_shared>>)
    %barrier3A = arith.constant 0 : index
    tpu.barrier barrier_id(%barrier3A)
    %dma_start3A_53 = arith.constant 0 : i32
    %dma_start3A_54 = arith.constant 0 : i32
    %dma_start3A_55 = arith.constant 0 : i32
    %dma_start3A_56 = arith.constant 0 : i32
    %dma_start3A_57 = arith.constant 0 : i32
    %dma_start3A_58 = tpu.memref_slice %arg9[%dma_start3A_54, %dma_start3A_56, %dma_start3A_57] : memref<5x80x64xf32, #tpu.memory_space<vmem>> -> memref<1x80x64xf32, #tpu.memory_space<vmem>>
    %dma_start3A_59 = tpu.memref_squeeze %dma_start3A_58 : memref<1x80x64xf32, #tpu.memory_space<vmem>> -> memref<80x64xf32, #tpu.memory_space<vmem>>
    %dma_start3A_60 = arith.constant 0 : i32
    %dma_start3A_61 = tpu.memref_slice %arg7[%dma_start3A_53, %dma_start3A_60] : memref<250x80xi32, #tpu.memory_space<vmem>> -> memref<1x80xi32, #tpu.memory_space<vmem>>
    %dma_start3A_62 = tpu.memref_squeeze %dma_start3A_61 : memref<1x80xi32, #tpu.memory_space<vmem>> -> memref<80xi32, #tpu.memory_space<vmem>>
    %dma_start3A_63 = arith.constant 0 : i32
    %dma_start3A_64 = arith.constant 0 : i32
    %dma_start3A_65 = tpu.memref_slice %arg2[%dma_start3A_63, %dma_start3A_64] : memref<20000x64xf32, #tpu.memory_space<hbm>> -> memref<20000x64xf32, #tpu.memory_space<hbm>>
    %dma_start3A_66 = tpu.memref_slice %arg11[%dma_start3A_55] : memref<5x!tpu.dma_semaphore, #tpu.memory_space<semaphore_mem>> -> memref<1x!tpu.dma_semaphore, #tpu.memory_space<semaphore_mem>>
    %dma_start3A_67 = tpu.memref_squeeze %dma_start3A_66 : memref<1x!tpu.dma_semaphore, #tpu.memory_space<semaphore_mem>> -> memref<!tpu.dma_semaphore, #tpu.memory_space<semaphore_mem>>
    tpu.enqueue_indirect_dma source(%dma_start3A_65 : memref<20000x64xf32, #tpu.memory_space<hbm>>) target(%dma_start3A_59 : memref<80x64xf32, #tpu.memory_space<vmem>>) offsets(%dma_start3A_62 : memref<80xi32, #tpu.memory_space<vmem>>) semaphore(%dma_start3A_67 : memref<!tpu.dma_semaphore, #tpu.memory_space<semaphore_mem>>)
    %dma_start3A_68 = arith.constant 1 : i32
    %dma_start3A_69 = arith.constant 1 : i32
    %dma_start3A_70 = arith.constant 1 : i32
    %dma_start3A_71 = arith.constant 0 : i32
    %dma_start3A_72 = arith.constant 0 : i32
    %dma_start3A_73 = tpu.memref_slice %arg9[%dma_start3A_69, %dma_start3A_71, %dma_start3A_72] : memref<5x80x64xf32, #tpu.memory_space<vmem>> -> memref<1x80x64xf32, #tpu.memory_space<vmem>>
    %dma_start3A_74 = tpu.memref_squeeze %dma_start3A_73 : memref<1x80x64xf32, #tpu.memory_space<vmem>> -> memref<80x64xf32, #tpu.memory_space<vmem>>
    %dma_start3A_75 = arith.constant 0 : i32
    %dma_start3A_76 = tpu.memref_slice %arg7[%dma_start3A_68, %dma_start3A_75] : memref<250x80xi32, #tpu.memory_space<vmem>> -> memref<1x80xi32, #tpu.memory_space<vmem>>
    %dma_start3A_77 = tpu.memref_squeeze %dma_start3A_76 : memref<1x80xi32, #tpu.memory_space<vmem>> -> memref<80xi32, #tpu.memory_space<vmem>>
    %dma_start3A_78 = arith.constant 0 : i32
    %dma_start3A_79 = arith.constant 0 : i32
    %dma_start3A_80 = tpu.memref_slice %arg2[%dma_start3A_78, %dma_start3A_79] : memref<20000x64xf32, #tpu.memory_space<hbm>> -> memref<20000x64xf32, #tpu.memory_space<hbm>>
    %dma_start3A_81 = tpu.memref_slice %arg11[%dma_start3A_70] : memref<5x!tpu.dma_semaphore, #tpu.memory_space<semaphore_mem>> -> memref<1x!tpu.dma_semaphore, #tpu.memory_space<semaphore_mem>>
    %dma_start3A_82 = tpu.memref_squeeze %dma_start3A_81 : memref<1x!tpu.dma_semaphore, #tpu.memory_space<semaphore_mem>> -> memref<!tpu.dma_semaphore, #tpu.memory_space<semaphore_mem>>
    tpu.enqueue_indirect_dma source(%dma_start3A_80 : memref<20000x64xf32, #tpu.memory_space<hbm>>) target(%dma_start3A_74 : memref<80x64xf32, #tpu.memory_space<vmem>>) offsets(%dma_start3A_77 : memref<80xi32, #tpu.memory_space<vmem>>) semaphore(%dma_start3A_82 : memref<!tpu.dma_semaphore, #tpu.memory_space<semaphore_mem>>)
    %dma_start3A_83 = arith.constant 2 : i32
    %dma_start3A_84 = arith.constant 2 : i32
    %dma_start3A_85 = arith.constant 2 : i32
    %dma_start3A_86 = arith.constant 0 : i32
    %dma_start3A_87 = arith.constant 0 : i32
    %dma_start3A_88 = tpu.memref_slice %arg9[%dma_start3A_84, %dma_start3A_86, %dma_start3A_87] : memref<5x80x64xf32, #tpu.memory_space<vmem>> -> memref<1x80x64xf32, #tpu.memory_space<vmem>>
    %dma_start3A_89 = tpu.memref_squeeze %dma_start3A_88 : memref<1x80x64xf32, #tpu.memory_space<vmem>> -> memref<80x64xf32, #tpu.memory_space<vmem>>
    %dma_start3A_90 = arith.constant 0 : i32
    %dma_start3A_91 = tpu.memref_slice %arg7[%dma_start3A_83, %dma_start3A_90] : memref<250x80xi32, #tpu.memory_space<vmem>> -> memref<1x80xi32, #tpu.memory_space<vmem>>
    %dma_start3A_92 = tpu.memref_squeeze %dma_start3A_91 : memref<1x80xi32, #tpu.memory_space<vmem>> -> memref<80xi32, #tpu.memory_space<vmem>>
    %dma_start3A_93 = arith.constant 0 : i32
    %dma_start3A_94 = arith.constant 0 : i32
    %dma_start3A_95 = tpu.memref_slice %arg2[%dma_start3A_93, %dma_start3A_94] : memref<20000x64xf32, #tpu.memory_space<hbm>> -> memref<20000x64xf32, #tpu.memory_space<hbm>>
    %dma_start3A_96 = tpu.memref_slice %arg11[%dma_start3A_85] : memref<5x!tpu.dma_semaphore, #tpu.memory_space<semaphore_mem>> -> memref<1x!tpu.dma_semaphore, #tpu.memory_space<semaphore_mem>>
    %dma_start3A_97 = tpu.memref_squeeze %dma_start3A_96 : memref<1x!tpu.dma_semaphore, #tpu.memory_space<semaphore_mem>> -> memref<!tpu.dma_semaphore, #tpu.memory_space<semaphore_mem>>
    tpu.enqueue_indirect_dma source(%dma_start3A_95 : memref<20000x64xf32, #tpu.memory_space<hbm>>) target(%dma_start3A_89 : memref<80x64xf32, #tpu.memory_space<vmem>>) offsets(%dma_start3A_92 : memref<80xi32, #tpu.memory_space<vmem>>) semaphore(%dma_start3A_97 : memref<!tpu.dma_semaphore, #tpu.memory_space<semaphore_mem>>)
    %dma_start3A_98 = arith.constant 3 : i32
    %dma_start3A_99 = arith.constant 3 : i32
    %dma_start3A_100 = arith.constant 3 : i32
    %dma_start3A_101 = arith.constant 0 : i32
    %dma_start3A_102 = arith.constant 0 : i32
    %dma_start3A_103 = tpu.memref_slice %arg9[%dma_start3A_99, %dma_start3A_101, %dma_start3A_102] : memref<5x80x64xf32, #tpu.memory_space<vmem>> -> memref<1x80x64xf32, #tpu.memory_space<vmem>>
    %dma_start3A_104 = tpu.memref_squeeze %dma_start3A_103 : memref<1x80x64xf32, #tpu.memory_space<vmem>> -> memref<80x64xf32, #tpu.memory_space<vmem>>
    %dma_start3A_105 = arith.constant 0 : i32
    %dma_start3A_106 = tpu.memref_slice %arg7[%dma_start3A_98, %dma_start3A_105] : memref<250x80xi32, #tpu.memory_space<vmem>> -> memref<1x80xi32, #tpu.memory_space<vmem>>
    %dma_start3A_107 = tpu.memref_squeeze %dma_start3A_106 : memref<1x80xi32, #tpu.memory_space<vmem>> -> memref<80xi32, #tpu.memory_space<vmem>>
    %dma_start3A_108 = arith.constant 0 : i32
    %dma_start3A_109 = arith.constant 0 : i32
    %dma_start3A_110 = tpu.memref_slice %arg2[%dma_start3A_108, %dma_start3A_109] : memref<20000x64xf32, #tpu.memory_space<hbm>> -> memref<20000x64xf32, #tpu.memory_space<hbm>>
    %dma_start3A_111 = tpu.memref_slice %arg11[%dma_start3A_100] : memref<5x!tpu.dma_semaphore, #tpu.memory_space<semaphore_mem>> -> memref<1x!tpu.dma_semaphore, #tpu.memory_space<semaphore_mem>>
    %dma_start3A_112 = tpu.memref_squeeze %dma_start3A_111 : memref<1x!tpu.dma_semaphore, #tpu.memory_space<semaphore_mem>> -> memref<!tpu.dma_semaphore, #tpu.memory_space<semaphore_mem>>
    tpu.enqueue_indirect_dma source(%dma_start3A_110 : memref<20000x64xf32, #tpu.memory_space<hbm>>) target(%dma_start3A_104 : memref<80x64xf32, #tpu.memory_space<vmem>>) offsets(%dma_start3A_107 : memref<80xi32, #tpu.memory_space<vmem>>) semaphore(%dma_start3A_112 : memref<!tpu.dma_semaphore, #tpu.memory_space<semaphore_mem>>)
    %dma_start3A_113 = arith.constant 4 : i32
    %dma_start3A_114 = arith.constant 4 : i32
    %dma_start3A_115 = arith.constant 4 : i32
    %dma_start3A_116 = arith.constant 0 : i32
    %dma_start3A_117 = arith.constant 0 : i32
    %dma_start3A_118 = tpu.memref_slice %arg9[%dma_start3A_114, %dma_start3A_116, %dma_start3A_117] : memref<5x80x64xf32, #tpu.memory_space<vmem>> -> memref<1x80x64xf32, #tpu.memory_space<vmem>>
    %dma_start3A_119 = tpu.memref_squeeze %dma_start3A_118 : memref<1x80x64xf32, #tpu.memory_space<vmem>> -> memref<80x64xf32, #tpu.memory_space<vmem>>
    %dma_start3A_120 = arith.constant 0 : i32
    %dma_start3A_121 = tpu.memref_slice %arg7[%dma_start3A_113, %dma_start3A_120] : memref<250x80xi32, #tpu.memory_space<vmem>> -> memref<1x80xi32, #tpu.memory_space<vmem>>
    %dma_start3A_122 = tpu.memref_squeeze %dma_start3A_121 : memref<1x80xi32, #tpu.memory_space<vmem>> -> memref<80xi32, #tpu.memory_space<vmem>>
    %dma_start3A_123 = arith.constant 0 : i32
    %dma_start3A_124 = arith.constant 0 : i32
    %dma_start3A_125 = tpu.memref_slice %arg2[%dma_start3A_123, %dma_start3A_124] : memref<20000x64xf32, #tpu.memory_space<hbm>> -> memref<20000x64xf32, #tpu.memory_space<hbm>>
    %dma_start3A_126 = tpu.memref_slice %arg11[%dma_start3A_115] : memref<5x!tpu.dma_semaphore, #tpu.memory_space<semaphore_mem>> -> memref<1x!tpu.dma_semaphore, #tpu.memory_space<semaphore_mem>>
    %dma_start3A_127 = tpu.memref_squeeze %dma_start3A_126 : memref<1x!tpu.dma_semaphore, #tpu.memory_space<semaphore_mem>> -> memref<!tpu.dma_semaphore, #tpu.memory_space<semaphore_mem>>
    tpu.enqueue_indirect_dma source(%dma_start3A_125 : memref<20000x64xf32, #tpu.memory_space<hbm>>) target(%dma_start3A_119 : memref<80x64xf32, #tpu.memory_space<vmem>>) offsets(%dma_start3A_122 : memref<80xi32, #tpu.memory_space<vmem>>) semaphore(%dma_start3A_127 : memref<!tpu.dma_semaphore, #tpu.memory_space<semaphore_mem>>)
    %scan3A = arith.constant 0 : i32
    %scan3A_128 = arith.constant 50 : i32
    %scan3A_129 = arith.addi %scan3A, %scan3A_128 : i32
    %scan3A_130 = arith.constant 1 : i32
    scf.for %scan3A_212 = %scan3A to %scan3A_129 step %scan3A_130  : i32 {
      %mul3A_213 = arith.constant 5 : i32
      %mul3A_214 = arith.muli %scan3A_212, %mul3A_213 : i32
      %add3A = arith.constant 0 : i32
      %add3A_215 = arith.addi %add3A, %mul3A_214 : i32
      %add3A_216 = arith.constant 0 : i32
      %add3A_217 = arith.addi %add3A_215, %add3A_216 : i32
      %dma_wait3A_218 = arith.constant 0 : i32
      %dma_wait3A_219 = arith.constant 0 : i32
      %dma_wait3A_220 = arith.constant 0 : i32
      %dma_wait3A_221 = arith.constant 0 : i32
      %dma_wait3A_222 = tpu.memref_slice %arg9[%dma_wait3A_218, %dma_wait3A_220, %dma_wait3A_221] : memref<5x80x64xf32, #tpu.memory_space<vmem>> -> memref<1x80x64xf32, #tpu.memory_space<vmem>>
      %dma_wait3A_223 = tpu.memref_squeeze %dma_wait3A_222 : memref<1x80x64xf32, #tpu.memory_space<vmem>> -> memref<80x64xf32, #tpu.memory_space<vmem>>
      %dma_wait3A_224 = arith.constant 0 : i32
      %dma_wait3A_225 = tpu.memref_slice %arg7[%add3A_217, %dma_wait3A_224] : memref<250x80xi32, #tpu.memory_space<vmem>> -> memref<1x80xi32, #tpu.memory_space<vmem>>
      %dma_wait3A_226 = tpu.memref_squeeze %dma_wait3A_225 : memref<1x80xi32, #tpu.memory_space<vmem>> -> memref<80xi32, #tpu.memory_space<vmem>>
      %dma_wait3A_227 = arith.constant 0 : i32
      %dma_wait3A_228 = arith.constant 0 : i32
      %dma_wait3A_229 = tpu.memref_slice %arg2[%dma_wait3A_227, %dma_wait3A_228] : memref<20000x64xf32, #tpu.memory_space<hbm>> -> memref<20000x64xf32, #tpu.memory_space<hbm>>
      %dma_wait3A_230 = tpu.memref_slice %arg11[%dma_wait3A_219] : memref<5x!tpu.dma_semaphore, #tpu.memory_space<semaphore_mem>> -> memref<1x!tpu.dma_semaphore, #tpu.memory_space<semaphore_mem>>
      %dma_wait3A_231 = tpu.memref_squeeze %dma_wait3A_230 : memref<1x!tpu.dma_semaphore, #tpu.memory_space<semaphore_mem>> -> memref<!tpu.dma_semaphore, #tpu.memory_space<semaphore_mem>>
      tpu.wait_indirect_dma semaphore(%dma_wait3A_231 : memref<!tpu.dma_semaphore, #tpu.memory_space<semaphore_mem>>) src(%dma_wait3A_229 : memref<20000x64xf32, #tpu.memory_space<hbm>>) dst(%dma_wait3A_223 : memref<80x64xf32, #tpu.memory_space<vmem>>)
      %dma_start3A_232 = arith.constant 0 : i32
      %dma_start3A_233 = arith.constant 0 : i32
      %dma_start3A_234 = arith.constant 0 : i32
      %dma_start3A_235 = arith.constant 0 : i32
      %dma_start3A_236 = tpu.memref_slice %arg9[%dma_start3A_232, %dma_start3A_234, %dma_start3A_235] : memref<5x80x64xf32, #tpu.memory_space<vmem>> -> memref<1x80x64xf32, #tpu.memory_space<vmem>>
      %dma_start3A_237 = tpu.memref_squeeze %dma_start3A_236 : memref<1x80x64xf32, #tpu.memory_space<vmem>> -> memref<80x64xf32, #tpu.memory_space<vmem>>
      %dma_start3A_238 = arith.constant 0 : i32
      %dma_start3A_239 = tpu.memref_slice %arg8[%add3A_217, %dma_start3A_238] : memref<250x80xi32, #tpu.memory_space<vmem>> -> memref<1x80xi32, #tpu.memory_space<vmem>>
      %dma_start3A_240 = tpu.memref_squeeze %dma_start3A_239 : memref<1x80xi32, #tpu.memory_space<vmem>> -> memref<80xi32, #tpu.memory_space<vmem>>
      %dma_start3A_241 = arith.constant 0 : i32
      %dma_start3A_242 = arith.constant 0 : i32
      %dma_start3A_243 = tpu.memref_slice %arg10[%dma_start3A_241, %dma_start3A_242] : memref<10240x64xf32, #tpu.memory_space<vmem_shared>> -> memref<10240x64xf32, #tpu.memory_space<vmem_shared>>
      %dma_start3A_244 = tpu.memref_slice %arg12[%dma_start3A_233] : memref<5x!tpu.dma_semaphore, #tpu.memory_space<semaphore_mem>> -> memref<1x!tpu.dma_semaphore, #tpu.memory_space<semaphore_mem>>
      %dma_start3A_245 = tpu.memref_squeeze %dma_start3A_244 : memref<1x!tpu.dma_semaphore, #tpu.memory_space<semaphore_mem>> -> memref<!tpu.dma_semaphore, #tpu.memory_space<semaphore_mem>>
      tpu.enqueue_indirect_dma source(%dma_start3A_237 : memref<80x64xf32, #tpu.memory_space<vmem>>) target(%dma_start3A_243 : memref<10240x64xf32, #tpu.memory_space<vmem_shared>>) offsets(%dma_start3A_240 : memref<80xi32, #tpu.memory_space<vmem>>) semaphore(%dma_start3A_245 : memref<!tpu.dma_semaphore, #tpu.memory_space<semaphore_mem>>) {add = true}
      %add3A_246 = arith.constant 5 : i32
      %add3A_247 = arith.addi %add3A_217, %add3A_246 : i32
      %lt3A = arith.constant 250 : i32
      %lt3A_248 = arith.cmpi slt, %add3A_247, %lt3A : i32
      %convert_element_type3A = arith.extui %lt3A_248 : i1 to i32
      %cond3A = arith.constant 0 : i32
      %cond3A_249 = arith.cmpi ne, %convert_element_type3A, %cond3A : i32
      scf.if %cond3A_249 {
        %dma_wait3A_398 = arith.constant 0 : i32
        %dma_wait3A_399 = arith.constant 0 : i32
        %dma_wait3A_400 = arith.constant 0 : i32
        %dma_wait3A_401 = arith.constant 0 : i32
        %dma_wait3A_402 = tpu.memref_slice %arg9[%dma_wait3A_398, %dma_wait3A_400, %dma_wait3A_401] : memref<5x80x64xf32, #tpu.memory_space<vmem>> -> memref<1x80x64xf32, #tpu.memory_space<vmem>>
        %dma_wait3A_403 = tpu.memref_squeeze %dma_wait3A_402 : memref<1x80x64xf32, #tpu.memory_space<vmem>> -> memref<80x64xf32, #tpu.memory_space<vmem>>
        %dma_wait3A_404 = arith.constant 0 : i32
        %dma_wait3A_405 = tpu.memref_slice %arg8[%add3A_217, %dma_wait3A_404] : memref<250x80xi32, #tpu.memory_space<vmem>> -> memref<1x80xi32, #tpu.memory_space<vmem>>
        %dma_wait3A_406 = tpu.memref_squeeze %dma_wait3A_405 : memref<1x80xi32, #tpu.memory_space<vmem>> -> memref<80xi32, #tpu.memory_space<vmem>>
        %dma_wait3A_407 = arith.constant 0 : i32
        %dma_wait3A_408 = arith.constant 0 : i32
        %dma_wait3A_409 = tpu.memref_slice %arg10[%dma_wait3A_407, %dma_wait3A_408] : memref<10240x64xf32, #tpu.memory_space<vmem_shared>> -> memref<10240x64xf32, #tpu.memory_space<vmem_shared>>
        %dma_wait3A_410 = tpu.memref_slice %arg12[%dma_wait3A_399] : memref<5x!tpu.dma_semaphore, #tpu.memory_space<semaphore_mem>> -> memref<1x!tpu.dma_semaphore, #tpu.memory_space<semaphore_mem>>
        %dma_wait3A_411 = tpu.memref_squeeze %dma_wait3A_410 : memref<1x!tpu.dma_semaphore, #tpu.memory_space<semaphore_mem>> -> memref<!tpu.dma_semaphore, #tpu.memory_space<semaphore_mem>>
        tpu.wait_indirect_dma semaphore(%dma_wait3A_411 : memref<!tpu.dma_semaphore, #tpu.memory_space<semaphore_mem>>) src(%dma_wait3A_403 : memref<80x64xf32, #tpu.memory_space<vmem>>) dst(%dma_wait3A_409 : memref<10240x64xf32, #tpu.memory_space<vmem_shared>>)
        %dma_start3A_412 = arith.constant 0 : i32
        %dma_start3A_413 = arith.constant 0 : i32
        %dma_start3A_414 = arith.constant 0 : i32
        %dma_start3A_415 = arith.constant 0 : i32
        %dma_start3A_416 = tpu.memref_slice %arg9[%dma_start3A_412, %dma_start3A_414, %dma_start3A_415] : memref<5x80x64xf32, #tpu.memory_space<vmem>> -> memref<1x80x64xf32, #tpu.memory_space<vmem>>
        %dma_start3A_417 = tpu.memref_squeeze %dma_start3A_416 : memref<1x80x64xf32, #tpu.memory_space<vmem>> -> memref<80x64xf32, #tpu.memory_space<vmem>>
        %dma_start3A_418 = arith.constant 0 : i32
        %dma_start3A_419 = tpu.memref_slice %arg7[%add3A_247, %dma_start3A_418] : memref<250x80xi32, #tpu.memory_space<vmem>> -> memref<1x80xi32, #tpu.memory_space<vmem>>
        %dma_start3A_420 = tpu.memref_squeeze %dma_start3A_419 : memref<1x80xi32, #tpu.memory_space<vmem>> -> memref<80xi32, #tpu.memory_space<vmem>>
        %dma_start3A_421 = arith.constant 0 : i32
        %dma_start3A_422 = arith.constant 0 : i32
        %dma_start3A_423 = tpu.memref_slice %arg2[%dma_start3A_421, %dma_start3A_422] : memref<20000x64xf32, #tpu.memory_space<hbm>> -> memref<20000x64xf32, #tpu.memory_space<hbm>>
        %dma_start3A_424 = tpu.memref_slice %arg11[%dma_start3A_413] : memref<5x!tpu.dma_semaphore, #tpu.memory_space<semaphore_mem>> -> memref<1x!tpu.dma_semaphore, #tpu.memory_space<semaphore_mem>>
        %dma_start3A_425 = tpu.memref_squeeze %dma_start3A_424 : memref<1x!tpu.dma_semaphore, #tpu.memory_space<semaphore_mem>> -> memref<!tpu.dma_semaphore, #tpu.memory_space<semaphore_mem>>
        tpu.enqueue_indirect_dma source(%dma_start3A_423 : memref<20000x64xf32, #tpu.memory_space<hbm>>) target(%dma_start3A_417 : memref<80x64xf32, #tpu.memory_space<vmem>>) offsets(%dma_start3A_420 : memref<80xi32, #tpu.memory_space<vmem>>) semaphore(%dma_start3A_425 : memref<!tpu.dma_semaphore, #tpu.memory_space<semaphore_mem>>)
      } else {
      }
      %add3A_250 = arith.constant 1 : i32
      %add3A_251 = arith.addi %add3A_215, %add3A_250 : i32
      %dma_wait3A_252 = arith.constant 1 : i32
      %dma_wait3A_253 = arith.constant 1 : i32
      %dma_wait3A_254 = arith.constant 0 : i32
      %dma_wait3A_255 = arith.constant 0 : i32
      %dma_wait3A_256 = tpu.memref_slice %arg9[%dma_wait3A_252, %dma_wait3A_254, %dma_wait3A_255] : memref<5x80x64xf32, #tpu.memory_space<vmem>> -> memref<1x80x64xf32, #tpu.memory_space<vmem>>
      %dma_wait3A_257 = tpu.memref_squeeze %dma_wait3A_256 : memref<1x80x64xf32, #tpu.memory_space<vmem>> -> memref<80x64xf32, #tpu.memory_space<vmem>>
      %dma_wait3A_258 = arith.constant 0 : i32
      %dma_wait3A_259 = tpu.memref_slice %arg7[%add3A_251, %dma_wait3A_258] : memref<250x80xi32, #tpu.memory_space<vmem>> -> memref<1x80xi32, #tpu.memory_space<vmem>>
      %dma_wait3A_260 = tpu.memref_squeeze %dma_wait3A_259 : memref<1x80xi32, #tpu.memory_space<vmem>> -> memref<80xi32, #tpu.memory_space<vmem>>
      %dma_wait3A_261 = arith.constant 0 : i32
      %dma_wait3A_262 = arith.constant 0 : i32
      %dma_wait3A_263 = tpu.memref_slice %arg2[%dma_wait3A_261, %dma_wait3A_262] : memref<20000x64xf32, #tpu.memory_space<hbm>> -> memref<20000x64xf32, #tpu.memory_space<hbm>>
      %dma_wait3A_264 = tpu.memref_slice %arg11[%dma_wait3A_253] : memref<5x!tpu.dma_semaphore, #tpu.memory_space<semaphore_mem>> -> memref<1x!tpu.dma_semaphore, #tpu.memory_space<semaphore_mem>>
      %dma_wait3A_265 = tpu.memref_squeeze %dma_wait3A_264 : memref<1x!tpu.dma_semaphore, #tpu.memory_space<semaphore_mem>> -> memref<!tpu.dma_semaphore, #tpu.memory_space<semaphore_mem>>
      tpu.wait_indirect_dma semaphore(%dma_wait3A_265 : memref<!tpu.dma_semaphore, #tpu.memory_space<semaphore_mem>>) src(%dma_wait3A_263 : memref<20000x64xf32, #tpu.memory_space<hbm>>) dst(%dma_wait3A_257 : memref<80x64xf32, #tpu.memory_space<vmem>>)
      %dma_start3A_266 = arith.constant 1 : i32
      %dma_start3A_267 = arith.constant 1 : i32
      %dma_start3A_268 = arith.constant 0 : i32
      %dma_start3A_269 = arith.constant 0 : i32
      %dma_start3A_270 = tpu.memref_slice %arg9[%dma_start3A_266, %dma_start3A_268, %dma_start3A_269] : memref<5x80x64xf32, #tpu.memory_space<vmem>> -> memref<1x80x64xf32, #tpu.memory_space<vmem>>
      %dma_start3A_271 = tpu.memref_squeeze %dma_start3A_270 : memref<1x80x64xf32, #tpu.memory_space<vmem>> -> memref<80x64xf32, #tpu.memory_space<vmem>>
      %dma_start3A_272 = arith.constant 0 : i32
      %dma_start3A_273 = tpu.memref_slice %arg8[%add3A_251, %dma_start3A_272] : memref<250x80xi32, #tpu.memory_space<vmem>> -> memref<1x80xi32, #tpu.memory_space<vmem>>
      %dma_start3A_274 = tpu.memref_squeeze %dma_start3A_273 : memref<1x80xi32, #tpu.memory_space<vmem>> -> memref<80xi32, #tpu.memory_space<vmem>>
      %dma_start3A_275 = arith.constant 0 : i32
      %dma_start3A_276 = arith.constant 0 : i32
      %dma_start3A_277 = tpu.memref_slice %arg10[%dma_start3A_275, %dma_start3A_276] : memref<10240x64xf32, #tpu.memory_space<vmem_shared>> -> memref<10240x64xf32, #tpu.memory_space<vmem_shared>>
      %dma_start3A_278 = tpu.memref_slice %arg12[%dma_start3A_267] : memref<5x!tpu.dma_semaphore, #tpu.memory_space<semaphore_mem>> -> memref<1x!tpu.dma_semaphore, #tpu.memory_space<semaphore_mem>>
      %dma_start3A_279 = tpu.memref_squeeze %dma_start3A_278 : memref<1x!tpu.dma_semaphore, #tpu.memory_space<semaphore_mem>> -> memref<!tpu.dma_semaphore, #tpu.memory_space<semaphore_mem>>
      tpu.enqueue_indirect_dma source(%dma_start3A_271 : memref<80x64xf32, #tpu.memory_space<vmem>>) target(%dma_start3A_277 : memref<10240x64xf32, #tpu.memory_space<vmem_shared>>) offsets(%dma_start3A_274 : memref<80xi32, #tpu.memory_space<vmem>>) semaphore(%dma_start3A_279 : memref<!tpu.dma_semaphore, #tpu.memory_space<semaphore_mem>>) {add = true}
      %add3A_280 = arith.constant 5 : i32
      %add3A_281 = arith.addi %add3A_251, %add3A_280 : i32
      %lt3A_282 = arith.constant 250 : i32
      %lt3A_283 = arith.cmpi slt, %add3A_281, %lt3A_282 : i32
      %convert_element_type3A_284 = arith.extui %lt3A_283 : i1 to i32
      %cond3A_285 = arith.constant 0 : i32
      %cond3A_286 = arith.cmpi ne, %convert_element_type3A_284, %cond3A_285 : i32
      scf.if %cond3A_286 {
        %dma_wait3A_398 = arith.constant 1 : i32
        %dma_wait3A_399 = arith.constant 1 : i32
        %dma_wait3A_400 = arith.constant 0 : i32
        %dma_wait3A_401 = arith.constant 0 : i32
        %dma_wait3A_402 = tpu.memref_slice %arg9[%dma_wait3A_398, %dma_wait3A_400, %dma_wait3A_401] : memref<5x80x64xf32, #tpu.memory_space<vmem>> -> memref<1x80x64xf32, #tpu.memory_space<vmem>>
        %dma_wait3A_403 = tpu.memref_squeeze %dma_wait3A_402 : memref<1x80x64xf32, #tpu.memory_space<vmem>> -> memref<80x64xf32, #tpu.memory_space<vmem>>
        %dma_wait3A_404 = arith.constant 0 : i32
        %dma_wait3A_405 = tpu.memref_slice %arg8[%add3A_251, %dma_wait3A_404] : memref<250x80xi32, #tpu.memory_space<vmem>> -> memref<1x80xi32, #tpu.memory_space<vmem>>
        %dma_wait3A_406 = tpu.memref_squeeze %dma_wait3A_405 : memref<1x80xi32, #tpu.memory_space<vmem>> -> memref<80xi32, #tpu.memory_space<vmem>>
        %dma_wait3A_407 = arith.constant 0 : i32
        %dma_wait3A_408 = arith.constant 0 : i32
        %dma_wait3A_409 = tpu.memref_slice %arg10[%dma_wait3A_407, %dma_wait3A_408] : memref<10240x64xf32, #tpu.memory_space<vmem_shared>> -> memref<10240x64xf32, #tpu.memory_space<vmem_shared>>
        %dma_wait3A_410 = tpu.memref_slice %arg12[%dma_wait3A_399] : memref<5x!tpu.dma_semaphore, #tpu.memory_space<semaphore_mem>> -> memref<1x!tpu.dma_semaphore, #tpu.memory_space<semaphore_mem>>
        %dma_wait3A_411 = tpu.memref_squeeze %dma_wait3A_410 : memref<1x!tpu.dma_semaphore, #tpu.memory_space<semaphore_mem>> -> memref<!tpu.dma_semaphore, #tpu.memory_space<semaphore_mem>>
        tpu.wait_indirect_dma semaphore(%dma_wait3A_411 : memref<!tpu.dma_semaphore, #tpu.memory_space<semaphore_mem>>) src(%dma_wait3A_403 : memref<80x64xf32, #tpu.memory_space<vmem>>) dst(%dma_wait3A_409 : memref<10240x64xf32, #tpu.memory_space<vmem_shared>>)
        %dma_start3A_412 = arith.constant 1 : i32
        %dma_start3A_413 = arith.constant 1 : i32
        %dma_start3A_414 = arith.constant 0 : i32
        %dma_start3A_415 = arith.constant 0 : i32
        %dma_start3A_416 = tpu.memref_slice %arg9[%dma_start3A_412, %dma_start3A_414, %dma_start3A_415] : memref<5x80x64xf32, #tpu.memory_space<vmem>> -> memref<1x80x64xf32, #tpu.memory_space<vmem>>
        %dma_start3A_417 = tpu.memref_squeeze %dma_start3A_416 : memref<1x80x64xf32, #tpu.memory_space<vmem>> -> memref<80x64xf32, #tpu.memory_space<vmem>>
        %dma_start3A_418 = arith.constant 0 : i32
        %dma_start3A_419 = tpu.memref_slice %arg7[%add3A_281, %dma_start3A_418] : memref<250x80xi32, #tpu.memory_space<vmem>> -> memref<1x80xi32, #tpu.memory_space<vmem>>
        %dma_start3A_420 = tpu.memref_squeeze %dma_start3A_419 : memref<1x80xi32, #tpu.memory_space<vmem>> -> memref<80xi32, #tpu.memory_space<vmem>>
        %dma_start3A_421 = arith.constant 0 : i32
        %dma_start3A_422 = arith.constant 0 : i32
        %dma_start3A_423 = tpu.memref_slice %arg2[%dma_start3A_421, %dma_start3A_422] : memref<20000x64xf32, #tpu.memory_space<hbm>> -> memref<20000x64xf32, #tpu.memory_space<hbm>>
        %dma_start3A_424 = tpu.memref_slice %arg11[%dma_start3A_413] : memref<5x!tpu.dma_semaphore, #tpu.memory_space<semaphore_mem>> -> memref<1x!tpu.dma_semaphore, #tpu.memory_space<semaphore_mem>>
        %dma_start3A_425 = tpu.memref_squeeze %dma_start3A_424 : memref<1x!tpu.dma_semaphore, #tpu.memory_space<semaphore_mem>> -> memref<!tpu.dma_semaphore, #tpu.memory_space<semaphore_mem>>
        tpu.enqueue_indirect_dma source(%dma_start3A_423 : memref<20000x64xf32, #tpu.memory_space<hbm>>) target(%dma_start3A_417 : memref<80x64xf32, #tpu.memory_space<vmem>>) offsets(%dma_start3A_420 : memref<80xi32, #tpu.memory_space<vmem>>) semaphore(%dma_start3A_425 : memref<!tpu.dma_semaphore, #tpu.memory_space<semaphore_mem>>)
      } else {
      }
      %add3A_287 = arith.constant 2 : i32
      %add3A_288 = arith.addi %add3A_215, %add3A_287 : i32
      %dma_wait3A_289 = arith.constant 2 : i32
      %dma_wait3A_290 = arith.constant 2 : i32
      %dma_wait3A_291 = arith.constant 0 : i32
      %dma_wait3A_292 = arith.constant 0 : i32
      %dma_wait3A_293 = tpu.memref_slice %arg9[%dma_wait3A_289, %dma_wait3A_291, %dma_wait3A_292] : memref<5x80x64xf32, #tpu.memory_space<vmem>> -> memref<1x80x64xf32, #tpu.memory_space<vmem>>
      %dma_wait3A_294 = tpu.memref_squeeze %dma_wait3A_293 : memref<1x80x64xf32, #tpu.memory_space<vmem>> -> memref<80x64xf32, #tpu.memory_space<vmem>>
      %dma_wait3A_295 = arith.constant 0 : i32
      %dma_wait3A_296 = tpu.memref_slice %arg7[%add3A_288, %dma_wait3A_295] : memref<250x80xi32, #tpu.memory_space<vmem>> -> memref<1x80xi32, #tpu.memory_space<vmem>>
      %dma_wait3A_297 = tpu.memref_squeeze %dma_wait3A_296 : memref<1x80xi32, #tpu.memory_space<vmem>> -> memref<80xi32, #tpu.memory_space<vmem>>
      %dma_wait3A_298 = arith.constant 0 : i32
      %dma_wait3A_299 = arith.constant 0 : i32
      %dma_wait3A_300 = tpu.memref_slice %arg2[%dma_wait3A_298, %dma_wait3A_299] : memref<20000x64xf32, #tpu.memory_space<hbm>> -> memref<20000x64xf32, #tpu.memory_space<hbm>>
      %dma_wait3A_301 = tpu.memref_slice %arg11[%dma_wait3A_290] : memref<5x!tpu.dma_semaphore, #tpu.memory_space<semaphore_mem>> -> memref<1x!tpu.dma_semaphore, #tpu.memory_space<semaphore_mem>>
      %dma_wait3A_302 = tpu.memref_squeeze %dma_wait3A_301 : memref<1x!tpu.dma_semaphore, #tpu.memory_space<semaphore_mem>> -> memref<!tpu.dma_semaphore, #tpu.memory_space<semaphore_mem>>
      tpu.wait_indirect_dma semaphore(%dma_wait3A_302 : memref<!tpu.dma_semaphore, #tpu.memory_space<semaphore_mem>>) src(%dma_wait3A_300 : memref<20000x64xf32, #tpu.memory_space<hbm>>) dst(%dma_wait3A_294 : memref<80x64xf32, #tpu.memory_space<vmem>>)
      %dma_start3A_303 = arith.constant 2 : i32
      %dma_start3A_304 = arith.constant 2 : i32
      %dma_start3A_305 = arith.constant 0 : i32
      %dma_start3A_306 = arith.constant 0 : i32
      %dma_start3A_307 = tpu.memref_slice %arg9[%dma_start3A_303, %dma_start3A_305, %dma_start3A_306] : memref<5x80x64xf32, #tpu.memory_space<vmem>> -> memref<1x80x64xf32, #tpu.memory_space<vmem>>
      %dma_start3A_308 = tpu.memref_squeeze %dma_start3A_307 : memref<1x80x64xf32, #tpu.memory_space<vmem>> -> memref<80x64xf32, #tpu.memory_space<vmem>>
      %dma_start3A_309 = arith.constant 0 : i32
      %dma_start3A_310 = tpu.memref_slice %arg8[%add3A_288, %dma_start3A_309] : memref<250x80xi32, #tpu.memory_space<vmem>> -> memref<1x80xi32, #tpu.memory_space<vmem>>
      %dma_start3A_311 = tpu.memref_squeeze %dma_start3A_310 : memref<1x80xi32, #tpu.memory_space<vmem>> -> memref<80xi32, #tpu.memory_space<vmem>>
      %dma_start3A_312 = arith.constant 0 : i32
      %dma_start3A_313 = arith.constant 0 : i32
      %dma_start3A_314 = tpu.memref_slice %arg10[%dma_start3A_312, %dma_start3A_313] : memref<10240x64xf32, #tpu.memory_space<vmem_shared>> -> memref<10240x64xf32, #tpu.memory_space<vmem_shared>>
      %dma_start3A_315 = tpu.memref_slice %arg12[%dma_start3A_304] : memref<5x!tpu.dma_semaphore, #tpu.memory_space<semaphore_mem>> -> memref<1x!tpu.dma_semaphore, #tpu.memory_space<semaphore_mem>>
      %dma_start3A_316 = tpu.memref_squeeze %dma_start3A_315 : memref<1x!tpu.dma_semaphore, #tpu.memory_space<semaphore_mem>> -> memref<!tpu.dma_semaphore, #tpu.memory_space<semaphore_mem>>
      tpu.enqueue_indirect_dma source(%dma_start3A_308 : memref<80x64xf32, #tpu.memory_space<vmem>>) target(%dma_start3A_314 : memref<10240x64xf32, #tpu.memory_space<vmem_shared>>) offsets(%dma_start3A_311 : memref<80xi32, #tpu.memory_space<vmem>>) semaphore(%dma_start3A_316 : memref<!tpu.dma_semaphore, #tpu.memory_space<semaphore_mem>>) {add = true}
      %add3A_317 = arith.constant 5 : i32
      %add3A_318 = arith.addi %add3A_288, %add3A_317 : i32
      %lt3A_319 = arith.constant 250 : i32
      %lt3A_320 = arith.cmpi slt, %add3A_318, %lt3A_319 : i32
      %convert_element_type3A_321 = arith.extui %lt3A_320 : i1 to i32
      %cond3A_322 = arith.constant 0 : i32
      %cond3A_323 = arith.cmpi ne, %convert_element_type3A_321, %cond3A_322 : i32
      scf.if %cond3A_323 {
        %dma_wait3A_398 = arith.constant 2 : i32
        %dma_wait3A_399 = arith.constant 2 : i32
        %dma_wait3A_400 = arith.constant 0 : i32
        %dma_wait3A_401 = arith.constant 0 : i32
        %dma_wait3A_402 = tpu.memref_slice %arg9[%dma_wait3A_398, %dma_wait3A_400, %dma_wait3A_401] : memref<5x80x64xf32, #tpu.memory_space<vmem>> -> memref<1x80x64xf32, #tpu.memory_space<vmem>>
        %dma_wait3A_403 = tpu.memref_squeeze %dma_wait3A_402 : memref<1x80x64xf32, #tpu.memory_space<vmem>> -> memref<80x64xf32, #tpu.memory_space<vmem>>
        %dma_wait3A_404 = arith.constant 0 : i32
        %dma_wait3A_405 = tpu.memref_slice %arg8[%add3A_288, %dma_wait3A_404] : memref<250x80xi32, #tpu.memory_space<vmem>> -> memref<1x80xi32, #tpu.memory_space<vmem>>
        %dma_wait3A_406 = tpu.memref_squeeze %dma_wait3A_405 : memref<1x80xi32, #tpu.memory_space<vmem>> -> memref<80xi32, #tpu.memory_space<vmem>>
        %dma_wait3A_407 = arith.constant 0 : i32
        %dma_wait3A_408 = arith.constant 0 : i32
        %dma_wait3A_409 = tpu.memref_slice %arg10[%dma_wait3A_407, %dma_wait3A_408] : memref<10240x64xf32, #tpu.memory_space<vmem_shared>> -> memref<10240x64xf32, #tpu.memory_space<vmem_shared>>
        %dma_wait3A_410 = tpu.memref_slice %arg12[%dma_wait3A_399] : memref<5x!tpu.dma_semaphore, #tpu.memory_space<semaphore_mem>> -> memref<1x!tpu.dma_semaphore, #tpu.memory_space<semaphore_mem>>
        %dma_wait3A_411 = tpu.memref_squeeze %dma_wait3A_410 : memref<1x!tpu.dma_semaphore, #tpu.memory_space<semaphore_mem>> -> memref<!tpu.dma_semaphore, #tpu.memory_space<semaphore_mem>>
        tpu.wait_indirect_dma semaphore(%dma_wait3A_411 : memref<!tpu.dma_semaphore, #tpu.memory_space<semaphore_mem>>) src(%dma_wait3A_403 : memref<80x64xf32, #tpu.memory_space<vmem>>) dst(%dma_wait3A_409 : memref<10240x64xf32, #tpu.memory_space<vmem_shared>>)
        %dma_start3A_412 = arith.constant 2 : i32
        %dma_start3A_413 = arith.constant 2 : i32
        %dma_start3A_414 = arith.constant 0 : i32
        %dma_start3A_415 = arith.constant 0 : i32
        %dma_start3A_416 = tpu.memref_slice %arg9[%dma_start3A_412, %dma_start3A_414, %dma_start3A_415] : memref<5x80x64xf32, #tpu.memory_space<vmem>> -> memref<1x80x64xf32, #tpu.memory_space<vmem>>
        %dma_start3A_417 = tpu.memref_squeeze %dma_start3A_416 : memref<1x80x64xf32, #tpu.memory_space<vmem>> -> memref<80x64xf32, #tpu.memory_space<vmem>>
        %dma_start3A_418 = arith.constant 0 : i32
        %dma_start3A_419 = tpu.memref_slice %arg7[%add3A_318, %dma_start3A_418] : memref<250x80xi32, #tpu.memory_space<vmem>> -> memref<1x80xi32, #tpu.memory_space<vmem>>
        %dma_start3A_420 = tpu.memref_squeeze %dma_start3A_419 : memref<1x80xi32, #tpu.memory_space<vmem>> -> memref<80xi32, #tpu.memory_space<vmem>>
        %dma_start3A_421 = arith.constant 0 : i32
        %dma_start3A_422 = arith.constant 0 : i32
        %dma_start3A_423 = tpu.memref_slice %arg2[%dma_start3A_421, %dma_start3A_422] : memref<20000x64xf32, #tpu.memory_space<hbm>> -> memref<20000x64xf32, #tpu.memory_space<hbm>>
        %dma_start3A_424 = tpu.memref_slice %arg11[%dma_start3A_413] : memref<5x!tpu.dma_semaphore, #tpu.memory_space<semaphore_mem>> -> memref<1x!tpu.dma_semaphore, #tpu.memory_space<semaphore_mem>>
        %dma_start3A_425 = tpu.memref_squeeze %dma_start3A_424 : memref<1x!tpu.dma_semaphore, #tpu.memory_space<semaphore_mem>> -> memref<!tpu.dma_semaphore, #tpu.memory_space<semaphore_mem>>
        tpu.enqueue_indirect_dma source(%dma_start3A_423 : memref<20000x64xf32, #tpu.memory_space<hbm>>) target(%dma_start3A_417 : memref<80x64xf32, #tpu.memory_space<vmem>>) offsets(%dma_start3A_420 : memref<80xi32, #tpu.memory_space<vmem>>) semaphore(%dma_start3A_425 : memref<!tpu.dma_semaphore, #tpu.memory_space<semaphore_mem>>)
      } else {
      }
      %add3A_324 = arith.constant 3 : i32
      %add3A_325 = arith.addi %add3A_215, %add3A_324 : i32
      %dma_wait3A_326 = arith.constant 3 : i32
      %dma_wait3A_327 = arith.constant 3 : i32
      %dma_wait3A_328 = arith.constant 0 : i32
      %dma_wait3A_329 = arith.constant 0 : i32
      %dma_wait3A_330 = tpu.memref_slice %arg9[%dma_wait3A_326, %dma_wait3A_328, %dma_wait3A_329] : memref<5x80x64xf32, #tpu.memory_space<vmem>> -> memref<1x80x64xf32, #tpu.memory_space<vmem>>
      %dma_wait3A_331 = tpu.memref_squeeze %dma_wait3A_330 : memref<1x80x64xf32, #tpu.memory_space<vmem>> -> memref<80x64xf32, #tpu.memory_space<vmem>>
      %dma_wait3A_332 = arith.constant 0 : i32
      %dma_wait3A_333 = tpu.memref_slice %arg7[%add3A_325, %dma_wait3A_332] : memref<250x80xi32, #tpu.memory_space<vmem>> -> memref<1x80xi32, #tpu.memory_space<vmem>>
      %dma_wait3A_334 = tpu.memref_squeeze %dma_wait3A_333 : memref<1x80xi32, #tpu.memory_space<vmem>> -> memref<80xi32, #tpu.memory_space<vmem>>
      %dma_wait3A_335 = arith.constant 0 : i32
      %dma_wait3A_336 = arith.constant 0 : i32
      %dma_wait3A_337 = tpu.memref_slice %arg2[%dma_wait3A_335, %dma_wait3A_336] : memref<20000x64xf32, #tpu.memory_space<hbm>> -> memref<20000x64xf32, #tpu.memory_space<hbm>>
      %dma_wait3A_338 = tpu.memref_slice %arg11[%dma_wait3A_327] : memref<5x!tpu.dma_semaphore, #tpu.memory_space<semaphore_mem>> -> memref<1x!tpu.dma_semaphore, #tpu.memory_space<semaphore_mem>>
      %dma_wait3A_339 = tpu.memref_squeeze %dma_wait3A_338 : memref<1x!tpu.dma_semaphore, #tpu.memory_space<semaphore_mem>> -> memref<!tpu.dma_semaphore, #tpu.memory_space<semaphore_mem>>
      tpu.wait_indirect_dma semaphore(%dma_wait3A_339 : memref<!tpu.dma_semaphore, #tpu.memory_space<semaphore_mem>>) src(%dma_wait3A_337 : memref<20000x64xf32, #tpu.memory_space<hbm>>) dst(%dma_wait3A_331 : memref<80x64xf32, #tpu.memory_space<vmem>>)
      %dma_start3A_340 = arith.constant 3 : i32
      %dma_start3A_341 = arith.constant 3 : i32
      %dma_start3A_342 = arith.constant 0 : i32
      %dma_start3A_343 = arith.constant 0 : i32
      %dma_start3A_344 = tpu.memref_slice %arg9[%dma_start3A_340, %dma_start3A_342, %dma_start3A_343] : memref<5x80x64xf32, #tpu.memory_space<vmem>> -> memref<1x80x64xf32, #tpu.memory_space<vmem>>
      %dma_start3A_345 = tpu.memref_squeeze %dma_start3A_344 : memref<1x80x64xf32, #tpu.memory_space<vmem>> -> memref<80x64xf32, #tpu.memory_space<vmem>>
      %dma_start3A_346 = arith.constant 0 : i32
      %dma_start3A_347 = tpu.memref_slice %arg8[%add3A_325, %dma_start3A_346] : memref<250x80xi32, #tpu.memory_space<vmem>> -> memref<1x80xi32, #tpu.memory_space<vmem>>
      %dma_start3A_348 = tpu.memref_squeeze %dma_start3A_347 : memref<1x80xi32, #tpu.memory_space<vmem>> -> memref<80xi32, #tpu.memory_space<vmem>>
      %dma_start3A_349 = arith.constant 0 : i32
      %dma_start3A_350 = arith.constant 0 : i32
      %dma_start3A_351 = tpu.memref_slice %arg10[%dma_start3A_349, %dma_start3A_350] : memref<10240x64xf32, #tpu.memory_space<vmem_shared>> -> memref<10240x64xf32, #tpu.memory_space<vmem_shared>>
      %dma_start3A_352 = tpu.memref_slice %arg12[%dma_start3A_341] : memref<5x!tpu.dma_semaphore, #tpu.memory_space<semaphore_mem>> -> memref<1x!tpu.dma_semaphore, #tpu.memory_space<semaphore_mem>>
      %dma_start3A_353 = tpu.memref_squeeze %dma_start3A_352 : memref<1x!tpu.dma_semaphore, #tpu.memory_space<semaphore_mem>> -> memref<!tpu.dma_semaphore, #tpu.memory_space<semaphore_mem>>
      tpu.enqueue_indirect_dma source(%dma_start3A_345 : memref<80x64xf32, #tpu.memory_space<vmem>>) target(%dma_start3A_351 : memref<10240x64xf32, #tpu.memory_space<vmem_shared>>) offsets(%dma_start3A_348 : memref<80xi32, #tpu.memory_space<vmem>>) semaphore(%dma_start3A_353 : memref<!tpu.dma_semaphore, #tpu.memory_space<semaphore_mem>>) {add = true}
      %add3A_354 = arith.constant 5 : i32
      %add3A_355 = arith.addi %add3A_325, %add3A_354 : i32
      %lt3A_356 = arith.constant 250 : i32
      %lt3A_357 = arith.cmpi slt, %add3A_355, %lt3A_356 : i32
      %convert_element_type3A_358 = arith.extui %lt3A_357 : i1 to i32
      %cond3A_359 = arith.constant 0 : i32
      %cond3A_360 = arith.cmpi ne, %convert_element_type3A_358, %cond3A_359 : i32
      scf.if %cond3A_360 {
        %dma_wait3A_398 = arith.constant 3 : i32
        %dma_wait3A_399 = arith.constant 3 : i32
        %dma_wait3A_400 = arith.constant 0 : i32
        %dma_wait3A_401 = arith.constant 0 : i32
        %dma_wait3A_402 = tpu.memref_slice %arg9[%dma_wait3A_398, %dma_wait3A_400, %dma_wait3A_401] : memref<5x80x64xf32, #tpu.memory_space<vmem>> -> memref<1x80x64xf32, #tpu.memory_space<vmem>>
        %dma_wait3A_403 = tpu.memref_squeeze %dma_wait3A_402 : memref<1x80x64xf32, #tpu.memory_space<vmem>> -> memref<80x64xf32, #tpu.memory_space<vmem>>
        %dma_wait3A_404 = arith.constant 0 : i32
        %dma_wait3A_405 = tpu.memref_slice %arg8[%add3A_325, %dma_wait3A_404] : memref<250x80xi32, #tpu.memory_space<vmem>> -> memref<1x80xi32, #tpu.memory_space<vmem>>
        %dma_wait3A_406 = tpu.memref_squeeze %dma_wait3A_405 : memref<1x80xi32, #tpu.memory_space<vmem>> -> memref<80xi32, #tpu.memory_space<vmem>>
        %dma_wait3A_407 = arith.constant 0 : i32
        %dma_wait3A_408 = arith.constant 0 : i32
        %dma_wait3A_409 = tpu.memref_slice %arg10[%dma_wait3A_407, %dma_wait3A_408] : memref<10240x64xf32, #tpu.memory_space<vmem_shared>> -> memref<10240x64xf32, #tpu.memory_space<vmem_shared>>
        %dma_wait3A_410 = tpu.memref_slice %arg12[%dma_wait3A_399] : memref<5x!tpu.dma_semaphore, #tpu.memory_space<semaphore_mem>> -> memref<1x!tpu.dma_semaphore, #tpu.memory_space<semaphore_mem>>
        %dma_wait3A_411 = tpu.memref_squeeze %dma_wait3A_410 : memref<1x!tpu.dma_semaphore, #tpu.memory_space<semaphore_mem>> -> memref<!tpu.dma_semaphore, #tpu.memory_space<semaphore_mem>>
        tpu.wait_indirect_dma semaphore(%dma_wait3A_411 : memref<!tpu.dma_semaphore, #tpu.memory_space<semaphore_mem>>) src(%dma_wait3A_403 : memref<80x64xf32, #tpu.memory_space<vmem>>) dst(%dma_wait3A_409 : memref<10240x64xf32, #tpu.memory_space<vmem_shared>>)
        %dma_start3A_412 = arith.constant 3 : i32
        %dma_start3A_413 = arith.constant 3 : i32
        %dma_start3A_414 = arith.constant 0 : i32
        %dma_start3A_415 = arith.constant 0 : i32
        %dma_start3A_416 = tpu.memref_slice %arg9[%dma_start3A_412, %dma_start3A_414, %dma_start3A_415] : memref<5x80x64xf32, #tpu.memory_space<vmem>> -> memref<1x80x64xf32, #tpu.memory_space<vmem>>
        %dma_start3A_417 = tpu.memref_squeeze %dma_start3A_416 : memref<1x80x64xf32, #tpu.memory_space<vmem>> -> memref<80x64xf32, #tpu.memory_space<vmem>>
        %dma_start3A_418 = arith.constant 0 : i32
        %dma_start3A_419 = tpu.memref_slice %arg7[%add3A_355, %dma_start3A_418] : memref<250x80xi32, #tpu.memory_space<vmem>> -> memref<1x80xi32, #tpu.memory_space<vmem>>
        %dma_start3A_420 = tpu.memref_squeeze %dma_start3A_419 : memref<1x80xi32, #tpu.memory_space<vmem>> -> memref<80xi32, #tpu.memory_space<vmem>>
        %dma_start3A_421 = arith.constant 0 : i32
        %dma_start3A_422 = arith.constant 0 : i32
        %dma_start3A_423 = tpu.memref_slice %arg2[%dma_start3A_421, %dma_start3A_422] : memref<20000x64xf32, #tpu.memory_space<hbm>> -> memref<20000x64xf32, #tpu.memory_space<hbm>>
        %dma_start3A_424 = tpu.memref_slice %arg11[%dma_start3A_413] : memref<5x!tpu.dma_semaphore, #tpu.memory_space<semaphore_mem>> -> memref<1x!tpu.dma_semaphore, #tpu.memory_space<semaphore_mem>>
        %dma_start3A_425 = tpu.memref_squeeze %dma_start3A_424 : memref<1x!tpu.dma_semaphore, #tpu.memory_space<semaphore_mem>> -> memref<!tpu.dma_semaphore, #tpu.memory_space<semaphore_mem>>
        tpu.enqueue_indirect_dma source(%dma_start3A_423 : memref<20000x64xf32, #tpu.memory_space<hbm>>) target(%dma_start3A_417 : memref<80x64xf32, #tpu.memory_space<vmem>>) offsets(%dma_start3A_420 : memref<80xi32, #tpu.memory_space<vmem>>) semaphore(%dma_start3A_425 : memref<!tpu.dma_semaphore, #tpu.memory_space<semaphore_mem>>)
      } else {
      }
      %add3A_361 = arith.constant 4 : i32
      %add3A_362 = arith.addi %add3A_215, %add3A_361 : i32
      %dma_wait3A_363 = arith.constant 4 : i32
      %dma_wait3A_364 = arith.constant 4 : i32
      %dma_wait3A_365 = arith.constant 0 : i32
      %dma_wait3A_366 = arith.constant 0 : i32
      %dma_wait3A_367 = tpu.memref_slice %arg9[%dma_wait3A_363, %dma_wait3A_365, %dma_wait3A_366] : memref<5x80x64xf32, #tpu.memory_space<vmem>> -> memref<1x80x64xf32, #tpu.memory_space<vmem>>
      %dma_wait3A_368 = tpu.memref_squeeze %dma_wait3A_367 : memref<1x80x64xf32, #tpu.memory_space<vmem>> -> memref<80x64xf32, #tpu.memory_space<vmem>>
      %dma_wait3A_369 = arith.constant 0 : i32
      %dma_wait3A_370 = tpu.memref_slice %arg7[%add3A_362, %dma_wait3A_369] : memref<250x80xi32, #tpu.memory_space<vmem>> -> memref<1x80xi32, #tpu.memory_space<vmem>>
      %dma_wait3A_371 = tpu.memref_squeeze %dma_wait3A_370 : memref<1x80xi32, #tpu.memory_space<vmem>> -> memref<80xi32, #tpu.memory_space<vmem>>
      %dma_wait3A_372 = arith.constant 0 : i32
      %dma_wait3A_373 = arith.constant 0 : i32
      %dma_wait3A_374 = tpu.memref_slice %arg2[%dma_wait3A_372, %dma_wait3A_373] : memref<20000x64xf32, #tpu.memory_space<hbm>> -> memref<20000x64xf32, #tpu.memory_space<hbm>>
      %dma_wait3A_375 = tpu.memref_slice %arg11[%dma_wait3A_364] : memref<5x!tpu.dma_semaphore, #tpu.memory_space<semaphore_mem>> -> memref<1x!tpu.dma_semaphore, #tpu.memory_space<semaphore_mem>>
      %dma_wait3A_376 = tpu.memref_squeeze %dma_wait3A_375 : memref<1x!tpu.dma_semaphore, #tpu.memory_space<semaphore_mem>> -> memref<!tpu.dma_semaphore, #tpu.memory_space<semaphore_mem>>
      tpu.wait_indirect_dma semaphore(%dma_wait3A_376 : memref<!tpu.dma_semaphore, #tpu.memory_space<semaphore_mem>>) src(%dma_wait3A_374 : memref<20000x64xf32, #tpu.memory_space<hbm>>) dst(%dma_wait3A_368 : memref<80x64xf32, #tpu.memory_space<vmem>>)
      %dma_start3A_377 = arith.constant 4 : i32
      %dma_start3A_378 = arith.constant 4 : i32
      %dma_start3A_379 = arith.constant 0 : i32
      %dma_start3A_380 = arith.constant 0 : i32
      %dma_start3A_381 = tpu.memref_slice %arg9[%dma_start3A_377, %dma_start3A_379, %dma_start3A_380] : memref<5x80x64xf32, #tpu.memory_space<vmem>> -> memref<1x80x64xf32, #tpu.memory_space<vmem>>
      %dma_start3A_382 = tpu.memref_squeeze %dma_start3A_381 : memref<1x80x64xf32, #tpu.memory_space<vmem>> -> memref<80x64xf32, #tpu.memory_space<vmem>>
      %dma_start3A_383 = arith.constant 0 : i32
      %dma_start3A_384 = tpu.memref_slice %arg8[%add3A_362, %dma_start3A_383] : memref<250x80xi32, #tpu.memory_space<vmem>> -> memref<1x80xi32, #tpu.memory_space<vmem>>
      %dma_start3A_385 = tpu.memref_squeeze %dma_start3A_384 : memref<1x80xi32, #tpu.memory_space<vmem>> -> memref<80xi32, #tpu.memory_space<vmem>>
      %dma_start3A_386 = arith.constant 0 : i32
      %dma_start3A_387 = arith.constant 0 : i32
      %dma_start3A_388 = tpu.memref_slice %arg10[%dma_start3A_386, %dma_start3A_387] : memref<10240x64xf32, #tpu.memory_space<vmem_shared>> -> memref<10240x64xf32, #tpu.memory_space<vmem_shared>>
      %dma_start3A_389 = tpu.memref_slice %arg12[%dma_start3A_378] : memref<5x!tpu.dma_semaphore, #tpu.memory_space<semaphore_mem>> -> memref<1x!tpu.dma_semaphore, #tpu.memory_space<semaphore_mem>>
      %dma_start3A_390 = tpu.memref_squeeze %dma_start3A_389 : memref<1x!tpu.dma_semaphore, #tpu.memory_space<semaphore_mem>> -> memref<!tpu.dma_semaphore, #tpu.memory_space<semaphore_mem>>
      tpu.enqueue_indirect_dma source(%dma_start3A_382 : memref<80x64xf32, #tpu.memory_space<vmem>>) target(%dma_start3A_388 : memref<10240x64xf32, #tpu.memory_space<vmem_shared>>) offsets(%dma_start3A_385 : memref<80xi32, #tpu.memory_space<vmem>>) semaphore(%dma_start3A_390 : memref<!tpu.dma_semaphore, #tpu.memory_space<semaphore_mem>>) {add = true}
      %add3A_391 = arith.constant 5 : i32
      %add3A_392 = arith.addi %add3A_362, %add3A_391 : i32
      %lt3A_393 = arith.constant 250 : i32
      %lt3A_394 = arith.cmpi slt, %add3A_392, %lt3A_393 : i32
      %convert_element_type3A_395 = arith.extui %lt3A_394 : i1 to i32
      %cond3A_396 = arith.constant 0 : i32
      %cond3A_397 = arith.cmpi ne, %convert_element_type3A_395, %cond3A_396 : i32
      scf.if %cond3A_397 {
        %dma_wait3A_398 = arith.constant 4 : i32
        %dma_wait3A_399 = arith.constant 4 : i32
        %dma_wait3A_400 = arith.constant 0 : i32
        %dma_wait3A_401 = arith.constant 0 : i32
        %dma_wait3A_402 = tpu.memref_slice %arg9[%dma_wait3A_398, %dma_wait3A_400, %dma_wait3A_401] : memref<5x80x64xf32, #tpu.memory_space<vmem>> -> memref<1x80x64xf32, #tpu.memory_space<vmem>>
        %dma_wait3A_403 = tpu.memref_squeeze %dma_wait3A_402 : memref<1x80x64xf32, #tpu.memory_space<vmem>> -> memref<80x64xf32, #tpu.memory_space<vmem>>
        %dma_wait3A_404 = arith.constant 0 : i32
        %dma_wait3A_405 = tpu.memref_slice %arg8[%add3A_362, %dma_wait3A_404] : memref<250x80xi32, #tpu.memory_space<vmem>> -> memref<1x80xi32, #tpu.memory_space<vmem>>
        %dma_wait3A_406 = tpu.memref_squeeze %dma_wait3A_405 : memref<1x80xi32, #tpu.memory_space<vmem>> -> memref<80xi32, #tpu.memory_space<vmem>>
        %dma_wait3A_407 = arith.constant 0 : i32
        %dma_wait3A_408 = arith.constant 0 : i32
        %dma_wait3A_409 = tpu.memref_slice %arg10[%dma_wait3A_407, %dma_wait3A_408] : memref<10240x64xf32, #tpu.memory_space<vmem_shared>> -> memref<10240x64xf32, #tpu.memory_space<vmem_shared>>
        %dma_wait3A_410 = tpu.memref_slice %arg12[%dma_wait3A_399] : memref<5x!tpu.dma_semaphore, #tpu.memory_space<semaphore_mem>> -> memref<1x!tpu.dma_semaphore, #tpu.memory_space<semaphore_mem>>
        %dma_wait3A_411 = tpu.memref_squeeze %dma_wait3A_410 : memref<1x!tpu.dma_semaphore, #tpu.memory_space<semaphore_mem>> -> memref<!tpu.dma_semaphore, #tpu.memory_space<semaphore_mem>>
        tpu.wait_indirect_dma semaphore(%dma_wait3A_411 : memref<!tpu.dma_semaphore, #tpu.memory_space<semaphore_mem>>) src(%dma_wait3A_403 : memref<80x64xf32, #tpu.memory_space<vmem>>) dst(%dma_wait3A_409 : memref<10240x64xf32, #tpu.memory_space<vmem_shared>>)
        %dma_start3A_412 = arith.constant 4 : i32
        %dma_start3A_413 = arith.constant 4 : i32
        %dma_start3A_414 = arith.constant 0 : i32
        %dma_start3A_415 = arith.constant 0 : i32
        %dma_start3A_416 = tpu.memref_slice %arg9[%dma_start3A_412, %dma_start3A_414, %dma_start3A_415] : memref<5x80x64xf32, #tpu.memory_space<vmem>> -> memref<1x80x64xf32, #tpu.memory_space<vmem>>
        %dma_start3A_417 = tpu.memref_squeeze %dma_start3A_416 : memref<1x80x64xf32, #tpu.memory_space<vmem>> -> memref<80x64xf32, #tpu.memory_space<vmem>>
        %dma_start3A_418 = arith.constant 0 : i32
        %dma_start3A_419 = tpu.memref_slice %arg7[%add3A_392, %dma_start3A_418] : memref<250x80xi32, #tpu.memory_space<vmem>> -> memref<1x80xi32, #tpu.memory_space<vmem>>
        %dma_start3A_420 = tpu.memref_squeeze %dma_start3A_419 : memref<1x80xi32, #tpu.memory_space<vmem>> -> memref<80xi32, #tpu.memory_space<vmem>>
        %dma_start3A_421 = arith.constant 0 : i32
        %dma_start3A_422 = arith.constant 0 : i32
        %dma_start3A_423 = tpu.memref_slice %arg2[%dma_start3A_421, %dma_start3A_422] : memref<20000x64xf32, #tpu.memory_space<hbm>> -> memref<20000x64xf32, #tpu.memory_space<hbm>>
        %dma_start3A_424 = tpu.memref_slice %arg11[%dma_start3A_413] : memref<5x!tpu.dma_semaphore, #tpu.memory_space<semaphore_mem>> -> memref<1x!tpu.dma_semaphore, #tpu.memory_space<semaphore_mem>>
        %dma_start3A_425 = tpu.memref_squeeze %dma_start3A_424 : memref<1x!tpu.dma_semaphore, #tpu.memory_space<semaphore_mem>> -> memref<!tpu.dma_semaphore, #tpu.memory_space<semaphore_mem>>
        tpu.enqueue_indirect_dma source(%dma_start3A_423 : memref<20000x64xf32, #tpu.memory_space<hbm>>) target(%dma_start3A_417 : memref<80x64xf32, #tpu.memory_space<vmem>>) offsets(%dma_start3A_420 : memref<80xi32, #tpu.memory_space<vmem>>) semaphore(%dma_start3A_425 : memref<!tpu.dma_semaphore, #tpu.memory_space<semaphore_mem>>)
      } else {
      }
    }
    %scan3A_131 = arith.constant 50 : i32
    %dma_wait3A_132 = arith.constant 0 : i32
    %dma_wait3A_133 = arith.constant 245 : i32
    %dma_wait3A_134 = arith.constant 0 : i32
    %dma_wait3A_135 = arith.constant 0 : i32
    %dma_wait3A_136 = arith.constant 0 : i32
    %dma_wait3A_137 = tpu.memref_slice %arg9[%dma_wait3A_132, %dma_wait3A_135, %dma_wait3A_136] : memref<5x80x64xf32, #tpu.memory_space<vmem>> -> memref<1x80x64xf32, #tpu.memory_space<vmem>>
    %dma_wait3A_138 = tpu.memref_squeeze %dma_wait3A_137 : memref<1x80x64xf32, #tpu.memory_space<vmem>> -> memref<80x64xf32, #tpu.memory_space<vmem>>
    %dma_wait3A_139 = arith.constant 0 : i32
    %dma_wait3A_140 = tpu.memref_slice %arg8[%dma_wait3A_133, %dma_wait3A_139] : memref<250x80xi32, #tpu.memory_space<vmem>> -> memref<1x80xi32, #tpu.memory_space<vmem>>
    %dma_wait3A_141 = tpu.memref_squeeze %dma_wait3A_140 : memref<1x80xi32, #tpu.memory_space<vmem>> -> memref<80xi32, #tpu.memory_space<vmem>>
    %dma_wait3A_142 = arith.constant 0 : i32
    %dma_wait3A_143 = arith.constant 0 : i32
    %dma_wait3A_144 = tpu.memref_slice %arg10[%dma_wait3A_142, %dma_wait3A_143] : memref<10240x64xf32, #tpu.memory_space<vmem_shared>> -> memref<10240x64xf32, #tpu.memory_space<vmem_shared>>
    %dma_wait3A_145 = tpu.memref_slice %arg12[%dma_wait3A_134] : memref<5x!tpu.dma_semaphore, #tpu.memory_space<semaphore_mem>> -> memref<1x!tpu.dma_semaphore, #tpu.memory_space<semaphore_mem>>
    %dma_wait3A_146 = tpu.memref_squeeze %dma_wait3A_145 : memref<1x!tpu.dma_semaphore, #tpu.memory_space<semaphore_mem>> -> memref<!tpu.dma_semaphore, #tpu.memory_space<semaphore_mem>>
    tpu.wait_indirect_dma semaphore(%dma_wait3A_146 : memref<!tpu.dma_semaphore, #tpu.memory_space<semaphore_mem>>) src(%dma_wait3A_138 : memref<80x64xf32, #tpu.memory_space<vmem>>) dst(%dma_wait3A_144 : memref<10240x64xf32, #tpu.memory_space<vmem_shared>>)
    %dma_wait3A_147 = arith.constant 1 : i32
    %dma_wait3A_148 = arith.constant 246 : i32
    %dma_wait3A_149 = arith.constant 1 : i32
    %dma_wait3A_150 = arith.constant 0 : i32
    %dma_wait3A_151 = arith.constant 0 : i32
    %dma_wait3A_152 = tpu.memref_slice %arg9[%dma_wait3A_147, %dma_wait3A_150, %dma_wait3A_151] : memref<5x80x64xf32, #tpu.memory_space<vmem>> -> memref<1x80x64xf32, #tpu.memory_space<vmem>>
    %dma_wait3A_153 = tpu.memref_squeeze %dma_wait3A_152 : memref<1x80x64xf32, #tpu.memory_space<vmem>> -> memref<80x64xf32, #tpu.memory_space<vmem>>
    %dma_wait3A_154 = arith.constant 0 : i32
    %dma_wait3A_155 = tpu.memref_slice %arg8[%dma_wait3A_148, %dma_wait3A_154] : memref<250x80xi32, #tpu.memory_space<vmem>> -> memref<1x80xi32, #tpu.memory_space<vmem>>
    %dma_wait3A_156 = tpu.memref_squeeze %dma_wait3A_155 : memref<1x80xi32, #tpu.memory_space<vmem>> -> memref<80xi32, #tpu.memory_space<vmem>>
    %dma_wait3A_157 = arith.constant 0 : i32
    %dma_wait3A_158 = arith.constant 0 : i32
    %dma_wait3A_159 = tpu.memref_slice %arg10[%dma_wait3A_157, %dma_wait3A_158] : memref<10240x64xf32, #tpu.memory_space<vmem_shared>> -> memref<10240x64xf32, #tpu.memory_space<vmem_shared>>
    %dma_wait3A_160 = tpu.memref_slice %arg12[%dma_wait3A_149] : memref<5x!tpu.dma_semaphore, #tpu.memory_space<semaphore_mem>> -> memref<1x!tpu.dma_semaphore, #tpu.memory_space<semaphore_mem>>
    %dma_wait3A_161 = tpu.memref_squeeze %dma_wait3A_160 : memref<1x!tpu.dma_semaphore, #tpu.memory_space<semaphore_mem>> -> memref<!tpu.dma_semaphore, #tpu.memory_space<semaphore_mem>>
    tpu.wait_indirect_dma semaphore(%dma_wait3A_161 : memref<!tpu.dma_semaphore, #tpu.memory_space<semaphore_mem>>) src(%dma_wait3A_153 : memref<80x64xf32, #tpu.memory_space<vmem>>) dst(%dma_wait3A_159 : memref<10240x64xf32, #tpu.memory_space<vmem_shared>>)
    %dma_wait3A_162 = arith.constant 2 : i32
    %dma_wait3A_163 = arith.constant 247 : i32
    %dma_wait3A_164 = arith.constant 2 : i32
    %dma_wait3A_165 = arith.constant 0 : i32
    %dma_wait3A_166 = arith.constant 0 : i32
    %dma_wait3A_167 = tpu.memref_slice %arg9[%dma_wait3A_162, %dma_wait3A_165, %dma_wait3A_166] : memref<5x80x64xf32, #tpu.memory_space<vmem>> -> memref<1x80x64xf32, #tpu.memory_space<vmem>>
    %dma_wait3A_168 = tpu.memref_squeeze %dma_wait3A_167 : memref<1x80x64xf32, #tpu.memory_space<vmem>> -> memref<80x64xf32, #tpu.memory_space<vmem>>
    %dma_wait3A_169 = arith.constant 0 : i32
    %dma_wait3A_170 = tpu.memref_slice %arg8[%dma_wait3A_163, %dma_wait3A_169] : memref<250x80xi32, #tpu.memory_space<vmem>> -> memref<1x80xi32, #tpu.memory_space<vmem>>
    %dma_wait3A_171 = tpu.memref_squeeze %dma_wait3A_170 : memref<1x80xi32, #tpu.memory_space<vmem>> -> memref<80xi32, #tpu.memory_space<vmem>>
    %dma_wait3A_172 = arith.constant 0 : i32
    %dma_wait3A_173 = arith.constant 0 : i32
    %dma_wait3A_174 = tpu.memref_slice %arg10[%dma_wait3A_172, %dma_wait3A_173] : memref<10240x64xf32, #tpu.memory_space<vmem_shared>> -> memref<10240x64xf32, #tpu.memory_space<vmem_shared>>
    %dma_wait3A_175 = tpu.memref_slice %arg12[%dma_wait3A_164] : memref<5x!tpu.dma_semaphore, #tpu.memory_space<semaphore_mem>> -> memref<1x!tpu.dma_semaphore, #tpu.memory_space<semaphore_mem>>
    %dma_wait3A_176 = tpu.memref_squeeze %dma_wait3A_175 : memref<1x!tpu.dma_semaphore, #tpu.memory_space<semaphore_mem>> -> memref<!tpu.dma_semaphore, #tpu.memory_space<semaphore_mem>>
    tpu.wait_indirect_dma semaphore(%dma_wait3A_176 : memref<!tpu.dma_semaphore, #tpu.memory_space<semaphore_mem>>) src(%dma_wait3A_168 : memref<80x64xf32, #tpu.memory_space<vmem>>) dst(%dma_wait3A_174 : memref<10240x64xf32, #tpu.memory_space<vmem_shared>>)
    %dma_wait3A_177 = arith.constant 3 : i32
    %dma_wait3A_178 = arith.constant 248 : i32
    %dma_wait3A_179 = arith.constant 3 : i32
    %dma_wait3A_180 = arith.constant 0 : i32
    %dma_wait3A_181 = arith.constant 0 : i32
    %dma_wait3A_182 = tpu.memref_slice %arg9[%dma_wait3A_177, %dma_wait3A_180, %dma_wait3A_181] : memref<5x80x64xf32, #tpu.memory_space<vmem>> -> memref<1x80x64xf32, #tpu.memory_space<vmem>>
    %dma_wait3A_183 = tpu.memref_squeeze %dma_wait3A_182 : memref<1x80x64xf32, #tpu.memory_space<vmem>> -> memref<80x64xf32, #tpu.memory_space<vmem>>
    %dma_wait3A_184 = arith.constant 0 : i32
    %dma_wait3A_185 = tpu.memref_slice %arg8[%dma_wait3A_178, %dma_wait3A_184] : memref<250x80xi32, #tpu.memory_space<vmem>> -> memref<1x80xi32, #tpu.memory_space<vmem>>
    %dma_wait3A_186 = tpu.memref_squeeze %dma_wait3A_185 : memref<1x80xi32, #tpu.memory_space<vmem>> -> memref<80xi32, #tpu.memory_space<vmem>>
    %dma_wait3A_187 = arith.constant 0 : i32
    %dma_wait3A_188 = arith.constant 0 : i32
    %dma_wait3A_189 = tpu.memref_slice %arg10[%dma_wait3A_187, %dma_wait3A_188] : memref<10240x64xf32, #tpu.memory_space<vmem_shared>> -> memref<10240x64xf32, #tpu.memory_space<vmem_shared>>
    %dma_wait3A_190 = tpu.memref_slice %arg12[%dma_wait3A_179] : memref<5x!tpu.dma_semaphore, #tpu.memory_space<semaphore_mem>> -> memref<1x!tpu.dma_semaphore, #tpu.memory_space<semaphore_mem>>
    %dma_wait3A_191 = tpu.memref_squeeze %dma_wait3A_190 : memref<1x!tpu.dma_semaphore, #tpu.memory_space<semaphore_mem>> -> memref<!tpu.dma_semaphore, #tpu.memory_space<semaphore_mem>>
    tpu.wait_indirect_dma semaphore(%dma_wait3A_191 : memref<!tpu.dma_semaphore, #tpu.memory_space<semaphore_mem>>) src(%dma_wait3A_183 : memref<80x64xf32, #tpu.memory_space<vmem>>) dst(%dma_wait3A_189 : memref<10240x64xf32, #tpu.memory_space<vmem_shared>>)
    %dma_wait3A_192 = arith.constant 4 : i32
    %dma_wait3A_193 = arith.constant 249 : i32
    %dma_wait3A_194 = arith.constant 4 : i32
    %dma_wait3A_195 = arith.constant 0 : i32
    %dma_wait3A_196 = arith.constant 0 : i32
    %dma_wait3A_197 = tpu.memref_slice %arg9[%dma_wait3A_192, %dma_wait3A_195, %dma_wait3A_196] : memref<5x80x64xf32, #tpu.memory_space<vmem>> -> memref<1x80x64xf32, #tpu.memory_space<vmem>>
    %dma_wait3A_198 = tpu.memref_squeeze %dma_wait3A_197 : memref<1x80x64xf32, #tpu.memory_space<vmem>> -> memref<80x64xf32, #tpu.memory_space<vmem>>
    %dma_wait3A_199 = arith.constant 0 : i32
    %dma_wait3A_200 = tpu.memref_slice %arg8[%dma_wait3A_193, %dma_wait3A_199] : memref<250x80xi32, #tpu.memory_space<vmem>> -> memref<1x80xi32, #tpu.memory_space<vmem>>
    %dma_wait3A_201 = tpu.memref_squeeze %dma_wait3A_200 : memref<1x80xi32, #tpu.memory_space<vmem>> -> memref<80xi32, #tpu.memory_space<vmem>>
    %dma_wait3A_202 = arith.constant 0 : i32
    %dma_wait3A_203 = arith.constant 0 : i32
    %dma_wait3A_204 = tpu.memref_slice %arg10[%dma_wait3A_202, %dma_wait3A_203] : memref<10240x64xf32, #tpu.memory_space<vmem_shared>> -> memref<10240x64xf32, #tpu.memory_space<vmem_shared>>
    %dma_wait3A_205 = tpu.memref_slice %arg12[%dma_wait3A_194] : memref<5x!tpu.dma_semaphore, #tpu.memory_space<semaphore_mem>> -> memref<1x!tpu.dma_semaphore, #tpu.memory_space<semaphore_mem>>
    %dma_wait3A_206 = tpu.memref_squeeze %dma_wait3A_205 : memref<1x!tpu.dma_semaphore, #tpu.memory_space<semaphore_mem>> -> memref<!tpu.dma_semaphore, #tpu.memory_space<semaphore_mem>>
    tpu.wait_indirect_dma semaphore(%dma_wait3A_206 : memref<!tpu.dma_semaphore, #tpu.memory_space<semaphore_mem>>) src(%dma_wait3A_198 : memref<80x64xf32, #tpu.memory_space<vmem>>) dst(%dma_wait3A_204 : memref<10240x64xf32, #tpu.memory_space<vmem_shared>>)
    %barrier3A_207 = arith.constant 0 : index
    tpu.barrier barrier_id(%barrier3A_207)
    %mul3A_208 = arith.constant 640 : i32
    %mul3A_209 = arith.muli %arg1, %mul3A_208 : i32
    %mul3A_210 = arith.constant 640 : i32
    %mul3A_211 = arith.muli %arg1, %mul3A_210 : i32
    "tpu.region"() ({
      %run_scoped3A = tpu.sem_alloc : memref<!tpu.dma_semaphore, #tpu.memory_space<semaphore_mem>>
      %dma_start3A_212 = arith.constant 0 : i32
      %dma_start3A_213 = tpu.memref_slice %arg6[%arg0, %mul3A_211, %dma_start3A_212] : memref<2x10240x64xf32, #tpu.memory_space<hbm>> -> memref<1x640x64xf32, #tpu.memory_space<hbm>>
      %dma_start3A_214 = tpu.memref_squeeze %dma_start3A_213 : memref<1x640x64xf32, #tpu.memory_space<hbm>> -> memref<640x64xf32, #tpu.memory_space<hbm>>
      %dma_start3A_215 = arith.constant 0 : i32
      %dma_start3A_216 = tpu.memref_slice %arg10[%mul3A_209, %dma_start3A_215] : memref<10240x64xf32, #tpu.memory_space<vmem_shared>> -> memref<640x64xf32, #tpu.memory_space<vmem_shared>>
      tpu.enqueue_dma source(%dma_start3A_216 : memref<640x64xf32, #tpu.memory_space<vmem_shared>>) target(%dma_start3A_214 : memref<640x64xf32, #tpu.memory_space<hbm>>) target_semaphore(%run_scoped3A : memref<!tpu.dma_semaphore, #tpu.memory_space<semaphore_mem>>)
      %dma_wait3A_217 = arith.constant 0 : i32
      %dma_wait3A_218 = tpu.memref_slice %arg6[%arg0, %mul3A_211, %dma_wait3A_217] : memref<2x10240x64xf32, #tpu.memory_space<hbm>> -> memref<1x640x64xf32, #tpu.memory_space<hbm>>
      %dma_wait3A_219 = tpu.memref_squeeze %dma_wait3A_218 : memref<1x640x64xf32, #tpu.memory_space<hbm>> -> memref<640x64xf32, #tpu.memory_space<hbm>>
      %dma_wait3A_220 = arith.constant 0 : i32
      %dma_wait3A_221 = tpu.memref_slice %arg10[%mul3A_209, %dma_wait3A_220] : memref<10240x64xf32, #tpu.memory_space<vmem_shared>> -> memref<640x64xf32, #tpu.memory_space<vmem_shared>>
      tpu.wait_dma2 semaphore(%run_scoped3A : memref<!tpu.dma_semaphore, #tpu.memory_space<semaphore_mem>>) src(%dma_wait3A_221 : memref<640x64xf32, #tpu.memory_space<vmem_shared>>) dst(%dma_wait3A_219 : memref<640x64xf32, #tpu.memory_space<hbm>>)
      tpu.yield
    }) : () -> ()
    return
  }
}

module attributes {stable_mosaic.version = 14 : i64} {
  func.func @_tc_a_body(%arg0: memref<10000x128xf32, #tpu.memory_space<vmem>>, %arg1: memref<128x128xf32, #tpu.memory_space<vmem>>, %arg2: memref<10000x1xf32, #tpu.memory_space<vmem>>, %arg3: memref<10000x128xf32, #tpu.memory_space<vmem>>) attributes {dimension_semantics = [], scalar_prefetch = 0 : i64, scratch_operands = 0 : i64, tpu.core_type = #tpu.core_type<tc>} {
    %get3A = arith.constant 0 : index
    %get3A_0 = arith.constant 0 : index
    %get3A_1 = vector.load %arg0[%get3A, %get3A_0] : memref<10000x128xf32, #tpu.memory_space<vmem>>, vector<10000x128xf32>
    %get3A_2 = arith.constant 0 : index
    %get3A_3 = arith.constant 0 : index
    %get3A_4 = vector.load %arg1[%get3A_2, %get3A_3] : memref<128x128xf32, #tpu.memory_space<vmem>>, vector<128x128xf32>
    %dot_general3A = arith.constant dense<0.000000e+00> : vector<10000x128xf32>
    %dot_general3A_5 = tpu.matmul %get3A_1, %get3A_4, %dot_general3A {dimension_numbers = #tpu.dot_dimension_numbers<[1], [0], [0], [1], [0, 0, 1, 1], [], []>, transpose_lhs_hint = false} : vector<10000x128xf32>, vector<128x128xf32>, vector<10000x128xf32> -> vector<10000x128xf32>
    %get3A_6 = arith.constant 0 : index
    %get3A_7 = arith.constant 0 : index
    %get3A_8 = vector.load %arg2[%get3A_6, %get3A_7] : memref<10000x1xf32, #tpu.memory_space<vmem>>, vector<10000x1xf32>
    %mul3A = vector.broadcast %get3A_8 : vector<10000x1xf32> to vector<10000x128xf32>
    %mul3A_9 = arith.mulf %dot_general3A_5, %mul3A : vector<10000x128xf32>
    %swap3A = arith.constant 0 : index
    %swap3A_10 = arith.constant 0 : index
    %swap3A_11 = vector.load %arg3[%swap3A, %swap3A_10] : memref<10000x128xf32, #tpu.memory_space<vmem>>, vector<10000x128xf32>
    tpu.vector_store %arg3[%swap3A, %swap3A_10], %mul3A_9 {strides = array<i32>} : memref<10000x128xf32, #tpu.memory_space<vmem>>, vector<10000x128xf32>,
    return
  }
}

module attributes {stable_mosaic.version = 14 : i64} {
  func.func @_tc_b_body(%arg0: memref<2x10240x64xf32, #tpu.memory_space<vmem>>, %arg1: memref<10000x128xf32, #tpu.memory_space<vmem>>, %arg2: memref<10000x1xf32, #tpu.memory_space<vmem>>, %arg3: memref<1x128xf32, #tpu.memory_space<vmem>>, %arg4: memref<1x128xf32, #tpu.memory_space<vmem>>, %arg5: memref<1x128xf32, #tpu.memory_space<vmem>>, %arg6: memref<128x128xf32, #tpu.memory_space<vmem>>, %arg7: memref<10000x128xf32, #tpu.memory_space<vmem>>) attributes {dimension_semantics = [], scalar_prefetch = 0 : i64, scratch_operands = 0 : i64, tpu.core_type = #tpu.core_type<tc>} {
    %get3A = arith.constant 0 : index
    %get3A_0 = arith.constant 0 : index
    %get3A_1 = arith.constant 0 : index
    %get3A_2 = vector.load %arg0[%get3A, %get3A_0, %get3A_1] : memref<2x10240x64xf32, #tpu.memory_space<vmem>>, vector<1x10000x64xf32>
    %get3A_3 = vector.shape_cast %get3A_2 : vector<1x10000x64xf32> to vector<10000x64xf32>
    %get3A_4 = arith.constant 1 : index
    %get3A_5 = arith.constant 0 : index
    %get3A_6 = arith.constant 0 : index
    %get3A_7 = vector.load %arg0[%get3A_4, %get3A_5, %get3A_6] : memref<2x10240x64xf32, #tpu.memory_space<vmem>>, vector<1x10000x64xf32>
    %get3A_8 = vector.shape_cast %get3A_7 : vector<1x10000x64xf32> to vector<10000x64xf32>
    %concatenate3A = tpu.concatenate %get3A_3, %get3A_8 in 1 : vector<10000x64xf32>, vector<10000x64xf32> -> vector<10000x128xf32>
    %get3A_9 = arith.constant 0 : index
    %get3A_10 = arith.constant 0 : index
    %get3A_11 = vector.load %arg1[%get3A_9, %get3A_10] : memref<10000x128xf32, #tpu.memory_space<vmem>>, vector<10000x128xf32>
    %add3A = arith.addf %concatenate3A, %get3A_11 : vector<10000x128xf32>
    %get3A_12 = arith.constant 0 : index
    %get3A_13 = arith.constant 0 : index
    %get3A_14 = vector.load %arg2[%get3A_12, %get3A_13] : memref<10000x1xf32, #tpu.memory_space<vmem>>, vector<10000x1xf32>
    %mul3A = vector.broadcast %get3A_14 : vector<10000x1xf32> to vector<10000x128xf32>
    %mul3A_15 = arith.mulf %add3A, %mul3A : vector<10000x128xf32>
    %get3A_16 = arith.constant 0 : index
    %get3A_17 = arith.constant 0 : index
    %get3A_18 = vector.load %arg3[%get3A_16, %get3A_17] : memref<1x128xf32, #tpu.memory_space<vmem>>, vector<1x128xf32>
    %add3A_19 = vector.broadcast %get3A_18 : vector<1x128xf32> to vector<10000x128xf32>
    %add3A_20 = arith.addf %mul3A_15, %add3A_19 : vector<10000x128xf32>
    %reduce_sum3A = arith.constant dense<0.000000e+00> : vector<128xf32>
    %reduce_sum3A_21 = vector.multi_reduction <add>, %add3A_20, %reduce_sum3A [0] : vector<10000x128xf32> to vector<128xf32>
    %broadcast_in_dim3A = vector.shape_cast %reduce_sum3A_21 : vector<128xf32> to vector<1x128xf32>
    %div3A = arith.constant 1.000000e+04 : f32
    %div3A_22 = vector.broadcast %div3A : f32 to vector<1x128xf32>
    %div3A_23 = arith.divf %broadcast_in_dim3A, %div3A_22 : vector<1x128xf32>
    %mul3A_24 = arith.mulf %add3A_20, %add3A_20 : vector<10000x128xf32>
    %reduce_sum3A_25 = arith.constant dense<0.000000e+00> : vector<128xf32>
    %reduce_sum3A_26 = vector.multi_reduction <add>, %mul3A_24, %reduce_sum3A_25 [0] : vector<10000x128xf32> to vector<128xf32>
    %broadcast_in_dim3A_27 = vector.shape_cast %reduce_sum3A_26 : vector<128xf32> to vector<1x128xf32>
    %div3A_28 = arith.constant 1.000000e+04 : f32
    %div3A_29 = vector.broadcast %div3A_28 : f32 to vector<1x128xf32>
    %div3A_30 = arith.divf %broadcast_in_dim3A_27, %div3A_29 : vector<1x128xf32>
    %mul3A_31 = arith.mulf %div3A_23, %div3A_23 : vector<1x128xf32>
    %sub3A = arith.subf %div3A_30, %mul3A_31 : vector<1x128xf32>
    %sub3A_32 = vector.broadcast %div3A_23 : vector<1x128xf32> to vector<10000x128xf32>
    %sub3A_33 = arith.subf %add3A_20, %sub3A_32 : vector<10000x128xf32>
    %add3A_34 = arith.constant 9.99999974E-6 : f32
    %add3A_35 = vector.broadcast %add3A_34 : f32 to vector<1x128xf32>
    %add3A_36 = arith.addf %sub3A, %add3A_35 : vector<1x128xf32>
    %rsqrt3A = math.rsqrt %add3A_36 : vector<1x128xf32>
    %mul3A_37 = vector.broadcast %rsqrt3A : vector<1x128xf32> to vector<10000x128xf32>
    %mul3A_38 = arith.mulf %sub3A_33, %mul3A_37 : vector<10000x128xf32>
    %get3A_39 = arith.constant 0 : index
    %get3A_40 = arith.constant 0 : index
    %get3A_41 = vector.load %arg4[%get3A_39, %get3A_40] : memref<1x128xf32, #tpu.memory_space<vmem>>, vector<1x128xf32>
    %mul3A_42 = vector.broadcast %get3A_41 : vector<1x128xf32> to vector<10000x128xf32>
    %mul3A_43 = arith.mulf %mul3A_38, %mul3A_42 : vector<10000x128xf32>
    %get3A_44 = arith.constant 0 : index
    %get3A_45 = arith.constant 0 : index
    %get3A_46 = vector.load %arg5[%get3A_44, %get3A_45] : memref<1x128xf32, #tpu.memory_space<vmem>>, vector<1x128xf32>
    %add3A_47 = vector.broadcast %get3A_46 : vector<1x128xf32> to vector<10000x128xf32>
    %add3A_48 = arith.addf %mul3A_43, %add3A_47 : vector<10000x128xf32>
    %max3A = arith.constant 0.000000e+00 : f32
    %max3A_49 = vector.broadcast %max3A : f32 to vector<10000x128xf32>
    %max3A_50 = arith.maximumf %add3A_48, %max3A_49 : vector<10000x128xf32>
    %get3A_51 = arith.constant 0 : index
    %get3A_52 = arith.constant 0 : index
    %get3A_53 = vector.load %arg6[%get3A_51, %get3A_52] : memref<128x128xf32, #tpu.memory_space<vmem>>, vector<128x128xf32>
    %dot_general3A = arith.constant dense<0.000000e+00> : vector<10000x128xf32>
    %dot_general3A_54 = tpu.matmul %max3A_50, %get3A_53, %dot_general3A {dimension_numbers = #tpu.dot_dimension_numbers<[1], [0], [0], [1], [0, 0, 1, 1], [], []>, transpose_lhs_hint = false} : vector<10000x128xf32>, vector<128x128xf32>, vector<10000x128xf32> -> vector<10000x128xf32>
    %get3A_55 = arith.constant 0 : index
    %get3A_56 = arith.constant 0 : index
    %get3A_57 = vector.load %arg2[%get3A_55, %get3A_56] : memref<10000x1xf32, #tpu.memory_space<vmem>>, vector<10000x1xf32>
    %mul3A_58 = vector.broadcast %get3A_57 : vector<10000x1xf32> to vector<10000x128xf32>
    %mul3A_59 = arith.mulf %dot_general3A_54, %mul3A_58 : vector<10000x128xf32>
    %swap3A = arith.constant 0 : index
    %swap3A_60 = arith.constant 0 : index
    %swap3A_61 = vector.load %arg7[%swap3A, %swap3A_60] : memref<10000x128xf32, #tpu.memory_space<vmem>>, vector<10000x128xf32>
    tpu.vector_store %arg7[%swap3A, %swap3A_60], %mul3A_59 {strides = array<i32>} : memref<10000x128xf32, #tpu.memory_space<vmem>>, vector<10000x128xf32>,
    return
  }
}

module attributes {stable_mosaic.version = 14 : i64} {
  func.func @_tc_c_body(%arg0: memref<2x10240x64xf32, #tpu.memory_space<vmem>>, %arg1: memref<10000x128xf32, #tpu.memory_space<vmem>>, %arg2: memref<10000x1xf32, #tpu.memory_space<vmem>>, %arg3: memref<1x128xf32, #tpu.memory_space<vmem>>, %arg4: memref<128x16xf32, #tpu.memory_space<vmem>>, %arg5: memref<1x16xf32, #tpu.memory_space<vmem>>, %arg6: memref<10000x16xf32, #tpu.memory_space<vmem>>) attributes {dimension_semantics = [], scalar_prefetch = 0 : i64, scratch_operands = 0 : i64, tpu.core_type = #tpu.core_type<tc>} {
    %get3A = arith.constant 0 : index
    %get3A_0 = arith.constant 0 : index
    %get3A_1 = arith.constant 0 : index
    %get3A_2 = vector.load %arg0[%get3A, %get3A_0, %get3A_1] : memref<2x10240x64xf32, #tpu.memory_space<vmem>>, vector<1x10000x64xf32>
    %get3A_3 = vector.shape_cast %get3A_2 : vector<1x10000x64xf32> to vector<10000x64xf32>
    %get3A_4 = arith.constant 1 : index
    %get3A_5 = arith.constant 0 : index
    %get3A_6 = arith.constant 0 : index
    %get3A_7 = vector.load %arg0[%get3A_4, %get3A_5, %get3A_6] : memref<2x10240x64xf32, #tpu.memory_space<vmem>>, vector<1x10000x64xf32>
    %get3A_8 = vector.shape_cast %get3A_7 : vector<1x10000x64xf32> to vector<10000x64xf32>
    %concatenate3A = tpu.concatenate %get3A_3, %get3A_8 in 1 : vector<10000x64xf32>, vector<10000x64xf32> -> vector<10000x128xf32>
    %get3A_9 = arith.constant 0 : index
    %get3A_10 = arith.constant 0 : index
    %get3A_11 = vector.load %arg1[%get3A_9, %get3A_10] : memref<10000x128xf32, #tpu.memory_space<vmem>>, vector<10000x128xf32>
    %add3A = arith.addf %concatenate3A, %get3A_11 : vector<10000x128xf32>
    %get3A_12 = arith.constant 0 : index
    %get3A_13 = arith.constant 0 : index
    %get3A_14 = vector.load %arg2[%get3A_12, %get3A_13] : memref<10000x1xf32, #tpu.memory_space<vmem>>, vector<10000x1xf32>
    %mul3A = vector.broadcast %get3A_14 : vector<10000x1xf32> to vector<10000x128xf32>
    %mul3A_15 = arith.mulf %add3A, %mul3A : vector<10000x128xf32>
    %get3A_16 = arith.constant 0 : index
    %get3A_17 = arith.constant 0 : index
    %get3A_18 = vector.load %arg3[%get3A_16, %get3A_17] : memref<1x128xf32, #tpu.memory_space<vmem>>, vector<1x128xf32>
    %add3A_19 = vector.broadcast %get3A_18 : vector<1x128xf32> to vector<10000x128xf32>
    %add3A_20 = arith.addf %mul3A_15, %add3A_19 : vector<10000x128xf32>
    %get3A_21 = arith.constant 0 : index
    %get3A_22 = arith.constant 0 : index
    %get3A_23 = vector.load %arg4[%get3A_21, %get3A_22] : memref<128x16xf32, #tpu.memory_space<vmem>>, vector<128x16xf32>
    %dot_general3A = arith.constant dense<0.000000e+00> : vector<10000x16xf32>
    %dot_general3A_24 = tpu.matmul %add3A_20, %get3A_23, %dot_general3A {dimension_numbers = #tpu.dot_dimension_numbers<[1], [0], [0], [1], [0, 0, 1, 1], [], []>, transpose_lhs_hint = false} : vector<10000x128xf32>, vector<128x16xf32>, vector<10000x16xf32> -> vector<10000x16xf32>
    %get3A_25 = arith.constant 0 : index
    %get3A_26 = arith.constant 0 : index
    %get3A_27 = vector.load %arg5[%get3A_25, %get3A_26] : memref<1x16xf32, #tpu.memory_space<vmem>>, vector<1x16xf32>
    %add3A_28 = vector.broadcast %get3A_27 : vector<1x16xf32> to vector<10000x16xf32>
    %add3A_29 = arith.addf %dot_general3A_24, %add3A_28 : vector<10000x16xf32>
    %swap3A = arith.constant 0 : index
    %swap3A_30 = arith.constant 0 : index
    %swap3A_31 = vector.load %arg6[%swap3A, %swap3A_30] : memref<10000x16xf32, #tpu.memory_space<vmem>>, vector<10000x16xf32>
    tpu.vector_store %arg6[%swap3A, %swap3A_30], %add3A_29 {strides = array<i32>} : memref<10000x16xf32, #tpu.memory_space<vmem>>, vector<10000x16xf32>,
    return
  }
}

</mosaic_0001>

<sc_bundles>
// kernel: kernel.11.cloned.1.call-start
scs
__scs_entry_jumppad:
0x0: {  	(pc) =	sbr.rel $0x88, $3  }
0x1: {  	(tag) =	ssettag $0x0;
	lr =	simm.s32 $0x1  }
0x2: {  	[smem:$0x3F97] =	sst lr;
	_ =	strace $0xD0000000  }
0x3: {  	_ = 	snop  }
0x4: {  	_ = 	snop  }
0x5: {  	_ = 	snop  }
0x6: {  	_ = 	snop  }
0x7: {  	_ = 	snop  }
__scs_overlays_trampoline_lowered:
0x8: {  	[smem:$0x3FA6] =	sst s0  }
0x9: {  	[smem:$0x3FA7] =	sst s1  }
0xa: {  	[smem:$0x3FA8] =	sst s2  }
0xb: {  	[smem:$0x3FA9] =	sst s3  }
0xc: {  	[smem:$0x3FAA] =	sst s4  }
0xd: {  	[smem:$0x3FAB] =	sst s5  }
0xe: {  	[smem:$0x3FAC] =	sst s6  }
0xf: {  	[smem:$0x3FAD] =	sst s7  }
0x10: {  	[smem:$0x3FAE] =	sst s8  }
0x11: {  	[smem:$0x3FAF] =	sst s9;
	s0 =	simm.s32 @!p0 $0x0  }
0x12: {  	s1 =	sld [smem:$0x3F95];
	s0 =	simm.s32 @p0 $0x1  }
0x13: {  	[smem:$0x3FB0] =	sst s0;
	s0 =	simm.s32 @!p1 $0x0  }
0x14: {  	s2 =	sld [smem:$0x3F94];
	s0 =	simm.s32 @p1 $0x1  }
0x15: {  	[smem:$0x3FB1] =	sst s0;
	s0 =	simm.s32 @!p2 $0x0  }
0x16: {  	s3 =	sld [smem:$0x3FDB];
	s0 =	simm.s32 @p2 $0x1  }
0x17: {  	s4 =	simm.s32 $0x1BF5;
	[smem:$0x3FB3] =	sst s0  }
0x18: {  	s0 =	sld [smem:$0x3F96];
	_ =	swait.ge [sflag:s4], $0x0  }
0x19: {  	s7 =	sld [smem:$0x3F97]  }
0x1a: {  	s8 =	sadd.s32 $0xFFFFE003, lr  }
0x1b: {  	s9 =	sadd.s32 $0xFFFFFEF7, lr;
	s5 =	simm.s32 $0xFFFFFFFF;
	p2 =	slt.u32 s8, $0xFFFFF086  }
0x1c: {  	p1 =	slt.u32 s9, $0xF7A;
	s5 =	simm.s32 @!p2 $0x0  }
0x1d: {  	s5 =	simm.s32 @p1 $0x1;
	p0 =	seq.s32 s7, s2  }
0x1e: {  	s7 =	smul.u32 @!p0 $0xF7A, s2;
	p2 =	seq.s32 @!p0 s5, $0x0  }
0x1f: {  	s9 =	smul.u32 $0xF7A, s1;
	s8 =	simm.s32 @!p0 $0x1BF5;
	p2 =	por !p2, p0  }
0x20: {  	[sflag:s8] =	ssyncset.s32 @!p0 $0xFFFFF086;
	s6 =	sadd.s32 @!p0 s3, s7;
	s7 =	simm.s32 @!p0 $0x108  }
0x21: {  	s3 =	sadd.s32 s3, s9;
	s6 =	sadd.s32 @!p0 $0x88, s6;
	s7 =	simm.s32 @p2 $0x1082  }
0x22: {  	[simem:s7], [sflag:s8] =	dma.local @!p0 [hbm:s6], $0xF7A  }
0x23: {  	s9 =	sor.u32 $0xD0000000, s2;
	s6 =	simm.s32 $0x108;
	_ =	swait.ge @!p0 [sflag:s8], $0x0  }
0x24: {  	s3 =	sadd.s32 $0x88, s3;
	s6 =	simm.s32 @!p1 $0x1082;
	[sflag:s4] =	ssyncset.s32 $0xFFFFF086  }
0x25: {  	[simem:s6], [sflag:s4] =	dma.local [hbm:s3], $0xF7A  }
0x26: {  	[smem:$0x3F97] =	sst s1;
	(tag) =	ssettag s2;
	_ =	strace s9  }
0x27: {  	s1 =	sld [smem:$0x3FA7]  }
0x28: {  	s2 =	sld [smem:$0x3FA8]  }
0x29: {  	s4 =	sld [smem:$0x3FAA]  }
0x2a: {  	p0 =	seq.s32 s5, $0x0;
	s5 =	sld [smem:$0x3FAB]  }
0x2b: {  	s6 =	sld [smem:$0x3FAC]  }
0x2c: {  	s7 =	sld [smem:$0x3FAD]  }
0x2d: {  	s3 =	simm.s32 $0x108;
	s8 =	sld [smem:$0x3FAE]  }
0x2e: {  	s3 =	simm.s32 @!p0 $0x1082;
	s9 =	sld [smem:$0x3FAF]  }
0x2f: {  	lr =	sadd.s32 s0, s3;
	s0 =	sld [smem:$0x3FA6]  }
0x30: {  	s3 =	sld [smem:$0x3FA9]  }
0x31: {  	[smem:$0x3FB2] =	sst s10  }
0x32: {  	s10 =	sld [smem:$0x3FB0];
	_ =	sdelay $0x3  }
0x33: {  	p0 =	seq.s32 s10, $0x1;
	s10 =	sld [smem:$0x3FB2];
	_ =	sdelay $0x3  }
0x34: {  	[smem:$0x3FB2] =	sst s10  }
0x35: {  	s10 =	sld [smem:$0x3FB1];
	_ =	sdelay $0x3  }
0x36: {  	p1 =	seq.s32 s10, $0x1;
	s10 =	sld [smem:$0x3FB2];
	_ =	sdelay $0x3  }
0x37: {  	[smem:$0x3FB2] =	sst s10  }
0x38: {  	s10 =	sld [smem:$0x3FB3]  }
0x39: {  	_ = 	snop;
	(pc) =	sbr.ind lr, $3  }
0x3a: {  	_ = 	snop  }
0x3b: {  	_ = 	snop  }
0x3c: {  	p2 =	seq.s32 s10, $0x1;
	s10 =	sld [smem:$0x3FB2]  }
0x3d: {  	_ =	shalt  }
0x3e: {  	_ =	shalt  }
0x3f: {  	_ =	shalt  }
0x40: {  	_ =	shalt  }
0x41: {  	_ =	shalt  }
0x42: {  	_ =	shalt  }
0x43: {  	_ =	shalt  }
0x44: {  	_ =	shalt  }
0x45: {  	_ =	shalt  }
0x46: {  	_ =	shalt  }
0x47: {  	_ =	shalt  }
0x48: {  	_ =	shalt  }
0x49: {  	_ =	shalt  }
0x4a: {  	_ =	shalt  }
0x4b: {  	_ =	shalt  }
0x4c: {  	_ =	shalt  }
0x4d: {  	_ =	shalt  }
0x4e: {  	_ =	shalt  }
0x4f: {  	_ =	shalt  }
0x50: {  	_ =	shalt  }
0x51: {  	_ =	shalt  }
0x52: {  	_ =	shalt  }
0x53: {  	_ =	shalt  }
0x54: {  	_ =	shalt  }
0x55: {  	_ =	shalt  }
0x56: {  	_ =	shalt  }
0x57: {  	_ =	shalt  }
0x58: {  	_ =	shalt  }
0x59: {  	_ =	shalt  }
0x5a: {  	_ =	shalt  }
0x5b: {  	_ =	shalt  }
0x5c: {  	_ =	shalt  }
0x5d: {  	_ =	shalt  }
0x5e: {  	_ =	shalt  }
0x5f: {  	_ =	shalt  }
0x60: {  	_ =	shalt  }
0x61: {  	_ =	shalt  }
0x62: {  	_ =	shalt  }
0x63: {  	_ =	shalt  }
0x64: {  	_ =	shalt  }
0x65: {  	_ =	shalt  }
0x66: {  	_ =	shalt  }
0x67: {  	_ =	shalt  }
0x68: {  	_ =	shalt  }
0x69: {  	_ =	shalt  }
0x6a: {  	_ =	shalt  }
0x6b: {  	_ =	shalt  }
0x6c: {  	_ =	shalt  }
0x6d: {  	_ =	shalt  }
0x6e: {  	_ =	shalt  }
0x6f: {  	_ =	shalt  }
0x70: {  	_ =	shalt  }
0x71: {  	_ =	shalt  }
0x72: {  	_ =	shalt  }
0x73: {  	_ =	shalt  }
0x74: {  	_ =	shalt  }
0x75: {  	_ =	shalt  }
0x76: {  	_ =	shalt  }
0x77: {  	_ =	shalt  }
0x78: {  	_ =	shalt  }
0x79: {  	_ =	shalt  }
0x7a: {  	_ =	shalt  }
0x7b: {  	_ =	shalt  }
0x7c: {  	_ =	shalt  }
0x7d: {  	_ =	shalt  }
0x7e: {  	_ =	shalt  }
0x7f: {  	_ =	shalt  }
0x80: {  	_ =	shalt  }
0x81: {  	_ =	shalt  }
0x82: {  	_ =	shalt  }
0x83: {  	_ =	shalt  }
0x84: {  	_ =	shalt  }
0x85: {  	_ =	shalt  }
0x86: {  	_ =	shalt  }
0x87: {  	_ =	shalt  }
.Lfunc_end0:
.L_simem_size_0:
called_computation.1_lowered:
.L_overlay_start_0:
0x88: {  	s2 =	sld [smem:$0x3FD9]  }
0x89: {  	s3 =	sld [smem:$0x3FFE];
	_ =	sdelay $0x1  }
0x8a: {  	s1 =	srdreg.scid  }
0x8b: {  	s0 =	sand.u32 $0x1, s1  }
0x8c: {  	s17 =	sshll.u32 s0, $0xA;
	s2 =	sadd.s32 s3, s2  }
0x8d: {  	s2 =	sadd.s32 s2, s17  }
0x8e: {  	[smem:$0x3FBE] =	sst s2  }
0x8f: {  	_ = 	snop  }
0x90: {  	s2 =	sld [smem:$0x3FD0];
	(tm) =	ssettm $0x1  }
0x91: {  	s18 =	sld [smem:$0x3FFB];
	_ =	sdelay $0x3  }
0x92: {  	_ =	strace s18  }
0x93: {  	s3 =	sld [smem:$0x3FFC];
	_ =	sdelay $0x3  }
0x94: {  	_ =	strace s3  }
0x95: {  	s3 =	sld [smem:$0x3FFD];
	_ =	sdelay $0x3  }
0x96: {  	_ =	strace s3  }
0x97: {  	_ =	strace $0x8FFFFFFF  }
0x98: {  	s19 =	sld [smem:$0x3FDB];
	_ =	sdelay $0x1  }
0x99: {  	s4 =	simm.s32 $_scs_section_size  }
0x9a: {  	s5 =	simm.s32 $_size__tile_overlayer_lowered;
	s6 =	simm.s32 $_tile_overlayer_lowered  }
0x9b: {  	s22 =	simm.s32 $0x1BFF;
	s21 =	sshll.u32 s6, $0x1;
	s3 =	sadd.s32 s4, s19  }
0x9c: {  	s7 =	simm.s32 $0x0;
	s20 =	sshll.u32 s5, $0x1;
	s5 =	sadd.s32 s21, s3  }
0x9d: {  	[timem:s7], [sflag:s22] =	dma.local [hbm:s5], s20  }
0x9e: {  	_ =	swait.ge [sflag:s22], s20  }
0x9f: {  	s4 =	ssub.s32 $0x0, s20;
	[sflag:s22] =	ssyncset.done $0x0  }
0xa0: {  	[sflag:s22] =	ssyncadd.s32 s4;
	_ =	sdelay $0x1  }
0xa1: {  	s23 =	simm.s32 $0x1B8B  }
0xa2: {  	_ =	swait.ge [sflag:s23], $0x1  }
0xa3: {  	[sflag:s23] =	ssyncset.done $0x0  }
0xa4: {  	s25 =	simm.s32 $0x1B8E;
	s24 =	sld [smem:$0x3FFE];
	[sflag:s23] =	ssyncadd.s32 $0xFFFFFFFF  }
0xa5: {  	s26 =	simm.s32 $execute0_lowered;
	[smem:$0x3FD2] =	sst s25  }
0xa6: {  	s5 =	sshll.u32 s26, $0x1;
	_ =	strace $0x80000049;
	[dreg:$0x1] =	wrdreg $0xFFFFFFFF  }
0xa7: {  	s28 =	simm.s32 $_size_execute0_lowered;
	s3 =	sadd.s32 s3, s5;
	[dreg:$0x0] =	wrdreg $0x0  }
0xa8: {  	s5 =	sshll.u32 s28, $0x1;
	[dreg:$0x2] =	wrdreg s3  }
0xa9: {  	[dreg:$0x3] =	wrdreg s5  }
0xaa: {  	[dreg:$0x4] =	wrdreg $0xC0  }
0xab: {  	_ =	task [dreg:s7], $0x5FFFF  }
0xac: {  	[dreg:$0x1] =	wrdreg $0xFFFFFFFF  }
0xad: {  	[dreg:$0x0] =	wrdreg $0x60  }
0xae: {  	[dreg:$0x2] =	wrdreg s24  }
0xaf: {  	[dreg:$0x3] =	wrdreg s2  }
0xb0: {  	[dreg:$0x4] =	wrdreg $0x100400  }
0xb1: {  	[dreg:$0x5] =	wrdreg $0x9  }
0xb2: {  	_ =	task.clear_ibuf [dreg:s7], $0x6FFFF;
	_ =	strace $0x90000049  }
0xb3: {  	s29 =	simm.s32 $0x9;
	_ =	strace $0x8000004B  }
0xb4: {  	_ =	swait.ge [sflag:s29], $0x1  }
0xb5: {  	[sflag:s29] =	ssyncadd.s32 $0xFFFFFFFF  }
0xb6: {  	_ =	strace $0x9000004B  }
0xb7: {  	_ =	sfence  }
0xb8: {  	s30 =	sld [smem:$0x0];
	_ =	sdelay $0x2  }
0xb9: {  	s31 =	sshll.u32 s1, $0xD;
	s1 =	sshrl.u32 s1, $0x2  }
0xba: {  	s3 =	sand.u32 $0x4000, s31;
	s1 =	sadd.s32 s1, s30  }
0xbb: {  	s0 =	sor.u32 s3, s0;
	s1 =	sshll.u32 s1, $0x11  }
0xbc: {  	s0 =	sor.u32 s1, s0  }
0xbd: {  	s0 =	sadd.s32 $0x8F2B, s0  }
0xbe: {  	[sflag:s0] =	ssyncadd.remote.s32 $0x1  }
0xbf: {  	_ =	sfence.sel $0xFFFF  }
0xc0: {  	[dreg:$0x0] =	wrdreg $0xFFFFFFFF;
	(pc) =	sbr.abs _section_cstart, $3  }
0xc1: {  	[dreg:$0x1] =	wrdreg $0xFFFFFFFF  }
0xc2: {  	_ =	task.clear_ibuf [dreg:s7], $0x2FFFF;
	_ =	strace $0x9FFFFFFF  }
0xc3: {  	(tm) =	ssettm $0x7FFFFFFF  }
tec
execute0_lowered:
.L_overlay_start_1:
0x0: {  	(tag) =	ssettag $0x1  }
0x1: {  	s0 =	rddreg [dreg:$0x0];
	s1 =	srdreg.scid  }
0x2: {  	s8 =	stileid.u32;
	s3 =	rddreg [dreg:$0x2];
	s4 =	simm.s32 $0x0  }
0x3: {  	s14 =	simm.s32 $0x1;
	s15 =	simm.s32 $0x2;
	s16 =	simm.s32 $0x3  }
0x4: {  	s17 =	simm.s32 $0x50;
	s18 =	simm.s32 $0x9C40;
	s19 =	simm.s32 $0xB040  }
0x5: {  	s21 =	simm.s32 $0xC440;
	s23 =	simm.s32 $0xD840;
	s28 =	simm.s32 $0x7  }
0x6: {  	s29 =	simm.s32 $0x8;
	s30 =	simm.s32 $0x4;
	s2 =	smul.u32 $0x4E20, s8  }
0x7: {  	s31 =	simm.s32 $0x9;
	s1 =	sand.u32 $0x1, s1;
	s9 =	smul.u32 $0xA000, s8  }
0x8: {  	s12 =	simm.s32 $0x0;
	[smem:$0x7FF] =	sst s4;
	s5 =	smul.u32 $0x4E200, s1  }
0x9: {  	s6 =	smul.u32 $0xA0000, s1;
	_ =	strace $0x8000004A;
	s1 =	ssub.s32 $0x2, s1  }
0xa: {  	s25 =	sshrl.u32 s1, $0x1;
	s26 =	sadd.s32 s9, s3;
	s5 =	sadd.s32 s2, s5  }
0xb: {  	s6 =	sadd.s32 s9, s6;
	s2 =	sshrl.u32 s2, $0x3;
	s1 =	ssub.s32 s1, s25  }
0xc: {  	s13 =	sshrl.u32 s26, $0x3;
	s25 =	simm.s32 $0xEC40;
	s26 =	simm.s32 $0x6  }
0xd: {  	s7 =	sshrl.u32 s5, $0x3;
	s5 =	sadd.s32 $0x20200, s0;
	s6 =	sshrl.u32 s6, $0x3  }
0xe: {  	s2 =	sadd.s32 s2, s0;
	s11 =	smax.u32 s1, $0x1;
	s7 =	sadd.s32 s7, s0  }
0xf: {  	s1 =	simm.s32 $0x5;
	s0 =	sadd.s32 s6, s0;
	s6 =	sadd.s32 $0xC800, s7  }
0x10: {  	s7 =	sshll.u32 s8, $0x6;
	s8 =	sadd.s32 $0x2A00, s2;
	s10 =	sadd.s32 $0x47400, s0  }
0x11: {  	s0 =	simm.s32 $0xA;
	s2 =	simm.s32 $0xB;
	s9 =	sor.u32 $0x1C03, s7  }
.LBB2_1:
0x12: {  	[tilespmem:s4], [sflag:$0x1] =	stream.linear.gather [hbm4b:s6+s4], $0x4E20, $0x38;
	[tilespmem:$0x1A040] =	vst v63  }
0x13: {  	s20 =	simm.s32 $0x4E20;
	s24 =	rddreg [dreg:$0x1]  }
0x14: {  	[tilespmem:s20], [sflag:$0x2] =	stream.linear.gather [hbm4b:s8+s4], $0x4E20, $0x38;
	[tilespmem:$0x1A040] =	vst v63  }
0x15: {  	[spmem:s13], [sflag:s9] =	dma.local [hbm:s24], $0x1400  }
0x16: {  	_ =	swait.ge [sflag:s14], $0x4E20  }
0x17: {  	[sflag:s14] =	ssyncset.done $0x0  }
0x18: {  	[sflag:s14] =	ssyncadd.s32 $0xFFFFB1E0  }
0x19: {  	_ =	swait.ge [sflag:s15], $0x4E20  }
0x1a: {  	[sflag:s15] =	ssyncset.done $0x0  }
0x1b: {  	[sflag:s15] =	ssyncadd.s32 $0xFFFFB1E0  }
0x1c: {  	_ =	swait.ge [sflag:s16], $0x1400  }
0x1d: {  	[sflag:s16] =	ssyncset.done $0x0  }
0x1e: {  	[sflag:s16] =	ssyncadd.s32 $0xFFFFEC00  }
0x1f: {  	[bflag:$0x0] =	sbarrier.arrive $0xFFFF  }
0x20: {  	[tilespmem:s18], [sflag:$0x1] =	stream.indirect.gather [hbm4b:s5+s17], $0x40, s4, s17, $0xb8;
	[tilespmem:$0x1A040] =	vst v63  }
0x21: {  	_ = 	snop  }
0x22: {  	[tilespmem:s19], [sflag:$0x2] =	stream.indirect.gather [hbm4b:s5+s17], $0x40, s17, s17, $0xb8;
	[tilespmem:$0x1A040] =	vst v63  }
0x23: {  	s22 =	simm.s32 $0xA0  }
0x24: {  	[tilespmem:s21], [sflag:$0x3] =	stream.indirect.gather [hbm4b:s5+s17], $0x40, s22, s17, $0xb8;
	[tilespmem:$0x1A040] =	vst v63  }
0x25: {  	s24 =	simm.s32 $0xF0  }
0x26: {  	[tilespmem:s23], [sflag:$0x4] =	stream.indirect.gather [hbm4b:s5+s17], $0x40, s24, s17, $0xb8;
	[tilespmem:$0x1A040] =	vst v63  }
0x27: {  	s22 =	simm.s32 $0x140  }
0x28: {  	[tilespmem:s25], [sflag:$0x5] =	stream.indirect.gather [hbm4b:s5+s17], $0x40, s22, s17, $0xb8;
	[tilespmem:$0x1A040] =	vst v63  }
0x29: {  	_ =	swait.ge [sflag:s14], $0x1400  }
0x2a: {  	[sflag:s14] =	ssyncset.done $0x0  }
0x2b: {  	s24 =	simm.s32 $0x4E20;
	[sflag:s14] =	ssyncadd.s32 $0xFFFFEC00  }
0x2c: {  	[spmem:s3] =	stream.indirect.scatter.add.f32 [tilespmem:s18], [sflag:$0x6], $0x40, s24, s17, $0xb8;
	[tilespmem:$0x1A040] =	vst v63  }
0x2d: {  	_ =	swait.ge [sflag:s26], $0x1400  }
0x2e: {  	[sflag:s26] =	ssyncset.done $0x0  }
0x2f: {  	s22 =	simm.s32 $0x190;
	[sflag:s26] =	ssyncadd.s32 $0xFFFFEC00  }
0x30: {  	[tilespmem:s18], [sflag:$0x1] =	stream.indirect.gather [hbm4b:s5+s17], $0x40, s22, s17, $0xb8;
	[tilespmem:$0x1A040] =	vst v63  }
0x31: {  	_ =	swait.ge [sflag:s15], $0x1400  }
0x32: {  	[sflag:s15] =	ssyncset.done $0x0  }
0x33: {  	s24 =	simm.s32 $0x4E70;
	[sflag:s15] =	ssyncadd.s32 $0xFFFFEC00  }
0x34: {  	[spmem:s3] =	stream.indirect.scatter.add.f32 [tilespmem:s19], [sflag:$0x7], $0x40, s24, s17, $0xb8;
	[tilespmem:$0x1A040] =	vst v63  }
0x35: {  	_ =	swait.ge [sflag:s28], $0x1400  }
0x36: {  	[sflag:s28] =	ssyncset.done $0x0  }
0x37: {  	s22 =	simm.s32 $0x1E0;
	[sflag:s28] =	ssyncadd.s32 $0xFFFFEC00  }
0x38: {  	[tilespmem:s19], [sflag:$0x2] =	stream.indirect.gather [hbm4b:s5+s17], $0x40, s22, s17, $0xb8;
	[tilespmem:$0x1A040] =	vst v63  }
0x39: {  	_ =	swait.ge [sflag:s16], $0x1400  }
0x3a: {  	[sflag:s16] =	ssyncset.done $0x0  }
0x3b: {  	s24 =	simm.s32 $0x4EC0;
	[sflag:s16] =	ssyncadd.s32 $0xFFFFEC00  }
0x3c: {  	[spmem:s3] =	stream.indirect.scatter.add.f32 [tilespmem:s21], [sflag:$0x8], $0x40, s24, s17, $0xb8;
	[tilespmem:$0x1A040] =	vst v63  }
0x3d: {  	_ =	swait.ge [sflag:s29], $0x1400  }
0x3e: {  	[sflag:s29] =	ssyncset.done $0x0  }
0x3f: {  	s22 =	simm.s32 $0x230;
	[sflag:s29] =	ssyncadd.s32 $0xFFFFEC00  }
0x40: {  	[tilespmem:s21], [sflag:$0x3] =	stream.indirect.gather [hbm4b:s5+s17], $0x40, s22, s17, $0xb8;
	[tilespmem:$0x1A040] =	vst v63  }
0x41: {  	_ =	swait.ge [sflag:s30], $0x1400  }
0x42: {  	[sflag:s30] =	ssyncset.done $0x0  }
0x43: {  	s24 =	simm.s32 $0x4F10;
	[sflag:s30] =	ssyncadd.s32 $0xFFFFEC00  }
0x44: {  	[spmem:s3] =	stream.indirect.scatter.add.f32 [tilespmem:s23], [sflag:$0x9], $0x40, s24, s17, $0xb8;
	[tilespmem:$0x1A040] =	vst v63  }
0x45: {  	_ =	swait.ge [sflag:s31], $0x1400  }
0x46: {  	[sflag:s31] =	ssyncset.done $0x0  }
0x47: {  	s22 =	simm.s32 $0x280;
	[sflag:s31] =	ssyncadd.s32 $0xFFFFEC00  }
0x48: {  	[tilespmem:s23], [sflag:$0x4] =	stream.indirect.gather [hbm4b:s5+s17], $0x40, s22, s17, $0xb8;
	[tilespmem:$0x1A040] =	vst v63  }
0x49: {  	_ =	swait.ge [sflag:s1], $0x1400  }
0x4a: {  	[sflag:s1] =	ssyncset.done $0x0  }
0x4b: {  	s24 =	simm.s32 $0x4F60;
	[sflag:s1] =	ssyncadd.s32 $0xFFFFEC00  }
0x4c: {  	[spmem:s3] =	stream.indirect.scatter.add.f32 [tilespmem:s25], [sflag:$0xA], $0x40, s24, s17, $0xb8;
	[tilespmem:$0x1A040] =	vst v63  }
0x4d: {  	_ =	swait.ge [sflag:s0], $0x1400  }
0x4e: {  	[sflag:s0] =	ssyncset.done $0x0  }
0x4f: {  	s20 =	simm.s32 $0x640;
	s22 =	simm.s32 $0x2D0;
	[sflag:s0] =	ssyncadd.s32 $0xFFFFEC00  }
.LBB2_2:
0x50: {  	[tilespmem:s25], [sflag:$0x5] =	stream.indirect.gather [hbm4b:s5+s17], $0x40, s22, s17, $0xb8;
	[tilespmem:$0x1A040] =	vst v63  }
0x51: {  	s22 =	smov.u32 s20  }
0x52: {  	p0 =	sne.s32 s20, $0x12C00;
	s20 =	sadd.s32 $0x640, s20;
	_ =	swait.ge [sflag:s14], $0x1400  }
0x53: {  	s22 =	sshra.s32 s22, $0x2;
	[sflag:s14] =	ssyncset.done $0x0  }
0x54: {  	s24 =	sadd.s32 $0x4E20, s22;
	[sflag:s14] =	ssyncadd.s32 $0xFFFFEC00  }
0x55: {  	[spmem:s3] =	stream.indirect.scatter.add.f32 [tilespmem:s18], [sflag:$0x6], $0x40, s24, s17, $0xb8;
	[tilespmem:$0x1A040] =	vst v63  }
0x56: {  	_ =	swait.ge [sflag:s26], $0x1400  }
0x57: {  	[sflag:s26] =	ssyncset.done $0x0  }
0x58: {  	s24 =	sadd.s32 $0x190, s22;
	[sflag:s26] =	ssyncadd.s32 $0xFFFFEC00  }
0x59: {  	[tilespmem:s18], [sflag:$0x1] =	stream.indirect.gather [hbm4b:s5+s17], $0x40, s24, s17, $0xb8;
	[tilespmem:$0x1A040] =	vst v63  }
0x5a: {  	_ =	swait.ge [sflag:s15], $0x1400  }
0x5b: {  	[sflag:s15] =	ssyncset.done $0x0  }
0x5c: {  	s24 =	sadd.s32 $0x4E70, s22;
	[sflag:s15] =	ssyncadd.s32 $0xFFFFEC00  }
0x5d: {  	[spmem:s3] =	stream.indirect.scatter.add.f32 [tilespmem:s19], [sflag:$0x7], $0x40, s24, s17, $0xb8;
	[tilespmem:$0x1A040] =	vst v63  }
0x5e: {  	_ =	swait.ge [sflag:s28], $0x1400  }
0x5f: {  	[sflag:s28] =	ssyncset.done $0x0  }
0x60: {  	s24 =	sadd.s32 $0x1E0, s22;
	[sflag:s28] =	ssyncadd.s32 $0xFFFFEC00  }
0x61: {  	[tilespmem:s19], [sflag:$0x2] =	stream.indirect.gather [hbm4b:s5+s17], $0x40, s24, s17, $0xb8;
	[tilespmem:$0x1A040] =	vst v63  }
0x62: {  	_ =	swait.ge [sflag:s16], $0x1400  }
0x63: {  	[sflag:s16] =	ssyncset.done $0x0  }
0x64: {  	s24 =	sadd.s32 $0x4EC0, s22;
	[sflag:s16] =	ssyncadd.s32 $0xFFFFEC00  }
0x65: {  	[spmem:s3] =	stream.indirect.scatter.add.f32 [tilespmem:s21], [sflag:$0x8], $0x40, s24, s17, $0xb8;
	[tilespmem:$0x1A040] =	vst v63  }
0x66: {  	_ =	swait.ge [sflag:s29], $0x1400  }
0x67: {  	[sflag:s29] =	ssyncset.done $0x0  }
0x68: {  	s24 =	sadd.s32 $0x230, s22;
	[sflag:s29] =	ssyncadd.s32 $0xFFFFEC00  }
0x69: {  	[tilespmem:s21], [sflag:$0x3] =	stream.indirect.gather [hbm4b:s5+s17], $0x40, s24, s17, $0xb8;
	[tilespmem:$0x1A040] =	vst v63  }
0x6a: {  	_ =	swait.ge [sflag:s30], $0x1400  }
0x6b: {  	[sflag:s30] =	ssyncset.done $0x0  }
0x6c: {  	s24 =	sadd.s32 $0x4F10, s22;
	[sflag:s30] =	ssyncadd.s32 $0xFFFFEC00  }
0x6d: {  	[spmem:s3] =	stream.indirect.scatter.add.f32 [tilespmem:s23], [sflag:$0x9], $0x40, s24, s17, $0xb8;
	[tilespmem:$0x1A040] =	vst v63  }
0x6e: {  	_ =	swait.ge [sflag:s31], $0x1400  }
0x6f: {  	[sflag:s31] =	ssyncset.done $0x0  }
0x70: {  	s24 =	sadd.s32 $0x280, s22;
	[sflag:s31] =	ssyncadd.s32 $0xFFFFEC00  }
0x71: {  	[tilespmem:s23], [sflag:$0x4] =	stream.indirect.gather [hbm4b:s5+s17], $0x40, s24, s17, $0xb8;
	[tilespmem:$0x1A040] =	vst v63  }
0x72: {  	_ =	swait.ge [sflag:s1], $0x1400  }
0x73: {  	[sflag:s1] =	ssyncset.done $0x0  }
.Ltmp0:
0x74: {  	s24 =	sadd.s32 $0x4F60, s22;
	[sflag:s1] =	ssyncadd.s32 $0xFFFFEC00;
	(pc) =	sbr.rel @p0 .LBB2_2-.Ltmp0, $4  }
0x75: {  	[spmem:s3] =	stream.indirect.scatter.add.f32 [tilespmem:s25], [sflag:$0xA], $0x40, s24, s17, $0xb8;
	[tilespmem:$0x1A040] =	vst v63  }
0x76: {  	_ =	swait.ge [sflag:s0], $0x1400  }
0x77: {  	[sflag:s0] =	ssyncset.done $0x0  }
0x78: {  	s22 =	sadd.s32 $0x2D0, s22;
	[sflag:s0] =	ssyncadd.s32 $0xFFFFEC00  }
0x79: {  	[tilespmem:s25], [sflag:$0x5] =	stream.indirect.gather [hbm4b:s5+s17], $0x40, s22, s17, $0xb8;
	[tilespmem:$0x1A040] =	vst v63  }
0x7a: {  	_ =	swait.ge [sflag:s14], $0x1400  }
0x7b: {  	[sflag:s14] =	ssyncset.done $0x0  }
0x7c: {  	s20 =	simm.s32 $0x9AB0;
	[sflag:s14] =	ssyncadd.s32 $0xFFFFEC00  }
0x7d: {  	[spmem:s3] =	stream.indirect.scatter.add.f32 [tilespmem:s18], [sflag:$0x6], $0x40, s20, s17, $0xb8;
	[tilespmem:$0x1A040] =	vst v63  }
0x7e: {  	_ =	swait.ge [sflag:s15], $0x1400  }
0x7f: {  	[sflag:s15] =	ssyncset.done $0x0  }
0x80: {  	s24 =	simm.s32 $0x9B00;
	[sflag:s15] =	ssyncadd.s32 $0xFFFFEC00  }
0x81: {  	[spmem:s3] =	stream.indirect.scatter.add.f32 [tilespmem:s19], [sflag:$0x7], $0x40, s24, s17, $0xb8;
	[tilespmem:$0x1A040] =	vst v63  }
0x82: {  	_ =	swait.ge [sflag:s16], $0x1400  }
0x83: {  	[sflag:s16] =	ssyncset.done $0x0  }
0x84: {  	s22 =	simm.s32 $0x9B50;
	[sflag:s16] =	ssyncadd.s32 $0xFFFFEC00  }
0x85: {  	[spmem:s3] =	stream.indirect.scatter.add.f32 [tilespmem:s21], [sflag:$0x8], $0x40, s22, s17, $0xb8;
	[tilespmem:$0x1A040] =	vst v63  }
0x86: {  	_ =	swait.ge [sflag:s30], $0x1400  }
0x87: {  	[sflag:s30] =	ssyncset.done $0x0  }
0x88: {  	s24 =	simm.s32 $0x9BA0;
	[sflag:s30] =	ssyncadd.s32 $0xFFFFEC00  }
0x89: {  	[spmem:s3] =	stream.indirect.scatter.add.f32 [tilespmem:s23], [sflag:$0x9], $0x40, s24, s17, $0xb8;
	[tilespmem:$0x1A040] =	vst v63  }
0x8a: {  	_ =	swait.ge [sflag:s1], $0x1400  }
0x8b: {  	[sflag:s1] =	ssyncset.done $0x0  }
0x8c: {  	s22 =	simm.s32 $0x9BF0;
	[sflag:s1] =	ssyncadd.s32 $0xFFFFEC00  }
0x8d: {  	[spmem:s3] =	stream.indirect.scatter.add.f32 [tilespmem:s25], [sflag:$0xA], $0x40, s22, s17, $0xb8;
	[tilespmem:$0x1A040] =	vst v63  }
0x8e: {  	_ =	swait.ge [sflag:s26], $0x1400  }
0x8f: {  	[sflag:s26] =	ssyncset.done $0x0  }
0x90: {  	[sflag:s26] =	ssyncadd.s32 $0xFFFFEC00  }
0x91: {  	_ =	swait.ge [sflag:s28], $0x1400  }
0x92: {  	[sflag:s28] =	ssyncset.done $0x0  }
0x93: {  	[sflag:s28] =	ssyncadd.s32 $0xFFFFEC00  }
0x94: {  	_ =	swait.ge [sflag:s29], $0x1400  }
0x95: {  	[sflag:s29] =	ssyncset.done $0x0  }
0x96: {  	[sflag:s29] =	ssyncadd.s32 $0xFFFFEC00  }
0x97: {  	_ =	swait.ge [sflag:s31], $0x1400  }
0x98: {  	[sflag:s31] =	ssyncset.done $0x0  }
0x99: {  	[sflag:s31] =	ssyncadd.s32 $0xFFFFEC00  }
0x9a: {  	_ =	swait.ge [sflag:s0], $0x1400  }
0x9b: {  	s12 =	sadd.s32 $0x1, s12;
	[sflag:s0] =	ssyncset.done $0x0  }
0x9c: {  	p0 =	sne.s32 s12, s11;
	[sflag:s0] =	ssyncadd.s32 $0xFFFFEC00  }
.Ltmp1:
0x9d: {  	s24 =	sor.u32 $0x1C0B, s7;
	[bflag:$0x0] =	sbarrier.arrive $0xFFFF;
	(pc) =	sbr.rel @p0 .LBB2_1-.Ltmp1, $4  }
0x9e: {  	[hbm:s10], [sflag:s24] =	dma.local [spmem:s13], $0x1400  }
0x9f: {  	_ =	swait.ge [sflag:s2], $0x1400  }
0xa0: {  	[sflag:s2] =	ssyncset.done $0x0  }
0xa1: {  	[sflag:s2] =	ssyncadd.s32 $0xFFFFEC00  }
0xa2: {  	_ =	sfence.sel $0x180000  }
0xa3: {  	[bflag:$0x0] =	sbarrier.arrive $0xFFFF  }
0xa4: {  	_ =	strace $0x9000004A  }
0xa5: {  	s0 =	stileid.u32;
	[bflag:$0x2] =	sbarrier.arrive $0xFFFF  }
0xa6: {  	p0 =	sne.s32 s0, $0x0;
	s0 =	rddreg [dreg:$0x3]  }
0xa7: {  	s0 =	sadd.s32 @!p0 $0x100000, s0  }
0xa8: {  	[sflag:s0] =	ssyncadd.tile.s32 @!p0 $0x1;
	_ =	shalt  }
.Lfunc_end2:
_tile_overlayer_lowered:
.L_overlay_start_2:
0xa9: {  	(tag) =	ssettag $0x2  }
0xaa: {  	s0 =	rddreg [dreg:$0x0];
	s2 =	stileid.u32  }
0xab: {  	s1 =	rddreg [dreg:$0x1];
	p0 =	sne.s32 s2, $0x0  }
0xac: {  	s3 =	rddreg [dreg:$0x2];
	[bflag:$0x3] =	sbarrier.arrive $0xFFFF;
	s2 =	simm.s32 @!p0 $0x1C0B  }
0xad: {  	[timem:s3], [sflag:s2] =	dma.local @!p0 [hbm:s0], s1  }
0xae: {  	s0 =	simm.s32 @!p0 $0xB  }
0xaf: {  	_ =	swait.ge @!p0 [sflag:s0], s1  }
0xb0: {  	s1 =	ssub.s32 @!p0 $0x0, s1;
	[sflag:s0] =	ssyncset.done @!p0 $0x0  }
0xb1: {  	[sflag:s0] =	ssyncadd.s32 @!p0 s1  }
0xb2: {  	[bflag:$0x3] =	sbarrier.arrive $0xFFFF  }
0xb3: {  	_ =	shalt  }

// kernel: kernel.14.cloned.1.call-start
scs
__scs_entry_jumppad:
0x0: {  	(pc) =	sbr.rel $0x88, $3  }
0x1: {  	(tag) =	ssettag $0x0;
	lr =	simm.s32 $0x1  }
0x2: {  	[smem:$0x3F97] =	sst lr;
	_ =	strace $0xD0000000  }
0x3: {  	_ = 	snop  }
0x4: {  	_ = 	snop  }
0x5: {  	_ = 	snop  }
0x6: {  	_ = 	snop  }
0x7: {  	_ = 	snop  }
__scs_overlays_trampoline_lowered:
0x8: {  	[smem:$0x3FA6] =	sst s0  }
0x9: {  	[smem:$0x3FA7] =	sst s1  }
0xa: {  	[smem:$0x3FA8] =	sst s2  }
0xb: {  	[smem:$0x3FA9] =	sst s3  }
0xc: {  	[smem:$0x3FAA] =	sst s4  }
0xd: {  	[smem:$0x3FAB] =	sst s5  }
0xe: {  	[smem:$0x3FAC] =	sst s6  }
0xf: {  	[smem:$0x3FAD] =	sst s7  }
0x10: {  	[smem:$0x3FAE] =	sst s8  }
0x11: {  	[smem:$0x3FAF] =	sst s9;
	s0 =	simm.s32 @!p0 $0x0  }
0x12: {  	s1 =	sld [smem:$0x3F95];
	s0 =	simm.s32 @p0 $0x1  }
0x13: {  	[smem:$0x3FB0] =	sst s0;
	s0 =	simm.s32 @!p1 $0x0  }
0x14: {  	s2 =	sld [smem:$0x3F94];
	s0 =	simm.s32 @p1 $0x1  }
0x15: {  	[smem:$0x3FB1] =	sst s0;
	s0 =	simm.s32 @!p2 $0x0  }
0x16: {  	s3 =	sld [smem:$0x3FDB];
	s0 =	simm.s32 @p2 $0x1  }
0x17: {  	s4 =	simm.s32 $0x1BF5;
	[smem:$0x3FB3] =	sst s0  }
0x18: {  	s0 =	sld [smem:$0x3F96];
	_ =	swait.ge [sflag:s4], $0x0  }
0x19: {  	s7 =	sld [smem:$0x3F97]  }
0x1a: {  	s8 =	sadd.s32 $0xFFFFE003, lr  }
0x1b: {  	s9 =	sadd.s32 $0xFFFFFEF7, lr;
	s5 =	simm.s32 $0xFFFFFFFF;
	p2 =	slt.u32 s8, $0xFFFFF086  }
0x1c: {  	p1 =	slt.u32 s9, $0xF7A;
	s5 =	simm.s32 @!p2 $0x0  }
0x1d: {  	s5 =	simm.s32 @p1 $0x1;
	p0 =	seq.s32 s7, s2  }
0x1e: {  	s7 =	smul.u32 @!p0 $0xF7A, s2;
	p2 =	seq.s32 @!p0 s5, $0x0  }
0x1f: {  	s9 =	smul.u32 $0xF7A, s1;
	s8 =	simm.s32 @!p0 $0x1BF5;
	p2 =	por !p2, p0  }
0x20: {  	[sflag:s8] =	ssyncset.s32 @!p0 $0xFFFFF086;
	s6 =	sadd.s32 @!p0 s3, s7;
	s7 =	simm.s32 @!p0 $0x108  }
0x21: {  	s3 =	sadd.s32 s3, s9;
	s6 =	sadd.s32 @!p0 $0x88, s6;
	s7 =	simm.s32 @p2 $0x1082  }
0x22: {  	[simem:s7], [sflag:s8] =	dma.local @!p0 [hbm:s6], $0xF7A  }
0x23: {  	s9 =	sor.u32 $0xD0000000, s2;
	s6 =	simm.s32 $0x108;
	_ =	swait.ge @!p0 [sflag:s8], $0x0  }
0x24: {  	s3 =	sadd.s32 $0x88, s3;
	s6 =	simm.s32 @!p1 $0x1082;
	[sflag:s4] =	ssyncset.s32 $0xFFFFF086  }
0x25: {  	[simem:s6], [sflag:s4] =	dma.local [hbm:s3], $0xF7A  }
0x26: {  	[smem:$0x3F97] =	sst s1;
	(tag) =	ssettag s2;
	_ =	strace s9  }
0x27: {  	s1 =	sld [smem:$0x3FA7]  }
0x28: {  	s2 =	sld [smem:$0x3FA8]  }
0x29: {  	s4 =	sld [smem:$0x3FAA]  }
0x2a: {  	p0 =	seq.s32 s5, $0x0;
	s5 =	sld [smem:$0x3FAB]  }
0x2b: {  	s6 =	sld [smem:$0x3FAC]  }
0x2c: {  	s7 =	sld [smem:$0x3FAD]  }
0x2d: {  	s3 =	simm.s32 $0x108;
	s8 =	sld [smem:$0x3FAE]  }
0x2e: {  	s3 =	simm.s32 @!p0 $0x1082;
	s9 =	sld [smem:$0x3FAF]  }
0x2f: {  	lr =	sadd.s32 s0, s3;
	s0 =	sld [smem:$0x3FA6]  }
0x30: {  	s3 =	sld [smem:$0x3FA9]  }
0x31: {  	[smem:$0x3FB2] =	sst s10  }
0x32: {  	s10 =	sld [smem:$0x3FB0];
	_ =	sdelay $0x3  }
0x33: {  	p0 =	seq.s32 s10, $0x1;
	s10 =	sld [smem:$0x3FB2];
	_ =	sdelay $0x3  }
0x34: {  	[smem:$0x3FB2] =	sst s10  }
0x35: {  	s10 =	sld [smem:$0x3FB1];
	_ =	sdelay $0x3  }
0x36: {  	p1 =	seq.s32 s10, $0x1;
	s10 =	sld [smem:$0x3FB2];
	_ =	sdelay $0x3  }
0x37: {  	[smem:$0x3FB2] =	sst s10  }
0x38: {  	s10 =	sld [smem:$0x3FB3]  }
0x39: {  	_ = 	snop;
	(pc) =	sbr.ind lr, $3  }
0x3a: {  	_ = 	snop  }
0x3b: {  	_ = 	snop  }
0x3c: {  	p2 =	seq.s32 s10, $0x1;
	s10 =	sld [smem:$0x3FB2]  }
0x3d: {  	_ =	shalt  }
0x3e: {  	_ =	shalt  }
0x3f: {  	_ =	shalt  }
0x40: {  	_ =	shalt  }
0x41: {  	_ =	shalt  }
0x42: {  	_ =	shalt  }
0x43: {  	_ =	shalt  }
0x44: {  	_ =	shalt  }
0x45: {  	_ =	shalt  }
0x46: {  	_ =	shalt  }
0x47: {  	_ =	shalt  }
0x48: {  	_ =	shalt  }
0x49: {  	_ =	shalt  }
0x4a: {  	_ =	shalt  }
0x4b: {  	_ =	shalt  }
0x4c: {  	_ =	shalt  }
0x4d: {  	_ =	shalt  }
0x4e: {  	_ =	shalt  }
0x4f: {  	_ =	shalt  }
0x50: {  	_ =	shalt  }
0x51: {  	_ =	shalt  }
0x52: {  	_ =	shalt  }
0x53: {  	_ =	shalt  }
0x54: {  	_ =	shalt  }
0x55: {  	_ =	shalt  }
0x56: {  	_ =	shalt  }
0x57: {  	_ =	shalt  }
0x58: {  	_ =	shalt  }
0x59: {  	_ =	shalt  }
0x5a: {  	_ =	shalt  }
0x5b: {  	_ =	shalt  }
0x5c: {  	_ =	shalt  }
0x5d: {  	_ =	shalt  }
0x5e: {  	_ =	shalt  }
0x5f: {  	_ =	shalt  }
0x60: {  	_ =	shalt  }
0x61: {  	_ =	shalt  }
0x62: {  	_ =	shalt  }
0x63: {  	_ =	shalt  }
0x64: {  	_ =	shalt  }
0x65: {  	_ =	shalt  }
0x66: {  	_ =	shalt  }
0x67: {  	_ =	shalt  }
0x68: {  	_ =	shalt  }
0x69: {  	_ =	shalt  }
0x6a: {  	_ =	shalt  }
0x6b: {  	_ =	shalt  }
0x6c: {  	_ =	shalt  }
0x6d: {  	_ =	shalt  }
0x6e: {  	_ =	shalt  }
0x6f: {  	_ =	shalt  }
0x70: {  	_ =	shalt  }
0x71: {  	_ =	shalt  }
0x72: {  	_ =	shalt  }
0x73: {  	_ =	shalt  }
0x74: {  	_ =	shalt  }
0x75: {  	_ =	shalt  }
0x76: {  	_ =	shalt  }
0x77: {  	_ =	shalt  }
0x78: {  	_ =	shalt  }
0x79: {  	_ =	shalt  }
0x7a: {  	_ =	shalt  }
0x7b: {  	_ =	shalt  }
0x7c: {  	_ =	shalt  }
0x7d: {  	_ =	shalt  }
0x7e: {  	_ =	shalt  }
0x7f: {  	_ =	shalt  }
0x80: {  	_ =	shalt  }
0x81: {  	_ =	shalt  }
0x82: {  	_ =	shalt  }
0x83: {  	_ =	shalt  }
0x84: {  	_ =	shalt  }
0x85: {  	_ =	shalt  }
0x86: {  	_ =	shalt  }
0x87: {  	_ =	shalt  }
.Lfunc_end0:
.L_simem_size_0:
called_computation.2_lowered:
.L_overlay_start_0:
0x88: {  	s2 =	sld [smem:$0x3FD9]  }
0x89: {  	s3 =	sld [smem:$0x3FFE];
	_ =	sdelay $0x1  }
0x8a: {  	s1 =	srdreg.scid  }
0x8b: {  	s0 =	sand.u32 $0x1, s1  }
0x8c: {  	s17 =	sshll.u32 s0, $0xA;
	s2 =	sadd.s32 s3, s2  }
0x8d: {  	s2 =	sadd.s32 s2, s17  }
0x8e: {  	[smem:$0x3FBE] =	sst s2  }
0x8f: {  	_ = 	snop  }
0x90: {  	s2 =	sld [smem:$0x3FD0];
	(tm) =	ssettm $0x1  }
0x91: {  	s18 =	sld [smem:$0x3FFB];
	_ =	sdelay $0x3  }
0x92: {  	_ =	strace s18  }
0x93: {  	s3 =	sld [smem:$0x3FFC];
	_ =	sdelay $0x3  }
0x94: {  	_ =	strace s3  }
0x95: {  	s3 =	sld [smem:$0x3FFD];
	_ =	sdelay $0x3  }
0x96: {  	_ =	strace s3  }
0x97: {  	_ =	strace $0x8FFFFFFF  }
0x98: {  	s19 =	sld [smem:$0x3FDB];
	_ =	sdelay $0x1  }
0x99: {  	s4 =	simm.s32 $_scs_section_size  }
0x9a: {  	s5 =	simm.s32 $_size__tile_overlayer_lowered;
	s6 =	simm.s32 $_tile_overlayer_lowered  }
0x9b: {  	s22 =	simm.s32 $0x1BFF;
	s21 =	sshll.u32 s6, $0x1;
	s3 =	sadd.s32 s4, s19  }
0x9c: {  	s7 =	simm.s32 $0x0;
	s20 =	sshll.u32 s5, $0x1;
	s5 =	sadd.s32 s21, s3  }
0x9d: {  	[timem:s7], [sflag:s22] =	dma.local [hbm:s5], s20  }
0x9e: {  	_ =	swait.ge [sflag:s22], s20  }
0x9f: {  	s4 =	ssub.s32 $0x0, s20;
	[sflag:s22] =	ssyncset.done $0x0  }
0xa0: {  	[sflag:s22] =	ssyncadd.s32 s4;
	_ =	sdelay $0x1  }
0xa1: {  	s23 =	simm.s32 $0x1B8B  }
0xa2: {  	_ =	swait.ge [sflag:s23], $0x1  }
0xa3: {  	[sflag:s23] =	ssyncset.done $0x0  }
0xa4: {  	s25 =	simm.s32 $0x1B8E;
	s24 =	sld [smem:$0x3FFE];
	[sflag:s23] =	ssyncadd.s32 $0xFFFFFFFF  }
0xa5: {  	s26 =	simm.s32 $execute0_lowered;
	[smem:$0x3FD2] =	sst s25  }
0xa6: {  	s5 =	sshll.u32 s26, $0x1;
	_ =	strace $0x8000004C;
	[dreg:$0x1] =	wrdreg $0xFFFFFFFF  }
0xa7: {  	s28 =	simm.s32 $_size_execute0_lowered;
	s3 =	sadd.s32 s3, s5;
	[dreg:$0x0] =	wrdreg $0x0  }
0xa8: {  	s5 =	sshll.u32 s28, $0x1;
	[dreg:$0x2] =	wrdreg s3  }
0xa9: {  	[dreg:$0x3] =	wrdreg s5  }
0xaa: {  	[dreg:$0x4] =	wrdreg $0xC0  }
0xab: {  	_ =	task [dreg:s7], $0x5FFFF  }
0xac: {  	[dreg:$0x1] =	wrdreg $0xFFFFFFFF  }
0xad: {  	[dreg:$0x0] =	wrdreg $0x60  }
0xae: {  	[dreg:$0x2] =	wrdreg s24  }
0xaf: {  	[dreg:$0x3] =	wrdreg s2  }
0xb0: {  	[dreg:$0x4] =	wrdreg $0x100400  }
0xb1: {  	[dreg:$0x5] =	wrdreg $0x9  }
0xb2: {  	_ =	task.clear_ibuf [dreg:s7], $0x6FFFF;
	_ =	strace $0x9000004C  }
0xb3: {  	s29 =	simm.s32 $0x9;
	_ =	strace $0x8000004E  }
0xb4: {  	_ =	swait.ge [sflag:s29], $0x1  }
0xb5: {  	[sflag:s29] =	ssyncadd.s32 $0xFFFFFFFF  }
0xb6: {  	_ =	strace $0x9000004E  }
0xb7: {  	_ =	sfence  }
0xb8: {  	s30 =	sld [smem:$0x0];
	_ =	sdelay $0x2  }
0xb9: {  	s31 =	sshll.u32 s1, $0xD;
	s1 =	sshrl.u32 s1, $0x2  }
0xba: {  	s3 =	sand.u32 $0x4000, s31;
	s1 =	sadd.s32 s1, s30  }
0xbb: {  	s0 =	sor.u32 s3, s0;
	s1 =	sshll.u32 s1, $0x11  }
0xbc: {  	s0 =	sor.u32 s1, s0  }
0xbd: {  	s0 =	sadd.s32 $0x8F2B, s0  }
0xbe: {  	[sflag:s0] =	ssyncadd.remote.s32 $0x1  }
0xbf: {  	_ =	sfence.sel $0xFFFF  }
0xc0: {  	[dreg:$0x0] =	wrdreg $0xFFFFFFFF;
	(pc) =	sbr.abs _section_cstart, $3  }
0xc1: {  	[dreg:$0x1] =	wrdreg $0xFFFFFFFF  }
0xc2: {  	_ =	task.clear_ibuf [dreg:s7], $0x2FFFF;
	_ =	strace $0x9FFFFFFF  }
0xc3: {  	(tm) =	ssettm $0x7FFFFFFF  }
tec
execute0_lowered:
.L_overlay_start_1:
0x0: {  	(tag) =	ssettag $0x1  }
0x1: {  	s0 =	rddreg [dreg:$0x0];
	s1 =	srdreg.scid  }
0x2: {  	s8 =	stileid.u32;
	s3 =	rddreg [dreg:$0x2];
	s4 =	simm.s32 $0x0  }
0x3: {  	s14 =	simm.s32 $0x1;
	s15 =	simm.s32 $0x2;
	s16 =	simm.s32 $0x3  }
0x4: {  	s17 =	simm.s32 $0x50;
	s18 =	simm.s32 $0x9C40;
	s19 =	simm.s32 $0xB040  }
0x5: {  	s21 =	simm.s32 $0xC440;
	s23 =	simm.s32 $0xD840;
	s28 =	simm.s32 $0x7  }
0x6: {  	s29 =	simm.s32 $0x8;
	s30 =	simm.s32 $0x4;
	s2 =	smul.u32 $0x4E20, s8  }
0x7: {  	s31 =	simm.s32 $0x9;
	s1 =	sand.u32 $0x1, s1;
	s9 =	smul.u32 $0xA000, s8  }
0x8: {  	s12 =	simm.s32 $0x0;
	[smem:$0x7FF] =	sst s4;
	s5 =	smul.u32 $0x4E200, s1  }
0x9: {  	s6 =	smul.u32 $0xA0000, s1;
	_ =	strace $0x8000004D;
	s1 =	ssub.s32 $0x2, s1  }
0xa: {  	s25 =	sshrl.u32 s1, $0x1;
	s26 =	sadd.s32 s9, s3;
	s5 =	sadd.s32 s2, s5  }
0xb: {  	s6 =	sadd.s32 s9, s6;
	s2 =	sshrl.u32 s2, $0x3;
	s1 =	ssub.s32 s1, s25  }
0xc: {  	s13 =	sshrl.u32 s26, $0x3;
	s25 =	simm.s32 $0xEC40;
	s26 =	simm.s32 $0x6  }
0xd: {  	s7 =	sshrl.u32 s5, $0x3;
	s5 =	sadd.s32 $0x20200, s0;
	s6 =	sshrl.u32 s6, $0x3  }
0xe: {  	s2 =	sadd.s32 s2, s0;
	s11 =	smax.u32 s1, $0x1;
	s7 =	sadd.s32 s7, s0  }
0xf: {  	s1 =	simm.s32 $0x5;
	s0 =	sadd.s32 s6, s0;
	s6 =	sadd.s32 $0xC800, s7  }
0x10: {  	s7 =	sshll.u32 s8, $0x6;
	s8 =	sadd.s32 $0x2A00, s2;
	s10 =	sadd.s32 $0x47400, s0  }
0x11: {  	s0 =	simm.s32 $0xA;
	s2 =	simm.s32 $0xB;
	s9 =	sor.u32 $0x1C03, s7  }
.LBB2_1:
0x12: {  	[tilespmem:s4], [sflag:$0x1] =	stream.linear.gather [hbm4b:s6+s4], $0x4E20, $0x38;
	[tilespmem:$0x1A040] =	vst v63  }
0x13: {  	s20 =	simm.s32 $0x4E20;
	s24 =	rddreg [dreg:$0x1]  }
0x14: {  	[tilespmem:s20], [sflag:$0x2] =	stream.linear.gather [hbm4b:s8+s4], $0x4E20, $0x38;
	[tilespmem:$0x1A040] =	vst v63  }
0x15: {  	[spmem:s13], [sflag:s9] =	dma.local [hbm:s24], $0x1400  }
0x16: {  	_ =	swait.ge [sflag:s14], $0x4E20  }
0x17: {  	[sflag:s14] =	ssyncset.done $0x0  }
0x18: {  	[sflag:s14] =	ssyncadd.s32 $0xFFFFB1E0  }
0x19: {  	_ =	swait.ge [sflag:s15], $0x4E20  }
0x1a: {  	[sflag:s15] =	ssyncset.done $0x0  }
0x1b: {  	[sflag:s15] =	ssyncadd.s32 $0xFFFFB1E0  }
0x1c: {  	_ =	swait.ge [sflag:s16], $0x1400  }
0x1d: {  	[sflag:s16] =	ssyncset.done $0x0  }
0x1e: {  	[sflag:s16] =	ssyncadd.s32 $0xFFFFEC00  }
0x1f: {  	[bflag:$0x0] =	sbarrier.arrive $0xFFFF  }
0x20: {  	[tilespmem:s18], [sflag:$0x1] =	stream.indirect.gather [hbm4b:s5+s17], $0x40, s4, s17, $0xb8;
	[tilespmem:$0x1A040] =	vst v63  }
0x21: {  	_ = 	snop  }
0x22: {  	[tilespmem:s19], [sflag:$0x2] =	stream.indirect.gather [hbm4b:s5+s17], $0x40, s17, s17, $0xb8;
	[tilespmem:$0x1A040] =	vst v63  }
0x23: {  	s22 =	simm.s32 $0xA0  }
0x24: {  	[tilespmem:s21], [sflag:$0x3] =	stream.indirect.gather [hbm4b:s5+s17], $0x40, s22, s17, $0xb8;
	[tilespmem:$0x1A040] =	vst v63  }
0x25: {  	s24 =	simm.s32 $0xF0  }
0x26: {  	[tilespmem:s23], [sflag:$0x4] =	stream.indirect.gather [hbm4b:s5+s17], $0x40, s24, s17, $0xb8;
	[tilespmem:$0x1A040] =	vst v63  }
0x27: {  	s22 =	simm.s32 $0x140  }
0x28: {  	[tilespmem:s25], [sflag:$0x5] =	stream.indirect.gather [hbm4b:s5+s17], $0x40, s22, s17, $0xb8;
	[tilespmem:$0x1A040] =	vst v63  }
0x29: {  	_ =	swait.ge [sflag:s14], $0x1400  }
0x2a: {  	[sflag:s14] =	ssyncset.done $0x0  }
0x2b: {  	s24 =	simm.s32 $0x4E20;
	[sflag:s14] =	ssyncadd.s32 $0xFFFFEC00  }
0x2c: {  	[spmem:s3] =	stream.indirect.scatter.add.f32 [tilespmem:s18], [sflag:$0x6], $0x40, s24, s17, $0xb8;
	[tilespmem:$0x1A040] =	vst v63  }
0x2d: {  	_ =	swait.ge [sflag:s26], $0x1400  }
0x2e: {  	[sflag:s26] =	ssyncset.done $0x0  }
0x2f: {  	s22 =	simm.s32 $0x190;
	[sflag:s26] =	ssyncadd.s32 $0xFFFFEC00  }
0x30: {  	[tilespmem:s18], [sflag:$0x1] =	stream.indirect.gather [hbm4b:s5+s17], $0x40, s22, s17, $0xb8;
	[tilespmem:$0x1A040] =	vst v63  }
0x31: {  	_ =	swait.ge [sflag:s15], $0x1400  }
0x32: {  	[sflag:s15] =	ssyncset.done $0x0  }
0x33: {  	s24 =	simm.s32 $0x4E70;
	[sflag:s15] =	ssyncadd.s32 $0xFFFFEC00  }
0x34: {  	[spmem:s3] =	stream.indirect.scatter.add.f32 [tilespmem:s19], [sflag:$0x7], $0x40, s24, s17, $0xb8;
	[tilespmem:$0x1A040] =	vst v63  }
0x35: {  	_ =	swait.ge [sflag:s28], $0x1400  }
0x36: {  	[sflag:s28] =	ssyncset.done $0x0  }
0x37: {  	s22 =	simm.s32 $0x1E0;
	[sflag:s28] =	ssyncadd.s32 $0xFFFFEC00  }
0x38: {  	[tilespmem:s19], [sflag:$0x2] =	stream.indirect.gather [hbm4b:s5+s17], $0x40, s22, s17, $0xb8;
	[tilespmem:$0x1A040] =	vst v63  }
0x39: {  	_ =	swait.ge [sflag:s16], $0x1400  }
0x3a: {  	[sflag:s16] =	ssyncset.done $0x0  }
0x3b: {  	s24 =	simm.s32 $0x4EC0;
	[sflag:s16] =	ssyncadd.s32 $0xFFFFEC00  }
0x3c: {  	[spmem:s3] =	stream.indirect.scatter.add.f32 [tilespmem:s21], [sflag:$0x8], $0x40, s24, s17, $0xb8;
	[tilespmem:$0x1A040] =	vst v63  }
0x3d: {  	_ =	swait.ge [sflag:s29], $0x1400  }
0x3e: {  	[sflag:s29] =	ssyncset.done $0x0  }
0x3f: {  	s22 =	simm.s32 $0x230;
	[sflag:s29] =	ssyncadd.s32 $0xFFFFEC00  }
0x40: {  	[tilespmem:s21], [sflag:$0x3] =	stream.indirect.gather [hbm4b:s5+s17], $0x40, s22, s17, $0xb8;
	[tilespmem:$0x1A040] =	vst v63  }
0x41: {  	_ =	swait.ge [sflag:s30], $0x1400  }
0x42: {  	[sflag:s30] =	ssyncset.done $0x0  }
0x43: {  	s24 =	simm.s32 $0x4F10;
	[sflag:s30] =	ssyncadd.s32 $0xFFFFEC00  }
0x44: {  	[spmem:s3] =	stream.indirect.scatter.add.f32 [tilespmem:s23], [sflag:$0x9], $0x40, s24, s17, $0xb8;
	[tilespmem:$0x1A040] =	vst v63  }
0x45: {  	_ =	swait.ge [sflag:s31], $0x1400  }
0x46: {  	[sflag:s31] =	ssyncset.done $0x0  }
0x47: {  	s22 =	simm.s32 $0x280;
	[sflag:s31] =	ssyncadd.s32 $0xFFFFEC00  }
0x48: {  	[tilespmem:s23], [sflag:$0x4] =	stream.indirect.gather [hbm4b:s5+s17], $0x40, s22, s17, $0xb8;
	[tilespmem:$0x1A040] =	vst v63  }
0x49: {  	_ =	swait.ge [sflag:s1], $0x1400  }
0x4a: {  	[sflag:s1] =	ssyncset.done $0x0  }
0x4b: {  	s24 =	simm.s32 $0x4F60;
	[sflag:s1] =	ssyncadd.s32 $0xFFFFEC00  }
0x4c: {  	[spmem:s3] =	stream.indirect.scatter.add.f32 [tilespmem:s25], [sflag:$0xA], $0x40, s24, s17, $0xb8;
	[tilespmem:$0x1A040] =	vst v63  }
0x4d: {  	_ =	swait.ge [sflag:s0], $0x1400  }
0x4e: {  	[sflag:s0] =	ssyncset.done $0x0  }
0x4f: {  	s20 =	simm.s32 $0x640;
	s22 =	simm.s32 $0x2D0;
	[sflag:s0] =	ssyncadd.s32 $0xFFFFEC00  }
.LBB2_2:
0x50: {  	[tilespmem:s25], [sflag:$0x5] =	stream.indirect.gather [hbm4b:s5+s17], $0x40, s22, s17, $0xb8;
	[tilespmem:$0x1A040] =	vst v63  }
0x51: {  	s22 =	smov.u32 s20  }
0x52: {  	p0 =	sne.s32 s20, $0x12C00;
	s20 =	sadd.s32 $0x640, s20;
	_ =	swait.ge [sflag:s14], $0x1400  }
0x53: {  	s22 =	sshra.s32 s22, $0x2;
	[sflag:s14] =	ssyncset.done $0x0  }
0x54: {  	s24 =	sadd.s32 $0x4E20, s22;
	[sflag:s14] =	ssyncadd.s32 $0xFFFFEC00  }
0x55: {  	[spmem:s3] =	stream.indirect.scatter.add.f32 [tilespmem:s18], [sflag:$0x6], $0x40, s24, s17, $0xb8;
	[tilespmem:$0x1A040] =	vst v63  }
0x56: {  	_ =	swait.ge [sflag:s26], $0x1400  }
0x57: {  	[sflag:s26] =	ssyncset.done $0x0  }
0x58: {  	s24 =	sadd.s32 $0x190, s22;
	[sflag:s26] =	ssyncadd.s32 $0xFFFFEC00  }
0x59: {  	[tilespmem:s18], [sflag:$0x1] =	stream.indirect.gather [hbm4b:s5+s17], $0x40, s24, s17, $0xb8;
	[tilespmem:$0x1A040] =	vst v63  }
0x5a: {  	_ =	swait.ge [sflag:s15], $0x1400  }
0x5b: {  	[sflag:s15] =	ssyncset.done $0x0  }
0x5c: {  	s24 =	sadd.s32 $0x4E70, s22;
	[sflag:s15] =	ssyncadd.s32 $0xFFFFEC00  }
0x5d: {  	[spmem:s3] =	stream.indirect.scatter.add.f32 [tilespmem:s19], [sflag:$0x7], $0x40, s24, s17, $0xb8;
	[tilespmem:$0x1A040] =	vst v63  }
0x5e: {  	_ =	swait.ge [sflag:s28], $0x1400  }
0x5f: {  	[sflag:s28] =	ssyncset.done $0x0  }
0x60: {  	s24 =	sadd.s32 $0x1E0, s22;
	[sflag:s28] =	ssyncadd.s32 $0xFFFFEC00  }
0x61: {  	[tilespmem:s19], [sflag:$0x2] =	stream.indirect.gather [hbm4b:s5+s17], $0x40, s24, s17, $0xb8;
	[tilespmem:$0x1A040] =	vst v63  }
0x62: {  	_ =	swait.ge [sflag:s16], $0x1400  }
0x63: {  	[sflag:s16] =	ssyncset.done $0x0  }
0x64: {  	s24 =	sadd.s32 $0x4EC0, s22;
	[sflag:s16] =	ssyncadd.s32 $0xFFFFEC00  }
0x65: {  	[spmem:s3] =	stream.indirect.scatter.add.f32 [tilespmem:s21], [sflag:$0x8], $0x40, s24, s17, $0xb8;
	[tilespmem:$0x1A040] =	vst v63  }
0x66: {  	_ =	swait.ge [sflag:s29], $0x1400  }
0x67: {  	[sflag:s29] =	ssyncset.done $0x0  }
0x68: {  	s24 =	sadd.s32 $0x230, s22;
	[sflag:s29] =	ssyncadd.s32 $0xFFFFEC00  }
0x69: {  	[tilespmem:s21], [sflag:$0x3] =	stream.indirect.gather [hbm4b:s5+s17], $0x40, s24, s17, $0xb8;
	[tilespmem:$0x1A040] =	vst v63  }
0x6a: {  	_ =	swait.ge [sflag:s30], $0x1400  }
0x6b: {  	[sflag:s30] =	ssyncset.done $0x0  }
0x6c: {  	s24 =	sadd.s32 $0x4F10, s22;
	[sflag:s30] =	ssyncadd.s32 $0xFFFFEC00  }
0x6d: {  	[spmem:s3] =	stream.indirect.scatter.add.f32 [tilespmem:s23], [sflag:$0x9], $0x40, s24, s17, $0xb8;
	[tilespmem:$0x1A040] =	vst v63  }
0x6e: {  	_ =	swait.ge [sflag:s31], $0x1400  }
0x6f: {  	[sflag:s31] =	ssyncset.done $0x0  }
0x70: {  	s24 =	sadd.s32 $0x280, s22;
	[sflag:s31] =	ssyncadd.s32 $0xFFFFEC00  }
0x71: {  	[tilespmem:s23], [sflag:$0x4] =	stream.indirect.gather [hbm4b:s5+s17], $0x40, s24, s17, $0xb8;
	[tilespmem:$0x1A040] =	vst v63  }
0x72: {  	_ =	swait.ge [sflag:s1], $0x1400  }
0x73: {  	[sflag:s1] =	ssyncset.done $0x0  }
.Ltmp0:
0x74: {  	s24 =	sadd.s32 $0x4F60, s22;
	[sflag:s1] =	ssyncadd.s32 $0xFFFFEC00;
	(pc) =	sbr.rel @p0 .LBB2_2-.Ltmp0, $4  }
0x75: {  	[spmem:s3] =	stream.indirect.scatter.add.f32 [tilespmem:s25], [sflag:$0xA], $0x40, s24, s17, $0xb8;
	[tilespmem:$0x1A040] =	vst v63  }
0x76: {  	_ =	swait.ge [sflag:s0], $0x1400  }
0x77: {  	[sflag:s0] =	ssyncset.done $0x0  }
0x78: {  	s22 =	sadd.s32 $0x2D0, s22;
	[sflag:s0] =	ssyncadd.s32 $0xFFFFEC00  }
0x79: {  	[tilespmem:s25], [sflag:$0x5] =	stream.indirect.gather [hbm4b:s5+s17], $0x40, s22, s17, $0xb8;
	[tilespmem:$0x1A040] =	vst v63  }
0x7a: {  	_ =	swait.ge [sflag:s14], $0x1400  }
0x7b: {  	[sflag:s14] =	ssyncset.done $0x0  }
0x7c: {  	s20 =	simm.s32 $0x9AB0;
	[sflag:s14] =	ssyncadd.s32 $0xFFFFEC00  }
0x7d: {  	[spmem:s3] =	stream.indirect.scatter.add.f32 [tilespmem:s18], [sflag:$0x6], $0x40, s20, s17, $0xb8;
	[tilespmem:$0x1A040] =	vst v63  }
0x7e: {  	_ =	swait.ge [sflag:s15], $0x1400  }
0x7f: {  	[sflag:s15] =	ssyncset.done $0x0  }
0x80: {  	s24 =	simm.s32 $0x9B00;
	[sflag:s15] =	ssyncadd.s32 $0xFFFFEC00  }
0x81: {  	[spmem:s3] =	stream.indirect.scatter.add.f32 [tilespmem:s19], [sflag:$0x7], $0x40, s24, s17, $0xb8;
	[tilespmem:$0x1A040] =	vst v63  }
0x82: {  	_ =	swait.ge [sflag:s16], $0x1400  }
0x83: {  	[sflag:s16] =	ssyncset.done $0x0  }
0x84: {  	s22 =	simm.s32 $0x9B50;
	[sflag:s16] =	ssyncadd.s32 $0xFFFFEC00  }
0x85: {  	[spmem:s3] =	stream.indirect.scatter.add.f32 [tilespmem:s21], [sflag:$0x8], $0x40, s22, s17, $0xb8;
	[tilespmem:$0x1A040] =	vst v63  }
0x86: {  	_ =	swait.ge [sflag:s30], $0x1400  }
0x87: {  	[sflag:s30] =	ssyncset.done $0x0  }
0x88: {  	s24 =	simm.s32 $0x9BA0;
	[sflag:s30] =	ssyncadd.s32 $0xFFFFEC00  }
0x89: {  	[spmem:s3] =	stream.indirect.scatter.add.f32 [tilespmem:s23], [sflag:$0x9], $0x40, s24, s17, $0xb8;
	[tilespmem:$0x1A040] =	vst v63  }
0x8a: {  	_ =	swait.ge [sflag:s1], $0x1400  }
0x8b: {  	[sflag:s1] =	ssyncset.done $0x0  }
0x8c: {  	s22 =	simm.s32 $0x9BF0;
	[sflag:s1] =	ssyncadd.s32 $0xFFFFEC00  }
0x8d: {  	[spmem:s3] =	stream.indirect.scatter.add.f32 [tilespmem:s25], [sflag:$0xA], $0x40, s22, s17, $0xb8;
	[tilespmem:$0x1A040] =	vst v63  }
0x8e: {  	_ =	swait.ge [sflag:s26], $0x1400  }
0x8f: {  	[sflag:s26] =	ssyncset.done $0x0  }
0x90: {  	[sflag:s26] =	ssyncadd.s32 $0xFFFFEC00  }
0x91: {  	_ =	swait.ge [sflag:s28], $0x1400  }
0x92: {  	[sflag:s28] =	ssyncset.done $0x0  }
0x93: {  	[sflag:s28] =	ssyncadd.s32 $0xFFFFEC00  }
0x94: {  	_ =	swait.ge [sflag:s29], $0x1400  }
0x95: {  	[sflag:s29] =	ssyncset.done $0x0  }
0x96: {  	[sflag:s29] =	ssyncadd.s32 $0xFFFFEC00  }
0x97: {  	_ =	swait.ge [sflag:s31], $0x1400  }
0x98: {  	[sflag:s31] =	ssyncset.done $0x0  }
0x99: {  	[sflag:s31] =	ssyncadd.s32 $0xFFFFEC00  }
0x9a: {  	_ =	swait.ge [sflag:s0], $0x1400  }
0x9b: {  	s12 =	sadd.s32 $0x1, s12;
	[sflag:s0] =	ssyncset.done $0x0  }
0x9c: {  	p0 =	sne.s32 s12, s11;
	[sflag:s0] =	ssyncadd.s32 $0xFFFFEC00  }
.Ltmp1:
0x9d: {  	s24 =	sor.u32 $0x1C0B, s7;
	[bflag:$0x0] =	sbarrier.arrive $0xFFFF;
	(pc) =	sbr.rel @p0 .LBB2_1-.Ltmp1, $4  }
0x9e: {  	[hbm:s10], [sflag:s24] =	dma.local [spmem:s13], $0x1400  }
0x9f: {  	_ =	swait.ge [sflag:s2], $0x1400  }
0xa0: {  	[sflag:s2] =	ssyncset.done $0x0  }
0xa1: {  	[sflag:s2] =	ssyncadd.s32 $0xFFFFEC00  }
0xa2: {  	_ =	sfence.sel $0x180000  }
0xa3: {  	[bflag:$0x0] =	sbarrier.arrive $0xFFFF  }
0xa4: {  	_ =	strace $0x9000004D  }
0xa5: {  	s0 =	stileid.u32;
	[bflag:$0x2] =	sbarrier.arrive $0xFFFF  }
0xa6: {  	p0 =	sne.s32 s0, $0x0;
	s0 =	rddreg [dreg:$0x3]  }
0xa7: {  	s0 =	sadd.s32 @!p0 $0x100000, s0  }
0xa8: {  	[sflag:s0] =	ssyncadd.tile.s32 @!p0 $0x1;
	_ =	shalt  }
.Lfunc_end2:
_tile_overlayer_lowered:
.L_overlay_start_2:
0xa9: {  	(tag) =	ssettag $0x2  }
0xaa: {  	s0 =	rddreg [dreg:$0x0];
	s2 =	stileid.u32  }
0xab: {  	s1 =	rddreg [dreg:$0x1];
	p0 =	sne.s32 s2, $0x0  }
0xac: {  	s3 =	rddreg [dreg:$0x2];
	[bflag:$0x3] =	sbarrier.arrive $0xFFFF;
	s2 =	simm.s32 @!p0 $0x1C0B  }
0xad: {  	[timem:s3], [sflag:s2] =	dma.local @!p0 [hbm:s0], s1  }
0xae: {  	s0 =	simm.s32 @!p0 $0xB  }
0xaf: {  	_ =	swait.ge @!p0 [sflag:s0], s1  }
0xb0: {  	s1 =	ssub.s32 @!p0 $0x0, s1;
	[sflag:s0] =	ssyncset.done @!p0 $0x0  }
0xb1: {  	[sflag:s0] =	ssyncadd.s32 @!p0 s1  }
0xb2: {  	[bflag:$0x3] =	sbarrier.arrive $0xFFFF  }
0xb3: {  	_ =	shalt  }

// kernel: kernel.8.cloned.1.call-start
scs
__scs_entry_jumppad:
0x0: {  	(pc) =	sbr.rel $0x88, $3  }
0x1: {  	(tag) =	ssettag $0x0;
	lr =	simm.s32 $0x1  }
0x2: {  	[smem:$0x3F97] =	sst lr;
	_ =	strace $0xD0000000  }
0x3: {  	_ = 	snop  }
0x4: {  	_ = 	snop  }
0x5: {  	_ = 	snop  }
0x6: {  	_ = 	snop  }
0x7: {  	_ = 	snop  }
__scs_overlays_trampoline_lowered:
0x8: {  	[smem:$0x3FA6] =	sst s0  }
0x9: {  	[smem:$0x3FA7] =	sst s1  }
0xa: {  	[smem:$0x3FA8] =	sst s2  }
0xb: {  	[smem:$0x3FA9] =	sst s3  }
0xc: {  	[smem:$0x3FAA] =	sst s4  }
0xd: {  	[smem:$0x3FAB] =	sst s5  }
0xe: {  	[smem:$0x3FAC] =	sst s6  }
0xf: {  	[smem:$0x3FAD] =	sst s7  }
0x10: {  	[smem:$0x3FAE] =	sst s8  }
0x11: {  	[smem:$0x3FAF] =	sst s9;
	s0 =	simm.s32 @!p0 $0x0  }
0x12: {  	s1 =	sld [smem:$0x3F95];
	s0 =	simm.s32 @p0 $0x1  }
0x13: {  	[smem:$0x3FB0] =	sst s0;
	s0 =	simm.s32 @!p1 $0x0  }
0x14: {  	s2 =	sld [smem:$0x3F94];
	s0 =	simm.s32 @p1 $0x1  }
0x15: {  	[smem:$0x3FB1] =	sst s0;
	s0 =	simm.s32 @!p2 $0x0  }
0x16: {  	s3 =	sld [smem:$0x3FDB];
	s0 =	simm.s32 @p2 $0x1  }
0x17: {  	s4 =	simm.s32 $0x1BF5;
	[smem:$0x3FB3] =	sst s0  }
0x18: {  	s0 =	sld [smem:$0x3F96];
	_ =	swait.ge [sflag:s4], $0x0  }
0x19: {  	s7 =	sld [smem:$0x3F97]  }
0x1a: {  	s8 =	sadd.s32 $0xFFFFE003, lr  }
0x1b: {  	s9 =	sadd.s32 $0xFFFFFEF7, lr;
	s5 =	simm.s32 $0xFFFFFFFF;
	p2 =	slt.u32 s8, $0xFFFFF086  }
0x1c: {  	p1 =	slt.u32 s9, $0xF7A;
	s5 =	simm.s32 @!p2 $0x0  }
0x1d: {  	s5 =	simm.s32 @p1 $0x1;
	p0 =	seq.s32 s7, s2  }
0x1e: {  	s7 =	smul.u32 @!p0 $0xF7A, s2;
	p2 =	seq.s32 @!p0 s5, $0x0  }
0x1f: {  	s9 =	smul.u32 $0xF7A, s1;
	s8 =	simm.s32 @!p0 $0x1BF5;
	p2 =	por !p2, p0  }
0x20: {  	[sflag:s8] =	ssyncset.s32 @!p0 $0xFFFFF086;
	s6 =	sadd.s32 @!p0 s3, s7;
	s7 =	simm.s32 @!p0 $0x108  }
0x21: {  	s3 =	sadd.s32 s3, s9;
	s6 =	sadd.s32 @!p0 $0x88, s6;
	s7 =	simm.s32 @p2 $0x1082  }
0x22: {  	[simem:s7], [sflag:s8] =	dma.local @!p0 [hbm:s6], $0xF7A  }
0x23: {  	s9 =	sor.u32 $0xD0000000, s2;
	s6 =	simm.s32 $0x108;
	_ =	swait.ge @!p0 [sflag:s8], $0x0  }
0x24: {  	s3 =	sadd.s32 $0x88, s3;
	s6 =	simm.s32 @!p1 $0x1082;
	[sflag:s4] =	ssyncset.s32 $0xFFFFF086  }
0x25: {  	[simem:s6], [sflag:s4] =	dma.local [hbm:s3], $0xF7A  }
0x26: {  	[smem:$0x3F97] =	sst s1;
	(tag) =	ssettag s2;
	_ =	strace s9  }
0x27: {  	s1 =	sld [smem:$0x3FA7]  }
0x28: {  	s2 =	sld [smem:$0x3FA8]  }
0x29: {  	s4 =	sld [smem:$0x3FAA]  }
0x2a: {  	p0 =	seq.s32 s5, $0x0;
	s5 =	sld [smem:$0x3FAB]  }
0x2b: {  	s6 =	sld [smem:$0x3FAC]  }
0x2c: {  	s7 =	sld [smem:$0x3FAD]  }
0x2d: {  	s3 =	simm.s32 $0x108;
	s8 =	sld [smem:$0x3FAE]  }
0x2e: {  	s3 =	simm.s32 @!p0 $0x1082;
	s9 =	sld [smem:$0x3FAF]  }
0x2f: {  	lr =	sadd.s32 s0, s3;
	s0 =	sld [smem:$0x3FA6]  }
0x30: {  	s3 =	sld [smem:$0x3FA9]  }
0x31: {  	[smem:$0x3FB2] =	sst s10  }
0x32: {  	s10 =	sld [smem:$0x3FB0];
	_ =	sdelay $0x3  }
0x33: {  	p0 =	seq.s32 s10, $0x1;
	s10 =	sld [smem:$0x3FB2];
	_ =	sdelay $0x3  }
0x34: {  	[smem:$0x3FB2] =	sst s10  }
0x35: {  	s10 =	sld [smem:$0x3FB1];
	_ =	sdelay $0x3  }
0x36: {  	p1 =	seq.s32 s10, $0x1;
	s10 =	sld [smem:$0x3FB2];
	_ =	sdelay $0x3  }
0x37: {  	[smem:$0x3FB2] =	sst s10  }
0x38: {  	s10 =	sld [smem:$0x3FB3]  }
0x39: {  	_ = 	snop;
	(pc) =	sbr.ind lr, $3  }
0x3a: {  	_ = 	snop  }
0x3b: {  	_ = 	snop  }
0x3c: {  	p2 =	seq.s32 s10, $0x1;
	s10 =	sld [smem:$0x3FB2]  }
0x3d: {  	_ =	shalt  }
0x3e: {  	_ =	shalt  }
0x3f: {  	_ =	shalt  }
0x40: {  	_ =	shalt  }
0x41: {  	_ =	shalt  }
0x42: {  	_ =	shalt  }
0x43: {  	_ =	shalt  }
0x44: {  	_ =	shalt  }
0x45: {  	_ =	shalt  }
0x46: {  	_ =	shalt  }
0x47: {  	_ =	shalt  }
0x48: {  	_ =	shalt  }
0x49: {  	_ =	shalt  }
0x4a: {  	_ =	shalt  }
0x4b: {  	_ =	shalt  }
0x4c: {  	_ =	shalt  }
0x4d: {  	_ =	shalt  }
0x4e: {  	_ =	shalt  }
0x4f: {  	_ =	shalt  }
0x50: {  	_ =	shalt  }
0x51: {  	_ =	shalt  }
0x52: {  	_ =	shalt  }
0x53: {  	_ =	shalt  }
0x54: {  	_ =	shalt  }
0x55: {  	_ =	shalt  }
0x56: {  	_ =	shalt  }
0x57: {  	_ =	shalt  }
0x58: {  	_ =	shalt  }
0x59: {  	_ =	shalt  }
0x5a: {  	_ =	shalt  }
0x5b: {  	_ =	shalt  }
0x5c: {  	_ =	shalt  }
0x5d: {  	_ =	shalt  }
0x5e: {  	_ =	shalt  }
0x5f: {  	_ =	shalt  }
0x60: {  	_ =	shalt  }
0x61: {  	_ =	shalt  }
0x62: {  	_ =	shalt  }
0x63: {  	_ =	shalt  }
0x64: {  	_ =	shalt  }
0x65: {  	_ =	shalt  }
0x66: {  	_ =	shalt  }
0x67: {  	_ =	shalt  }
0x68: {  	_ =	shalt  }
0x69: {  	_ =	shalt  }
0x6a: {  	_ =	shalt  }
0x6b: {  	_ =	shalt  }
0x6c: {  	_ =	shalt  }
0x6d: {  	_ =	shalt  }
0x6e: {  	_ =	shalt  }
0x6f: {  	_ =	shalt  }
0x70: {  	_ =	shalt  }
0x71: {  	_ =	shalt  }
0x72: {  	_ =	shalt  }
0x73: {  	_ =	shalt  }
0x74: {  	_ =	shalt  }
0x75: {  	_ =	shalt  }
0x76: {  	_ =	shalt  }
0x77: {  	_ =	shalt  }
0x78: {  	_ =	shalt  }
0x79: {  	_ =	shalt  }
0x7a: {  	_ =	shalt  }
0x7b: {  	_ =	shalt  }
0x7c: {  	_ =	shalt  }
0x7d: {  	_ =	shalt  }
0x7e: {  	_ =	shalt  }
0x7f: {  	_ =	shalt  }
0x80: {  	_ =	shalt  }
0x81: {  	_ =	shalt  }
0x82: {  	_ =	shalt  }
0x83: {  	_ =	shalt  }
0x84: {  	_ =	shalt  }
0x85: {  	_ =	shalt  }
0x86: {  	_ =	shalt  }
0x87: {  	_ =	shalt  }
.Lfunc_end0:
.L_simem_size_0:
called_computation_lowered:
.L_overlay_start_0:
0x88: {  	s2 =	sld [smem:$0x3FD9]  }
0x89: {  	s3 =	sld [smem:$0x3FFE];
	_ =	sdelay $0x1  }
0x8a: {  	s1 =	srdreg.scid  }
0x8b: {  	s0 =	sand.u32 $0x1, s1  }
0x8c: {  	s17 =	sshll.u32 s0, $0xA;
	s2 =	sadd.s32 s3, s2  }
0x8d: {  	s2 =	sadd.s32 s2, s17  }
0x8e: {  	[smem:$0x3FBE] =	sst s2  }
0x8f: {  	_ = 	snop  }
0x90: {  	s2 =	sld [smem:$0x3FD0];
	(tm) =	ssettm $0x1  }
0x91: {  	s18 =	sld [smem:$0x3FFB];
	_ =	sdelay $0x3  }
0x92: {  	_ =	strace s18  }
0x93: {  	s3 =	sld [smem:$0x3FFC];
	_ =	sdelay $0x3  }
0x94: {  	_ =	strace s3  }
0x95: {  	s3 =	sld [smem:$0x3FFD];
	_ =	sdelay $0x3  }
0x96: {  	_ =	strace s3  }
0x97: {  	_ =	strace $0x8FFFFFFF  }
0x98: {  	s19 =	sld [smem:$0x3FDB];
	_ =	sdelay $0x1  }
0x99: {  	s4 =	simm.s32 $_scs_section_size  }
0x9a: {  	s5 =	simm.s32 $_size__tile_overlayer_lowered;
	s6 =	simm.s32 $_tile_overlayer_lowered  }
0x9b: {  	s22 =	simm.s32 $0x1BFF;
	s21 =	sshll.u32 s6, $0x1;
	s3 =	sadd.s32 s4, s19  }
0x9c: {  	s7 =	simm.s32 $0x0;
	s20 =	sshll.u32 s5, $0x1;
	s5 =	sadd.s32 s21, s3  }
0x9d: {  	[timem:s7], [sflag:s22] =	dma.local [hbm:s5], s20  }
0x9e: {  	_ =	swait.ge [sflag:s22], s20  }
0x9f: {  	s4 =	ssub.s32 $0x0, s20;
	[sflag:s22] =	ssyncset.done $0x0  }
0xa0: {  	[sflag:s22] =	ssyncadd.s32 s4;
	_ =	sdelay $0x1  }
0xa1: {  	s23 =	simm.s32 $0x1B8B  }
0xa2: {  	_ =	swait.ge [sflag:s23], $0x1  }
0xa3: {  	[sflag:s23] =	ssyncset.done $0x0  }
0xa4: {  	s25 =	simm.s32 $0x1B8E;
	s24 =	sld [smem:$0x3FFE];
	[sflag:s23] =	ssyncadd.s32 $0xFFFFFFFF  }
0xa5: {  	s26 =	simm.s32 $execute0_lowered;
	[smem:$0x3FD2] =	sst s25  }
0xa6: {  	s5 =	sshll.u32 s26, $0x1;
	_ =	strace $0x80000046;
	[dreg:$0x1] =	wrdreg $0xFFFFFFFF  }
0xa7: {  	s28 =	simm.s32 $_size_execute0_lowered;
	s3 =	sadd.s32 s3, s5;
	[dreg:$0x0] =	wrdreg $0x0  }
0xa8: {  	s5 =	sshll.u32 s28, $0x1;
	[dreg:$0x2] =	wrdreg s3  }
0xa9: {  	[dreg:$0x3] =	wrdreg s5  }
0xaa: {  	[dreg:$0x4] =	wrdreg $0xC0  }
0xab: {  	_ =	task [dreg:s7], $0x5FFFF  }
0xac: {  	[dreg:$0x1] =	wrdreg $0xFFFFFFFF  }
0xad: {  	[dreg:$0x0] =	wrdreg $0x60  }
0xae: {  	[dreg:$0x2] =	wrdreg s24  }
0xaf: {  	[dreg:$0x3] =	wrdreg s2  }
0xb0: {  	[dreg:$0x4] =	wrdreg $0x56900  }
0xb1: {  	[dreg:$0x5] =	wrdreg $0x9  }
0xb2: {  	_ =	task.clear_ibuf [dreg:s7], $0x6FFFF;
	_ =	strace $0x90000046  }
0xb3: {  	s29 =	simm.s32 $0x9;
	_ =	strace $0x80000048  }
0xb4: {  	_ =	swait.ge [sflag:s29], $0x1  }
0xb5: {  	[sflag:s29] =	ssyncadd.s32 $0xFFFFFFFF  }
0xb6: {  	_ =	strace $0x90000048  }
0xb7: {  	_ =	sfence  }
0xb8: {  	s30 =	sld [smem:$0x0];
	_ =	sdelay $0x2  }
0xb9: {  	s31 =	sshll.u32 s1, $0xD;
	s1 =	sshrl.u32 s1, $0x2  }
0xba: {  	s3 =	sand.u32 $0x4000, s31;
	s1 =	sadd.s32 s1, s30  }
0xbb: {  	s0 =	sor.u32 s3, s0;
	s1 =	sshll.u32 s1, $0x11  }
0xbc: {  	s0 =	sor.u32 s1, s0  }
0xbd: {  	s0 =	sadd.s32 $0x8F2B, s0  }
0xbe: {  	[sflag:s0] =	ssyncadd.remote.s32 $0x1  }
0xbf: {  	_ =	sfence.sel $0xFFFF  }
0xc0: {  	[dreg:$0x0] =	wrdreg $0xFFFFFFFF;
	(pc) =	sbr.abs _section_cstart, $3  }
0xc1: {  	[dreg:$0x1] =	wrdreg $0xFFFFFFFF  }
0xc2: {  	_ =	task.clear_ibuf [dreg:s7], $0x2FFFF;
	_ =	strace $0x9FFFFFFF  }
0xc3: {  	(tm) =	ssettm $0x7FFFFFFF  }
tec
execute0_lowered:
.L_overlay_start_1:
0x0: {  	(tag) =	ssettag $0x1  }
0x1: {  	s1 =	rddreg [dreg:$0x0]  }
0x2: {  	s0 =	srdreg.scid;
	s21 =	rddreg [dreg:$0x1]  }
0x3: {  	s7 =	stileid.u32;
	s5 =	rddreg [dreg:$0x2]  }
0x4: {  	s23 =	simm.s32 $0x1;
	s24 =	simm.s32 $0x2710;
	s28 =	simm.s32 $0x5410  }
0x5: {  	s29 =	simm.s32 $0x2;
	s30 =	simm.s32 $0x5190;
	s4 =	smul.u32 $0xA000, s7  }
0x6: {  	s31 =	simm.s32 $0x0;
	s0 =	sand.u32 $0x1, s0;
	s17 =	smul.u32 $0x280, s7  }
0x7: {  	s2 =	sshll.u32 s0, $0x4;
	s6 =	ssub.s32 $0x2, s0;
	s0 =	smul.u32 $0x2800, s0  }
0x8: {  	s2 =	sor.u32 s7, s2;
	s25 =	sshrl.u32 s6, $0x1;
	s26 =	sshrl.u32 s4, $0x2  }
0x9: {  	s3 =	smul.u32 $0x4E2, s2;
	s2 =	simm.s32 $0x0;
	s22 =	ssub.s32 s6, s25  }
0xa: {  	s0 =	sadd.s32 s17, s0;
	s25 =	simm.s32 $0x3;
	[smem:$0x7FF] =	sst s2  }
0xb: {  	s0 =	sshrl.u32 s0, $0x3;
	s22 =	smax.u32 s22, $0x1;
	_ =	strace $0x80000047  }
0xc: {  	s1 =	sadd.s32 s3, s1;
	s3 =	sadd.s32 s17, s5;
	s5 =	sadd.s32 s26, s5  }
0xd: {  	s21 =	sadd.s32 s21, s0;
	s26 =	simm.s32 $0x4F10;
	s4 =	sadd.s32 $0x2A00, s1  }
0xe: {  	s6 =	sadd.s32 $0x2800, s3;
	s7 =	sadd.s32 $0x5000, s3;
	s8 =	sadd.s32 $0x7800, s3  }
0xf: {  	s9 =	sadd.s32 $0xA000, s3;
	s10 =	sadd.s32 $0xC800, s3;
	s11 =	sadd.s32 $0xF000, s3  }
0x10: {  	s12 =	sadd.s32 $0x11800, s3;
	s13 =	sadd.s32 $0x14000, s3;
	s14 =	sadd.s32 $0x16800, s3  }
0x11: {  	s15 =	sadd.s32 $0x19000, s3;
	s16 =	sadd.s32 $0x1B800, s3;
	s17 =	sadd.s32 $0x1E000, s3  }
0x12: {  	v0 =	vimm.f32 $0.0e+00;
	v1 =	vimm.f32 $1.000000000e+00;
	s18 =	sadd.s32 $0x20800, s3;
	s19 =	sadd.s32 $0x23000, s3;
	s20 =	sadd.s32 $0x25800, s3  }
.LBB2_1:
0x13: {  	[tilespmem:s2], [sflag:$0x1] =	stream.linear.gather [hbm4b:s4+s2], $0x2710, $0x38;
	[tilespmem:$0x7E90] =	vst v63  }
0x14: {  	s1 =	simm.s32 $0x2750  }
0x15: {  	[tilespmem:s1+$0xFFFFFFC0] =	vst v0  }
0x16: {  	[tilespmem:s1+$0x30] =	vst v0  }
0x17: {  	[tilespmem:s1+$0x20] =	vst v0  }
0x18: {  	[tilespmem:s1+$0x10] =	vst v0  }
0x19: {  	[tilespmem:s1+$0x0] =	vst v0  }
0x1a: {  	[tilespmem:s1+$0xFFFFFFF0] =	vst v0  }
0x1b: {  	s0 =	simm.s32 $0x0;
	[tilespmem:s1+$0xFFFFFFE0] =	vst v0  }
.LBB2_2:
0x1c: {  	s0 =	sadd.s32 $0x8, s0;
	[tilespmem:s1+$0xFFFFFFD0] =	vst v0;
	s1 =	sadd.s32 $0x80, s1  }
0x1d: {  	[tilespmem:s1+$0xFFFFFFC0] =	vst v0;
	p0 =	slt.u32 s0, $0x278  }
0x1e: {  	[tilespmem:s1+$0x30] =	vst v0  }
.Ltmp0:
0x1f: {  	[tilespmem:s1+$0x20] =	vst v0;
	(pc) =	sbr.rel @p0 .LBB2_2-.Ltmp0, $4  }
0x20: {  	[tilespmem:s1+$0x10] =	vst v0  }
0x21: {  	[tilespmem:s1+$0x0] =	vst v0  }
0x22: {  	[tilespmem:s1+$0xFFFFFFF0] =	vst v0  }
0x23: {  	[tilespmem:s1+$0xFFFFFFE0] =	vst v0  }
0x24: {  	[tilespmem:s1+$0xFFFFFFD0] =	vst v0  }
0x25: {  	_ =	swait.ge [sflag:s23], $0x2710  }
0x26: {  	[sflag:s23] =	ssyncset.done $0x0  }
0x27: {  	s0 =	simm.s32 $0xFFFFFFF8;
	s1 =	simm.s32 $0x40;
	[sflag:s23] =	ssyncadd.s32 $0xFFFFD8F0  }
.LBB2_4:
0x28: {  	v2 =	vld [tilespmem:s1+$0xFFFFFFC0];
	_ =	sdelay $0x7  }
0x29: {  	[tilespmem:v2+s24+$0x0] =	vst.idx.add.f32.msk $0xffff, v1  }
0x2a: {  	v2 =	vld [tilespmem:s1+$0xFFFFFFD0];
	_ =	sdelay $0x7  }
0x2b: {  	[tilespmem:v2+s24+$0x0] =	vst.idx.add.f32.msk $0xffff, v1  }
0x2c: {  	v2 =	vld [tilespmem:s1+$0xFFFFFFE0];
	_ =	sdelay $0x7  }
0x2d: {  	[tilespmem:v2+s24+$0x0] =	vst.idx.add.f32.msk $0xffff, v1  }
0x2e: {  	v2 =	vld [tilespmem:s1+$0xFFFFFFF0];
	_ =	sdelay $0x7  }
0x2f: {  	[tilespmem:v2+s24+$0x0] =	vst.idx.add.f32.msk $0xffff, v1  }
0x30: {  	v2 =	vld [tilespmem:s1+$0x0];
	_ =	sdelay $0x7  }
0x31: {  	[tilespmem:v2+s24+$0x0] =	vst.idx.add.f32.msk $0xffff, v1  }
0x32: {  	v2 =	vld [tilespmem:s1+$0x10];
	_ =	sdelay $0x7  }
0x33: {  	[tilespmem:v2+s24+$0x0] =	vst.idx.add.f32.msk $0xffff, v1  }
0x34: {  	v2 =	vld [tilespmem:s1+$0x20];
	_ =	sdelay $0x7  }
0x35: {  	[tilespmem:v2+s24+$0x0] =	vst.idx.add.f32.msk $0xffff, v1  }
0x36: {  	v2 =	vld [tilespmem:s1+$0x30];
	_ =	sdelay $0x1  }
0x37: {  	s0 =	sadd.s32 $0x8, s0  }
0x38: {  	p0 =	slt.u32 s0, $0x268  }
.Ltmp1:
0x39: {  	_ = 	snop;
	(pc) =	sbr.rel @p0 .LBB2_4-.Ltmp1, $2  }
0x3a: {  	_ =	sdelay $0x2  }
0x3b: {  	s1 =	sadd.s32 $0x80, s1;
	[tilespmem:v2+s24+$0x0] =	vst.idx.add.f32.msk $0xffff, v1  }
0x3c: {  	v2 =	vld [tilespmem:$0x2700];
	_ =	sdelay $0x7  }
0x3d: {  	[tilespmem:v2+s24+$0x0] =	vst.idx.add.f32.msk $0xffff, v1  }
0x3e: {  	[spmem:s5] =	stream.linear.scatter [tilespmem:s24], [sflag:$0x3], $0x2800, $0x38;
	[tilespmem:$0x7E90] =	vst v63  }
0x3f: {  	_ =	swait.ge [sflag:s25], $0x2800  }
0x40: {  	[sflag:s25] =	ssyncset.done $0x0  }
0x41: {  	[sflag:s25] =	ssyncadd.s32 $0xFFFFD800  }
0x42: {  	[bflag:$0x0] =	sbarrier.arrive $0xFFFF  }
0x43: {  	[tilespmem:s26], [sflag:$0x3] =	stream.linear.gather [spmem:s3], $0x280, $0x38;
	[tilespmem:$0x7E90] =	vst v63  }
0x44: {  	_ =	swait.ge [sflag:s25], $0x280  }
0x45: {  	[sflag:s25] =	ssyncset.done $0x0  }
0x46: {  	[sflag:s25] =	ssyncadd.s32 $0xFFFFFD80  }
0x47: {  	[tilespmem:s28], [sflag:$0x2] =	stream.linear.gather [spmem:s6], $0x280, $0x38;
	[tilespmem:$0x7E90] =	vst v63  }
0x48: {  	_ =	swait.ge [sflag:s29], $0x280  }
0x49: {  	[sflag:s29] =	ssyncset.done $0x0  }
0x4a: {  	[sflag:s29] =	ssyncadd.s32 $0xFFFFFD80  }
0x4b: {  	[tilespmem:s30], [sflag:$0x1] =	stream.linear.gather [spmem:s7], $0x280, $0x38;
	[tilespmem:$0x7E90] =	vst v63  }
0x4c: {  	v2 =	vld [tilespmem:$0x4F10]  }
0x4d: {  	v3 =	vld [tilespmem:$0x5410]  }
0x4e: {  	v4 =	vld [tilespmem:$0x4F20]  }
0x4f: {  	v5 =	vld [tilespmem:$0x5420]  }
0x50: {  	v6 =	vld [tilespmem:$0x4F30]  }
0x51: {  	v7 =	vld [tilespmem:$0x5430]  }
0x52: {  	v8 =	vld [tilespmem:$0x4F40]  }
0x53: {  	v9 =	vld [tilespmem:$0x5440]  }
0x54: {  	v10 =	vld [tilespmem:$0x4F50]  }
0x55: {  	v11 =	vld [tilespmem:$0x5450]  }
0x56: {  	v12 =	vld [tilespmem:$0x4F60]  }
0x57: {  	v13 =	vld [tilespmem:$0x5460]  }
0x58: {  	v14 =	vld [tilespmem:$0x4F70]  }
0x59: {  	v15 =	vld [tilespmem:$0x5470]  }
0x5a: {  	v16 =	vld [tilespmem:$0x4F80]  }
0x5b: {  	v17 =	vld [tilespmem:$0x5480]  }
0x5c: {  	v18 =	vld [tilespmem:$0x4F90]  }
0x5d: {  	v19 =	vld [tilespmem:$0x5490]  }
0x5e: {  	v20 =	vld [tilespmem:$0x4FA0]  }
0x5f: {  	v21 =	vld [tilespmem:$0x54A0]  }
0x60: {  	v22 =	vld [tilespmem:$0x4FB0]  }
0x61: {  	v23 =	vld [tilespmem:$0x54B0]  }
0x62: {  	v24 =	vld [tilespmem:$0x4FC0]  }
0x63: {  	v25 =	vld [tilespmem:$0x54C0]  }
0x64: {  	v26 =	vld [tilespmem:$0x4FD0]  }
0x65: {  	v27 =	vld [tilespmem:$0x54D0]  }
0x66: {  	v28 =	vld [tilespmem:$0x4FE0]  }
0x67: {  	v29 =	vld [tilespmem:$0x54E0]  }
0x68: {  	v30 =	vld [tilespmem:$0x4FF0]  }
0x69: {  	v31 =	vld [tilespmem:$0x54F0]  }
0x6a: {  	v32 =	vld [tilespmem:$0x5000]  }
0x6b: {  	v33 =	vld [tilespmem:$0x5500]  }
0x6c: {  	v34 =	vld [tilespmem:$0x5010]  }
0x6d: {  	v35 =	vld [tilespmem:$0x5510]  }
0x6e: {  	v36 =	vld [tilespmem:$0x5020]  }
0x6f: {  	v37 =	vld [tilespmem:$0x5520]  }
0x70: {  	v38 =	vld [tilespmem:$0x5030]  }
0x71: {  	v39 =	vld [tilespmem:$0x5530]  }
0x72: {  	v40 =	vld [tilespmem:$0x5040]  }
0x73: {  	v41 =	vld [tilespmem:$0x5540]  }
0x74: {  	v42 =	vld [tilespmem:$0x5050]  }
0x75: {  	v43 =	vld [tilespmem:$0x5550]  }
0x76: {  	v44 =	vld [tilespmem:$0x5060]  }
0x77: {  	v45 =	vld [tilespmem:$0x5560]  }
0x78: {  	v46 =	vld [tilespmem:$0x5070]  }
0x79: {  	v47 =	vld [tilespmem:$0x5080];
	v2 =	vadd.f32 v3, v2  }
0x7a: {  	v48 =	vld [tilespmem:$0x5580];
	v4 =	vadd.f32 v5, v4  }
0x7b: {  	v50 =	vld [tilespmem:$0x5090];
	v49 =	vadd.f32 v9, v8;
	[tilespmem:$0x4F10] =	vst v2  }
0x7c: {  	v51 =	vld [tilespmem:$0x5590];
	v2 =	vadd.f32 v7, v6;
	[tilespmem:$0x4F20] =	vst v4  }
0x7d: {  	v53 =	vld [tilespmem:$0x50A0];
	v52 =	vadd.f32 v13, v12;
	[tilespmem:$0x4F40] =	vst v49  }
0x7e: {  	v54 =	vld [tilespmem:$0x55A0];
	[tilespmem:$0x4F30] =	vst v2;
	v2 =	vadd.f32 v11, v10  }
0x7f: {  	v56 =	vld [tilespmem:$0x50B0];
	v55 =	vadd.f32 v17, v16;
	[tilespmem:$0x4F60] =	vst v52  }
0x80: {  	v57 =	vld [tilespmem:$0x55B0];
	[tilespmem:$0x4F50] =	vst v2;
	v2 =	vadd.f32 v15, v14  }
0x81: {  	v59 =	vld [tilespmem:$0x50C0];
	v58 =	vadd.f32 v21, v20;
	[tilespmem:$0x4F80] =	vst v55  }
0x82: {  	v60 =	vld [tilespmem:$0x55C0];
	[tilespmem:$0x4F70] =	vst v2;
	v2 =	vadd.f32 v19, v18  }
0x83: {  	v62 =	vld [tilespmem:$0x50D0];
	v61 =	vadd.f32 v25, v24;
	[tilespmem:$0x4FA0] =	vst v58  }
0x84: {  	v63 =	vld [tilespmem:$0x55D0];
	[tilespmem:$0x4F90] =	vst v2;
	v2 =	vadd.f32 v23, v22  }
0x85: {  	v3 =	vld [tilespmem:$0x5570];
	v28 =	vadd.f32 v29, v28;
	[tilespmem:$0x4FC0] =	vst v61  }
0x86: {  	v29 =	vld [tilespmem:$0x50E0];
	[tilespmem:$0x4FB0] =	vst v2;
	v2 =	vadd.f32 v27, v26  }
0x87: {  	v32 =	vadd.f32 v33, v32;
	v33 =	vld [tilespmem:$0x50F0];
	[tilespmem:$0x4FE0] =	vst v28  }
0x88: {  	v36 =	vadd.f32 v37, v36;
	v37 =	vld [tilespmem:$0x5100];
	[tilespmem:$0x4FD0] =	vst v2;
	v2 =	vadd.f32 v31, v30  }
0x89: {  	v40 =	vadd.f32 v41, v40;
	v41 =	vld [tilespmem:$0x5110];
	[tilespmem:$0x5000] =	vst v32  }
0x8a: {  	v44 =	vadd.f32 v45, v44;
	v45 =	vld [tilespmem:$0x5120];
	[tilespmem:$0x4FF0] =	vst v2;
	v2 =	vadd.f32 v35, v34  }
0x8b: {  	[tilespmem:$0x5020] =	vst v36;
	v49 =	vadd.f32 v54, v53;
	v53 =	vld [tilespmem:$0x5150]  }
0x8c: {  	v54 =	vld [tilespmem:$0x5650];
	[tilespmem:$0x5010] =	vst v2;
	v2 =	vadd.f32 v39, v38  }
0x8d: {  	[tilespmem:$0x5040] =	vst v40;
	v52 =	vadd.f32 v60, v59;
	v59 =	vld [tilespmem:$0x5170]  }
0x8e: {  	v31 =	vld [tilespmem:$0x55E0];
	[tilespmem:$0x5030] =	vst v2;
	v2 =	vadd.f32 v43, v42  }
0x8f: {  	[tilespmem:$0x5060] =	vst v44;
	v35 =	vld [tilespmem:$0x55F0]  }
0x90: {  	v39 =	vld [tilespmem:$0x5600];
	[tilespmem:$0x5050] =	vst v2;
	v2 =	vadd.f32 v3, v46  }
0x91: {  	[tilespmem:$0x50A0] =	vst v49;
	v43 =	vld [tilespmem:$0x5610]  }
0x92: {  	v3 =	vld [tilespmem:$0x5620];
	[tilespmem:$0x5070] =	vst v2;
	v2 =	vadd.f32 v51, v50  }
0x93: {  	[tilespmem:$0x50C0] =	vst v52;
	v55 =	vadd.f32 v31, v29;
	v46 =	vadd.f32 v48, v47;
	v47 =	vld [tilespmem:$0x5130]  }
0x94: {  	v48 =	vld [tilespmem:$0x5630];
	[tilespmem:$0x5090] =	vst v2;
	v2 =	vadd.f32 v57, v56  }
0x95: {  	[tilespmem:$0x50E0] =	vst v55;
	v50 =	vld [tilespmem:$0x5140]  }
0x96: {  	v51 =	vld [tilespmem:$0x5640];
	[tilespmem:$0x50B0] =	vst v2;
	v2 =	vadd.f32 v63, v62  }
0x97: {  	v58 =	vadd.f32 v39, v37;
	[tilespmem:$0x5080] =	vst v46;
	v56 =	vld [tilespmem:$0x5160]  }
0x98: {  	v57 =	vld [tilespmem:$0x5660];
	[tilespmem:$0x50D0] =	vst v2;
	v2 =	vadd.f32 v35, v33  }
0x99: {  	v61 =	vld [tilespmem:$0x5180];
	[tilespmem:$0x5100] =	vst v58;
	v3 =	vadd.f32 v3, v45  }
0x9a: {  	v62 =	vld [tilespmem:$0x5680];
	[tilespmem:$0x50F0] =	vst v2;
	v2 =	vadd.f32 v43, v41  }
0x9b: {  	v60 =	vld [tilespmem:$0x5670];
	[tilespmem:$0x5120] =	vst v3;
	v3 =	vadd.f32 v51, v50  }
0x9c: {  	[tilespmem:$0x5110] =	vst v2;
	v2 =	vadd.f32 v48, v47  }
0x9d: {  	[tilespmem:$0x5140] =	vst v3;
	v3 =	vadd.f32 v57, v56  }
0x9e: {  	[tilespmem:$0x5130] =	vst v2;
	v2 =	vadd.f32 v54, v53  }
0x9f: {  	[tilespmem:$0x5160] =	vst v3;
	v3 =	vadd.f32 v62, v61  }
0xa0: {  	[tilespmem:$0x5150] =	vst v2;
	v2 =	vadd.f32 v60, v59  }
0xa1: {  	[tilespmem:$0x5180] =	vst v3  }
0xa2: {  	[tilespmem:$0x5170] =	vst v2  }
0xa3: {  	_ =	swait.ge [sflag:s23], $0x280  }
0xa4: {  	[sflag:s23] =	ssyncset.done $0x0  }
0xa5: {  	[sflag:s23] =	ssyncadd.s32 $0xFFFFFD80  }
0xa6: {  	[tilespmem:s28], [sflag:$0x2] =	stream.linear.gather [spmem:s8], $0x280, $0x38;
	[tilespmem:$0x7E90] =	vst v63  }
0xa7: {  	v2 =	vld [tilespmem:$0x4F10]  }
0xa8: {  	v3 =	vld [tilespmem:$0x5190]  }
0xa9: {  	v4 =	vld [tilespmem:$0x4F20]  }
0xaa: {  	v5 =	vld [tilespmem:$0x51A0]  }
0xab: {  	v6 =	vld [tilespmem:$0x4F30]  }
0xac: {  	v7 =	vld [tilespmem:$0x51B0]  }
0xad: {  	v8 =	vld [tilespmem:$0x4F40]  }
0xae: {  	v63 =	vld [tilespmem:$0x51C0]  }
0xaf: {  	v10 =	vld [tilespmem:$0x4F50]  }
0xb0: {  	v11 =	vld [tilespmem:$0x51D0]  }
0xb1: {  	v12 =	vld [tilespmem:$0x4F60]  }
0xb2: {  	v13 =	vld [tilespmem:$0x51E0]  }
0xb3: {  	v14 =	vld [tilespmem:$0x4F70]  }
0xb4: {  	v15 =	vld [tilespmem:$0x51F0]  }
0xb5: {  	v16 =	vld [tilespmem:$0x4F80]  }
0xb6: {  	v17 =	vld [tilespmem:$0x5200]  }
0xb7: {  	v18 =	vld [tilespmem:$0x4F90]  }
0xb8: {  	v48 =	vld [tilespmem:$0x5210]  }
0xb9: {  	v49 =	vld [tilespmem:$0x4FA0]  }
0xba: {  	v50 =	vld [tilespmem:$0x5220]  }
0xbb: {  	v22 =	vld [tilespmem:$0x4FB0]  }
0xbc: {  	v51 =	vld [tilespmem:$0x5230]  }
0xbd: {  	v52 =	vld [tilespmem:$0x4FC0]  }
0xbe: {  	v53 =	vld [tilespmem:$0x5240]  }
0xbf: {  	v26 =	vld [tilespmem:$0x4FD0]  }
0xc0: {  	v54 =	vld [tilespmem:$0x5250]  }
0xc1: {  	v55 =	vld [tilespmem:$0x4FE0]  }
0xc2: {  	v56 =	vld [tilespmem:$0x5260]  }
0xc3: {  	v30 =	vld [tilespmem:$0x4FF0]  }
0xc4: {  	v57 =	vld [tilespmem:$0x5270]  }
0xc5: {  	v58 =	vld [tilespmem:$0x5000]  }
0xc6: {  	v59 =	vld [tilespmem:$0x5280]  }
0xc7: {  	v34 =	vld [tilespmem:$0x5010]  }
0xc8: {  	v60 =	vld [tilespmem:$0x5290]  }
0xc9: {  	v61 =	vld [tilespmem:$0x5020]  }
0xca: {  	v62 =	vld [tilespmem:$0x52A0]  }
0xcb: {  	v38 =	vld [tilespmem:$0x5030]  }
0xcc: {  	v39 =	vld [tilespmem:$0x52B0]  }
0xcd: {  	v40 =	vld [tilespmem:$0x5040]  }
0xce: {  	v41 =	vld [tilespmem:$0x52C0]  }
0xcf: {  	v42 =	vld [tilespmem:$0x5050]  }
0xd0: {  	v43 =	vld [tilespmem:$0x52D0]  }
0xd1: {  	v44 =	vld [tilespmem:$0x5060]  }
0xd2: {  	v45 =	vld [tilespmem:$0x52E0]  }
0xd3: {  	v46 =	vld [tilespmem:$0x5070]  }
0xd4: {  	v9 =	vld [tilespmem:$0x50A0];
	v2 =	vadd.f32 v3, v2  }
0xd5: {  	v47 =	vld [tilespmem:$0x50B0];
	v4 =	vadd.f32 v5, v4  }
0xd6: {  	v29 =	vld [tilespmem:$0x5110];
	v63 =	vadd.f32 v63, v8;
	[tilespmem:$0x4F10] =	vst v2  }
0xd7: {  	v32 =	vld [tilespmem:$0x5120];
	v2 =	vadd.f32 v7, v6;
	[tilespmem:$0x4F20] =	vst v4  }
0xd8: {  	v35 =	vld [tilespmem:$0x53B0];
	v13 =	vadd.f32 v13, v12;
	[tilespmem:$0x4F40] =	vst v63  }
0xd9: {  	v37 =	vld [tilespmem:$0x5140];
	[tilespmem:$0x4F30] =	vst v2;
	v2 =	vadd.f32 v11, v10  }
0xda: {  	v3 =	vld [tilespmem:$0x52F0];
	v17 =	vadd.f32 v17, v16;
	[tilespmem:$0x4F60] =	vst v13  }
0xdb: {  	v5 =	vld [tilespmem:$0x5080];
	[tilespmem:$0x4F50] =	vst v2;
	v2 =	vadd.f32 v15, v14  }
0xdc: {  	v8 =	vld [tilespmem:$0x5310];
	v49 =	vadd.f32 v50, v49;
	[tilespmem:$0x4F80] =	vst v17  }
0xdd: {  	v50 =	vld [tilespmem:$0x50C0];
	[tilespmem:$0x4F70] =	vst v2;
	v2 =	vadd.f32 v48, v18  }
0xde: {  	v52 =	vadd.f32 v53, v52;
	v53 =	vld [tilespmem:$0x50D0];
	[tilespmem:$0x4FA0] =	vst v49  }
0xdf: {  	v55 =	vadd.f32 v56, v55;
	v56 =	vld [tilespmem:$0x50E0];
	[tilespmem:$0x4F90] =	vst v2;
	v2 =	vadd.f32 v51, v22  }
0xe0: {  	v58 =	vadd.f32 v59, v58;
	v59 =	vld [tilespmem:$0x50F0];
	[tilespmem:$0x4FC0] =	vst v52  }
0xe1: {  	v61 =	vadd.f32 v62, v61;
	v62 =	vld [tilespmem:$0x5100];
	[tilespmem:$0x4FB0] =	vst v2;
	v2 =	vadd.f32 v54, v26  }
0xe2: {  	v28 =	vadd.f32 v41, v40;
	v40 =	vld [tilespmem:$0x5150];
	[tilespmem:$0x4FE0] =	vst v55  }
0xe3: {  	v41 =	vld [tilespmem:$0x53D0];
	[tilespmem:$0x4FD0] =	vst v2;
	v2 =	vadd.f32 v57, v30  }
0xe4: {  	v31 =	vadd.f32 v45, v44;
	v44 =	vld [tilespmem:$0x53E0];
	[tilespmem:$0x5000] =	vst v58  }
0xe5: {  	v6 =	vld [tilespmem:$0x5300];
	[tilespmem:$0x4FF0] =	vst v2;
	v2 =	vadd.f32 v60, v34  }
0xe6: {  	v7 =	vld [tilespmem:$0x5090];
	[tilespmem:$0x5020] =	vst v61  }
0xe7: {  	v63 =	vld [tilespmem:$0x5380];
	[tilespmem:$0x5010] =	vst v2;
	v2 =	vadd.f32 v39, v38  }
0xe8: {  	[tilespmem:$0x5040] =	vst v28;
	v49 =	vld [tilespmem:$0x5400]  }
0xe9: {  	v10 =	vld [tilespmem:$0x5320];
	[tilespmem:$0x5030] =	vst v2;
	v2 =	vadd.f32 v43, v42  }
0xea: {  	[tilespmem:$0x5060] =	vst v31;
	v33 =	vadd.f32 v6, v5;
	v48 =	vld [tilespmem:$0x5330]  }
0xeb: {  	v51 =	vld [tilespmem:$0x5340];
	[tilespmem:$0x5050] =	vst v2;
	v2 =	vadd.f32 v3, v46  }
0xec: {  	v45 =	vadd.f32 v63, v62;
	[tilespmem:$0x5080] =	vst v33;
	v54 =	vld [tilespmem:$0x5350]  }
0xed: {  	v57 =	vld [tilespmem:$0x5360];
	[tilespmem:$0x5070] =	vst v2;
	v2 =	vadd.f32 v8, v7  }
0xee: {  	v36 =	vadd.f32 v10, v9;
	[tilespmem:$0x5100] =	vst v45;
	v60 =	vld [tilespmem:$0x5370]  }
0xef: {  	v3 =	vld [tilespmem:$0x53A0];
	[tilespmem:$0x5090] =	vst v2;
	v2 =	vadd.f32 v48, v47  }
0xf0: {  	[tilespmem:$0x50A0] =	vst v36;
	v30 =	vld [tilespmem:$0x5390];
	v39 =	vadd.f32 v51, v50  }
0xf1: {  	v38 =	vld [tilespmem:$0x53C0];
	[tilespmem:$0x50B0] =	vst v2;
	v2 =	vadd.f32 v54, v53  }
0xf2: {  	v34 =	vld [tilespmem:$0x5130];
	[tilespmem:$0x50C0] =	vst v39;
	v42 =	vadd.f32 v57, v56  }
0xf3: {  	v43 =	vld [tilespmem:$0x5160];
	[tilespmem:$0x50D0] =	vst v2;
	v2 =	vadd.f32 v60, v59  }
0xf4: {  	[tilespmem:$0x50E0] =	vst v42;
	v46 =	vld [tilespmem:$0x5170];
	v3 =	vadd.f32 v3, v32  }
0xf5: {  	v48 =	vld [tilespmem:$0x5180];
	[tilespmem:$0x50F0] =	vst v2;
	v2 =	vadd.f32 v30, v29  }
0xf6: {  	v47 =	vld [tilespmem:$0x53F0];
	[tilespmem:$0x5120] =	vst v3;
	v3 =	vadd.f32 v38, v37  }
0xf7: {  	[tilespmem:$0x5110] =	vst v2;
	v2 =	vadd.f32 v35, v34  }
0xf8: {  	[tilespmem:$0x5140] =	vst v3;
	v3 =	vadd.f32 v44, v43  }
0xf9: {  	[tilespmem:$0x5130] =	vst v2;
	v2 =	vadd.f32 v41, v40  }
0xfa: {  	[tilespmem:$0x5160] =	vst v3;
	v3 =	vadd.f32 v49, v48  }
0xfb: {  	[tilespmem:$0x5150] =	vst v2;
	v2 =	vadd.f32 v47, v46  }
0xfc: {  	[tilespmem:$0x5180] =	vst v3  }
0xfd: {  	[tilespmem:$0x5170] =	vst v2  }
0xfe: {  	_ =	swait.ge [sflag:s29], $0x280  }
0xff: {  	[sflag:s29] =	ssyncset.done $0x0  }
0x100: {  	[sflag:s29] =	ssyncadd.s32 $0xFFFFFD80  }
0x101: {  	[tilespmem:s30], [sflag:$0x1] =	stream.linear.gather [spmem:s9], $0x280, $0x38;
	[tilespmem:$0x7E90] =	vst v63  }
0x102: {  	v2 =	vld [tilespmem:$0x4F10]  }
0x103: {  	v3 =	vld [tilespmem:$0x5410]  }
0x104: {  	v4 =	vld [tilespmem:$0x4F20]  }
0x105: {  	v50 =	vld [tilespmem:$0x5420]  }
0x106: {  	v6 =	vld [tilespmem:$0x4F30]  }
0x107: {  	v51 =	vld [tilespmem:$0x5430]  }
0x108: {  	v52 =	vld [tilespmem:$0x4F40]  }
0x109: {  	v53 =	vld [tilespmem:$0x5440]  }
0x10a: {  	v10 =	vld [tilespmem:$0x4F50]  }
0x10b: {  	v54 =	vld [tilespmem:$0x5450]  }
0x10c: {  	v55 =	vld [tilespmem:$0x4F60]  }
0x10d: {  	v56 =	vld [tilespmem:$0x5460]  }
0x10e: {  	v14 =	vld [tilespmem:$0x4F70]  }
0x10f: {  	v57 =	vld [tilespmem:$0x5470]  }
0x110: {  	v58 =	vld [tilespmem:$0x4F80]  }
0x111: {  	v59 =	vld [tilespmem:$0x5480]  }
0x112: {  	v18 =	vld [tilespmem:$0x4F90]  }
0x113: {  	v60 =	vld [tilespmem:$0x5490]  }
0x114: {  	v61 =	vld [tilespmem:$0x4FA0]  }
0x115: {  	v62 =	vld [tilespmem:$0x54A0]  }
0x116: {  	v22 =	vld [tilespmem:$0x4FB0]  }
0x117: {  	v63 =	vld [tilespmem:$0x54B0]  }
0x118: {  	v24 =	vld [tilespmem:$0x4FC0]  }
0x119: {  	v25 =	vld [tilespmem:$0x54C0]  }
0x11a: {  	v26 =	vld [tilespmem:$0x4FD0]  }
0x11b: {  	v27 =	vld [tilespmem:$0x54D0]  }
0x11c: {  	v28 =	vld [tilespmem:$0x4FE0]  }
0x11d: {  	v29 =	vld [tilespmem:$0x54E0]  }
0x11e: {  	v30 =	vld [tilespmem:$0x4FF0]  }
0x11f: {  	v31 =	vld [tilespmem:$0x54F0]  }
0x120: {  	v42 =	vld [tilespmem:$0x5000]  }
0x121: {  	v43 =	vld [tilespmem:$0x5500]  }
0x122: {  	v44 =	vld [tilespmem:$0x5010]  }
0x123: {  	v45 =	vld [tilespmem:$0x5510]  }
0x124: {  	v46 =	vld [tilespmem:$0x5020]  }
0x125: {  	v47 =	vld [tilespmem:$0x5520]  }
0x126: {  	v48 =	vld [tilespmem:$0x5030]  }
0x127: {  	v49 =	vld [tilespmem:$0x5530]  }
0x128: {  	v33 =	vld [tilespmem:$0x55B0];
	v2 =	vadd.f32 v3, v2  }
0x129: {  	v35 =	vld [tilespmem:$0x50C0];
	v4 =	vadd.f32 v50, v4  }
0x12a: {  	v37 =	vld [tilespmem:$0x55C0];
	[tilespmem:$0x4F10] =	vst v2;
	v2 =	vadd.f32 v51, v6  }
0x12b: {  	v40 =	vld [tilespmem:$0x50D0];
	v52 =	vadd.f32 v53, v52;
	[tilespmem:$0x4F20] =	vst v4  }
0x12c: {  	v41 =	vld [tilespmem:$0x55D0];
	[tilespmem:$0x4F30] =	vst v2;
	v2 =	vadd.f32 v54, v10  }
0x12d: {  	v3 =	vld [tilespmem:$0x5040];
	v55 =	vadd.f32 v56, v55;
	[tilespmem:$0x4F40] =	vst v52  }
0x12e: {  	v50 =	vld [tilespmem:$0x5540];
	[tilespmem:$0x4F50] =	vst v2;
	v2 =	vadd.f32 v57, v14  }
0x12f: {  	v53 =	vld [tilespmem:$0x5550];
	v58 =	vadd.f32 v59, v58;
	[tilespmem:$0x4F60] =	vst v55  }
0x130: {  	v56 =	vld [tilespmem:$0x5560];
	[tilespmem:$0x4F70] =	vst v2;
	v2 =	vadd.f32 v60, v18  }
0x131: {  	v59 =	vld [tilespmem:$0x5570];
	v61 =	vadd.f32 v62, v61;
	[tilespmem:$0x4F80] =	vst v58  }
0x132: {  	v62 =	vld [tilespmem:$0x5580];
	[tilespmem:$0x4F90] =	vst v2;
	v2 =	vadd.f32 v63, v22  }
0x133: {  	v24 =	vadd.f32 v25, v24;
	v25 =	vld [tilespmem:$0x5590];
	[tilespmem:$0x4FA0] =	vst v61  }
0x134: {  	v28 =	vadd.f32 v29, v28;
	v29 =	vld [tilespmem:$0x55A0];
	[tilespmem:$0x4FB0] =	vst v2;
	v2 =	vadd.f32 v27, v26  }
0x135: {  	v32 =	vadd.f32 v43, v42;
	v42 =	vld [tilespmem:$0x50E0];
	[tilespmem:$0x4FC0] =	vst v24  }
0x136: {  	v43 =	vld [tilespmem:$0x55E0];
	[tilespmem:$0x4FD0] =	vst v2;
	v2 =	vadd.f32 v31, v30  }
0x137: {  	v51 =	vld [tilespmem:$0x5050];
	[tilespmem:$0x4FE0] =	vst v28  }
0x138: {  	v54 =	vld [tilespmem:$0x5060];
	[tilespmem:$0x4FF0] =	vst v2;
	v2 =	vadd.f32 v45, v44  }
0x139: {  	v36 =	vadd.f32 v47, v46;
	[tilespmem:$0x5000] =	vst v32;
	v57 =	vld [tilespmem:$0x5070]  }
0x13a: {  	v60 =	vld [tilespmem:$0x5080];
	[tilespmem:$0x5010] =	vst v2;
	v2 =	vadd.f32 v49, v48  }
0x13b: {  	[tilespmem:$0x5020] =	vst v36;
	v3 =	vadd.f32 v50, v3;
	v63 =	vld [tilespmem:$0x5090]  }
0x13c: {  	v27 =	vld [tilespmem:$0x50A0];
	[tilespmem:$0x5030] =	vst v2;
	v2 =	vadd.f32 v53, v51  }
0x13d: {  	[tilespmem:$0x5040] =	vst v3;
	v3 =	vadd.f32 v56, v54;
	v31 =	vld [tilespmem:$0x50B0]  }
0x13e: {  	v46 =	vld [tilespmem:$0x5100];
	[tilespmem:$0x5050] =	vst v2;
	v2 =	vadd.f32 v59, v57  }
0x13f: {  	v47 =	vld [tilespmem:$0x5600];
	[tilespmem:$0x5060] =	vst v3;
	v3 =	vadd.f32 v62, v60  }
0x140: {  	v44 =	vld [tilespmem:$0x50F0];
	[tilespmem:$0x5070] =	vst v2;
	v2 =	vadd.f32 v25, v63  }
0x141: {  	[tilespmem:$0x5080] =	vst v3;
	v45 =	vld [tilespmem:$0x55F0];
	v3 =	vadd.f32 v29, v27  }
0x142: {  	v48 =	vld [tilespmem:$0x5110];
	[tilespmem:$0x5090] =	vst v2;
	v2 =	vadd.f32 v33, v31  }
0x143: {  	v49 =	vld [tilespmem:$0x5610];
	[tilespmem:$0x50A0] =	vst v3;
	v3 =	vadd.f32 v37, v35  }
0x144: {  	[tilespmem:$0x50B0] =	vst v2;
	v2 =	vadd.f32 v41, v40  }
0x145: {  	[tilespmem:$0x50C0] =	vst v3;
	v3 =	vadd.f32 v43, v42  }
0x146: {  	[tilespmem:$0x50D0] =	vst v2;
	v2 =	vadd.f32 v45, v44  }
0x147: {  	[tilespmem:$0x50E0] =	vst v3;
	v3 =	vadd.f32 v47, v46  }
0x148: {  	[tilespmem:$0x50F0] =	vst v2;
	v2 =	vadd.f32 v49, v48  }
0x149: {  	[tilespmem:$0x5100] =	vst v3  }
0x14a: {  	[tilespmem:$0x5110] =	vst v2  }
0x14b: {  	v2 =	vld [tilespmem:$0x5120]  }
0x14c: {  	v3 =	vld [tilespmem:$0x5620]  }
0x14d: {  	v50 =	vld [tilespmem:$0x5130]  }
0x14e: {  	v51 =	vld [tilespmem:$0x5630]  }
0x14f: {  	v52 =	vld [tilespmem:$0x5140]  }
0x150: {  	v53 =	vld [tilespmem:$0x5640]  }
0x151: {  	v54 =	vld [tilespmem:$0x5150]  }
0x152: {  	v55 =	vld [tilespmem:$0x5650]  }
0x153: {  	v56 =	vld [tilespmem:$0x5160]  }
0x154: {  	v57 =	vld [tilespmem:$0x5660]  }
0x155: {  	v58 =	vld [tilespmem:$0x5170]  }
0x156: {  	v59 =	vld [tilespmem:$0x5670]  }
0x157: {  	v60 =	vld [tilespmem:$0x5680];
	v2 =	vadd.f32 v3, v2  }
0x158: {  	v3 =	vld [tilespmem:$0x5180];
	v4 =	vadd.f32 v51, v50  }
0x159: {  	[tilespmem:$0x5120] =	vst v2;
	v2 =	vadd.f32 v53, v52  }
0x15a: {  	v61 =	vadd.f32 v55, v54;
	[tilespmem:$0x5130] =	vst v4  }
0x15b: {  	[tilespmem:$0x5140] =	vst v2;
	v2 =	vadd.f32 v57, v56  }
0x15c: {  	v62 =	vadd.f32 v59, v58;
	[tilespmem:$0x5150] =	vst v61  }
0x15d: {  	[tilespmem:$0x5160] =	vst v2;
	v2 =	vadd.f32 v60, v3  }
0x15e: {  	[tilespmem:$0x5170] =	vst v62  }
0x15f: {  	[tilespmem:$0x5180] =	vst v2  }
0x160: {  	_ =	swait.ge [sflag:s23], $0x280  }
0x161: {  	[sflag:s23] =	ssyncset.done $0x0  }
0x162: {  	[sflag:s23] =	ssyncadd.s32 $0xFFFFFD80  }
0x163: {  	[tilespmem:s28], [sflag:$0x2] =	stream.linear.gather [spmem:s10], $0x280, $0x38;
	[tilespmem:$0x7E90] =	vst v63  }
0x164: {  	v2 =	vld [tilespmem:$0x4F10]  }
0x165: {  	v3 =	vld [tilespmem:$0x5190]  }
0x166: {  	v4 =	vld [tilespmem:$0x4F20]  }
0x167: {  	v5 =	vld [tilespmem:$0x51A0]  }
0x168: {  	v6 =	vld [tilespmem:$0x4F30]  }
0x169: {  	v7 =	vld [tilespmem:$0x51B0]  }
0x16a: {  	v8 =	vld [tilespmem:$0x4F40]  }
0x16b: {  	v63 =	vld [tilespmem:$0x51C0]  }
0x16c: {  	v10 =	vld [tilespmem:$0x4F50]  }
0x16d: {  	v11 =	vld [tilespmem:$0x51D0]  }
0x16e: {  	v12 =	vld [tilespmem:$0x4F60]  }
0x16f: {  	v13 =	vld [tilespmem:$0x51E0]  }
0x170: {  	v14 =	vld [tilespmem:$0x4F70]  }
0x171: {  	v15 =	vld [tilespmem:$0x51F0]  }
0x172: {  	v16 =	vld [tilespmem:$0x4F80]  }
0x173: {  	v17 =	vld [tilespmem:$0x5200]  }
0x174: {  	v18 =	vld [tilespmem:$0x4F90]  }
0x175: {  	v19 =	vld [tilespmem:$0x5210]  }
0x176: {  	v20 =	vld [tilespmem:$0x4FA0]  }
0x177: {  	v48 =	vld [tilespmem:$0x5220]  }
0x178: {  	v22 =	vld [tilespmem:$0x4FB0]  }
0x179: {  	v49 =	vld [tilespmem:$0x5230]  }
0x17a: {  	v50 =	vld [tilespmem:$0x4FC0]  }
0x17b: {  	v51 =	vld [tilespmem:$0x5240]  }
0x17c: {  	v26 =	vld [tilespmem:$0x4FD0]  }
0x17d: {  	v52 =	vld [tilespmem:$0x5250]  }
0x17e: {  	v53 =	vld [tilespmem:$0x4FE0]  }
0x17f: {  	v54 =	vld [tilespmem:$0x5260]  }
0x180: {  	v30 =	vld [tilespmem:$0x4FF0]  }
0x181: {  	v55 =	vld [tilespmem:$0x5270]  }
0x182: {  	v56 =	vld [tilespmem:$0x5000]  }
0x183: {  	v57 =	vld [tilespmem:$0x5280]  }
0x184: {  	v34 =	vld [tilespmem:$0x5010]  }
0x185: {  	v58 =	vld [tilespmem:$0x5290]  }
0x186: {  	v59 =	vld [tilespmem:$0x5020]  }
0x187: {  	v60 =	vld [tilespmem:$0x52A0]  }
0x188: {  	v38 =	vld [tilespmem:$0x5030]  }
0x189: {  	v61 =	vld [tilespmem:$0x52B0]  }
0x18a: {  	v40 =	vld [tilespmem:$0x5040]  }
0x18b: {  	v62 =	vld [tilespmem:$0x52C0]  }
0x18c: {  	v42 =	vld [tilespmem:$0x5050]  }
0x18d: {  	v43 =	vld [tilespmem:$0x52D0]  }
0x18e: {  	v44 =	vld [tilespmem:$0x5060]  }
0x18f: {  	v45 =	vld [tilespmem:$0x52E0]  }
0x190: {  	v46 =	vld [tilespmem:$0x5070]  }
0x191: {  	v9 =	vld [tilespmem:$0x50A0];
	v2 =	vadd.f32 v3, v2  }
0x192: {  	v28 =	vld [tilespmem:$0x5390];
	v4 =	vadd.f32 v5, v4  }
0x193: {  	v32 =	vld [tilespmem:$0x5130];
	v63 =	vadd.f32 v63, v8;
	[tilespmem:$0x4F10] =	vst v2  }
0x194: {  	v33 =	vld [tilespmem:$0x53B0];
	v2 =	vadd.f32 v7, v6;
	[tilespmem:$0x4F20] =	vst v4  }
0x195: {  	v35 =	vld [tilespmem:$0x5140];
	v13 =	vadd.f32 v13, v12;
	[tilespmem:$0x4F40] =	vst v63  }
0x196: {  	v36 =	vld [tilespmem:$0x53C0];
	[tilespmem:$0x4F30] =	vst v2;
	v2 =	vadd.f32 v11, v10  }
0x197: {  	v39 =	vld [tilespmem:$0x53D0];
	v17 =	vadd.f32 v17, v16;
	[tilespmem:$0x4F60] =	vst v13  }
0x198: {  	v41 =	vld [tilespmem:$0x5160];
	[tilespmem:$0x4F50] =	vst v2;
	v2 =	vadd.f32 v15, v14  }
0x199: {  	v3 =	vld [tilespmem:$0x52F0];
	v47 =	vadd.f32 v48, v20;
	[tilespmem:$0x4F80] =	vst v17  }
0x19a: {  	v5 =	vld [tilespmem:$0x5080];
	[tilespmem:$0x4F70] =	vst v2;
	v2 =	vadd.f32 v19, v18  }
0x19b: {  	v8 =	vld [tilespmem:$0x5310];
	v50 =	vadd.f32 v51, v50;
	[tilespmem:$0x4FA0] =	vst v47  }
0x19c: {  	v12 =	vld [tilespmem:$0x5330];
	[tilespmem:$0x4F90] =	vst v2;
	v2 =	vadd.f32 v49, v22  }
0x19d: {  	v48 =	vld [tilespmem:$0x50C0];
	v53 =	vadd.f32 v54, v53;
	[tilespmem:$0x4FC0] =	vst v50  }
0x19e: {  	v51 =	vld [tilespmem:$0x50D0];
	[tilespmem:$0x4FB0] =	vst v2;
	v2 =	vadd.f32 v52, v26  }
0x19f: {  	v54 =	vld [tilespmem:$0x50E0];
	v56 =	vadd.f32 v57, v56;
	[tilespmem:$0x4FE0] =	vst v53  }
0x1a0: {  	v57 =	vld [tilespmem:$0x50F0];
	[tilespmem:$0x4FD0] =	vst v2;
	v2 =	vadd.f32 v55, v30  }
0x1a1: {  	v59 =	vadd.f32 v60, v59;
	v60 =	vld [tilespmem:$0x5100];
	[tilespmem:$0x5000] =	vst v56  }
0x1a2: {  	v6 =	vld [tilespmem:$0x5300];
	[tilespmem:$0x4FF0] =	vst v2;
	v2 =	vadd.f32 v58, v34  }
0x1a3: {  	v62 =	vadd.f32 v62, v40;
	v7 =	vld [tilespmem:$0x5090];
	[tilespmem:$0x5020] =	vst v59  }
0x1a4: {  	v49 =	vld [tilespmem:$0x5340];
	[tilespmem:$0x5010] =	vst v2;
	v2 =	vadd.f32 v61, v38  }
0x1a5: {  	v29 =	vadd.f32 v45, v44;
	[tilespmem:$0x5040] =	vst v62;
	v10 =	vld [tilespmem:$0x5320]  }
0x1a6: {  	v11 =	vld [tilespmem:$0x50B0];
	[tilespmem:$0x5030] =	vst v2;
	v2 =	vadd.f32 v43, v42  }
0x1a7: {  	[tilespmem:$0x5060] =	vst v29;
	v31 =	vadd.f32 v6, v5;
	v52 =	vld [tilespmem:$0x5350]  }
0x1a8: {  	v55 =	vld [tilespmem:$0x5360];
	[tilespmem:$0x5050] =	vst v2;
	v2 =	vadd.f32 v3, v46  }
0x1a9: {  	[tilespmem:$0x5080] =	vst v31;
	v30 =	vld [tilespmem:$0x5120];
	v37 =	vadd.f32 v49, v48  }
0x1aa: {  	v61 =	vld [tilespmem:$0x5380];
	[tilespmem:$0x5070] =	vst v2;
	v2 =	vadd.f32 v8, v7  }
0x1ab: {  	v58 =	vld [tilespmem:$0x5370];
	v34 =	vadd.f32 v10, v9;
	[tilespmem:$0x50C0] =	vst v37  }
0x1ac: {  	v3 =	vld [tilespmem:$0x53A0];
	[tilespmem:$0x5090] =	vst v2;
	v2 =	vadd.f32 v12, v11  }
0x1ad: {  	v63 =	vld [tilespmem:$0x5110];
	[tilespmem:$0x50A0] =	vst v34;
	v40 =	vadd.f32 v55, v54  }
0x1ae: {  	v44 =	vld [tilespmem:$0x5170];
	[tilespmem:$0x50B0] =	vst v2;
	v2 =	vadd.f32 v52, v51  }
0x1af: {  	v47 =	vld [tilespmem:$0x5400];
	[tilespmem:$0x50E0] =	vst v40;
	v43 =	vadd.f32 v61, v60  }
0x1b0: {  	v42 =	vld [tilespmem:$0x53E0];
	[tilespmem:$0x50D0] =	vst v2;
	v2 =	vadd.f32 v58, v57  }
0x1b1: {  	v38 =	vld [tilespmem:$0x5150];
	[tilespmem:$0x5100] =	vst v43;
	v3 =	vadd.f32 v3, v30  }
0x1b2: {  	v46 =	vld [tilespmem:$0x5180];
	[tilespmem:$0x50F0] =	vst v2;
	v2 =	vadd.f32 v28, v63  }
0x1b3: {  	v45 =	vld [tilespmem:$0x53F0];
	[tilespmem:$0x5120] =	vst v3;
	v3 =	vadd.f32 v36, v35  }
0x1b4: {  	[tilespmem:$0x5110] =	vst v2;
	v2 =	vadd.f32 v33, v32  }
0x1b5: {  	[tilespmem:$0x5140] =	vst v3;
	v3 =	vadd.f32 v42, v41  }
0x1b6: {  	[tilespmem:$0x5130] =	vst v2;
	v2 =	vadd.f32 v39, v38  }
0x1b7: {  	[tilespmem:$0x5160] =	vst v3;
	v3 =	vadd.f32 v47, v46  }
0x1b8: {  	[tilespmem:$0x5150] =	vst v2;
	v2 =	vadd.f32 v45, v44  }
0x1b9: {  	[tilespmem:$0x5180] =	vst v3  }
0x1ba: {  	[tilespmem:$0x5170] =	vst v2  }
0x1bb: {  	_ =	swait.ge [sflag:s29], $0x280  }
0x1bc: {  	[sflag:s29] =	ssyncset.done $0x0  }
0x1bd: {  	[sflag:s29] =	ssyncadd.s32 $0xFFFFFD80  }
0x1be: {  	[tilespmem:s30], [sflag:$0x1] =	stream.linear.gather [spmem:s11], $0x280, $0x38;
	[tilespmem:$0x7E90] =	vst v63  }
0x1bf: {  	v2 =	vld [tilespmem:$0x4F10]  }
0x1c0: {  	v3 =	vld [tilespmem:$0x5410]  }
0x1c1: {  	v4 =	vld [tilespmem:$0x4F20]  }
0x1c2: {  	v5 =	vld [tilespmem:$0x5420]  }
0x1c3: {  	v6 =	vld [tilespmem:$0x4F30]  }
0x1c4: {  	v48 =	vld [tilespmem:$0x5430]  }
0x1c5: {  	v49 =	vld [tilespmem:$0x4F40]  }
0x1c6: {  	v50 =	vld [tilespmem:$0x5440]  }
0x1c7: {  	v10 =	vld [tilespmem:$0x4F50]  }
0x1c8: {  	v51 =	vld [tilespmem:$0x5450]  }
0x1c9: {  	v52 =	vld [tilespmem:$0x4F60]  }
0x1ca: {  	v53 =	vld [tilespmem:$0x5460]  }
0x1cb: {  	v14 =	vld [tilespmem:$0x4F70]  }
0x1cc: {  	v54 =	vld [tilespmem:$0x5470]  }
0x1cd: {  	v55 =	vld [tilespmem:$0x4F80]  }
0x1ce: {  	v56 =	vld [tilespmem:$0x5480]  }
0x1cf: {  	v18 =	vld [tilespmem:$0x4F90]  }
0x1d0: {  	v57 =	vld [tilespmem:$0x5490]  }
0x1d1: {  	v58 =	vld [tilespmem:$0x4FA0]  }
0x1d2: {  	v59 =	vld [tilespmem:$0x54A0]  }
0x1d3: {  	v22 =	vld [tilespmem:$0x4FB0]  }
0x1d4: {  	v60 =	vld [tilespmem:$0x54B0]  }
0x1d5: {  	v61 =	vld [tilespmem:$0x4FC0]  }
0x1d6: {  	v62 =	vld [tilespmem:$0x54C0]  }
0x1d7: {  	v26 =	vld [tilespmem:$0x4FD0]  }
0x1d8: {  	v63 =	vld [tilespmem:$0x54D0]  }
0x1d9: {  	v28 =	vld [tilespmem:$0x4FE0]  }
0x1da: {  	v29 =	vld [tilespmem:$0x54E0]  }
0x1db: {  	v30 =	vld [tilespmem:$0x4FF0]  }
0x1dc: {  	v31 =	vld [tilespmem:$0x54F0]  }
0x1dd: {  	v32 =	vld [tilespmem:$0x5000]  }
0x1de: {  	v33 =	vld [tilespmem:$0x5500]  }
0x1df: {  	v34 =	vld [tilespmem:$0x5010]  }
0x1e0: {  	v35 =	vld [tilespmem:$0x5510]  }
0x1e1: {  	v36 =	vld [tilespmem:$0x5020]  }
0x1e2: {  	v37 =	vld [tilespmem:$0x5520]  }
0x1e3: {  	v38 =	vld [tilespmem:$0x5030]  }
0x1e4: {  	v39 =	vld [tilespmem:$0x5530]  }
0x1e5: {  	v40 =	vld [tilespmem:$0x5040]  }
0x1e6: {  	v41 =	vld [tilespmem:$0x5540]  }
0x1e7: {  	v42 =	vld [tilespmem:$0x5050]  }
0x1e8: {  	v43 =	vld [tilespmem:$0x5550]  }
0x1e9: {  	v44 =	vld [tilespmem:$0x5060]  }
0x1ea: {  	v45 =	vld [tilespmem:$0x5560]  }
0x1eb: {  	v46 =	vld [tilespmem:$0x5070]  }
0x1ec: {  	v47 =	vld [tilespmem:$0x5080];
	v2 =	vadd.f32 v3, v2  }
0x1ed: {  	v3 =	vld [tilespmem:$0x5570];
	v4 =	vadd.f32 v5, v4  }
0x1ee: {  	v49 =	vadd.f32 v50, v49;
	v50 =	vld [tilespmem:$0x5090];
	[tilespmem:$0x4F10] =	vst v2  }
0x1ef: {  	v52 =	vadd.f32 v53, v52;
	v53 =	vld [tilespmem:$0x50A0];
	v2 =	vadd.f32 v48, v6;
	[tilespmem:$0x4F20] =	vst v4  }
0x1f0: {  	v55 =	vadd.f32 v56, v55;
	v56 =	vld [tilespmem:$0x50B0];
	[tilespmem:$0x4F40] =	vst v49  }
0x1f1: {  	v58 =	vadd.f32 v59, v58;
	v59 =	vld [tilespmem:$0x50C0];
	[tilespmem:$0x4F30] =	vst v2;
	v2 =	vadd.f32 v51, v10  }
0x1f2: {  	v61 =	vadd.f32 v62, v61;
	v62 =	vld [tilespmem:$0x50D0];
	[tilespmem:$0x4F60] =	vst v52  }
0x1f3: {  	v28 =	vadd.f32 v29, v28;
	v29 =	vld [tilespmem:$0x50E0];
	[tilespmem:$0x4F50] =	vst v2;
	v2 =	vadd.f32 v54, v14  }
0x1f4: {  	v32 =	vadd.f32 v33, v32;
	v33 =	vld [tilespmem:$0x50F0];
	[tilespmem:$0x4F80] =	vst v55  }
0x1f5: {  	v36 =	vadd.f32 v37, v36;
	v37 =	vld [tilespmem:$0x5100];
	[tilespmem:$0x4F70] =	vst v2;
	v2 =	vadd.f32 v57, v18  }
0x1f6: {  	v40 =	vadd.f32 v41, v40;
	v41 =	vld [tilespmem:$0x5110];
	[tilespmem:$0x4FA0] =	vst v58  }
0x1f7: {  	v44 =	vadd.f32 v45, v44;
	v45 =	vld [tilespmem:$0x5120];
	[tilespmem:$0x4F90] =	vst v2;
	v2 =	vadd.f32 v60, v22  }
0x1f8: {  	v48 =	vld [tilespmem:$0x5580];
	[tilespmem:$0x4FC0] =	vst v61  }
0x1f9: {  	v54 =	vld [tilespmem:$0x55A0];
	[tilespmem:$0x4FB0] =	vst v2;
	v2 =	vadd.f32 v63, v26  }
0x1fa: {  	[tilespmem:$0x4FE0] =	vst v28;
	v61 =	vld [tilespmem:$0x5180]  }
0x1fb: {  	v51 =	vld [tilespmem:$0x5590];
	[tilespmem:$0x4FD0] =	vst v2;
	v2 =	vadd.f32 v31, v30  }
0x1fc: {  	[tilespmem:$0x5000] =	vst v32;
	v57 =	vld [tilespmem:$0x55B0]  }
0x1fd: {  	v60 =	vld [tilespmem:$0x55C0];
	[tilespmem:$0x4FF0] =	vst v2;
	v2 =	vadd.f32 v35, v34  }
0x1fe: {  	[tilespmem:$0x5020] =	vst v36;
	v49 =	vadd.f32 v54, v53;
	v53 =	vld [tilespmem:$0x5150]  }
0x1ff: {  	v54 =	vld [tilespmem:$0x5650];
	[tilespmem:$0x5010] =	vst v2;
	v2 =	vadd.f32 v39, v38  }
0x200: {  	[tilespmem:$0x5040] =	vst v40;
	v63 =	vld [tilespmem:$0x55D0]  }
0x201: {  	v31 =	vld [tilespmem:$0x55E0];
	[tilespmem:$0x5030] =	vst v2;
	v2 =	vadd.f32 v43, v42  }
0x202: {  	[tilespmem:$0x5060] =	vst v44;
	v35 =	vld [tilespmem:$0x55F0]  }
0x203: {  	v39 =	vld [tilespmem:$0x5600];
	[tilespmem:$0x5050] =	vst v2;
	v2 =	vadd.f32 v3, v46  }
0x204: {  	[tilespmem:$0x50A0] =	vst v49;
	v52 =	vadd.f32 v60, v59;
	v43 =	vld [tilespmem:$0x5610]  }
0x205: {  	v3 =	vld [tilespmem:$0x5620];
	[tilespmem:$0x5070] =	vst v2;
	v2 =	vadd.f32 v51, v50  }
0x206: {  	[tilespmem:$0x50C0] =	vst v52;
	v55 =	vadd.f32 v31, v29;
	v46 =	vadd.f32 v48, v47;
	v47 =	vld [tilespmem:$0x5130]  }
0x207: {  	v48 =	vld [tilespmem:$0x5630];
	[tilespmem:$0x5090] =	vst v2;
	v2 =	vadd.f32 v57, v56  }
0x208: {  	[tilespmem:$0x50E0] =	vst v55;
	v50 =	vld [tilespmem:$0x5140]  }
0x209: {  	v51 =	vld [tilespmem:$0x5640];
	[tilespmem:$0x50B0] =	vst v2;
	v2 =	vadd.f32 v63, v62  }
0x20a: {  	v58 =	vadd.f32 v39, v37;
	[tilespmem:$0x5080] =	vst v46;
	v56 =	vld [tilespmem:$0x5160]  }
0x20b: {  	v57 =	vld [tilespmem:$0x5660];
	[tilespmem:$0x50D0] =	vst v2;
	v2 =	vadd.f32 v35, v33  }
0x20c: {  	v59 =	vld [tilespmem:$0x5170];
	[tilespmem:$0x5100] =	vst v58;
	v3 =	vadd.f32 v3, v45  }
0x20d: {  	v62 =	vld [tilespmem:$0x5680];
	[tilespmem:$0x50F0] =	vst v2;
	v2 =	vadd.f32 v43, v41  }
0x20e: {  	v60 =	vld [tilespmem:$0x5670];
	[tilespmem:$0x5120] =	vst v3;
	v3 =	vadd.f32 v51, v50  }
0x20f: {  	[tilespmem:$0x5110] =	vst v2;
	v2 =	vadd.f32 v48, v47  }
0x210: {  	[tilespmem:$0x5140] =	vst v3;
	v3 =	vadd.f32 v57, v56  }
0x211: {  	[tilespmem:$0x5130] =	vst v2;
	v2 =	vadd.f32 v54, v53  }
0x212: {  	[tilespmem:$0x5160] =	vst v3;
	v3 =	vadd.f32 v62, v61  }
0x213: {  	[tilespmem:$0x5150] =	vst v2;
	v2 =	vadd.f32 v60, v59  }
0x214: {  	[tilespmem:$0x5180] =	vst v3  }
0x215: {  	[tilespmem:$0x5170] =	vst v2  }
0x216: {  	_ =	swait.ge [sflag:s23], $0x280  }
0x217: {  	[sflag:s23] =	ssyncset.done $0x0  }
0x218: {  	[sflag:s23] =	ssyncadd.s32 $0xFFFFFD80  }
0x219: {  	[tilespmem:s28], [sflag:$0x2] =	stream.linear.gather [spmem:s12], $0x280, $0x38;
	[tilespmem:$0x7E90] =	vst v63  }
0x21a: {  	v2 =	vld [tilespmem:$0x4F10]  }
0x21b: {  	v3 =	vld [tilespmem:$0x5190]  }
0x21c: {  	v4 =	vld [tilespmem:$0x4F20]  }
0x21d: {  	v5 =	vld [tilespmem:$0x51A0]  }
0x21e: {  	v6 =	vld [tilespmem:$0x4F30]  }
0x21f: {  	v7 =	vld [tilespmem:$0x51B0]  }
0x220: {  	v8 =	vld [tilespmem:$0x4F40]  }
0x221: {  	v63 =	vld [tilespmem:$0x51C0]  }
0x222: {  	v10 =	vld [tilespmem:$0x4F50]  }
0x223: {  	v11 =	vld [tilespmem:$0x51D0]  }
0x224: {  	v12 =	vld [tilespmem:$0x4F60]  }
0x225: {  	v13 =	vld [tilespmem:$0x51E0]  }
0x226: {  	v14 =	vld [tilespmem:$0x4F70]  }
0x227: {  	v15 =	vld [tilespmem:$0x51F0]  }
0x228: {  	v16 =	vld [tilespmem:$0x4F80]  }
0x229: {  	v17 =	vld [tilespmem:$0x5200]  }
0x22a: {  	v18 =	vld [tilespmem:$0x4F90]  }
0x22b: {  	v48 =	vld [tilespmem:$0x5210]  }
0x22c: {  	v49 =	vld [tilespmem:$0x4FA0]  }
0x22d: {  	v50 =	vld [tilespmem:$0x5220]  }
0x22e: {  	v22 =	vld [tilespmem:$0x4FB0]  }
0x22f: {  	v51 =	vld [tilespmem:$0x5230]  }
0x230: {  	v52 =	vld [tilespmem:$0x4FC0]  }
0x231: {  	v53 =	vld [tilespmem:$0x5240]  }
0x232: {  	v26 =	vld [tilespmem:$0x4FD0]  }
0x233: {  	v54 =	vld [tilespmem:$0x5250]  }
0x234: {  	v55 =	vld [tilespmem:$0x4FE0]  }
0x235: {  	v56 =	vld [tilespmem:$0x5260]  }
0x236: {  	v30 =	vld [tilespmem:$0x4FF0]  }
0x237: {  	v57 =	vld [tilespmem:$0x5270]  }
0x238: {  	v58 =	vld [tilespmem:$0x5000]  }
0x239: {  	v59 =	vld [tilespmem:$0x5280]  }
0x23a: {  	v34 =	vld [tilespmem:$0x5010]  }
0x23b: {  	v60 =	vld [tilespmem:$0x5290]  }
0x23c: {  	v61 =	vld [tilespmem:$0x5020]  }
0x23d: {  	v62 =	vld [tilespmem:$0x52A0]  }
0x23e: {  	v38 =	vld [tilespmem:$0x5030]  }
0x23f: {  	v39 =	vld [tilespmem:$0x52B0]  }
0x240: {  	v40 =	vld [tilespmem:$0x5040]  }
0x241: {  	v41 =	vld [tilespmem:$0x52C0]  }
0x242: {  	v42 =	vld [tilespmem:$0x5050]  }
0x243: {  	v43 =	vld [tilespmem:$0x52D0]  }
0x244: {  	v44 =	vld [tilespmem:$0x5060]  }
0x245: {  	v45 =	vld [tilespmem:$0x52E0]  }
0x246: {  	v46 =	vld [tilespmem:$0x5070]  }
0x247: {  	v9 =	vld [tilespmem:$0x50A0];
	v2 =	vadd.f32 v3, v2  }
0x248: {  	v47 =	vld [tilespmem:$0x50B0];
	v4 =	vadd.f32 v5, v4  }
0x249: {  	v29 =	vld [tilespmem:$0x5110];
	v63 =	vadd.f32 v63, v8;
	[tilespmem:$0x4F10] =	vst v2  }
0x24a: {  	v32 =	vld [tilespmem:$0x5120];
	v2 =	vadd.f32 v7, v6;
	[tilespmem:$0x4F20] =	vst v4  }
0x24b: {  	v35 =	vld [tilespmem:$0x53B0];
	v13 =	vadd.f32 v13, v12;
	[tilespmem:$0x4F40] =	vst v63  }
0x24c: {  	v37 =	vld [tilespmem:$0x5140];
	[tilespmem:$0x4F30] =	vst v2;
	v2 =	vadd.f32 v11, v10  }
0x24d: {  	v3 =	vld [tilespmem:$0x52F0];
	v17 =	vadd.f32 v17, v16;
	[tilespmem:$0x4F60] =	vst v13  }
0x24e: {  	v5 =	vld [tilespmem:$0x5080];
	[tilespmem:$0x4F50] =	vst v2;
	v2 =	vadd.f32 v15, v14  }
0x24f: {  	v8 =	vld [tilespmem:$0x5310];
	v49 =	vadd.f32 v50, v49;
	[tilespmem:$0x4F80] =	vst v17  }
0x250: {  	v50 =	vld [tilespmem:$0x50C0];
	[tilespmem:$0x4F70] =	vst v2;
	v2 =	vadd.f32 v48, v18  }
0x251: {  	v52 =	vadd.f32 v53, v52;
	v53 =	vld [tilespmem:$0x50D0];
	[tilespmem:$0x4FA0] =	vst v49  }
0x252: {  	v55 =	vadd.f32 v56, v55;
	v56 =	vld [tilespmem:$0x50E0];
	[tilespmem:$0x4F90] =	vst v2;
	v2 =	vadd.f32 v51, v22  }
0x253: {  	v58 =	vadd.f32 v59, v58;
	v59 =	vld [tilespmem:$0x50F0];
	[tilespmem:$0x4FC0] =	vst v52  }
0x254: {  	v61 =	vadd.f32 v62, v61;
	v62 =	vld [tilespmem:$0x5100];
	[tilespmem:$0x4FB0] =	vst v2;
	v2 =	vadd.f32 v54, v26  }
0x255: {  	v28 =	vadd.f32 v41, v40;
	v40 =	vld [tilespmem:$0x5150];
	[tilespmem:$0x4FE0] =	vst v55  }
0x256: {  	v41 =	vld [tilespmem:$0x53D0];
	[tilespmem:$0x4FD0] =	vst v2;
	v2 =	vadd.f32 v57, v30  }
0x257: {  	v31 =	vadd.f32 v45, v44;
	v44 =	vld [tilespmem:$0x53E0];
	[tilespmem:$0x5000] =	vst v58  }
0x258: {  	v6 =	vld [tilespmem:$0x5300];
	[tilespmem:$0x4FF0] =	vst v2;
	v2 =	vadd.f32 v60, v34  }
0x259: {  	v7 =	vld [tilespmem:$0x5090];
	[tilespmem:$0x5020] =	vst v61  }
0x25a: {  	v63 =	vld [tilespmem:$0x5380];
	[tilespmem:$0x5010] =	vst v2;
	v2 =	vadd.f32 v39, v38  }
0x25b: {  	[tilespmem:$0x5040] =	vst v28;
	v49 =	vld [tilespmem:$0x5400]  }
0x25c: {  	v10 =	vld [tilespmem:$0x5320];
	[tilespmem:$0x5030] =	vst v2;
	v2 =	vadd.f32 v43, v42  }
0x25d: {  	[tilespmem:$0x5060] =	vst v31;
	v33 =	vadd.f32 v6, v5;
	v48 =	vld [tilespmem:$0x5330]  }
0x25e: {  	v51 =	vld [tilespmem:$0x5340];
	[tilespmem:$0x5050] =	vst v2;
	v2 =	vadd.f32 v3, v46  }
0x25f: {  	v45 =	vadd.f32 v63, v62;
	[tilespmem:$0x5080] =	vst v33;
	v54 =	vld [tilespmem:$0x5350]  }
0x260: {  	v57 =	vld [tilespmem:$0x5360];
	[tilespmem:$0x5070] =	vst v2;
	v2 =	vadd.f32 v8, v7  }
0x261: {  	v36 =	vadd.f32 v10, v9;
	[tilespmem:$0x5100] =	vst v45;
	v60 =	vld [tilespmem:$0x5370]  }
0x262: {  	v3 =	vld [tilespmem:$0x53A0];
	[tilespmem:$0x5090] =	vst v2;
	v2 =	vadd.f32 v48, v47  }
0x263: {  	[tilespmem:$0x50A0] =	vst v36;
	v30 =	vld [tilespmem:$0x5390];
	v39 =	vadd.f32 v51, v50  }
0x264: {  	v38 =	vld [tilespmem:$0x53C0];
	[tilespmem:$0x50B0] =	vst v2;
	v2 =	vadd.f32 v54, v53  }
0x265: {  	v34 =	vld [tilespmem:$0x5130];
	[tilespmem:$0x50C0] =	vst v39;
	v42 =	vadd.f32 v57, v56  }
0x266: {  	v43 =	vld [tilespmem:$0x5160];
	[tilespmem:$0x50D0] =	vst v2;
	v2 =	vadd.f32 v60, v59  }
0x267: {  	[tilespmem:$0x50E0] =	vst v42;
	v46 =	vld [tilespmem:$0x5170];
	v3 =	vadd.f32 v3, v32  }
0x268: {  	v48 =	vld [tilespmem:$0x5180];
	[tilespmem:$0x50F0] =	vst v2;
	v2 =	vadd.f32 v30, v29  }
0x269: {  	v47 =	vld [tilespmem:$0x53F0];
	[tilespmem:$0x5120] =	vst v3;
	v3 =	vadd.f32 v38, v37  }
0x26a: {  	[tilespmem:$0x5110] =	vst v2;
	v2 =	vadd.f32 v35, v34  }
0x26b: {  	[tilespmem:$0x5140] =	vst v3;
	v3 =	vadd.f32 v44, v43  }
0x26c: {  	[tilespmem:$0x5130] =	vst v2;
	v2 =	vadd.f32 v41, v40  }
0x26d: {  	[tilespmem:$0x5160] =	vst v3;
	v3 =	vadd.f32 v49, v48  }
0x26e: {  	[tilespmem:$0x5150] =	vst v2;
	v2 =	vadd.f32 v47, v46  }
0x26f: {  	[tilespmem:$0x5180] =	vst v3  }
0x270: {  	[tilespmem:$0x5170] =	vst v2  }
0x271: {  	_ =	swait.ge [sflag:s29], $0x280  }
0x272: {  	[sflag:s29] =	ssyncset.done $0x0  }
0x273: {  	[sflag:s29] =	ssyncadd.s32 $0xFFFFFD80  }
0x274: {  	[tilespmem:s30], [sflag:$0x1] =	stream.linear.gather [spmem:s13], $0x280, $0x38;
	[tilespmem:$0x7E90] =	vst v63  }
0x275: {  	v2 =	vld [tilespmem:$0x4F10]  }
0x276: {  	v3 =	vld [tilespmem:$0x5410]  }
0x277: {  	v4 =	vld [tilespmem:$0x4F20]  }
0x278: {  	v50 =	vld [tilespmem:$0x5420]  }
0x279: {  	v6 =	vld [tilespmem:$0x4F30]  }
0x27a: {  	v51 =	vld [tilespmem:$0x5430]  }
0x27b: {  	v52 =	vld [tilespmem:$0x4F40]  }
0x27c: {  	v53 =	vld [tilespmem:$0x5440]  }
0x27d: {  	v10 =	vld [tilespmem:$0x4F50]  }
0x27e: {  	v54 =	vld [tilespmem:$0x5450]  }
0x27f: {  	v55 =	vld [tilespmem:$0x4F60]  }
0x280: {  	v56 =	vld [tilespmem:$0x5460]  }
0x281: {  	v14 =	vld [tilespmem:$0x4F70]  }
0x282: {  	v57 =	vld [tilespmem:$0x5470]  }
0x283: {  	v58 =	vld [tilespmem:$0x4F80]  }
0x284: {  	v59 =	vld [tilespmem:$0x5480]  }
0x285: {  	v18 =	vld [tilespmem:$0x4F90]  }
0x286: {  	v60 =	vld [tilespmem:$0x5490]  }
0x287: {  	v61 =	vld [tilespmem:$0x4FA0]  }
0x288: {  	v62 =	vld [tilespmem:$0x54A0]  }
0x289: {  	v22 =	vld [tilespmem:$0x4FB0]  }
0x28a: {  	v63 =	vld [tilespmem:$0x54B0]  }
0x28b: {  	v24 =	vld [tilespmem:$0x4FC0]  }
0x28c: {  	v25 =	vld [tilespmem:$0x54C0]  }
0x28d: {  	v26 =	vld [tilespmem:$0x4FD0]  }
0x28e: {  	v27 =	vld [tilespmem:$0x54D0]  }
0x28f: {  	v28 =	vld [tilespmem:$0x4FE0]  }
0x290: {  	v29 =	vld [tilespmem:$0x54E0]  }
0x291: {  	v30 =	vld [tilespmem:$0x4FF0]  }
0x292: {  	v31 =	vld [tilespmem:$0x54F0]  }
0x293: {  	v32 =	vld [tilespmem:$0x5000]  }
0x294: {  	v33 =	vld [tilespmem:$0x5500]  }
0x295: {  	v34 =	vld [tilespmem:$0x5010]  }
0x296: {  	v35 =	vld [tilespmem:$0x5510]  }
0x297: {  	v44 =	vld [tilespmem:$0x5020]  }
0x298: {  	v45 =	vld [tilespmem:$0x5520]  }
0x299: {  	v46 =	vld [tilespmem:$0x5030]  }
0x29a: {  	v47 =	vld [tilespmem:$0x5530]  }
0x29b: {  	v48 =	vld [tilespmem:$0x5040]  }
0x29c: {  	v49 =	vld [tilespmem:$0x5540]  }
0x29d: {  	v37 =	vld [tilespmem:$0x55D0];
	v2 =	vadd.f32 v3, v2  }
0x29e: {  	v38 =	vld [tilespmem:$0x50E0];
	v4 =	vadd.f32 v50, v4  }
0x29f: {  	v40 =	vld [tilespmem:$0x55E0];
	[tilespmem:$0x4F10] =	vst v2;
	v2 =	vadd.f32 v51, v6  }
0x2a0: {  	v42 =	vld [tilespmem:$0x55F0];
	v52 =	vadd.f32 v53, v52;
	[tilespmem:$0x4F20] =	vst v4  }
0x2a1: {  	v43 =	vld [tilespmem:$0x5100];
	[tilespmem:$0x4F30] =	vst v2;
	v2 =	vadd.f32 v54, v10  }
0x2a2: {  	v3 =	vld [tilespmem:$0x5050];
	v55 =	vadd.f32 v56, v55;
	[tilespmem:$0x4F40] =	vst v52  }
0x2a3: {  	v50 =	vld [tilespmem:$0x5550];
	[tilespmem:$0x4F50] =	vst v2;
	v2 =	vadd.f32 v57, v14  }
0x2a4: {  	v53 =	vld [tilespmem:$0x5560];
	v58 =	vadd.f32 v59, v58;
	[tilespmem:$0x4F60] =	vst v55  }
0x2a5: {  	v56 =	vld [tilespmem:$0x5570];
	[tilespmem:$0x4F70] =	vst v2;
	v2 =	vadd.f32 v60, v18  }
0x2a6: {  	v59 =	vld [tilespmem:$0x5580];
	v61 =	vadd.f32 v62, v61;
	[tilespmem:$0x4F80] =	vst v58  }
0x2a7: {  	v62 =	vld [tilespmem:$0x5590];
	[tilespmem:$0x4F90] =	vst v2;
	v2 =	vadd.f32 v63, v22  }
0x2a8: {  	v24 =	vadd.f32 v25, v24;
	v25 =	vld [tilespmem:$0x55A0];
	[tilespmem:$0x4FA0] =	vst v61  }
0x2a9: {  	v28 =	vadd.f32 v29, v28;
	v29 =	vld [tilespmem:$0x55B0];
	[tilespmem:$0x4FB0] =	vst v2;
	v2 =	vadd.f32 v27, v26  }
0x2aa: {  	v32 =	vadd.f32 v33, v32;
	v33 =	vld [tilespmem:$0x55C0];
	[tilespmem:$0x4FC0] =	vst v24  }
0x2ab: {  	v36 =	vadd.f32 v45, v44;
	v45 =	vld [tilespmem:$0x5600];
	[tilespmem:$0x4FD0] =	vst v2;
	v2 =	vadd.f32 v31, v30  }
0x2ac: {  	v39 =	vadd.f32 v49, v48;
	v48 =	vld [tilespmem:$0x5610];
	[tilespmem:$0x4FE0] =	vst v28  }
0x2ad: {  	v51 =	vld [tilespmem:$0x5060];
	[tilespmem:$0x4FF0] =	vst v2;
	v2 =	vadd.f32 v35, v34  }
0x2ae: {  	[tilespmem:$0x5000] =	vst v32;
	v54 =	vld [tilespmem:$0x5070]  }
0x2af: {  	v49 =	vld [tilespmem:$0x5120];
	[tilespmem:$0x5010] =	vst v2;
	v2 =	vadd.f32 v47, v46  }
0x2b0: {  	[tilespmem:$0x5020] =	vst v36;
	v60 =	vld [tilespmem:$0x5090]  }
0x2b1: {  	v57 =	vld [tilespmem:$0x5080];
	[tilespmem:$0x5030] =	vst v2;
	v2 =	vadd.f32 v50, v3  }
0x2b2: {  	[tilespmem:$0x5040] =	vst v39;
	v41 =	vadd.f32 v53, v51;
	v27 =	vld [tilespmem:$0x50B0]  }
0x2b3: {  	v63 =	vld [tilespmem:$0x50A0];
	[tilespmem:$0x5050] =	vst v2;
	v2 =	vadd.f32 v56, v54  }
0x2b4: {  	v53 =	vadd.f32 v40, v38;
	[tilespmem:$0x5060] =	vst v41;
	v35 =	vld [tilespmem:$0x50D0]  }
0x2b5: {  	v31 =	vld [tilespmem:$0x50C0];
	[tilespmem:$0x5070] =	vst v2;
	v2 =	vadd.f32 v62, v60  }
0x2b6: {  	[tilespmem:$0x50E0] =	vst v53;
	v44 =	vadd.f32 v59, v57;
	v3 =	vld [tilespmem:$0x50F0]  }
0x2b7: {  	v52 =	vld [tilespmem:$0x5130];
	[tilespmem:$0x5090] =	vst v2;
	v2 =	vadd.f32 v29, v27  }
0x2b8: {  	[tilespmem:$0x5080] =	vst v44;
	v46 =	vld [tilespmem:$0x5110];
	v47 =	vadd.f32 v25, v63  }
0x2b9: {  	v51 =	vld [tilespmem:$0x5620];
	[tilespmem:$0x50B0] =	vst v2;
	v2 =	vadd.f32 v37, v35  }
0x2ba: {  	[tilespmem:$0x50A0] =	vst v47;
	v50 =	vadd.f32 v33, v31;
	v54 =	vld [tilespmem:$0x5630]  }
0x2bb: {  	[tilespmem:$0x50D0] =	vst v2;
	v2 =	vadd.f32 v42, v3  }
0x2bc: {  	[tilespmem:$0x50C0] =	vst v50;
	v3 =	vadd.f32 v45, v43  }
0x2bd: {  	[tilespmem:$0x50F0] =	vst v2;
	v2 =	vadd.f32 v48, v46  }
0x2be: {  	[tilespmem:$0x5100] =	vst v3;
	v3 =	vadd.f32 v51, v49  }
0x2bf: {  	[tilespmem:$0x5110] =	vst v2;
	v2 =	vadd.f32 v54, v52  }
0x2c0: {  	[tilespmem:$0x5120] =	vst v3  }
0x2c1: {  	[tilespmem:$0x5130] =	vst v2;
	v2 =	vld [tilespmem:$0x5140]  }
0x2c2: {  	v3 =	vld [tilespmem:$0x5640]  }
0x2c3: {  	v55 =	vld [tilespmem:$0x5150]  }
0x2c4: {  	v56 =	vld [tilespmem:$0x5650]  }
0x2c5: {  	v57 =	vld [tilespmem:$0x5160]  }
0x2c6: {  	v58 =	vld [tilespmem:$0x5660]  }
0x2c7: {  	v59 =	vld [tilespmem:$0x5170]  }
0x2c8: {  	v60 =	vld [tilespmem:$0x5670]  }
0x2c9: {  	v61 =	vld [tilespmem:$0x5180]  }
0x2ca: {  	v62 =	vld [tilespmem:$0x5680]  }
0x2cb: {  	v2 =	vadd.f32 v3, v2  }
0x2cc: {  	v3 =	vadd.f32 v56, v55  }
0x2cd: {  	[tilespmem:$0x5140] =	vst v2;
	v2 =	vadd.f32 v58, v57  }
0x2ce: {  	[tilespmem:$0x5150] =	vst v3;
	v3 =	vadd.f32 v60, v59  }
0x2cf: {  	[tilespmem:$0x5160] =	vst v2;
	v2 =	vadd.f32 v62, v61  }
0x2d0: {  	[tilespmem:$0x5170] =	vst v3  }
0x2d1: {  	[tilespmem:$0x5180] =	vst v2  }
0x2d2: {  	_ =	swait.ge [sflag:s23], $0x280  }
0x2d3: {  	[sflag:s23] =	ssyncset.done $0x0  }
0x2d4: {  	[sflag:s23] =	ssyncadd.s32 $0xFFFFFD80  }
0x2d5: {  	[tilespmem:s28], [sflag:$0x2] =	stream.linear.gather [spmem:s14], $0x280, $0x38;
	[tilespmem:$0x7E90] =	vst v63  }
0x2d6: {  	v2 =	vld [tilespmem:$0x4F10]  }
0x2d7: {  	v3 =	vld [tilespmem:$0x5190]  }
0x2d8: {  	v4 =	vld [tilespmem:$0x4F20]  }
0x2d9: {  	v5 =	vld [tilespmem:$0x51A0]  }
0x2da: {  	v6 =	vld [tilespmem:$0x4F30]  }
0x2db: {  	v7 =	vld [tilespmem:$0x51B0]  }
0x2dc: {  	v8 =	vld [tilespmem:$0x4F40]  }
0x2dd: {  	v63 =	vld [tilespmem:$0x51C0]  }
0x2de: {  	v10 =	vld [tilespmem:$0x4F50]  }
0x2df: {  	v11 =	vld [tilespmem:$0x51D0]  }
0x2e0: {  	v12 =	vld [tilespmem:$0x4F60]  }
0x2e1: {  	v13 =	vld [tilespmem:$0x51E0]  }
0x2e2: {  	v14 =	vld [tilespmem:$0x4F70]  }
0x2e3: {  	v15 =	vld [tilespmem:$0x51F0]  }
0x2e4: {  	v16 =	vld [tilespmem:$0x4F80]  }
0x2e5: {  	v17 =	vld [tilespmem:$0x5200]  }
0x2e6: {  	v18 =	vld [tilespmem:$0x4F90]  }
0x2e7: {  	v19 =	vld [tilespmem:$0x5210]  }
0x2e8: {  	v20 =	vld [tilespmem:$0x4FA0]  }
0x2e9: {  	v48 =	vld [tilespmem:$0x5220]  }
0x2ea: {  	v22 =	vld [tilespmem:$0x4FB0]  }
0x2eb: {  	v49 =	vld [tilespmem:$0x5230]  }
0x2ec: {  	v50 =	vld [tilespmem:$0x4FC0]  }
0x2ed: {  	v51 =	vld [tilespmem:$0x5240]  }
0x2ee: {  	v26 =	vld [tilespmem:$0x4FD0]  }
0x2ef: {  	v52 =	vld [tilespmem:$0x5250]  }
0x2f0: {  	v53 =	vld [tilespmem:$0x4FE0]  }
0x2f1: {  	v54 =	vld [tilespmem:$0x5260]  }
0x2f2: {  	v30 =	vld [tilespmem:$0x4FF0]  }
0x2f3: {  	v55 =	vld [tilespmem:$0x5270]  }
0x2f4: {  	v56 =	vld [tilespmem:$0x5000]  }
0x2f5: {  	v57 =	vld [tilespmem:$0x5280]  }
0x2f6: {  	v34 =	vld [tilespmem:$0x5010]  }
0x2f7: {  	v58 =	vld [tilespmem:$0x5290]  }
0x2f8: {  	v59 =	vld [tilespmem:$0x5020]  }
0x2f9: {  	v60 =	vld [tilespmem:$0x52A0]  }
0x2fa: {  	v38 =	vld [tilespmem:$0x5030]  }
0x2fb: {  	v61 =	vld [tilespmem:$0x52B0]  }
0x2fc: {  	v40 =	vld [tilespmem:$0x5040]  }
0x2fd: {  	v62 =	vld [tilespmem:$0x52C0]  }
0x2fe: {  	v42 =	vld [tilespmem:$0x5050]  }
0x2ff: {  	v43 =	vld [tilespmem:$0x52D0]  }
0x300: {  	v44 =	vld [tilespmem:$0x5060]  }
0x301: {  	v45 =	vld [tilespmem:$0x52E0]  }
0x302: {  	v46 =	vld [tilespmem:$0x5070]  }
0x303: {  	v9 =	vld [tilespmem:$0x50A0];
	v2 =	vadd.f32 v3, v2  }
0x304: {  	v28 =	vld [tilespmem:$0x5390];
	v4 =	vadd.f32 v5, v4  }
0x305: {  	v32 =	vld [tilespmem:$0x5130];
	v63 =	vadd.f32 v63, v8;
	[tilespmem:$0x4F10] =	vst v2  }
0x306: {  	v33 =	vld [tilespmem:$0x53B0];
	v2 =	vadd.f32 v7, v6;
	[tilespmem:$0x4F20] =	vst v4  }
0x307: {  	v35 =	vld [tilespmem:$0x5140];
	v13 =	vadd.f32 v13, v12;
	[tilespmem:$0x4F40] =	vst v63  }
0x308: {  	v36 =	vld [tilespmem:$0x53C0];
	[tilespmem:$0x4F30] =	vst v2;
	v2 =	vadd.f32 v11, v10  }
0x309: {  	v39 =	vld [tilespmem:$0x53D0];
	v17 =	vadd.f32 v17, v16;
	[tilespmem:$0x4F60] =	vst v13  }
0x30a: {  	v41 =	vld [tilespmem:$0x5160];
	[tilespmem:$0x4F50] =	vst v2;
	v2 =	vadd.f32 v15, v14  }
0x30b: {  	v3 =	vld [tilespmem:$0x52F0];
	v47 =	vadd.f32 v48, v20;
	[tilespmem:$0x4F80] =	vst v17  }
0x30c: {  	v5 =	vld [tilespmem:$0x5080];
	[tilespmem:$0x4F70] =	vst v2;
	v2 =	vadd.f32 v19, v18  }
0x30d: {  	v8 =	vld [tilespmem:$0x5310];
	v50 =	vadd.f32 v51, v50;
	[tilespmem:$0x4FA0] =	vst v47  }
0x30e: {  	v12 =	vld [tilespmem:$0x5330];
	[tilespmem:$0x4F90] =	vst v2;
	v2 =	vadd.f32 v49, v22  }
0x30f: {  	v48 =	vld [tilespmem:$0x50C0];
	v53 =	vadd.f32 v54, v53;
	[tilespmem:$0x4FC0] =	vst v50  }
0x310: {  	v51 =	vld [tilespmem:$0x50D0];
	[tilespmem:$0x4FB0] =	vst v2;
	v2 =	vadd.f32 v52, v26  }
0x311: {  	v54 =	vld [tilespmem:$0x50E0];
	v56 =	vadd.f32 v57, v56;
	[tilespmem:$0x4FE0] =	vst v53  }
0x312: {  	v57 =	vld [tilespmem:$0x50F0];
	[tilespmem:$0x4FD0] =	vst v2;
	v2 =	vadd.f32 v55, v30  }
0x313: {  	v59 =	vadd.f32 v60, v59;
	v60 =	vld [tilespmem:$0x5100];
	[tilespmem:$0x5000] =	vst v56  }
0x314: {  	v6 =	vld [tilespmem:$0x5300];
	[tilespmem:$0x4FF0] =	vst v2;
	v2 =	vadd.f32 v58, v34  }
0x315: {  	v62 =	vadd.f32 v62, v40;
	v7 =	vld [tilespmem:$0x5090];
	[tilespmem:$0x5020] =	vst v59  }
0x316: {  	v49 =	vld [tilespmem:$0x5340];
	[tilespmem:$0x5010] =	vst v2;
	v2 =	vadd.f32 v61, v38  }
0x317: {  	v29 =	vadd.f32 v45, v44;
	[tilespmem:$0x5040] =	vst v62;
	v10 =	vld [tilespmem:$0x5320]  }
0x318: {  	v11 =	vld [tilespmem:$0x50B0];
	[tilespmem:$0x5030] =	vst v2;
	v2 =	vadd.f32 v43, v42  }
0x319: {  	[tilespmem:$0x5060] =	vst v29;
	v31 =	vadd.f32 v6, v5;
	v52 =	vld [tilespmem:$0x5350]  }
0x31a: {  	v55 =	vld [tilespmem:$0x5360];
	[tilespmem:$0x5050] =	vst v2;
	v2 =	vadd.f32 v3, v46  }
0x31b: {  	[tilespmem:$0x5080] =	vst v31;
	v30 =	vld [tilespmem:$0x5120];
	v37 =	vadd.f32 v49, v48  }
0x31c: {  	v61 =	vld [tilespmem:$0x5380];
	[tilespmem:$0x5070] =	vst v2;
	v2 =	vadd.f32 v8, v7  }
0x31d: {  	v58 =	vld [tilespmem:$0x5370];
	v34 =	vadd.f32 v10, v9;
	[tilespmem:$0x50C0] =	vst v37  }
0x31e: {  	v3 =	vld [tilespmem:$0x53A0];
	[tilespmem:$0x5090] =	vst v2;
	v2 =	vadd.f32 v12, v11  }
0x31f: {  	v63 =	vld [tilespmem:$0x5110];
	[tilespmem:$0x50A0] =	vst v34;
	v40 =	vadd.f32 v55, v54  }
0x320: {  	v44 =	vld [tilespmem:$0x5170];
	[tilespmem:$0x50B0] =	vst v2;
	v2 =	vadd.f32 v52, v51  }
0x321: {  	v47 =	vld [tilespmem:$0x5400];
	[tilespmem:$0x50E0] =	vst v40;
	v43 =	vadd.f32 v61, v60  }
0x322: {  	v42 =	vld [tilespmem:$0x53E0];
	[tilespmem:$0x50D0] =	vst v2;
	v2 =	vadd.f32 v58, v57  }
0x323: {  	v38 =	vld [tilespmem:$0x5150];
	[tilespmem:$0x5100] =	vst v43;
	v3 =	vadd.f32 v3, v30  }
0x324: {  	v46 =	vld [tilespmem:$0x5180];
	[tilespmem:$0x50F0] =	vst v2;
	v2 =	vadd.f32 v28, v63  }
0x325: {  	v45 =	vld [tilespmem:$0x53F0];
	[tilespmem:$0x5120] =	vst v3;
	v3 =	vadd.f32 v36, v35  }
0x326: {  	[tilespmem:$0x5110] =	vst v2;
	v2 =	vadd.f32 v33, v32  }
0x327: {  	[tilespmem:$0x5140] =	vst v3;
	v3 =	vadd.f32 v42, v41  }
0x328: {  	[tilespmem:$0x5130] =	vst v2;
	v2 =	vadd.f32 v39, v38  }
0x329: {  	[tilespmem:$0x5160] =	vst v3;
	v3 =	vadd.f32 v47, v46  }
0x32a: {  	[tilespmem:$0x5150] =	vst v2;
	v2 =	vadd.f32 v45, v44  }
0x32b: {  	[tilespmem:$0x5180] =	vst v3  }
0x32c: {  	[tilespmem:$0x5170] =	vst v2  }
0x32d: {  	_ =	swait.ge [sflag:s29], $0x280  }
0x32e: {  	[sflag:s29] =	ssyncset.done $0x0  }
0x32f: {  	[sflag:s29] =	ssyncadd.s32 $0xFFFFFD80  }
0x330: {  	[tilespmem:s30], [sflag:$0x1] =	stream.linear.gather [spmem:s15], $0x280, $0x38;
	[tilespmem:$0x7E90] =	vst v63  }
0x331: {  	v2 =	vld [tilespmem:$0x4F10]  }
0x332: {  	v3 =	vld [tilespmem:$0x5410]  }
0x333: {  	v4 =	vld [tilespmem:$0x4F20]  }
0x334: {  	v5 =	vld [tilespmem:$0x5420]  }
0x335: {  	v6 =	vld [tilespmem:$0x4F30]  }
0x336: {  	v48 =	vld [tilespmem:$0x5430]  }
0x337: {  	v49 =	vld [tilespmem:$0x4F40]  }
0x338: {  	v50 =	vld [tilespmem:$0x5440]  }
0x339: {  	v10 =	vld [tilespmem:$0x4F50]  }
0x33a: {  	v51 =	vld [tilespmem:$0x5450]  }
0x33b: {  	v52 =	vld [tilespmem:$0x4F60]  }
0x33c: {  	v53 =	vld [tilespmem:$0x5460]  }
0x33d: {  	v14 =	vld [tilespmem:$0x4F70]  }
0x33e: {  	v54 =	vld [tilespmem:$0x5470]  }
0x33f: {  	v55 =	vld [tilespmem:$0x4F80]  }
0x340: {  	v56 =	vld [tilespmem:$0x5480]  }
0x341: {  	v18 =	vld [tilespmem:$0x4F90]  }
0x342: {  	v57 =	vld [tilespmem:$0x5490]  }
0x343: {  	v58 =	vld [tilespmem:$0x4FA0]  }
0x344: {  	v59 =	vld [tilespmem:$0x54A0]  }
0x345: {  	v22 =	vld [tilespmem:$0x4FB0]  }
0x346: {  	v60 =	vld [tilespmem:$0x54B0]  }
0x347: {  	v61 =	vld [tilespmem:$0x4FC0]  }
0x348: {  	v62 =	vld [tilespmem:$0x54C0]  }
0x349: {  	v26 =	vld [tilespmem:$0x4FD0]  }
0x34a: {  	v63 =	vld [tilespmem:$0x54D0]  }
0x34b: {  	v28 =	vld [tilespmem:$0x4FE0]  }
0x34c: {  	v29 =	vld [tilespmem:$0x54E0]  }
0x34d: {  	v30 =	vld [tilespmem:$0x4FF0]  }
0x34e: {  	v31 =	vld [tilespmem:$0x54F0]  }
0x34f: {  	v32 =	vld [tilespmem:$0x5000]  }
0x350: {  	v33 =	vld [tilespmem:$0x5500]  }
0x351: {  	v34 =	vld [tilespmem:$0x5010]  }
0x352: {  	v35 =	vld [tilespmem:$0x5510]  }
0x353: {  	v36 =	vld [tilespmem:$0x5020]  }
0x354: {  	v37 =	vld [tilespmem:$0x5520]  }
0x355: {  	v38 =	vld [tilespmem:$0x5030]  }
0x356: {  	v39 =	vld [tilespmem:$0x5530]  }
0x357: {  	v40 =	vld [tilespmem:$0x5040]  }
0x358: {  	v41 =	vld [tilespmem:$0x5540]  }
0x359: {  	v42 =	vld [tilespmem:$0x5050]  }
0x35a: {  	v43 =	vld [tilespmem:$0x5550]  }
0x35b: {  	v44 =	vld [tilespmem:$0x5060]  }
0x35c: {  	v45 =	vld [tilespmem:$0x5560]  }
0x35d: {  	v46 =	vld [tilespmem:$0x5070]  }
0x35e: {  	v47 =	vld [tilespmem:$0x5080];
	v2 =	vadd.f32 v3, v2  }
0x35f: {  	v3 =	vld [tilespmem:$0x5570];
	v4 =	vadd.f32 v5, v4  }
0x360: {  	v49 =	vadd.f32 v50, v49;
	v50 =	vld [tilespmem:$0x5090];
	[tilespmem:$0x4F10] =	vst v2  }
0x361: {  	v52 =	vadd.f32 v53, v52;
	v53 =	vld [tilespmem:$0x50A0];
	v2 =	vadd.f32 v48, v6;
	[tilespmem:$0x4F20] =	vst v4  }
0x362: {  	v55 =	vadd.f32 v56, v55;
	v56 =	vld [tilespmem:$0x50B0];
	[tilespmem:$0x4F40] =	vst v49  }
0x363: {  	v58 =	vadd.f32 v59, v58;
	v59 =	vld [tilespmem:$0x50C0];
	[tilespmem:$0x4F30] =	vst v2;
	v2 =	vadd.f32 v51, v10  }
0x364: {  	v61 =	vadd.f32 v62, v61;
	v62 =	vld [tilespmem:$0x50D0];
	[tilespmem:$0x4F60] =	vst v52  }
0x365: {  	v28 =	vadd.f32 v29, v28;
	v29 =	vld [tilespmem:$0x50E0];
	[tilespmem:$0x4F50] =	vst v2;
	v2 =	vadd.f32 v54, v14  }
0x366: {  	v32 =	vadd.f32 v33, v32;
	v33 =	vld [tilespmem:$0x50F0];
	[tilespmem:$0x4F80] =	vst v55  }
0x367: {  	v36 =	vadd.f32 v37, v36;
	v37 =	vld [tilespmem:$0x5100];
	[tilespmem:$0x4F70] =	vst v2;
	v2 =	vadd.f32 v57, v18  }
0x368: {  	v40 =	vadd.f32 v41, v40;
	v41 =	vld [tilespmem:$0x5110];
	[tilespmem:$0x4FA0] =	vst v58  }
0x369: {  	v44 =	vadd.f32 v45, v44;
	v45 =	vld [tilespmem:$0x5120];
	[tilespmem:$0x4F90] =	vst v2;
	v2 =	vadd.f32 v60, v22  }
0x36a: {  	v48 =	vld [tilespmem:$0x5580];
	[tilespmem:$0x4FC0] =	vst v61  }
0x36b: {  	v54 =	vld [tilespmem:$0x55A0];
	[tilespmem:$0x4FB0] =	vst v2;
	v2 =	vadd.f32 v63, v26  }
0x36c: {  	[tilespmem:$0x4FE0] =	vst v28;
	v61 =	vld [tilespmem:$0x5180]  }
0x36d: {  	v51 =	vld [tilespmem:$0x5590];
	[tilespmem:$0x4FD0] =	vst v2;
	v2 =	vadd.f32 v31, v30  }
0x36e: {  	[tilespmem:$0x5000] =	vst v32;
	v57 =	vld [tilespmem:$0x55B0]  }
0x36f: {  	v60 =	vld [tilespmem:$0x55C0];
	[tilespmem:$0x4FF0] =	vst v2;
	v2 =	vadd.f32 v35, v34  }
0x370: {  	[tilespmem:$0x5020] =	vst v36;
	v49 =	vadd.f32 v54, v53;
	v53 =	vld [tilespmem:$0x5150]  }
0x371: {  	v54 =	vld [tilespmem:$0x5650];
	[tilespmem:$0x5010] =	vst v2;
	v2 =	vadd.f32 v39, v38  }
0x372: {  	[tilespmem:$0x5040] =	vst v40;
	v63 =	vld [tilespmem:$0x55D0]  }
0x373: {  	v31 =	vld [tilespmem:$0x55E0];
	[tilespmem:$0x5030] =	vst v2;
	v2 =	vadd.f32 v43, v42  }
0x374: {  	[tilespmem:$0x5060] =	vst v44;
	v35 =	vld [tilespmem:$0x55F0]  }
0x375: {  	v39 =	vld [tilespmem:$0x5600];
	[tilespmem:$0x5050] =	vst v2;
	v2 =	vadd.f32 v3, v46  }
0x376: {  	[tilespmem:$0x50A0] =	vst v49;
	v52 =	vadd.f32 v60, v59;
	v43 =	vld [tilespmem:$0x5610]  }
0x377: {  	v3 =	vld [tilespmem:$0x5620];
	[tilespmem:$0x5070] =	vst v2;
	v2 =	vadd.f32 v51, v50  }
0x378: {  	[tilespmem:$0x50C0] =	vst v52;
	v55 =	vadd.f32 v31, v29;
	v46 =	vadd.f32 v48, v47;
	v47 =	vld [tilespmem:$0x5130]  }
0x379: {  	v48 =	vld [tilespmem:$0x5630];
	[tilespmem:$0x5090] =	vst v2;
	v2 =	vadd.f32 v57, v56  }
0x37a: {  	[tilespmem:$0x50E0] =	vst v55;
	v50 =	vld [tilespmem:$0x5140]  }
0x37b: {  	v51 =	vld [tilespmem:$0x5640];
	[tilespmem:$0x50B0] =	vst v2;
	v2 =	vadd.f32 v63, v62  }
0x37c: {  	v58 =	vadd.f32 v39, v37;
	[tilespmem:$0x5080] =	vst v46;
	v56 =	vld [tilespmem:$0x5160]  }
0x37d: {  	v57 =	vld [tilespmem:$0x5660];
	[tilespmem:$0x50D0] =	vst v2;
	v2 =	vadd.f32 v35, v33  }
0x37e: {  	v59 =	vld [tilespmem:$0x5170];
	[tilespmem:$0x5100] =	vst v58;
	v3 =	vadd.f32 v3, v45  }
0x37f: {  	v62 =	vld [tilespmem:$0x5680];
	[tilespmem:$0x50F0] =	vst v2;
	v2 =	vadd.f32 v43, v41  }
0x380: {  	v60 =	vld [tilespmem:$0x5670];
	[tilespmem:$0x5120] =	vst v3;
	v3 =	vadd.f32 v51, v50  }
0x381: {  	[tilespmem:$0x5110] =	vst v2;
	v2 =	vadd.f32 v48, v47  }
0x382: {  	[tilespmem:$0x5140] =	vst v3;
	v3 =	vadd.f32 v57, v56  }
0x383: {  	[tilespmem:$0x5130] =	vst v2;
	v2 =	vadd.f32 v54, v53  }
0x384: {  	[tilespmem:$0x5160] =	vst v3;
	v3 =	vadd.f32 v62, v61  }
0x385: {  	[tilespmem:$0x5150] =	vst v2;
	v2 =	vadd.f32 v60, v59  }
0x386: {  	[tilespmem:$0x5180] =	vst v3  }
0x387: {  	[tilespmem:$0x5170] =	vst v2  }
0x388: {  	_ =	swait.ge [sflag:s23], $0x280  }
0x389: {  	[sflag:s23] =	ssyncset.done $0x0  }
0x38a: {  	[sflag:s23] =	ssyncadd.s32 $0xFFFFFD80  }
0x38b: {  	[tilespmem:s28], [sflag:$0x2] =	stream.linear.gather [spmem:s16], $0x280, $0x38;
	[tilespmem:$0x7E90] =	vst v63  }
0x38c: {  	v2 =	vld [tilespmem:$0x4F10]  }
0x38d: {  	v3 =	vld [tilespmem:$0x5190]  }
0x38e: {  	v4 =	vld [tilespmem:$0x4F20]  }
0x38f: {  	v5 =	vld [tilespmem:$0x51A0]  }
0x390: {  	v6 =	vld [tilespmem:$0x4F30]  }
0x391: {  	v7 =	vld [tilespmem:$0x51B0]  }
0x392: {  	v8 =	vld [tilespmem:$0x4F40]  }
0x393: {  	v63 =	vld [tilespmem:$0x51C0]  }
0x394: {  	v10 =	vld [tilespmem:$0x4F50]  }
0x395: {  	v11 =	vld [tilespmem:$0x51D0]  }
0x396: {  	v12 =	vld [tilespmem:$0x4F60]  }
0x397: {  	v13 =	vld [tilespmem:$0x51E0]  }
0x398: {  	v14 =	vld [tilespmem:$0x4F70]  }
0x399: {  	v15 =	vld [tilespmem:$0x51F0]  }
0x39a: {  	v16 =	vld [tilespmem:$0x4F80]  }
0x39b: {  	v17 =	vld [tilespmem:$0x5200]  }
0x39c: {  	v18 =	vld [tilespmem:$0x4F90]  }
0x39d: {  	v48 =	vld [tilespmem:$0x5210]  }
0x39e: {  	v49 =	vld [tilespmem:$0x4FA0]  }
0x39f: {  	v50 =	vld [tilespmem:$0x5220]  }
0x3a0: {  	v22 =	vld [tilespmem:$0x4FB0]  }
0x3a1: {  	v51 =	vld [tilespmem:$0x5230]  }
0x3a2: {  	v52 =	vld [tilespmem:$0x4FC0]  }
0x3a3: {  	v53 =	vld [tilespmem:$0x5240]  }
0x3a4: {  	v26 =	vld [tilespmem:$0x4FD0]  }
0x3a5: {  	v54 =	vld [tilespmem:$0x5250]  }
0x3a6: {  	v55 =	vld [tilespmem:$0x4FE0]  }
0x3a7: {  	v56 =	vld [tilespmem:$0x5260]  }
0x3a8: {  	v30 =	vld [tilespmem:$0x4FF0]  }
0x3a9: {  	v57 =	vld [tilespmem:$0x5270]  }
0x3aa: {  	v58 =	vld [tilespmem:$0x5000]  }
0x3ab: {  	v59 =	vld [tilespmem:$0x5280]  }
0x3ac: {  	v34 =	vld [tilespmem:$0x5010]  }
0x3ad: {  	v60 =	vld [tilespmem:$0x5290]  }
0x3ae: {  	v61 =	vld [tilespmem:$0x5020]  }
0x3af: {  	v62 =	vld [tilespmem:$0x52A0]  }
0x3b0: {  	v38 =	vld [tilespmem:$0x5030]  }
0x3b1: {  	v39 =	vld [tilespmem:$0x52B0]  }
0x3b2: {  	v40 =	vld [tilespmem:$0x5040]  }
0x3b3: {  	v41 =	vld [tilespmem:$0x52C0]  }
0x3b4: {  	v42 =	vld [tilespmem:$0x5050]  }
0x3b5: {  	v43 =	vld [tilespmem:$0x52D0]  }
0x3b6: {  	v44 =	vld [tilespmem:$0x5060]  }
0x3b7: {  	v45 =	vld [tilespmem:$0x52E0]  }
0x3b8: {  	v46 =	vld [tilespmem:$0x5070]  }
0x3b9: {  	v9 =	vld [tilespmem:$0x50A0];
	v2 =	vadd.f32 v3, v2  }
0x3ba: {  	v47 =	vld [tilespmem:$0x50B0];
	v4 =	vadd.f32 v5, v4  }
0x3bb: {  	v29 =	vld [tilespmem:$0x5110];
	v63 =	vadd.f32 v63, v8;
	[tilespmem:$0x4F10] =	vst v2  }
0x3bc: {  	v32 =	vld [tilespmem:$0x5120];
	v2 =	vadd.f32 v7, v6;
	[tilespmem:$0x4F20] =	vst v4  }
0x3bd: {  	v35 =	vld [tilespmem:$0x53B0];
	v13 =	vadd.f32 v13, v12;
	[tilespmem:$0x4F40] =	vst v63  }
0x3be: {  	v37 =	vld [tilespmem:$0x5140];
	[tilespmem:$0x4F30] =	vst v2;
	v2 =	vadd.f32 v11, v10  }
0x3bf: {  	v3 =	vld [tilespmem:$0x52F0];
	v17 =	vadd.f32 v17, v16;
	[tilespmem:$0x4F60] =	vst v13  }
0x3c0: {  	v5 =	vld [tilespmem:$0x5080];
	[tilespmem:$0x4F50] =	vst v2;
	v2 =	vadd.f32 v15, v14  }
0x3c1: {  	v8 =	vld [tilespmem:$0x5310];
	v49 =	vadd.f32 v50, v49;
	[tilespmem:$0x4F80] =	vst v17  }
0x3c2: {  	v50 =	vld [tilespmem:$0x50C0];
	[tilespmem:$0x4F70] =	vst v2;
	v2 =	vadd.f32 v48, v18  }
0x3c3: {  	v52 =	vadd.f32 v53, v52;
	v53 =	vld [tilespmem:$0x50D0];
	[tilespmem:$0x4FA0] =	vst v49  }
0x3c4: {  	v55 =	vadd.f32 v56, v55;
	v56 =	vld [tilespmem:$0x50E0];
	[tilespmem:$0x4F90] =	vst v2;
	v2 =	vadd.f32 v51, v22  }
0x3c5: {  	v58 =	vadd.f32 v59, v58;
	v59 =	vld [tilespmem:$0x50F0];
	[tilespmem:$0x4FC0] =	vst v52  }
0x3c6: {  	v61 =	vadd.f32 v62, v61;
	v62 =	vld [tilespmem:$0x5100];
	[tilespmem:$0x4FB0] =	vst v2;
	v2 =	vadd.f32 v54, v26  }
0x3c7: {  	v28 =	vadd.f32 v41, v40;
	v40 =	vld [tilespmem:$0x5150];
	[tilespmem:$0x4FE0] =	vst v55  }
0x3c8: {  	v41 =	vld [tilespmem:$0x53D0];
	[tilespmem:$0x4FD0] =	vst v2;
	v2 =	vadd.f32 v57, v30  }
0x3c9: {  	v31 =	vadd.f32 v45, v44;
	v44 =	vld [tilespmem:$0x53E0];
	[tilespmem:$0x5000] =	vst v58  }
0x3ca: {  	v6 =	vld [tilespmem:$0x5300];
	[tilespmem:$0x4FF0] =	vst v2;
	v2 =	vadd.f32 v60, v34  }
0x3cb: {  	v7 =	vld [tilespmem:$0x5090];
	[tilespmem:$0x5020] =	vst v61  }
0x3cc: {  	v63 =	vld [tilespmem:$0x5380];
	[tilespmem:$0x5010] =	vst v2;
	v2 =	vadd.f32 v39, v38  }
0x3cd: {  	[tilespmem:$0x5040] =	vst v28;
	v49 =	vld [tilespmem:$0x5400]  }
0x3ce: {  	v10 =	vld [tilespmem:$0x5320];
	[tilespmem:$0x5030] =	vst v2;
	v2 =	vadd.f32 v43, v42  }
0x3cf: {  	[tilespmem:$0x5060] =	vst v31;
	v33 =	vadd.f32 v6, v5;
	v48 =	vld [tilespmem:$0x5330]  }
0x3d0: {  	v51 =	vld [tilespmem:$0x5340];
	[tilespmem:$0x5050] =	vst v2;
	v2 =	vadd.f32 v3, v46  }
0x3d1: {  	v45 =	vadd.f32 v63, v62;
	[tilespmem:$0x5080] =	vst v33;
	v54 =	vld [tilespmem:$0x5350]  }
0x3d2: {  	v57 =	vld [tilespmem:$0x5360];
	[tilespmem:$0x5070] =	vst v2;
	v2 =	vadd.f32 v8, v7  }
0x3d3: {  	v36 =	vadd.f32 v10, v9;
	[tilespmem:$0x5100] =	vst v45;
	v60 =	vld [tilespmem:$0x5370]  }
0x3d4: {  	v3 =	vld [tilespmem:$0x53A0];
	[tilespmem:$0x5090] =	vst v2;
	v2 =	vadd.f32 v48, v47  }
0x3d5: {  	[tilespmem:$0x50A0] =	vst v36;
	v30 =	vld [tilespmem:$0x5390];
	v39 =	vadd.f32 v51, v50  }
0x3d6: {  	v38 =	vld [tilespmem:$0x53C0];
	[tilespmem:$0x50B0] =	vst v2;
	v2 =	vadd.f32 v54, v53  }
0x3d7: {  	v34 =	vld [tilespmem:$0x5130];
	[tilespmem:$0x50C0] =	vst v39;
	v42 =	vadd.f32 v57, v56  }
0x3d8: {  	v43 =	vld [tilespmem:$0x5160];
	[tilespmem:$0x50D0] =	vst v2;
	v2 =	vadd.f32 v60, v59  }
0x3d9: {  	[tilespmem:$0x50E0] =	vst v42;
	v46 =	vld [tilespmem:$0x5170];
	v3 =	vadd.f32 v3, v32  }
0x3da: {  	v48 =	vld [tilespmem:$0x5180];
	[tilespmem:$0x50F0] =	vst v2;
	v2 =	vadd.f32 v30, v29  }
0x3db: {  	v47 =	vld [tilespmem:$0x53F0];
	[tilespmem:$0x5120] =	vst v3;
	v3 =	vadd.f32 v38, v37  }
0x3dc: {  	[tilespmem:$0x5110] =	vst v2;
	v2 =	vadd.f32 v35, v34  }
0x3dd: {  	[tilespmem:$0x5140] =	vst v3;
	v3 =	vadd.f32 v44, v43  }
0x3de: {  	[tilespmem:$0x5130] =	vst v2;
	v2 =	vadd.f32 v41, v40  }
0x3df: {  	[tilespmem:$0x5160] =	vst v3;
	v3 =	vadd.f32 v49, v48  }
0x3e0: {  	[tilespmem:$0x5150] =	vst v2;
	v2 =	vadd.f32 v47, v46  }
0x3e1: {  	[tilespmem:$0x5180] =	vst v3  }
0x3e2: {  	[tilespmem:$0x5170] =	vst v2  }
0x3e3: {  	_ =	swait.ge [sflag:s29], $0x280  }
0x3e4: {  	[sflag:s29] =	ssyncset.done $0x0  }
0x3e5: {  	[sflag:s29] =	ssyncadd.s32 $0xFFFFFD80  }
0x3e6: {  	[tilespmem:s30], [sflag:$0x1] =	stream.linear.gather [spmem:s17], $0x280, $0x38;
	[tilespmem:$0x7E90] =	vst v63  }
0x3e7: {  	v2 =	vld [tilespmem:$0x4F10]  }
0x3e8: {  	v3 =	vld [tilespmem:$0x5410]  }
0x3e9: {  	v4 =	vld [tilespmem:$0x4F20]  }
0x3ea: {  	v5 =	vld [tilespmem:$0x5420]  }
0x3eb: {  	v6 =	vld [tilespmem:$0x4F30]  }
0x3ec: {  	v7 =	vld [tilespmem:$0x5430]  }
0x3ed: {  	v8 =	vld [tilespmem:$0x4F40]  }
0x3ee: {  	v50 =	vld [tilespmem:$0x5440]  }
0x3ef: {  	v10 =	vld [tilespmem:$0x4F50]  }
0x3f0: {  	v51 =	vld [tilespmem:$0x5450]  }
0x3f1: {  	v52 =	vld [tilespmem:$0x4F60]  }
0x3f2: {  	v53 =	vld [tilespmem:$0x5460]  }
0x3f3: {  	v14 =	vld [tilespmem:$0x4F70]  }
0x3f4: {  	v54 =	vld [tilespmem:$0x5470]  }
0x3f5: {  	v55 =	vld [tilespmem:$0x4F80]  }
0x3f6: {  	v56 =	vld [tilespmem:$0x5480]  }
0x3f7: {  	v18 =	vld [tilespmem:$0x4F90]  }
0x3f8: {  	v57 =	vld [tilespmem:$0x5490]  }
0x3f9: {  	v58 =	vld [tilespmem:$0x4FA0]  }
0x3fa: {  	v59 =	vld [tilespmem:$0x54A0]  }
0x3fb: {  	v22 =	vld [tilespmem:$0x4FB0]  }
0x3fc: {  	v60 =	vld [tilespmem:$0x54B0]  }
0x3fd: {  	v61 =	vld [tilespmem:$0x4FC0]  }
0x3fe: {  	v62 =	vld [tilespmem:$0x54C0]  }
0x3ff: {  	v26 =	vld [tilespmem:$0x4FD0]  }
0x400: {  	v63 =	vld [tilespmem:$0x54D0]  }
0x401: {  	v28 =	vld [tilespmem:$0x4FE0]  }
0x402: {  	v29 =	vld [tilespmem:$0x54E0]  }
0x403: {  	v30 =	vld [tilespmem:$0x4FF0]  }
0x404: {  	v31 =	vld [tilespmem:$0x54F0]  }
0x405: {  	v32 =	vld [tilespmem:$0x5000]  }
0x406: {  	v33 =	vld [tilespmem:$0x5500]  }
0x407: {  	v34 =	vld [tilespmem:$0x5010]  }
0x408: {  	v35 =	vld [tilespmem:$0x5510]  }
0x409: {  	v36 =	vld [tilespmem:$0x5020]  }
0x40a: {  	v37 =	vld [tilespmem:$0x5520]  }
0x40b: {  	v38 =	vld [tilespmem:$0x5030]  }
0x40c: {  	v39 =	vld [tilespmem:$0x5530]  }
0x40d: {  	v40 =	vld [tilespmem:$0x5040]  }
0x40e: {  	v41 =	vld [tilespmem:$0x5540]  }
0x40f: {  	v42 =	vld [tilespmem:$0x5050]  }
0x410: {  	v48 =	vld [tilespmem:$0x5550]  }
0x411: {  	v49 =	vld [tilespmem:$0x5060]  }
0x412: {  	v45 =	vld [tilespmem:$0x55F0];
	v2 =	vadd.f32 v3, v2  }
0x413: {  	v47 =	vld [tilespmem:$0x5100];
	v4 =	vadd.f32 v5, v4  }
0x414: {  	v3 =	vld [tilespmem:$0x5560];
	v50 =	vadd.f32 v50, v8;
	[tilespmem:$0x4F10] =	vst v2  }
0x415: {  	v5 =	vld [tilespmem:$0x5070];
	v2 =	vadd.f32 v7, v6;
	[tilespmem:$0x4F20] =	vst v4  }
0x416: {  	v52 =	vadd.f32 v53, v52;
	v53 =	vld [tilespmem:$0x5090];
	[tilespmem:$0x4F40] =	vst v50  }
0x417: {  	v55 =	vadd.f32 v56, v55;
	v56 =	vld [tilespmem:$0x50A0];
	[tilespmem:$0x4F30] =	vst v2;
	v2 =	vadd.f32 v51, v10  }
0x418: {  	v58 =	vadd.f32 v59, v58;
	v59 =	vld [tilespmem:$0x50B0];
	[tilespmem:$0x4F60] =	vst v52  }
0x419: {  	v61 =	vadd.f32 v62, v61;
	v62 =	vld [tilespmem:$0x50C0];
	[tilespmem:$0x4F50] =	vst v2;
	v2 =	vadd.f32 v54, v14  }
0x41a: {  	v28 =	vadd.f32 v29, v28;
	v29 =	vld [tilespmem:$0x50D0];
	[tilespmem:$0x4F80] =	vst v55  }
0x41b: {  	v32 =	vadd.f32 v33, v32;
	v33 =	vld [tilespmem:$0x50E0];
	[tilespmem:$0x4F70] =	vst v2;
	v2 =	vadd.f32 v57, v18  }
0x41c: {  	v36 =	vadd.f32 v37, v36;
	v37 =	vld [tilespmem:$0x50F0];
	[tilespmem:$0x4FA0] =	vst v58  }
0x41d: {  	v6 =	vld [tilespmem:$0x5570];
	[tilespmem:$0x4F90] =	vst v2;
	v2 =	vadd.f32 v60, v22  }
0x41e: {  	v7 =	vld [tilespmem:$0x5080];
	[tilespmem:$0x4FC0] =	vst v61  }
0x41f: {  	v50 =	vld [tilespmem:$0x5610];
	[tilespmem:$0x4FB0] =	vst v2;
	v2 =	vadd.f32 v63, v26  }
0x420: {  	[tilespmem:$0x4FE0] =	vst v28;
	v52 =	vld [tilespmem:$0x5620]  }
0x421: {  	v55 =	vld [tilespmem:$0x5140];
	[tilespmem:$0x4FD0] =	vst v2;
	v2 =	vadd.f32 v31, v30  }
0x422: {  	[tilespmem:$0x5000] =	vst v32;
	v58 =	vld [tilespmem:$0x5650]  }
0x423: {  	v51 =	vld [tilespmem:$0x5580];
	[tilespmem:$0x4FF0] =	vst v2;
	v2 =	vadd.f32 v35, v34  }
0x424: {  	v46 =	vadd.f32 v41, v40;
	[tilespmem:$0x5020] =	vst v36;
	v3 =	vadd.f32 v3, v49;
	v49 =	vld [tilespmem:$0x5110]  }
0x425: {  	v57 =	vld [tilespmem:$0x55A0];
	[tilespmem:$0x5010] =	vst v2;
	v2 =	vadd.f32 v39, v38  }
0x426: {  	[tilespmem:$0x5040] =	vst v46;
	v54 =	vld [tilespmem:$0x5590]  }
0x427: {  	v63 =	vld [tilespmem:$0x55C0];
	[tilespmem:$0x5030] =	vst v2;
	v2 =	vadd.f32 v48, v42  }
0x428: {  	[tilespmem:$0x5060] =	vst v3;
	v3 =	vadd.f32 v51, v7;
	v60 =	vld [tilespmem:$0x55B0]  }
0x429: {  	v35 =	vld [tilespmem:$0x55E0];
	[tilespmem:$0x5050] =	vst v2;
	v2 =	vadd.f32 v6, v5  }
0x42a: {  	[tilespmem:$0x5080] =	vst v3;
	v3 =	vadd.f32 v57, v56;
	v31 =	vld [tilespmem:$0x55D0]  }
0x42b: {  	v48 =	vld [tilespmem:$0x5600];
	[tilespmem:$0x5070] =	vst v2;
	v2 =	vadd.f32 v54, v53  }
0x42c: {  	v51 =	vld [tilespmem:$0x5120];
	[tilespmem:$0x50A0] =	vst v3;
	v3 =	vadd.f32 v63, v62  }
0x42d: {  	v56 =	vld [tilespmem:$0x5640];
	[tilespmem:$0x5090] =	vst v2;
	v2 =	vadd.f32 v60, v59  }
0x42e: {  	[tilespmem:$0x50C0] =	vst v3;
	v3 =	vadd.f32 v35, v33;
	v53 =	vld [tilespmem:$0x5130]  }
0x42f: {  	v54 =	vld [tilespmem:$0x5630];
	[tilespmem:$0x50B0] =	vst v2;
	v2 =	vadd.f32 v31, v29  }
0x430: {  	[tilespmem:$0x50E0] =	vst v3;
	v3 =	vadd.f32 v48, v47;
	v59 =	vld [tilespmem:$0x5160]  }
0x431: {  	v60 =	vld [tilespmem:$0x5660];
	[tilespmem:$0x50D0] =	vst v2;
	v2 =	vadd.f32 v45, v37  }
0x432: {  	v57 =	vld [tilespmem:$0x5150];
	[tilespmem:$0x5100] =	vst v3;
	v3 =	vadd.f32 v52, v51  }
0x433: {  	[tilespmem:$0x50F0] =	vst v2;
	v2 =	vadd.f32 v50, v49  }
0x434: {  	[tilespmem:$0x5120] =	vst v3;
	v3 =	vadd.f32 v56, v55  }
0x435: {  	[tilespmem:$0x5110] =	vst v2;
	v2 =	vadd.f32 v54, v53  }
0x436: {  	[tilespmem:$0x5140] =	vst v3;
	v3 =	vadd.f32 v60, v59  }
0x437: {  	[tilespmem:$0x5130] =	vst v2;
	v2 =	vadd.f32 v58, v57  }
0x438: {  	[tilespmem:$0x5160] =	vst v3  }
0x439: {  	[tilespmem:$0x5150] =	vst v2  }
0x43a: {  	v2 =	vld [tilespmem:$0x5170]  }
0x43b: {  	v3 =	vld [tilespmem:$0x5670]  }
0x43c: {  	v61 =	vld [tilespmem:$0x5180]  }
0x43d: {  	v62 =	vld [tilespmem:$0x5680];
	_ =	sdelay $0x3  }
0x43e: {  	v2 =	vadd.f32 v3, v2  }
0x43f: {  	v3 =	vadd.f32 v62, v61  }
0x440: {  	[tilespmem:$0x5170] =	vst v2  }
0x441: {  	[tilespmem:$0x5180] =	vst v3  }
0x442: {  	_ =	swait.ge [sflag:s23], $0x280  }
0x443: {  	[sflag:s23] =	ssyncset.done $0x0  }
0x444: {  	[sflag:s23] =	ssyncadd.s32 $0xFFFFFD80  }
0x445: {  	[tilespmem:s28], [sflag:$0x2] =	stream.linear.gather [spmem:s18], $0x280, $0x38;
	[tilespmem:$0x7E90] =	vst v63  }
0x446: {  	v2 =	vld [tilespmem:$0x4F10]  }
0x447: {  	v3 =	vld [tilespmem:$0x5190]  }
0x448: {  	v4 =	vld [tilespmem:$0x4F20]  }
0x449: {  	v5 =	vld [tilespmem:$0x51A0]  }
0x44a: {  	v6 =	vld [tilespmem:$0x4F30]  }
0x44b: {  	v7 =	vld [tilespmem:$0x51B0]  }
0x44c: {  	v8 =	vld [tilespmem:$0x4F40]  }
0x44d: {  	v63 =	vld [tilespmem:$0x51C0]  }
0x44e: {  	v10 =	vld [tilespmem:$0x4F50]  }
0x44f: {  	v11 =	vld [tilespmem:$0x51D0]  }
0x450: {  	v12 =	vld [tilespmem:$0x4F60]  }
0x451: {  	v13 =	vld [tilespmem:$0x51E0]  }
0x452: {  	v14 =	vld [tilespmem:$0x4F70]  }
0x453: {  	v15 =	vld [tilespmem:$0x51F0]  }
0x454: {  	v16 =	vld [tilespmem:$0x4F80]  }
0x455: {  	v17 =	vld [tilespmem:$0x5200]  }
0x456: {  	v18 =	vld [tilespmem:$0x4F90]  }
0x457: {  	v19 =	vld [tilespmem:$0x5210]  }
0x458: {  	v20 =	vld [tilespmem:$0x4FA0]  }
0x459: {  	v48 =	vld [tilespmem:$0x5220]  }
0x45a: {  	v22 =	vld [tilespmem:$0x4FB0]  }
0x45b: {  	v49 =	vld [tilespmem:$0x5230]  }
0x45c: {  	v50 =	vld [tilespmem:$0x4FC0]  }
0x45d: {  	v51 =	vld [tilespmem:$0x5240]  }
0x45e: {  	v26 =	vld [tilespmem:$0x4FD0]  }
0x45f: {  	v52 =	vld [tilespmem:$0x5250]  }
0x460: {  	v53 =	vld [tilespmem:$0x4FE0]  }
0x461: {  	v54 =	vld [tilespmem:$0x5260]  }
0x462: {  	v30 =	vld [tilespmem:$0x4FF0]  }
0x463: {  	v55 =	vld [tilespmem:$0x5270]  }
0x464: {  	v56 =	vld [tilespmem:$0x5000]  }
0x465: {  	v57 =	vld [tilespmem:$0x5280]  }
0x466: {  	v34 =	vld [tilespmem:$0x5010]  }
0x467: {  	v58 =	vld [tilespmem:$0x5290]  }
0x468: {  	v59 =	vld [tilespmem:$0x5020]  }
0x469: {  	v60 =	vld [tilespmem:$0x52A0]  }
0x46a: {  	v38 =	vld [tilespmem:$0x5030]  }
0x46b: {  	v61 =	vld [tilespmem:$0x52B0]  }
0x46c: {  	v40 =	vld [tilespmem:$0x5040]  }
0x46d: {  	v62 =	vld [tilespmem:$0x52C0]  }
0x46e: {  	v42 =	vld [tilespmem:$0x5050]  }
0x46f: {  	v43 =	vld [tilespmem:$0x52D0]  }
0x470: {  	v44 =	vld [tilespmem:$0x5060]  }
0x471: {  	v45 =	vld [tilespmem:$0x52E0]  }
0x472: {  	v46 =	vld [tilespmem:$0x5070]  }
0x473: {  	v9 =	vld [tilespmem:$0x50A0];
	v2 =	vadd.f32 v3, v2  }
0x474: {  	v28 =	vld [tilespmem:$0x5390];
	v4 =	vadd.f32 v5, v4  }
0x475: {  	v32 =	vld [tilespmem:$0x5130];
	v63 =	vadd.f32 v63, v8;
	[tilespmem:$0x4F10] =	vst v2  }
0x476: {  	v33 =	vld [tilespmem:$0x53B0];
	v2 =	vadd.f32 v7, v6;
	[tilespmem:$0x4F20] =	vst v4  }
0x477: {  	v35 =	vld [tilespmem:$0x5140];
	v13 =	vadd.f32 v13, v12;
	[tilespmem:$0x4F40] =	vst v63  }
0x478: {  	v36 =	vld [tilespmem:$0x53C0];
	[tilespmem:$0x4F30] =	vst v2;
	v2 =	vadd.f32 v11, v10  }
0x479: {  	v39 =	vld [tilespmem:$0x53D0];
	v17 =	vadd.f32 v17, v16;
	[tilespmem:$0x4F60] =	vst v13  }
0x47a: {  	v41 =	vld [tilespmem:$0x5160];
	[tilespmem:$0x4F50] =	vst v2;
	v2 =	vadd.f32 v15, v14  }
0x47b: {  	v3 =	vld [tilespmem:$0x52F0];
	v47 =	vadd.f32 v48, v20;
	[tilespmem:$0x4F80] =	vst v17  }
0x47c: {  	v5 =	vld [tilespmem:$0x5080];
	[tilespmem:$0x4F70] =	vst v2;
	v2 =	vadd.f32 v19, v18  }
0x47d: {  	v8 =	vld [tilespmem:$0x5310];
	v50 =	vadd.f32 v51, v50;
	[tilespmem:$0x4FA0] =	vst v47  }
0x47e: {  	v12 =	vld [tilespmem:$0x5330];
	[tilespmem:$0x4F90] =	vst v2;
	v2 =	vadd.f32 v49, v22  }
0x47f: {  	v48 =	vld [tilespmem:$0x50C0];
	v53 =	vadd.f32 v54, v53;
	[tilespmem:$0x4FC0] =	vst v50  }
0x480: {  	v51 =	vld [tilespmem:$0x50D0];
	[tilespmem:$0x4FB0] =	vst v2;
	v2 =	vadd.f32 v52, v26  }
0x481: {  	v54 =	vld [tilespmem:$0x50E0];
	v56 =	vadd.f32 v57, v56;
	[tilespmem:$0x4FE0] =	vst v53  }
0x482: {  	v57 =	vld [tilespmem:$0x50F0];
	[tilespmem:$0x4FD0] =	vst v2;
	v2 =	vadd.f32 v55, v30  }
0x483: {  	v59 =	vadd.f32 v60, v59;
	v60 =	vld [tilespmem:$0x5100];
	[tilespmem:$0x5000] =	vst v56  }
0x484: {  	v6 =	vld [tilespmem:$0x5300];
	[tilespmem:$0x4FF0] =	vst v2;
	v2 =	vadd.f32 v58, v34  }
0x485: {  	v62 =	vadd.f32 v62, v40;
	v7 =	vld [tilespmem:$0x5090];
	[tilespmem:$0x5020] =	vst v59  }
0x486: {  	v49 =	vld [tilespmem:$0x5340];
	[tilespmem:$0x5010] =	vst v2;
	v2 =	vadd.f32 v61, v38  }
0x487: {  	v29 =	vadd.f32 v45, v44;
	[tilespmem:$0x5040] =	vst v62;
	v10 =	vld [tilespmem:$0x5320]  }
0x488: {  	v11 =	vld [tilespmem:$0x50B0];
	[tilespmem:$0x5030] =	vst v2;
	v2 =	vadd.f32 v43, v42  }
0x489: {  	[tilespmem:$0x5060] =	vst v29;
	v31 =	vadd.f32 v6, v5;
	v52 =	vld [tilespmem:$0x5350]  }
0x48a: {  	v55 =	vld [tilespmem:$0x5360];
	[tilespmem:$0x5050] =	vst v2;
	v2 =	vadd.f32 v3, v46  }
0x48b: {  	[tilespmem:$0x5080] =	vst v31;
	v30 =	vld [tilespmem:$0x5120];
	v37 =	vadd.f32 v49, v48  }
0x48c: {  	v61 =	vld [tilespmem:$0x5380];
	[tilespmem:$0x5070] =	vst v2;
	v2 =	vadd.f32 v8, v7  }
0x48d: {  	v58 =	vld [tilespmem:$0x5370];
	v34 =	vadd.f32 v10, v9;
	[tilespmem:$0x50C0] =	vst v37  }
0x48e: {  	v3 =	vld [tilespmem:$0x53A0];
	[tilespmem:$0x5090] =	vst v2;
	v2 =	vadd.f32 v12, v11  }
0x48f: {  	v63 =	vld [tilespmem:$0x5110];
	[tilespmem:$0x50A0] =	vst v34;
	v40 =	vadd.f32 v55, v54  }
0x490: {  	v44 =	vld [tilespmem:$0x5170];
	[tilespmem:$0x50B0] =	vst v2;
	v2 =	vadd.f32 v52, v51  }
0x491: {  	v47 =	vld [tilespmem:$0x5400];
	[tilespmem:$0x50E0] =	vst v40;
	v43 =	vadd.f32 v61, v60  }
0x492: {  	v42 =	vld [tilespmem:$0x53E0];
	[tilespmem:$0x50D0] =	vst v2;
	v2 =	vadd.f32 v58, v57  }
0x493: {  	v38 =	vld [tilespmem:$0x5150];
	[tilespmem:$0x5100] =	vst v43;
	v3 =	vadd.f32 v3, v30  }
0x494: {  	v46 =	vld [tilespmem:$0x5180];
	[tilespmem:$0x50F0] =	vst v2;
	v2 =	vadd.f32 v28, v63  }
0x495: {  	v45 =	vld [tilespmem:$0x53F0];
	[tilespmem:$0x5120] =	vst v3;
	v3 =	vadd.f32 v36, v35  }
0x496: {  	[tilespmem:$0x5110] =	vst v2;
	v2 =	vadd.f32 v33, v32  }
0x497: {  	[tilespmem:$0x5140] =	vst v3;
	v3 =	vadd.f32 v42, v41  }
0x498: {  	[tilespmem:$0x5130] =	vst v2;
	v2 =	vadd.f32 v39, v38  }
0x499: {  	[tilespmem:$0x5160] =	vst v3;
	v3 =	vadd.f32 v47, v46  }
0x49a: {  	[tilespmem:$0x5150] =	vst v2;
	v2 =	vadd.f32 v45, v44  }
0x49b: {  	[tilespmem:$0x5180] =	vst v3  }
0x49c: {  	[tilespmem:$0x5170] =	vst v2  }
0x49d: {  	_ =	swait.ge [sflag:s29], $0x280  }
0x49e: {  	[sflag:s29] =	ssyncset.done $0x0  }
0x49f: {  	[sflag:s29] =	ssyncadd.s32 $0xFFFFFD80  }
0x4a0: {  	[tilespmem:s30], [sflag:$0x1] =	stream.linear.gather [spmem:s19], $0x280, $0x38;
	[tilespmem:$0x7E90] =	vst v63  }
0x4a1: {  	v2 =	vld [tilespmem:$0x4F10]  }
0x4a2: {  	v3 =	vld [tilespmem:$0x5410]  }
0x4a3: {  	v4 =	vld [tilespmem:$0x4F20]  }
0x4a4: {  	v5 =	vld [tilespmem:$0x5420]  }
0x4a5: {  	v6 =	vld [tilespmem:$0x4F30]  }
0x4a6: {  	v48 =	vld [tilespmem:$0x5430]  }
0x4a7: {  	v49 =	vld [tilespmem:$0x4F40]  }
0x4a8: {  	v50 =	vld [tilespmem:$0x5440]  }
0x4a9: {  	v10 =	vld [tilespmem:$0x4F50]  }
0x4aa: {  	v51 =	vld [tilespmem:$0x5450]  }
0x4ab: {  	v52 =	vld [tilespmem:$0x4F60]  }
0x4ac: {  	v53 =	vld [tilespmem:$0x5460]  }
0x4ad: {  	v14 =	vld [tilespmem:$0x4F70]  }
0x4ae: {  	v54 =	vld [tilespmem:$0x5470]  }
0x4af: {  	v55 =	vld [tilespmem:$0x4F80]  }
0x4b0: {  	v56 =	vld [tilespmem:$0x5480]  }
0x4b1: {  	v18 =	vld [tilespmem:$0x4F90]  }
0x4b2: {  	v57 =	vld [tilespmem:$0x5490]  }
0x4b3: {  	v58 =	vld [tilespmem:$0x4FA0]  }
0x4b4: {  	v59 =	vld [tilespmem:$0x54A0]  }
0x4b5: {  	v22 =	vld [tilespmem:$0x4FB0]  }
0x4b6: {  	v60 =	vld [tilespmem:$0x54B0]  }
0x4b7: {  	v61 =	vld [tilespmem:$0x4FC0]  }
0x4b8: {  	v62 =	vld [tilespmem:$0x54C0]  }
0x4b9: {  	v26 =	vld [tilespmem:$0x4FD0]  }
0x4ba: {  	v63 =	vld [tilespmem:$0x54D0]  }
0x4bb: {  	v28 =	vld [tilespmem:$0x4FE0]  }
0x4bc: {  	v29 =	vld [tilespmem:$0x54E0]  }
0x4bd: {  	v30 =	vld [tilespmem:$0x4FF0]  }
0x4be: {  	v31 =	vld [tilespmem:$0x54F0]  }
0x4bf: {  	v32 =	vld [tilespmem:$0x5000]  }
0x4c0: {  	v33 =	vld [tilespmem:$0x5500]  }
0x4c1: {  	v34 =	vld [tilespmem:$0x5010]  }
0x4c2: {  	v35 =	vld [tilespmem:$0x5510]  }
0x4c3: {  	v36 =	vld [tilespmem:$0x5020]  }
0x4c4: {  	v37 =	vld [tilespmem:$0x5520]  }
0x4c5: {  	v38 =	vld [tilespmem:$0x5030]  }
0x4c6: {  	v39 =	vld [tilespmem:$0x5530]  }
0x4c7: {  	v40 =	vld [tilespmem:$0x5040]  }
0x4c8: {  	v41 =	vld [tilespmem:$0x5540]  }
0x4c9: {  	v42 =	vld [tilespmem:$0x5050]  }
0x4ca: {  	v43 =	vld [tilespmem:$0x5550]  }
0x4cb: {  	v44 =	vld [tilespmem:$0x5060]  }
0x4cc: {  	v45 =	vld [tilespmem:$0x5560]  }
0x4cd: {  	v46 =	vld [tilespmem:$0x5070]  }
0x4ce: {  	v47 =	vld [tilespmem:$0x5080];
	v2 =	vadd.f32 v3, v2  }
0x4cf: {  	v3 =	vld [tilespmem:$0x5570];
	v4 =	vadd.f32 v5, v4  }
0x4d0: {  	v49 =	vadd.f32 v50, v49;
	v50 =	vld [tilespmem:$0x5090];
	[tilespmem:$0x4F10] =	vst v2  }
0x4d1: {  	v52 =	vadd.f32 v53, v52;
	v53 =	vld [tilespmem:$0x50A0];
	v2 =	vadd.f32 v48, v6;
	[tilespmem:$0x4F20] =	vst v4  }
0x4d2: {  	v55 =	vadd.f32 v56, v55;
	v56 =	vld [tilespmem:$0x50B0];
	[tilespmem:$0x4F40] =	vst v49  }
0x4d3: {  	v58 =	vadd.f32 v59, v58;
	v59 =	vld [tilespmem:$0x50C0];
	[tilespmem:$0x4F30] =	vst v2;
	v2 =	vadd.f32 v51, v10  }
0x4d4: {  	v61 =	vadd.f32 v62, v61;
	v62 =	vld [tilespmem:$0x50D0];
	[tilespmem:$0x4F60] =	vst v52  }
0x4d5: {  	v28 =	vadd.f32 v29, v28;
	v29 =	vld [tilespmem:$0x50E0];
	[tilespmem:$0x4F50] =	vst v2;
	v2 =	vadd.f32 v54, v14  }
0x4d6: {  	v32 =	vadd.f32 v33, v32;
	v33 =	vld [tilespmem:$0x50F0];
	[tilespmem:$0x4F80] =	vst v55  }
0x4d7: {  	v36 =	vadd.f32 v37, v36;
	v37 =	vld [tilespmem:$0x5100];
	[tilespmem:$0x4F70] =	vst v2;
	v2 =	vadd.f32 v57, v18  }
0x4d8: {  	v40 =	vadd.f32 v41, v40;
	v41 =	vld [tilespmem:$0x5110];
	[tilespmem:$0x4FA0] =	vst v58  }
0x4d9: {  	v44 =	vadd.f32 v45, v44;
	v45 =	vld [tilespmem:$0x5120];
	[tilespmem:$0x4F90] =	vst v2;
	v2 =	vadd.f32 v60, v22  }
0x4da: {  	v48 =	vld [tilespmem:$0x5580];
	[tilespmem:$0x4FC0] =	vst v61  }
0x4db: {  	v54 =	vld [tilespmem:$0x55A0];
	[tilespmem:$0x4FB0] =	vst v2;
	v2 =	vadd.f32 v63, v26  }
0x4dc: {  	[tilespmem:$0x4FE0] =	vst v28;
	v61 =	vld [tilespmem:$0x5180]  }
0x4dd: {  	v51 =	vld [tilespmem:$0x5590];
	[tilespmem:$0x4FD0] =	vst v2;
	v2 =	vadd.f32 v31, v30  }
0x4de: {  	[tilespmem:$0x5000] =	vst v32;
	v57 =	vld [tilespmem:$0x55B0]  }
0x4df: {  	v60 =	vld [tilespmem:$0x55C0];
	[tilespmem:$0x4FF0] =	vst v2;
	v2 =	vadd.f32 v35, v34  }
0x4e0: {  	[tilespmem:$0x5020] =	vst v36;
	v49 =	vadd.f32 v54, v53;
	v53 =	vld [tilespmem:$0x5150]  }
0x4e1: {  	v54 =	vld [tilespmem:$0x5650];
	[tilespmem:$0x5010] =	vst v2;
	v2 =	vadd.f32 v39, v38  }
0x4e2: {  	[tilespmem:$0x5040] =	vst v40;
	v63 =	vld [tilespmem:$0x55D0]  }
0x4e3: {  	v31 =	vld [tilespmem:$0x55E0];
	[tilespmem:$0x5030] =	vst v2;
	v2 =	vadd.f32 v43, v42  }
0x4e4: {  	[tilespmem:$0x5060] =	vst v44;
	v35 =	vld [tilespmem:$0x55F0]  }
0x4e5: {  	v39 =	vld [tilespmem:$0x5600];
	[tilespmem:$0x5050] =	vst v2;
	v2 =	vadd.f32 v3, v46  }
0x4e6: {  	[tilespmem:$0x50A0] =	vst v49;
	v52 =	vadd.f32 v60, v59;
	v43 =	vld [tilespmem:$0x5610]  }
0x4e7: {  	v3 =	vld [tilespmem:$0x5620];
	[tilespmem:$0x5070] =	vst v2;
	v2 =	vadd.f32 v51, v50  }
0x4e8: {  	[tilespmem:$0x50C0] =	vst v52;
	v55 =	vadd.f32 v31, v29;
	v46 =	vadd.f32 v48, v47;
	v47 =	vld [tilespmem:$0x5130]  }
0x4e9: {  	v48 =	vld [tilespmem:$0x5630];
	[tilespmem:$0x5090] =	vst v2;
	v2 =	vadd.f32 v57, v56  }
0x4ea: {  	[tilespmem:$0x50E0] =	vst v55;
	v50 =	vld [tilespmem:$0x5140]  }
0x4eb: {  	v51 =	vld [tilespmem:$0x5640];
	[tilespmem:$0x50B0] =	vst v2;
	v2 =	vadd.f32 v63, v62  }
0x4ec: {  	v58 =	vadd.f32 v39, v37;
	[tilespmem:$0x5080] =	vst v46;
	v56 =	vld [tilespmem:$0x5160]  }
0x4ed: {  	v57 =	vld [tilespmem:$0x5660];
	[tilespmem:$0x50D0] =	vst v2;
	v2 =	vadd.f32 v35, v33  }
0x4ee: {  	v59 =	vld [tilespmem:$0x5170];
	[tilespmem:$0x5100] =	vst v58;
	v3 =	vadd.f32 v3, v45  }
0x4ef: {  	v62 =	vld [tilespmem:$0x5680];
	[tilespmem:$0x50F0] =	vst v2;
	v2 =	vadd.f32 v43, v41  }
0x4f0: {  	v60 =	vld [tilespmem:$0x5670];
	[tilespmem:$0x5120] =	vst v3;
	v3 =	vadd.f32 v51, v50  }
0x4f1: {  	[tilespmem:$0x5110] =	vst v2;
	v2 =	vadd.f32 v48, v47  }
0x4f2: {  	[tilespmem:$0x5140] =	vst v3;
	v3 =	vadd.f32 v57, v56  }
0x4f3: {  	[tilespmem:$0x5130] =	vst v2;
	v2 =	vadd.f32 v54, v53  }
0x4f4: {  	[tilespmem:$0x5160] =	vst v3;
	v3 =	vadd.f32 v62, v61  }
0x4f5: {  	[tilespmem:$0x5150] =	vst v2;
	v2 =	vadd.f32 v60, v59  }
0x4f6: {  	[tilespmem:$0x5180] =	vst v3  }
0x4f7: {  	[tilespmem:$0x5170] =	vst v2  }
0x4f8: {  	_ =	swait.ge [sflag:s23], $0x280  }
0x4f9: {  	[sflag:s23] =	ssyncset.done $0x0  }
0x4fa: {  	[sflag:s23] =	ssyncadd.s32 $0xFFFFFD80  }
0x4fb: {  	[tilespmem:s28], [sflag:$0x2] =	stream.linear.gather [spmem:s20], $0x280, $0x38;
	[tilespmem:$0x7E90] =	vst v63  }
0x4fc: {  	v2 =	vld [tilespmem:$0x4F10]  }
0x4fd: {  	v3 =	vld [tilespmem:$0x5190]  }
0x4fe: {  	v4 =	vld [tilespmem:$0x4F20]  }
0x4ff: {  	v5 =	vld [tilespmem:$0x51A0]  }
0x500: {  	v6 =	vld [tilespmem:$0x4F30]  }
0x501: {  	v7 =	vld [tilespmem:$0x51B0]  }
0x502: {  	v8 =	vld [tilespmem:$0x4F40]  }
0x503: {  	v63 =	vld [tilespmem:$0x51C0]  }
0x504: {  	v10 =	vld [tilespmem:$0x4F50]  }
0x505: {  	v11 =	vld [tilespmem:$0x51D0]  }
0x506: {  	v12 =	vld [tilespmem:$0x4F60]  }
0x507: {  	v13 =	vld [tilespmem:$0x51E0]  }
0x508: {  	v14 =	vld [tilespmem:$0x4F70]  }
0x509: {  	v15 =	vld [tilespmem:$0x51F0]  }
0x50a: {  	v16 =	vld [tilespmem:$0x4F80]  }
0x50b: {  	v17 =	vld [tilespmem:$0x5200]  }
0x50c: {  	v18 =	vld [tilespmem:$0x4F90]  }
0x50d: {  	v19 =	vld [tilespmem:$0x5210]  }
0x50e: {  	v20 =	vld [tilespmem:$0x4FA0]  }
0x50f: {  	v48 =	vld [tilespmem:$0x5220]  }
0x510: {  	v22 =	vld [tilespmem:$0x4FB0]  }
0x511: {  	v49 =	vld [tilespmem:$0x5230]  }
0x512: {  	v50 =	vld [tilespmem:$0x4FC0]  }
0x513: {  	v51 =	vld [tilespmem:$0x5240]  }
0x514: {  	v26 =	vld [tilespmem:$0x4FD0]  }
0x515: {  	v52 =	vld [tilespmem:$0x5250]  }
0x516: {  	v53 =	vld [tilespmem:$0x4FE0]  }
0x517: {  	v54 =	vld [tilespmem:$0x5260]  }
0x518: {  	v30 =	vld [tilespmem:$0x4FF0]  }
0x519: {  	v55 =	vld [tilespmem:$0x5270]  }
0x51a: {  	v56 =	vld [tilespmem:$0x5000]  }
0x51b: {  	v57 =	vld [tilespmem:$0x5280]  }
0x51c: {  	v34 =	vld [tilespmem:$0x5010]  }
0x51d: {  	v58 =	vld [tilespmem:$0x5290]  }
0x51e: {  	v59 =	vld [tilespmem:$0x5020]  }
0x51f: {  	v60 =	vld [tilespmem:$0x52A0]  }
0x520: {  	v38 =	vld [tilespmem:$0x5030]  }
0x521: {  	v61 =	vld [tilespmem:$0x52B0]  }
0x522: {  	v40 =	vld [tilespmem:$0x5040]  }
0x523: {  	v62 =	vld [tilespmem:$0x52C0]  }
0x524: {  	v42 =	vld [tilespmem:$0x5050]  }
0x525: {  	v43 =	vld [tilespmem:$0x52D0]  }
0x526: {  	v44 =	vld [tilespmem:$0x5060]  }
0x527: {  	v45 =	vld [tilespmem:$0x52E0]  }
0x528: {  	v46 =	vld [tilespmem:$0x5070]  }
0x529: {  	v9 =	vld [tilespmem:$0x50A0];
	v2 =	vadd.f32 v3, v2  }
0x52a: {  	v28 =	vld [tilespmem:$0x5390];
	v4 =	vadd.f32 v5, v4  }
0x52b: {  	v32 =	vld [tilespmem:$0x5130];
	v63 =	vadd.f32 v63, v8;
	[tilespmem:$0x4F10] =	vst v2  }
0x52c: {  	v33 =	vld [tilespmem:$0x53B0];
	v2 =	vadd.f32 v7, v6;
	[tilespmem:$0x4F20] =	vst v4  }
0x52d: {  	v35 =	vld [tilespmem:$0x5140];
	v13 =	vadd.f32 v13, v12;
	[tilespmem:$0x4F40] =	vst v63  }
0x52e: {  	v36 =	vld [tilespmem:$0x53C0];
	[tilespmem:$0x4F30] =	vst v2;
	v2 =	vadd.f32 v11, v10  }
0x52f: {  	v39 =	vld [tilespmem:$0x53D0];
	v17 =	vadd.f32 v17, v16;
	[tilespmem:$0x4F60] =	vst v13  }
0x530: {  	v41 =	vld [tilespmem:$0x5160];
	[tilespmem:$0x4F50] =	vst v2;
	v2 =	vadd.f32 v15, v14  }
0x531: {  	v3 =	vld [tilespmem:$0x52F0];
	v47 =	vadd.f32 v48, v20;
	[tilespmem:$0x4F80] =	vst v17  }
0x532: {  	v5 =	vld [tilespmem:$0x5080];
	[tilespmem:$0x4F70] =	vst v2;
	v2 =	vadd.f32 v19, v18  }
0x533: {  	v8 =	vld [tilespmem:$0x5310];
	v50 =	vadd.f32 v51, v50;
	[tilespmem:$0x4FA0] =	vst v47  }
0x534: {  	v12 =	vld [tilespmem:$0x5330];
	[tilespmem:$0x4F90] =	vst v2;
	v2 =	vadd.f32 v49, v22  }
0x535: {  	v48 =	vld [tilespmem:$0x50C0];
	v53 =	vadd.f32 v54, v53;
	[tilespmem:$0x4FC0] =	vst v50  }
0x536: {  	v51 =	vld [tilespmem:$0x50D0];
	[tilespmem:$0x4FB0] =	vst v2;
	v2 =	vadd.f32 v52, v26  }
0x537: {  	v54 =	vld [tilespmem:$0x50E0];
	v56 =	vadd.f32 v57, v56;
	[tilespmem:$0x4FE0] =	vst v53  }
0x538: {  	v57 =	vld [tilespmem:$0x50F0];
	[tilespmem:$0x4FD0] =	vst v2;
	v2 =	vadd.f32 v55, v30  }
0x539: {  	v59 =	vadd.f32 v60, v59;
	v60 =	vld [tilespmem:$0x5100];
	[tilespmem:$0x5000] =	vst v56  }
0x53a: {  	v6 =	vld [tilespmem:$0x5300];
	[tilespmem:$0x4FF0] =	vst v2;
	v2 =	vadd.f32 v58, v34  }
0x53b: {  	v62 =	vadd.f32 v62, v40;
	v7 =	vld [tilespmem:$0x5090];
	[tilespmem:$0x5020] =	vst v59  }
0x53c: {  	v49 =	vld [tilespmem:$0x5340];
	[tilespmem:$0x5010] =	vst v2;
	v2 =	vadd.f32 v61, v38  }
0x53d: {  	v29 =	vadd.f32 v45, v44;
	[tilespmem:$0x5040] =	vst v62;
	v10 =	vld [tilespmem:$0x5320]  }
0x53e: {  	v11 =	vld [tilespmem:$0x50B0];
	[tilespmem:$0x5030] =	vst v2;
	v2 =	vadd.f32 v43, v42  }
0x53f: {  	[tilespmem:$0x5060] =	vst v29;
	v31 =	vadd.f32 v6, v5;
	v52 =	vld [tilespmem:$0x5350]  }
0x540: {  	v55 =	vld [tilespmem:$0x5360];
	[tilespmem:$0x5050] =	vst v2;
	v2 =	vadd.f32 v3, v46  }
0x541: {  	[tilespmem:$0x5080] =	vst v31;
	v30 =	vld [tilespmem:$0x5120];
	v37 =	vadd.f32 v49, v48  }
0x542: {  	v61 =	vld [tilespmem:$0x5380];
	[tilespmem:$0x5070] =	vst v2;
	v2 =	vadd.f32 v8, v7  }
0x543: {  	v58 =	vld [tilespmem:$0x5370];
	v34 =	vadd.f32 v10, v9;
	[tilespmem:$0x50C0] =	vst v37  }
0x544: {  	v3 =	vld [tilespmem:$0x53A0];
	[tilespmem:$0x5090] =	vst v2;
	v2 =	vadd.f32 v12, v11  }
0x545: {  	v63 =	vld [tilespmem:$0x5110];
	[tilespmem:$0x50A0] =	vst v34;
	v40 =	vadd.f32 v55, v54  }
0x546: {  	v44 =	vld [tilespmem:$0x5170];
	[tilespmem:$0x50B0] =	vst v2;
	v2 =	vadd.f32 v52, v51  }
0x547: {  	v47 =	vld [tilespmem:$0x5400];
	[tilespmem:$0x50E0] =	vst v40;
	v43 =	vadd.f32 v61, v60  }
0x548: {  	v42 =	vld [tilespmem:$0x53E0];
	[tilespmem:$0x50D0] =	vst v2;
	v2 =	vadd.f32 v58, v57  }
0x549: {  	v38 =	vld [tilespmem:$0x5150];
	[tilespmem:$0x5100] =	vst v43;
	v3 =	vadd.f32 v3, v30  }
0x54a: {  	v46 =	vld [tilespmem:$0x5180];
	[tilespmem:$0x50F0] =	vst v2;
	v2 =	vadd.f32 v28, v63  }
0x54b: {  	v45 =	vld [tilespmem:$0x53F0];
	[tilespmem:$0x5120] =	vst v3;
	v3 =	vadd.f32 v36, v35  }
0x54c: {  	[tilespmem:$0x5110] =	vst v2;
	v2 =	vadd.f32 v33, v32  }
0x54d: {  	[tilespmem:$0x5140] =	vst v3;
	v3 =	vadd.f32 v42, v41  }
0x54e: {  	[tilespmem:$0x5130] =	vst v2;
	v2 =	vadd.f32 v39, v38  }
0x54f: {  	[tilespmem:$0x5160] =	vst v3;
	v3 =	vadd.f32 v47, v46  }
0x550: {  	[tilespmem:$0x5150] =	vst v2;
	v2 =	vadd.f32 v45, v44  }
0x551: {  	[tilespmem:$0x5180] =	vst v3  }
0x552: {  	[tilespmem:$0x5170] =	vst v2  }
0x553: {  	_ =	swait.ge [sflag:s29], $0x280  }
0x554: {  	[sflag:s29] =	ssyncset.done $0x0  }
0x555: {  	[sflag:s29] =	ssyncadd.s32 $0xFFFFFD80  }
0x556: {  	v2 =	vld [tilespmem:$0x4F10]  }
0x557: {  	v3 =	vld [tilespmem:$0x5410]  }
0x558: {  	v4 =	vld [tilespmem:$0x4F20]  }
0x559: {  	v5 =	vld [tilespmem:$0x5420]  }
0x55a: {  	v6 =	vld [tilespmem:$0x4F30]  }
0x55b: {  	v48 =	vld [tilespmem:$0x5430]  }
0x55c: {  	v49 =	vld [tilespmem:$0x4F40]  }
0x55d: {  	v50 =	vld [tilespmem:$0x5440]  }
0x55e: {  	v10 =	vld [tilespmem:$0x4F50]  }
0x55f: {  	v51 =	vld [tilespmem:$0x5450]  }
0x560: {  	v52 =	vld [tilespmem:$0x4F60]  }
0x561: {  	v53 =	vld [tilespmem:$0x5460]  }
0x562: {  	v14 =	vld [tilespmem:$0x4F70]  }
0x563: {  	v54 =	vld [tilespmem:$0x5470]  }
0x564: {  	v55 =	vld [tilespmem:$0x4F80]  }
0x565: {  	v56 =	vld [tilespmem:$0x5480]  }
0x566: {  	v18 =	vld [tilespmem:$0x4F90]  }
0x567: {  	v57 =	vld [tilespmem:$0x5490]  }
0x568: {  	v58 =	vld [tilespmem:$0x4FA0]  }
0x569: {  	v59 =	vld [tilespmem:$0x54A0]  }
0x56a: {  	v22 =	vld [tilespmem:$0x4FB0]  }
0x56b: {  	v60 =	vld [tilespmem:$0x54B0]  }
0x56c: {  	v61 =	vld [tilespmem:$0x4FC0]  }
0x56d: {  	v62 =	vld [tilespmem:$0x54C0]  }
0x56e: {  	v26 =	vld [tilespmem:$0x4FD0]  }
0x56f: {  	v63 =	vld [tilespmem:$0x54D0]  }
0x570: {  	v28 =	vld [tilespmem:$0x4FE0]  }
0x571: {  	v29 =	vld [tilespmem:$0x54E0]  }
0x572: {  	v30 =	vld [tilespmem:$0x4FF0]  }
0x573: {  	v31 =	vld [tilespmem:$0x54F0]  }
0x574: {  	v32 =	vld [tilespmem:$0x5000]  }
0x575: {  	v33 =	vld [tilespmem:$0x5500]  }
0x576: {  	v34 =	vld [tilespmem:$0x5010]  }
0x577: {  	v35 =	vld [tilespmem:$0x5510]  }
0x578: {  	v36 =	vld [tilespmem:$0x5020]  }
0x579: {  	v37 =	vld [tilespmem:$0x5520]  }
0x57a: {  	v38 =	vld [tilespmem:$0x5030]  }
0x57b: {  	v39 =	vld [tilespmem:$0x5530]  }
0x57c: {  	v40 =	vld [tilespmem:$0x5040]  }
0x57d: {  	v41 =	vld [tilespmem:$0x5540]  }
0x57e: {  	v42 =	vld [tilespmem:$0x5050]  }
0x57f: {  	v43 =	vld [tilespmem:$0x5550]  }
0x580: {  	v44 =	vld [tilespmem:$0x5060]  }
0x581: {  	v45 =	vld [tilespmem:$0x5560]  }
0x582: {  	v46 =	vld [tilespmem:$0x5070]  }
0x583: {  	v47 =	vld [tilespmem:$0x5080];
	v2 =	vadd.f32 v3, v2  }
0x584: {  	v3 =	vld [tilespmem:$0x5570];
	v4 =	vadd.f32 v5, v4  }
0x585: {  	v49 =	vadd.f32 v50, v49;
	v50 =	vld [tilespmem:$0x5090];
	[tilespmem:$0x4F10] =	vst v2;
	v2 =	vadd.f32 v48, v6  }
0x586: {  	v52 =	vadd.f32 v53, v52;
	v53 =	vld [tilespmem:$0x50A0];
	[tilespmem:$0x4F20] =	vst v4  }
0x587: {  	v55 =	vadd.f32 v56, v55;
	v56 =	vld [tilespmem:$0x50B0];
	[tilespmem:$0x4F30] =	vst v2;
	v2 =	vadd.f32 v51, v10  }
0x588: {  	v58 =	vadd.f32 v59, v58;
	v59 =	vld [tilespmem:$0x50C0];
	[tilespmem:$0x4F40] =	vst v49  }
0x589: {  	v61 =	vadd.f32 v62, v61;
	v62 =	vld [tilespmem:$0x50D0];
	[tilespmem:$0x4F50] =	vst v2;
	v2 =	vadd.f32 v54, v14  }
0x58a: {  	v28 =	vadd.f32 v29, v28;
	v29 =	vld [tilespmem:$0x50E0];
	[tilespmem:$0x4F60] =	vst v52  }
0x58b: {  	v32 =	vadd.f32 v33, v32;
	v33 =	vld [tilespmem:$0x50F0];
	[tilespmem:$0x4F70] =	vst v2;
	v2 =	vadd.f32 v57, v18  }
0x58c: {  	v36 =	vadd.f32 v37, v36;
	v37 =	vld [tilespmem:$0x5100];
	[tilespmem:$0x4F80] =	vst v55  }
0x58d: {  	v40 =	vadd.f32 v41, v40;
	v41 =	vld [tilespmem:$0x5110];
	[tilespmem:$0x4F90] =	vst v2;
	v2 =	vadd.f32 v60, v22  }
0x58e: {  	v44 =	vadd.f32 v45, v44;
	v45 =	vld [tilespmem:$0x5120];
	[tilespmem:$0x4FA0] =	vst v58  }
0x58f: {  	v48 =	vld [tilespmem:$0x5580];
	[tilespmem:$0x4FB0] =	vst v2;
	v2 =	vadd.f32 v63, v26  }
0x590: {  	[tilespmem:$0x4FC0] =	vst v61;
	v49 =	vld [tilespmem:$0x5630]  }
0x591: {  	v52 =	vld [tilespmem:$0x5640];
	[tilespmem:$0x4FD0] =	vst v2;
	v2 =	vadd.f32 v31, v30  }
0x592: {  	[tilespmem:$0x4FE0] =	vst v28;
	v55 =	vld [tilespmem:$0x5650]  }
0x593: {  	v58 =	vld [tilespmem:$0x5660];
	[tilespmem:$0x4FF0] =	vst v2;
	v2 =	vadd.f32 v35, v34  }
0x594: {  	[tilespmem:$0x5000] =	vst v32;
	v61 =	vld [tilespmem:$0x5670]  }
0x595: {  	v51 =	vld [tilespmem:$0x5590];
	[tilespmem:$0x5010] =	vst v2;
	v2 =	vadd.f32 v39, v38  }
0x596: {  	[tilespmem:$0x5020] =	vst v36;
	v54 =	vld [tilespmem:$0x55A0]  }
0x597: {  	v47 =	vadd.f32 v48, v47;
	v48 =	vld [tilespmem:$0x5130];
	[tilespmem:$0x5030] =	vst v2;
	v2 =	vadd.f32 v43, v42  }
0x598: {  	[tilespmem:$0x5040] =	vst v40;
	v60 =	vld [tilespmem:$0x55C0]  }
0x599: {  	v57 =	vld [tilespmem:$0x55B0];
	[tilespmem:$0x5050] =	vst v2;
	v2 =	vadd.f32 v3, v46  }
0x59a: {  	[tilespmem:$0x5060] =	vst v44;
	v39 =	vld [tilespmem:$0x5600]  }
0x59b: {  	v63 =	vld [tilespmem:$0x55D0];
	[tilespmem:$0x5070] =	vst v2;
	v2 =	vadd.f32 v51, v50  }
0x59c: {  	[tilespmem:$0x5080] =	vst v47;
	v31 =	vld [tilespmem:$0x55E0];
	v50 =	vadd.f32 v54, v53  }
0x59d: {  	v35 =	vld [tilespmem:$0x55F0];
	v53 =	vadd.f32 v60, v59;
	[tilespmem:$0x5090] =	vst v2  }
0x59e: {  	v3 =	vld [tilespmem:$0x5620];
	v2 =	vadd.f32 v57, v56;
	[tilespmem:$0x50A0] =	vst v50  }
0x59f: {  	v43 =	vld [tilespmem:$0x5610];
	v59 =	vadd.f32 v39, v37;
	[tilespmem:$0x50C0] =	vst v53  }
0x5a0: {  	v51 =	vld [tilespmem:$0x5140];
	[tilespmem:$0x50B0] =	vst v2;
	v2 =	vadd.f32 v63, v62  }
0x5a1: {  	v54 =	vld [tilespmem:$0x5150];
	v56 =	vadd.f32 v31, v29;
	[tilespmem:$0x5100] =	vst v59  }
0x5a2: {  	v57 =	vld [tilespmem:$0x5160];
	[tilespmem:$0x50D0] =	vst v2;
	v2 =	vadd.f32 v35, v33  }
0x5a3: {  	v3 =	vadd.f32 v3, v45;
	[tilespmem:$0x50E0] =	vst v56;
	v62 =	vld [tilespmem:$0x5180]  }
0x5a4: {  	v63 =	vld [tilespmem:$0x5680];
	[tilespmem:$0x50F0] =	vst v2;
	v2 =	vadd.f32 v43, v41  }
0x5a5: {  	v60 =	vld [tilespmem:$0x5170];
	[tilespmem:$0x5120] =	vst v3;
	v3 =	vadd.f32 v52, v51  }
0x5a6: {  	[tilespmem:$0x5110] =	vst v2;
	v2 =	vadd.f32 v49, v48  }
0x5a7: {  	[tilespmem:$0x5140] =	vst v3;
	v3 =	vadd.f32 v58, v57  }
0x5a8: {  	[tilespmem:$0x5130] =	vst v2;
	v2 =	vadd.f32 v55, v54  }
0x5a9: {  	[tilespmem:$0x5160] =	vst v3;
	v3 =	vadd.f32 v63, v62  }
0x5aa: {  	s31 =	sadd.s32 $0x1, s31;
	[tilespmem:$0x5150] =	vst v2;
	v2 =	vadd.f32 v61, v60  }
0x5ab: {  	p0 =	sne.s32 s31, s22;
	[tilespmem:$0x5180] =	vst v3  }
.Ltmp2:
0x5ac: {  	[tilespmem:$0x5170] =	vst v2;
	(pc) =	sbr.rel @p0 .LBB2_1-.Ltmp2, $4  }
0x5ad: {  	[hbm4b:s21+s2] =	stream.linear.scatter [tilespmem:s26], [sflag:$0x3], $0x280, $0x38;
	[tilespmem:$0x7E90] =	vst v63  }
0x5ae: {  	_ =	swait.ge [sflag:s25], $0x280  }
0x5af: {  	[sflag:s25] =	ssyncset.done $0x0  }
0x5b0: {  	[sflag:s25] =	ssyncadd.s32 $0xFFFFFD80  }
0x5b1: {  	_ =	sfence.sel $0x180000  }
0x5b2: {  	[bflag:$0x0] =	sbarrier.arrive $0xFFFF  }
0x5b3: {  	_ =	strace $0x90000047  }
0x5b4: {  	s0 =	stileid.u32;
	[bflag:$0x2] =	sbarrier.arrive $0xFFFF  }
0x5b5: {  	p0 =	sne.s32 s0, $0x0;
	s0 =	rddreg [dreg:$0x3]  }
0x5b6: {  	s0 =	sadd.s32 @!p0 $0x100000, s0  }
0x5b7: {  	[sflag:s0] =	ssyncadd.tile.s32 @!p0 $0x1;
	_ =	shalt  }
.Lfunc_end2:
_tile_overlayer_lowered:
.L_overlay_start_2:
0x5b8: {  	(tag) =	ssettag $0x2  }
0x5b9: {  	s0 =	rddreg [dreg:$0x0];
	s2 =	stileid.u32  }
0x5ba: {  	s1 =	rddreg [dreg:$0x1];
	p0 =	sne.s32 s2, $0x0  }
0x5bb: {  	s3 =	rddreg [dreg:$0x2];
	[bflag:$0x3] =	sbarrier.arrive $0xFFFF;
	s2 =	simm.s32 @!p0 $0x1C03  }
0x5bc: {  	[timem:s3], [sflag:s2] =	dma.local @!p0 [hbm:s0], s1  }
0x5bd: {  	s0 =	simm.s32 @!p0 $0x3  }
0x5be: {  	_ =	swait.ge @!p0 [sflag:s0], s1  }
0x5bf: {  	s1 =	ssub.s32 @!p0 $0x0, s1;
	[sflag:s0] =	ssyncset.done @!p0 $0x0  }
0x5c0: {  	[sflag:s0] =	ssyncadd.s32 @!p0 s1  }
0x5c1: {  	[bflag:$0x3] =	sbarrier.arrive $0xFFFF  }
0x5c2: {  	_ =	shalt  }

</sc_bundles>
